<compile_context>
chip_gen: v7x
topology: tpu7x:2x2x1
jax: 0.10.2.dev20260603
libtpu: 0.0.44.dev20260713+nightly
codegen_flags: <defaults>
</compile_context>

<pallas_src>
import functools

import jax
import jax.numpy as jnp
from jax import lax
from jax.experimental import pallas as pl
from jax.experimental.pallas import tpu as pltpu
from jax.experimental.pallas import tpu_sc as plsc

D = 256
DE = 32
NC, NS, LANES = 2, 16, 16
NW = NC * NS
NJ = D // LANES


def _fold_tables_body(ep, ef, ed, wl, wi, wf, bf, bl, bi, tab_ref, vli_ref):
    wfus = wf[...]
    w_p = wfus[0:32, :]
    w_l = wfus[32:64, :]
    w_f = wfus[64:96, :]
    w_i = wfus[96:128, :]
    w_d = wfus[128:136, :]
    f32 = jnp.float32
    tab_ref[0:256, :] = jnp.dot(ep[...], w_p, preferred_element_type=f32)
    bias_c = (
        bf[...]
        + jnp.dot(bl[...].reshape(1, DE), w_l, preferred_element_type=f32)[0]
        + jnp.dot(bi[...].reshape(1, DE), w_i, preferred_element_type=f32)[0]
    )
    e_f = jnp.dot(ef[...], w_f, preferred_element_type=f32)
    e_d = jnp.dot(ed[...], w_d, preferred_element_type=f32)
    tfd = e_f[None, :, :] + e_d[:, None, :] + bias_c[None, None, :]
    tab_ref[256:384, :] = tfd.reshape(128, D)
    v_l = jnp.dot(wl[...], w_l, preferred_element_type=f32)
    v_i = jnp.dot(wi[...], w_i, preferred_element_type=f32)
    vli_ref[...] = jnp.concatenate([v_l, v_i], axis=0)


def _fold_tables(ep, ef, ed, wl, wi, wf, bf, bl, bi):
    return pl.pallas_call(
        _fold_tables_body,
        out_shape=[
            jax.ShapeDtypeStruct((384, D), jnp.float32),
            jax.ShapeDtypeStruct((2, D), jnp.float32),
        ],
    )(ep, ef, ed, wl, wi, wf, bf, bl, bi)


def _rsqrt_nr(a):
    half = a * 0.5
    i = plsc.bitcast(a, jnp.int32)
    i = 0x5F3759DF - lax.shift_right_arithmetic(i, 1)
    y = plsc.bitcast(i, jnp.float32)
    for _ in range(3):
        y = y * (1.5 - half * y * y)
    return y


def _make_sc_kernel(n_rows):
    PW = n_rows // NW
    R = 64
    CH = 3200
    NSTAGE = PW // CH
    CPS = CH // R
    NPAIR = (PW // R) // 2
    PPS = CPS // 2
    mesh = plsc.VectorSubcoreMesh(core_axis_name="c", subcore_axis_name="s")

    @functools.partial(
        pl.kernel,
        out_type=jax.ShapeDtypeStruct((n_rows * D,), jnp.float32),
        mesh=mesh,
        compiler_params=pltpu.CompilerParams(
            use_tc_tiling_on_sc=False, needs_layout_passes=False),
        scratch_types=[
            pltpu.VMEM_SHARED((384, D), jnp.float32),
            pltpu.VMEM((512,), jnp.float32),
            pltpu.VMEM((512,), jnp.float32),
            pltpu.VMEM((CH,), jnp.float32),
            pltpu.VMEM((CH,), jnp.float32),
            pltpu.VMEM((CH,), jnp.float32),
            pltpu.VMEM((CH,), jnp.float32),
            pltpu.VMEM((CH,), jnp.float32),
            pltpu.VMEM((R, D), jnp.float32),
            pltpu.VMEM((R, D), jnp.float32),
            pltpu.VMEM((R, D), jnp.float32),
            pltpu.VMEM((R, D), jnp.float32),
            pltpu.VMEM((R * D,), jnp.float32),
            pltpu.VMEM((R * D,), jnp.float32),
            pltpu.VMEM((R,), jnp.int32),
            pltpu.VMEM((R,), jnp.int32),
            pltpu.VMEM((R,), jnp.int32),
            pltpu.VMEM((R,), jnp.int32),
            pltpu.SemaphoreType.DMA,
            pltpu.SemaphoreType.DMA,
            pltpu.SemaphoreType.DMA,
            pltpu.SemaphoreType.DMA,
        ],
    )
    def sc_kernel(tab_h, vli_h, gb_h, xp_h, xl_h, xf_h, xi_h, xd_h, out_h,
                  spT, vliv, gbv, bufp, bufl, buff, bufi, bufd,
                  pA, fA, pB, fB, oA, oB, ipA, ifA, ipB, ifB,
                  sgA, sgB, soA, soB):
        sid = lax.axis_index("s")
        wid = sid * NC + lax.axis_index("c")
        base = wid * PW

        @pl.when(sid == 0)
        def _stage_tables():
            pltpu.sync_copy(tab_h, spT)

        pltpu.sync_copy(vli_h, vliv)
        pltpu.sync_copy(gb_h, gbv)
        plsc.subcore_barrier()

        zv = jnp.zeros((LANES,), jnp.int32)
        fz = jnp.zeros((LANES,), jnp.float32)
        inv_d = jnp.float32(1.0 / D)

        def restage(stage):
            cb = base + stage * CH
            pltpu.sync_copy(xp_h.at[pl.ds(cb, CH)], bufp)
            pltpu.sync_copy(xl_h.at[pl.ds(cb, CH)], bufl)
            pltpu.sync_copy(xf_h.at[pl.ds(cb, CH)], buff)
            pltpu.sync_copy(xi_h.at[pl.ds(cb, CH)], bufi)
            pltpu.sync_copy(xd_h.at[pl.ds(cb, CH)], bufd)

        def issue_gather(loc, ipx, ifx, pbuf, fbuf, sem):
            for o in range(0, R, LANES):
                p16 = jnp.clip(
                    bufp[pl.ds(loc + o, LANES)].astype(jnp.int32), 0, 255)
                f16 = jnp.clip(
                    buff[pl.ds(loc + o, LANES)].astype(jnp.int32), 0, 63)
                d16 = jnp.clip(
                    bufd[pl.ds(loc + o, LANES)].astype(jnp.int32), 0, 1)
                ipx[pl.ds(o, LANES)] = p16
                ifx[pl.ds(o, LANES)] = 256 + d16 * 64 + f16
            pltpu.async_copy(spT.at[ipx], pbuf, sem)
            pltpu.async_copy(spT.at[ifx], fbuf, sem)

        def wait_gather(ipx, ifx, pbuf, fbuf, sem):
            pltpu.make_async_copy(spT.at[ipx], pbuf, sem).wait()
            pltpu.make_async_copy(spT.at[ifx], fbuf, sem).wait()

        def wait_out(obuf, sem):
            pltpu.make_async_copy(obuf, out_h.at[pl.ds(0, R * D)],
                                  sem).wait()

        vls = [vliv[pl.ds(j * LANES, LANES)] for j in range(NJ)]
        vis = [vliv[pl.ds(D + j * LANES, LANES)] for j in range(NJ)]
        gms = [gbv[pl.ds(j * LANES, LANES)] for j in range(NJ)]
        bts = [gbv[pl.ds(D + j * LANES, LANES)] for j in range(NJ)]

        def compute(loc, pbuf, fbuf, obuf):
            @plsc.parallel_loop(0, R, unroll=6)
            def _(r):
                lenv = plsc.load_gather(bufl, [zv + (loc + r)])
                iatv = plsc.load_gather(bufi, [zv + (loc + r)])
                hjs = []
                s = fz
                q = fz
                for j in range(NJ):
                    hj = (pbuf[r, pl.ds(j * LANES, LANES)]
                          + fbuf[r, pl.ds(j * LANES, LANES)]
                          + lenv * vls[j] + iatv * vis[j])
                    hjs.append(hj)
                    s = s + hj
                    q = q + hj * hj
                st = jnp.sum(s)
                qt = jnp.sum(q)
                m = st * inv_d
                var = qt * inv_d - m * m
                rv = _rsqrt_nr(fz + (var + 1e-5))
                mv = fz + m
                ro = r * D
                for j in range(NJ):
                    obuf[pl.ds(ro + j * LANES, LANES)] = (
                        (hjs[j] - mv) * rv * gms[j] + bts[j])

        def pair_body(k2, carry):
            a = 2 * k2
            b = a + 1
            loc_a = lax.rem(a, CPS) * R
            loc_b = loc_a + R

            @pl.when(lax.rem(k2, PPS) == 0)
            def _w0():
                restage(lax.div(k2, PPS))
                issue_gather(loc_a, ipA, ifA, pA, fA, sgA)

            issue_gather(loc_b, ipB, ifB, pB, fB, sgB)

            @pl.when(k2 >= 1)
            def _w1():
                wait_out(oA, soA)

            wait_gather(ipA, ifA, pA, fA, sgA)
            compute(loc_a, pA, fA, oA)
            pltpu.async_copy(oA, out_h.at[pl.ds((base + a * R) * D, R * D)],
                             soA)

            @pl.when(lax.rem(k2, PPS) != PPS - 1)
            def _w2():
                issue_gather(loc_b + R, ipA, ifA, pA, fA, sgA)

            @pl.when(k2 >= 1)
            def _w3():
                wait_out(oB, soB)

            wait_gather(ipB, ifB, pB, fB, sgB)
            compute(loc_b, pB, fB, oB)
            pltpu.async_copy(oB, out_h.at[pl.ds((base + b * R) * D, R * D)],
                             soB)
            return carry

        lax.fori_loop(0, NPAIR, pair_body, 0)
        wait_out(oA, soA)
        wait_out(oB, soB)

    return sc_kernel


def kernel(x, emb_proto, emb_flags, emb_dir, w_len, b_len, w_iat, b_iat,
           w_fus, b_fus, gamma, beta):
    B, L, _ = x.shape
    n_rows = B * L
    tab, vli = _fold_tables(emb_proto, emb_flags, emb_dir, w_len, w_iat,
                            w_fus, b_fus, b_len, b_iat)
    gb = jnp.concatenate([gamma, beta]).reshape(512)
    vli_flat = vli.reshape(512)
    xf = x.reshape(n_rows, 5)
    cols = [xf[:, k] for k in range(5)]
    out = _make_sc_kernel(n_rows)(tab, vli_flat, gb, *cols)
    return out.reshape(B, L, D)

# --- scband reference (transcript-rebuilt; emitter-appended) ---
"""Pipeline reference for scband-packet-embedder-10806137716806 (READ-ONLY COPY).

The authoritative reference and input builder live on the scoring server;
editing this copy changes nothing except your own understanding.
"""

import jax, jax.numpy as jnp
import numpy as np

D = 256
DE = 32
B, L = 4096, 200


def setup_inputs(seed: int = 0) -> dict:
    key = jax.random.key(seed)
    ks = jax.random.split(key, 12)
    x = jax.random.randint(ks[0], (B, L, 5), 0, 256).astype(jnp.float32)
    emb_proto = jax.random.normal(ks[1], (256, DE), dtype=jnp.float32)
    emb_flags = jax.random.normal(ks[2], (64, DE), dtype=jnp.float32)
    emb_dir = jax.random.normal(ks[3], (2, DE // 4), dtype=jnp.float32)
    w_len = jax.random.normal(ks[4], (1, DE), dtype=jnp.float32) * 0.1
    b_len = jnp.zeros((DE,), dtype=jnp.float32)
    w_iat = jax.random.normal(ks[5], (1, DE), dtype=jnp.float32) * 0.1
    b_iat = jnp.zeros((DE,), dtype=jnp.float32)
    fused_in = DE * 4 + DE // 4
    w_fus = jax.random.normal(ks[6], (fused_in, D), dtype=jnp.float32) * (1.0 / np.sqrt(fused_in))
    b_fus = jnp.zeros((D,), dtype=jnp.float32)
    gamma = jnp.ones((D,), dtype=jnp.float32)
    beta = jnp.zeros((D,), dtype=jnp.float32)
    return {
        "x": x,
        "emb_proto": emb_proto,
        "emb_flags": emb_flags,
        "emb_dir": emb_dir,
        "w_len": w_len,
        "b_len": b_len,
        "w_iat": w_iat,
        "b_iat": b_iat,
        "w_fus": w_fus,
        "b_fus": b_fus,
        "gamma": gamma,
        "beta": beta,
    }


def _layer_norm(h, gamma, beta, eps=1e-5):
    m = jnp.mean(h, axis=-1, keepdims=True)
    v = jnp.var(h, axis=-1, keepdims=True)
    return (h - m) / jnp.sqrt(v + eps) * gamma + beta


def reference(x, emb_proto, emb_flags, emb_dir, w_len, b_len, w_iat, b_iat, w_fus, b_fus, gamma, beta):
    p_idx = jnp.clip(x[:, :, 0].astype(jnp.int32), 0, 255)
    f_idx = jnp.clip(x[:, :, 2].astype(jnp.int32), 0, 63)
    d_idx = jnp.clip(x[:, :, 4].astype(jnp.int32), 0, 1)
    e_proto = jnp.take(emb_proto, p_idx, axis=0)
    e_flags = jnp.take(emb_flags, f_idx, axis=0)
    e_dir = jnp.take(emb_dir, d_idx, axis=0)
    e_len = x[:, :, 1:2] @ w_len + b_len
    e_iat = x[:, :, 3:4] @ w_iat + b_iat
    c = jnp.concatenate([e_proto, e_len, e_flags, e_iat, e_dir], axis=-1)
    h = c @ w_fus + b_fus
    return _layer_norm(h, gamma, beta)

if __name__ == "__main__":
    import jax
    _d = setup_inputs()
    print(jax.jit(kernel)(*tuple(_d.values())))

</pallas_src>

<mosaic_0001>
#map = affine_map<(d0, d1) -> (0, 0)>
#map1 = affine_map<(d0, d1) -> (0)>
module attributes {stable_mosaic.version = 14 : i64} {
  func.func @sc_kernel(%arg0: i32, %arg1: i32, %arg2: memref<384x256xf32, #tpu.memory_space<hbm>>, %arg3: memref<512xf32, #tpu.memory_space<hbm>>, %arg4: memref<512xf32, #tpu.memory_space<hbm>>, %arg5: memref<819200xf32, #tpu.memory_space<hbm>>, %arg6: memref<819200xf32, #tpu.memory_space<hbm>>, %arg7: memref<819200xf32, #tpu.memory_space<hbm>>, %arg8: memref<819200xf32, #tpu.memory_space<hbm>>, %arg9: memref<819200xf32, #tpu.memory_space<hbm>>, %arg10: memref<209715200xf32, #tpu.memory_space<hbm>>, %arg11: memref<384x256xf32, #tpu.memory_space<vmem_shared>>, %arg12: memref<512xf32, #tpu.memory_space<vmem>>, %arg13: memref<512xf32, #tpu.memory_space<vmem>>, %arg14: memref<3200xf32, #tpu.memory_space<vmem>>, %arg15: memref<3200xf32, #tpu.memory_space<vmem>>, %arg16: memref<3200xf32, #tpu.memory_space<vmem>>, %arg17: memref<3200xf32, #tpu.memory_space<vmem>>, %arg18: memref<3200xf32, #tpu.memory_space<vmem>>, %arg19: memref<64x256xf32, #tpu.memory_space<vmem>>, %arg20: memref<64x256xf32, #tpu.memory_space<vmem>>, %arg21: memref<64x256xf32, #tpu.memory_space<vmem>>, %arg22: memref<64x256xf32, #tpu.memory_space<vmem>>, %arg23: memref<16384xf32, #tpu.memory_space<vmem>>, %arg24: memref<16384xf32, #tpu.memory_space<vmem>>, %arg25: memref<64xi32, #tpu.memory_space<vmem>>, %arg26: memref<64xi32, #tpu.memory_space<vmem>>, %arg27: memref<64xi32, #tpu.memory_space<vmem>>, %arg28: memref<64xi32, #tpu.memory_space<vmem>>, %arg29: memref<!tpu.dma_semaphore, #tpu.memory_space<semaphore_mem>>, %arg30: memref<!tpu.dma_semaphore, #tpu.memory_space<semaphore_mem>>, %arg31: memref<!tpu.dma_semaphore, #tpu.memory_space<semaphore_mem>>, %arg32: memref<!tpu.dma_semaphore, #tpu.memory_space<semaphore_mem>>) attributes {dimension_semantics = [#tpu.dimension_semantics<core_parallel>, #tpu.dimension_semantics<subcore_parallel>], iteration_bounds = array<i64: 2, 16>, scalar_prefetch = 0 : i64, scratch_operands = 22 : i64, tpu.core_type = #tpu.core_type<sc_vector_subcore>, window_params = [{transform_indices = #map}, {transform_indices = #map1}, {transform_indices = #map1}, {transform_indices = #map1}, {transform_indices = #map1}, {transform_indices = #map1}, {transform_indices = #map1}, {transform_indices = #map1}, {transform_indices = #map1}]} {
    %mul3A = arith.constant 2 : i32
    %mul3A_0 = arith.muli %arg1, %mul3A : i32
    %add3A = arith.addi %mul3A_0, %arg0 : i32
    %mul3A_1 = arith.constant 25600 : i32
    %mul3A_2 = arith.muli %add3A, %mul3A_1 : i32
    %eq3A = arith.constant 0 : i32
    %eq3A_3 = arith.cmpi eq, %arg1, %eq3A : i32
    %convert_element_type3A = arith.extui %eq3A_3 : i1 to i32
    %cond3A = arith.constant 0 : i32
    %cond3A_4 = arith.cmpi ne, %convert_element_type3A, %cond3A : i32
    scf.if %cond3A_4 {
      "tpu.region"() ({
        %run_scoped3A = tpu.sem_alloc : memref<!tpu.dma_semaphore, #tpu.memory_space<semaphore_mem>>
        tpu.enqueue_dma source(%arg2 : memref<384x256xf32, #tpu.memory_space<hbm>>) target(%arg11 : memref<384x256xf32, #tpu.memory_space<vmem_shared>>) target_semaphore(%run_scoped3A : memref<!tpu.dma_semaphore, #tpu.memory_space<semaphore_mem>>)
        tpu.wait_dma2 semaphore(%run_scoped3A : memref<!tpu.dma_semaphore, #tpu.memory_space<semaphore_mem>>) src(%arg2 : memref<384x256xf32, #tpu.memory_space<hbm>>) dst(%arg11 : memref<384x256xf32, #tpu.memory_space<vmem_shared>>)
        tpu.yield
      }) : () -> ()
    } else {
    }
    "tpu.region"() ({
      %run_scoped3A = tpu.sem_alloc : memref<!tpu.dma_semaphore, #tpu.memory_space<semaphore_mem>>
      tpu.enqueue_dma source(%arg3 : memref<512xf32, #tpu.memory_space<hbm>>) target(%arg12 : memref<512xf32, #tpu.memory_space<vmem>>) target_semaphore(%run_scoped3A : memref<!tpu.dma_semaphore, #tpu.memory_space<semaphore_mem>>)
      tpu.wait_dma2 semaphore(%run_scoped3A : memref<!tpu.dma_semaphore, #tpu.memory_space<semaphore_mem>>) src(%arg3 : memref<512xf32, #tpu.memory_space<hbm>>) dst(%arg12 : memref<512xf32, #tpu.memory_space<vmem>>)
      tpu.yield
    }) : () -> ()
    "tpu.region"() ({
      %run_scoped3A = tpu.sem_alloc : memref<!tpu.dma_semaphore, #tpu.memory_space<semaphore_mem>>
      tpu.enqueue_dma source(%arg4 : memref<512xf32, #tpu.memory_space<hbm>>) target(%arg13 : memref<512xf32, #tpu.memory_space<vmem>>) target_semaphore(%run_scoped3A : memref<!tpu.dma_semaphore, #tpu.memory_space<semaphore_mem>>)
      tpu.wait_dma2 semaphore(%run_scoped3A : memref<!tpu.dma_semaphore, #tpu.memory_space<semaphore_mem>>) src(%arg4 : memref<512xf32, #tpu.memory_space<hbm>>) dst(%arg13 : memref<512xf32, #tpu.memory_space<vmem>>)
      tpu.yield
    }) : () -> ()
    %barrier3A = arith.constant 0 : index
    tpu.barrier barrier_id(%barrier3A)
    %broadcast_in_dim3A = arith.constant 0 : i32
    %broadcast_in_dim3A_5 = vector.broadcast %broadcast_in_dim3A : i32 to vector<16xi32>
    %broadcast_in_dim3A_6 = arith.constant 0.000000e+00 : f32
    %broadcast_in_dim3A_7 = vector.broadcast %broadcast_in_dim3A_6 : f32 to vector<16xf32>
    %get3A = arith.constant 0 : index
    %get3A_8 = tpu.vector_load %arg12[%get3A] {strides = array<i32>} : memref<512xf32, #tpu.memory_space<vmem>>, vector<16xf32>,
    %get3A_9 = arith.constant 16 : index
    %get3A_10 = tpu.vector_load %arg12[%get3A_9] {strides = array<i32>} : memref<512xf32, #tpu.memory_space<vmem>>, vector<16xf32>,
    %get3A_11 = arith.constant 32 : index
    %get3A_12 = tpu.vector_load %arg12[%get3A_11] {strides = array<i32>} : memref<512xf32, #tpu.memory_space<vmem>>, vector<16xf32>,
    %get3A_13 = arith.constant 48 : index
    %get3A_14 = tpu.vector_load %arg12[%get3A_13] {strides = array<i32>} : memref<512xf32, #tpu.memory_space<vmem>>, vector<16xf32>,
    %get3A_15 = arith.constant 64 : index
    %get3A_16 = tpu.vector_load %arg12[%get3A_15] {strides = array<i32>} : memref<512xf32, #tpu.memory_space<vmem>>, vector<16xf32>,
    %get3A_17 = arith.constant 80 : index
    %get3A_18 = tpu.vector_load %arg12[%get3A_17] {strides = array<i32>} : memref<512xf32, #tpu.memory_space<vmem>>, vector<16xf32>,
    %get3A_19 = arith.constant 96 : index
    %get3A_20 = tpu.vector_load %arg12[%get3A_19] {strides = array<i32>} : memref<512xf32, #tpu.memory_space<vmem>>, vector<16xf32>,
    %get3A_21 = arith.constant 112 : index
    %get3A_22 = tpu.vector_load %arg12[%get3A_21] {strides = array<i32>} : memref<512xf32, #tpu.memory_space<vmem>>, vector<16xf32>,
    %get3A_23 = arith.constant 128 : index
    %get3A_24 = tpu.vector_load %arg12[%get3A_23] {strides = array<i32>} : memref<512xf32, #tpu.memory_space<vmem>>, vector<16xf32>,
    %get3A_25 = arith.constant 144 : index
    %get3A_26 = tpu.vector_load %arg12[%get3A_25] {strides = array<i32>} : memref<512xf32, #tpu.memory_space<vmem>>, vector<16xf32>,
    %get3A_27 = arith.constant 160 : index
    %get3A_28 = tpu.vector_load %arg12[%get3A_27] {strides = array<i32>} : memref<512xf32, #tpu.memory_space<vmem>>, vector<16xf32>,
    %get3A_29 = arith.constant 176 : index
    %get3A_30 = tpu.vector_load %arg12[%get3A_29] {strides = array<i32>} : memref<512xf32, #tpu.memory_space<vmem>>, vector<16xf32>,
    %get3A_31 = arith.constant 192 : index
    %get3A_32 = tpu.vector_load %arg12[%get3A_31] {strides = array<i32>} : memref<512xf32, #tpu.memory_space<vmem>>, vector<16xf32>,
    %get3A_33 = arith.constant 208 : index
    %get3A_34 = tpu.vector_load %arg12[%get3A_33] {strides = array<i32>} : memref<512xf32, #tpu.memory_space<vmem>>, vector<16xf32>,
    %get3A_35 = arith.constant 224 : index
    %get3A_36 = tpu.vector_load %arg12[%get3A_35] {strides = array<i32>} : memref<512xf32, #tpu.memory_space<vmem>>, vector<16xf32>,
    %get3A_37 = arith.constant 240 : index
    %get3A_38 = tpu.vector_load %arg12[%get3A_37] {strides = array<i32>} : memref<512xf32, #tpu.memory_space<vmem>>, vector<16xf32>,
    %get3A_39 = arith.constant 256 : index
    %get3A_40 = tpu.vector_load %arg12[%get3A_39] {strides = array<i32>} : memref<512xf32, #tpu.memory_space<vmem>>, vector<16xf32>,
    %get3A_41 = arith.constant 272 : index
    %get3A_42 = tpu.vector_load %arg12[%get3A_41] {strides = array<i32>} : memref<512xf32, #tpu.memory_space<vmem>>, vector<16xf32>,
    %get3A_43 = arith.constant 288 : index
    %get3A_44 = tpu.vector_load %arg12[%get3A_43] {strides = array<i32>} : memref<512xf32, #tpu.memory_space<vmem>>, vector<16xf32>,
    %get3A_45 = arith.constant 304 : index
    %get3A_46 = tpu.vector_load %arg12[%get3A_45] {strides = array<i32>} : memref<512xf32, #tpu.memory_space<vmem>>, vector<16xf32>,
    %get3A_47 = arith.constant 320 : index
    %get3A_48 = tpu.vector_load %arg12[%get3A_47] {strides = array<i32>} : memref<512xf32, #tpu.memory_space<vmem>>, vector<16xf32>,
    %get3A_49 = arith.constant 336 : index
    %get3A_50 = tpu.vector_load %arg12[%get3A_49] {strides = array<i32>} : memref<512xf32, #tpu.memory_space<vmem>>, vector<16xf32>,
    %get3A_51 = arith.constant 352 : index
    %get3A_52 = tpu.vector_load %arg12[%get3A_51] {strides = array<i32>} : memref<512xf32, #tpu.memory_space<vmem>>, vector<16xf32>,
    %get3A_53 = arith.constant 368 : index
    %get3A_54 = tpu.vector_load %arg12[%get3A_53] {strides = array<i32>} : memref<512xf32, #tpu.memory_space<vmem>>, vector<16xf32>,
    %get3A_55 = arith.constant 384 : index
    %get3A_56 = tpu.vector_load %arg12[%get3A_55] {strides = array<i32>} : memref<512xf32, #tpu.memory_space<vmem>>, vector<16xf32>,
    %get3A_57 = arith.constant 400 : index
    %get3A_58 = tpu.vector_load %arg12[%get3A_57] {strides = array<i32>} : memref<512xf32, #tpu.memory_space<vmem>>, vector<16xf32>,
    %get3A_59 = arith.constant 416 : index
    %get3A_60 = tpu.vector_load %arg12[%get3A_59] {strides = array<i32>} : memref<512xf32, #tpu.memory_space<vmem>>, vector<16xf32>,
    %get3A_61 = arith.constant 432 : index
    %get3A_62 = tpu.vector_load %arg12[%get3A_61] {strides = array<i32>} : memref<512xf32, #tpu.memory_space<vmem>>, vector<16xf32>,
    %get3A_63 = arith.constant 448 : index
    %get3A_64 = tpu.vector_load %arg12[%get3A_63] {strides = array<i32>} : memref<512xf32, #tpu.memory_space<vmem>>, vector<16xf32>,
    %get3A_65 = arith.constant 464 : index
    %get3A_66 = tpu.vector_load %arg12[%get3A_65] {strides = array<i32>} : memref<512xf32, #tpu.memory_space<vmem>>, vector<16xf32>,
    %get3A_67 = arith.constant 480 : index
    %get3A_68 = tpu.vector_load %arg12[%get3A_67] {strides = array<i32>} : memref<512xf32, #tpu.memory_space<vmem>>, vector<16xf32>,
    %get3A_69 = arith.constant 496 : index
    %get3A_70 = tpu.vector_load %arg12[%get3A_69] {strides = array<i32>} : memref<512xf32, #tpu.memory_space<vmem>>, vector<16xf32>,
    %get3A_71 = arith.constant 0 : index
    %get3A_72 = tpu.vector_load %arg13[%get3A_71] {strides = array<i32>} : memref<512xf32, #tpu.memory_space<vmem>>, vector<16xf32>,
    %get3A_73 = arith.constant 16 : index
    %get3A_74 = tpu.vector_load %arg13[%get3A_73] {strides = array<i32>} : memref<512xf32, #tpu.memory_space<vmem>>, vector<16xf32>,
    %get3A_75 = arith.constant 32 : index
    %get3A_76 = tpu.vector_load %arg13[%get3A_75] {strides = array<i32>} : memref<512xf32, #tpu.memory_space<vmem>>, vector<16xf32>,
    %get3A_77 = arith.constant 48 : index
    %get3A_78 = tpu.vector_load %arg13[%get3A_77] {strides = array<i32>} : memref<512xf32, #tpu.memory_space<vmem>>, vector<16xf32>,
    %get3A_79 = arith.constant 64 : index
    %get3A_80 = tpu.vector_load %arg13[%get3A_79] {strides = array<i32>} : memref<512xf32, #tpu.memory_space<vmem>>, vector<16xf32>,
    %get3A_81 = arith.constant 80 : index
    %get3A_82 = tpu.vector_load %arg13[%get3A_81] {strides = array<i32>} : memref<512xf32, #tpu.memory_space<vmem>>, vector<16xf32>,
    %get3A_83 = arith.constant 96 : index
    %get3A_84 = tpu.vector_load %arg13[%get3A_83] {strides = array<i32>} : memref<512xf32, #tpu.memory_space<vmem>>, vector<16xf32>,
    %get3A_85 = arith.constant 112 : index
    %get3A_86 = tpu.vector_load %arg13[%get3A_85] {strides = array<i32>} : memref<512xf32, #tpu.memory_space<vmem>>, vector<16xf32>,
    %get3A_87 = arith.constant 128 : index
    %get3A_88 = tpu.vector_load %arg13[%get3A_87] {strides = array<i32>} : memref<512xf32, #tpu.memory_space<vmem>>, vector<16xf32>,
    %get3A_89 = arith.constant 144 : index
    %get3A_90 = tpu.vector_load %arg13[%get3A_89] {strides = array<i32>} : memref<512xf32, #tpu.memory_space<vmem>>, vector<16xf32>,
    %get3A_91 = arith.constant 160 : index
    %get3A_92 = tpu.vector_load %arg13[%get3A_91] {strides = array<i32>} : memref<512xf32, #tpu.memory_space<vmem>>, vector<16xf32>,
    %get3A_93 = arith.constant 176 : index
    %get3A_94 = tpu.vector_load %arg13[%get3A_93] {strides = array<i32>} : memref<512xf32, #tpu.memory_space<vmem>>, vector<16xf32>,
    %get3A_95 = arith.constant 192 : index
    %get3A_96 = tpu.vector_load %arg13[%get3A_95] {strides = array<i32>} : memref<512xf32, #tpu.memory_space<vmem>>, vector<16xf32>,
    %get3A_97 = arith.constant 208 : index
    %get3A_98 = tpu.vector_load %arg13[%get3A_97] {strides = array<i32>} : memref<512xf32, #tpu.memory_space<vmem>>, vector<16xf32>,
    %get3A_99 = arith.constant 224 : index
    %get3A_100 = tpu.vector_load %arg13[%get3A_99] {strides = array<i32>} : memref<512xf32, #tpu.memory_space<vmem>>, vector<16xf32>,
    %get3A_101 = arith.constant 240 : index
    %get3A_102 = tpu.vector_load %arg13[%get3A_101] {strides = array<i32>} : memref<512xf32, #tpu.memory_space<vmem>>, vector<16xf32>,
    %get3A_103 = arith.constant 256 : index
    %get3A_104 = tpu.vector_load %arg13[%get3A_103] {strides = array<i32>} : memref<512xf32, #tpu.memory_space<vmem>>, vector<16xf32>,
    %get3A_105 = arith.constant 272 : index
    %get3A_106 = tpu.vector_load %arg13[%get3A_105] {strides = array<i32>} : memref<512xf32, #tpu.memory_space<vmem>>, vector<16xf32>,
    %get3A_107 = arith.constant 288 : index
    %get3A_108 = tpu.vector_load %arg13[%get3A_107] {strides = array<i32>} : memref<512xf32, #tpu.memory_space<vmem>>, vector<16xf32>,
    %get3A_109 = arith.constant 304 : index
    %get3A_110 = tpu.vector_load %arg13[%get3A_109] {strides = array<i32>} : memref<512xf32, #tpu.memory_space<vmem>>, vector<16xf32>,
    %get3A_111 = arith.constant 320 : index
    %get3A_112 = tpu.vector_load %arg13[%get3A_111] {strides = array<i32>} : memref<512xf32, #tpu.memory_space<vmem>>, vector<16xf32>,
    %get3A_113 = arith.constant 336 : index
    %get3A_114 = tpu.vector_load %arg13[%get3A_113] {strides = array<i32>} : memref<512xf32, #tpu.memory_space<vmem>>, vector<16xf32>,
    %get3A_115 = arith.constant 352 : index
    %get3A_116 = tpu.vector_load %arg13[%get3A_115] {strides = array<i32>} : memref<512xf32, #tpu.memory_space<vmem>>, vector<16xf32>,
    %get3A_117 = arith.constant 368 : index
    %get3A_118 = tpu.vector_load %arg13[%get3A_117] {strides = array<i32>} : memref<512xf32, #tpu.memory_space<vmem>>, vector<16xf32>,
    %get3A_119 = arith.constant 384 : index
    %get3A_120 = tpu.vector_load %arg13[%get3A_119] {strides = array<i32>} : memref<512xf32, #tpu.memory_space<vmem>>, vector<16xf32>,
    %get3A_121 = arith.constant 400 : index
    %get3A_122 = tpu.vector_load %arg13[%get3A_121] {strides = array<i32>} : memref<512xf32, #tpu.memory_space<vmem>>, vector<16xf32>,
    %get3A_123 = arith.constant 416 : index
    %get3A_124 = tpu.vector_load %arg13[%get3A_123] {strides = array<i32>} : memref<512xf32, #tpu.memory_space<vmem>>, vector<16xf32>,
    %get3A_125 = arith.constant 432 : index
    %get3A_126 = tpu.vector_load %arg13[%get3A_125] {strides = array<i32>} : memref<512xf32, #tpu.memory_space<vmem>>, vector<16xf32>,
    %get3A_127 = arith.constant 448 : index
    %get3A_128 = tpu.vector_load %arg13[%get3A_127] {strides = array<i32>} : memref<512xf32, #tpu.memory_space<vmem>>, vector<16xf32>,
    %get3A_129 = arith.constant 464 : index
    %get3A_130 = tpu.vector_load %arg13[%get3A_129] {strides = array<i32>} : memref<512xf32, #tpu.memory_space<vmem>>, vector<16xf32>,
    %get3A_131 = arith.constant 480 : index
    %get3A_132 = tpu.vector_load %arg13[%get3A_131] {strides = array<i32>} : memref<512xf32, #tpu.memory_space<vmem>>, vector<16xf32>,
    %get3A_133 = arith.constant 496 : index
    %get3A_134 = tpu.vector_load %arg13[%get3A_133] {strides = array<i32>} : memref<512xf32, #tpu.memory_space<vmem>>, vector<16xf32>,
    %scan3A = arith.constant 0 : i32
    %scan3A_135 = arith.constant 3.906250e-03 : f32
    %scan3A_136 = arith.constant 0 : i32
    %scan3A_137 = arith.constant 200 : i32
    %scan3A_138 = arith.addi %scan3A_136, %scan3A_137 : i32
    %scan3A_139 = arith.constant 1 : i32
    scf.for %scan3A_148 = %scan3A_136 to %scan3A_138 step %scan3A_139  : i32 {
      %mul3A_149 = arith.constant 2 : i32
      %mul3A_150 = arith.muli %mul3A_149, %scan3A_148 : i32
      %add3A_151 = arith.constant 1 : i32
      %add3A_152 = arith.addi %mul3A_150, %add3A_151 : i32
      %rem3A = arith.constant 50 : i32
      %rem3A_153 = arith.remsi %mul3A_150, %rem3A : i32
      %mul3A_154 = arith.constant 64 : i32
      %mul3A_155 = arith.muli %rem3A_153, %mul3A_154 : i32
      %add3A_156 = arith.constant 64 : i32
      %add3A_157 = arith.addi %mul3A_155, %add3A_156 : i32
      %rem3A_158 = arith.constant 25 : i32
      %rem3A_159 = arith.remsi %scan3A_148, %rem3A_158 : i32
      %eq3A_160 = arith.constant 0 : i32
      %eq3A_161 = arith.cmpi eq, %rem3A_159, %eq3A_160 : i32
      %convert_element_type3A_162 = arith.extui %eq3A_161 : i1 to i32
      %cond3A_163 = arith.constant 0 : i32
      %cond3A_164 = arith.cmpi ne, %convert_element_type3A_162, %cond3A_163 : i32
      scf.if %cond3A_164 {
        %div3A = arith.constant 25 : i32
        %div3A_388 = arith.divsi %scan3A_148, %div3A : i32
        %mul3A_389 = arith.constant 3200 : i32
        %mul3A_390 = arith.muli %div3A_388, %mul3A_389 : i32
        %add3A_391 = arith.addi %mul3A_2, %mul3A_390 : i32
        "tpu.region"() ({
          %run_scoped3A = tpu.sem_alloc : memref<!tpu.dma_semaphore, #tpu.memory_space<semaphore_mem>>
          %dma_start3A_574 = tpu.memref_slice %arg5[%add3A_391] : memref<819200xf32, #tpu.memory_space<hbm>> -> memref<3200xf32, #tpu.memory_space<hbm>>
          %dma_start3A_575 = tpu.memref_slice %arg5[%add3A_391] : memref<819200xf32, #tpu.memory_space<hbm>> -> memref<3200xf32, #tpu.memory_space<hbm>>
          tpu.enqueue_dma source(%dma_start3A_575 : memref<3200xf32, #tpu.memory_space<hbm>>) target(%arg14 : memref<3200xf32, #tpu.memory_space<vmem>>) target_semaphore(%run_scoped3A : memref<!tpu.dma_semaphore, #tpu.memory_space<semaphore_mem>>)
          %dma_wait3A_576 = tpu.memref_slice %arg5[%add3A_391] : memref<819200xf32, #tpu.memory_space<hbm>> -> memref<3200xf32, #tpu.memory_space<hbm>>
          %dma_wait3A_577 = tpu.memref_slice %arg5[%add3A_391] : memref<819200xf32, #tpu.memory_space<hbm>> -> memref<3200xf32, #tpu.memory_space<hbm>>
          tpu.wait_dma2 semaphore(%run_scoped3A : memref<!tpu.dma_semaphore, #tpu.memory_space<semaphore_mem>>) src(%dma_wait3A_577 : memref<3200xf32, #tpu.memory_space<hbm>>) dst(%arg14 : memref<3200xf32, #tpu.memory_space<vmem>>)
          tpu.yield
        }) : () -> ()
        "tpu.region"() ({
          %run_scoped3A = tpu.sem_alloc : memref<!tpu.dma_semaphore, #tpu.memory_space<semaphore_mem>>
          %dma_start3A_574 = tpu.memref_slice %arg6[%add3A_391] : memref<819200xf32, #tpu.memory_space<hbm>> -> memref<3200xf32, #tpu.memory_space<hbm>>
          %dma_start3A_575 = tpu.memref_slice %arg6[%add3A_391] : memref<819200xf32, #tpu.memory_space<hbm>> -> memref<3200xf32, #tpu.memory_space<hbm>>
          tpu.enqueue_dma source(%dma_start3A_575 : memref<3200xf32, #tpu.memory_space<hbm>>) target(%arg15 : memref<3200xf32, #tpu.memory_space<vmem>>) target_semaphore(%run_scoped3A : memref<!tpu.dma_semaphore, #tpu.memory_space<semaphore_mem>>)
          %dma_wait3A_576 = tpu.memref_slice %arg6[%add3A_391] : memref<819200xf32, #tpu.memory_space<hbm>> -> memref<3200xf32, #tpu.memory_space<hbm>>
          %dma_wait3A_577 = tpu.memref_slice %arg6[%add3A_391] : memref<819200xf32, #tpu.memory_space<hbm>> -> memref<3200xf32, #tpu.memory_space<hbm>>
          tpu.wait_dma2 semaphore(%run_scoped3A : memref<!tpu.dma_semaphore, #tpu.memory_space<semaphore_mem>>) src(%dma_wait3A_577 : memref<3200xf32, #tpu.memory_space<hbm>>) dst(%arg15 : memref<3200xf32, #tpu.memory_space<vmem>>)
          tpu.yield
        }) : () -> ()
        "tpu.region"() ({
          %run_scoped3A = tpu.sem_alloc : memref<!tpu.dma_semaphore, #tpu.memory_space<semaphore_mem>>
          %dma_start3A_574 = tpu.memref_slice %arg7[%add3A_391] : memref<819200xf32, #tpu.memory_space<hbm>> -> memref<3200xf32, #tpu.memory_space<hbm>>
          %dma_start3A_575 = tpu.memref_slice %arg7[%add3A_391] : memref<819200xf32, #tpu.memory_space<hbm>> -> memref<3200xf32, #tpu.memory_space<hbm>>
          tpu.enqueue_dma source(%dma_start3A_575 : memref<3200xf32, #tpu.memory_space<hbm>>) target(%arg16 : memref<3200xf32, #tpu.memory_space<vmem>>) target_semaphore(%run_scoped3A : memref<!tpu.dma_semaphore, #tpu.memory_space<semaphore_mem>>)
          %dma_wait3A_576 = tpu.memref_slice %arg7[%add3A_391] : memref<819200xf32, #tpu.memory_space<hbm>> -> memref<3200xf32, #tpu.memory_space<hbm>>
          %dma_wait3A_577 = tpu.memref_slice %arg7[%add3A_391] : memref<819200xf32, #tpu.memory_space<hbm>> -> memref<3200xf32, #tpu.memory_space<hbm>>
          tpu.wait_dma2 semaphore(%run_scoped3A : memref<!tpu.dma_semaphore, #tpu.memory_space<semaphore_mem>>) src(%dma_wait3A_577 : memref<3200xf32, #tpu.memory_space<hbm>>) dst(%arg16 : memref<3200xf32, #tpu.memory_space<vmem>>)
          tpu.yield
        }) : () -> ()
        "tpu.region"() ({
          %run_scoped3A = tpu.sem_alloc : memref<!tpu.dma_semaphore, #tpu.memory_space<semaphore_mem>>
          %dma_start3A_574 = tpu.memref_slice %arg8[%add3A_391] : memref<819200xf32, #tpu.memory_space<hbm>> -> memref<3200xf32, #tpu.memory_space<hbm>>
          %dma_start3A_575 = tpu.memref_slice %arg8[%add3A_391] : memref<819200xf32, #tpu.memory_space<hbm>> -> memref<3200xf32, #tpu.memory_space<hbm>>
          tpu.enqueue_dma source(%dma_start3A_575 : memref<3200xf32, #tpu.memory_space<hbm>>) target(%arg17 : memref<3200xf32, #tpu.memory_space<vmem>>) target_semaphore(%run_scoped3A : memref<!tpu.dma_semaphore, #tpu.memory_space<semaphore_mem>>)
          %dma_wait3A_576 = tpu.memref_slice %arg8[%add3A_391] : memref<819200xf32, #tpu.memory_space<hbm>> -> memref<3200xf32, #tpu.memory_space<hbm>>
          %dma_wait3A_577 = tpu.memref_slice %arg8[%add3A_391] : memref<819200xf32, #tpu.memory_space<hbm>> -> memref<3200xf32, #tpu.memory_space<hbm>>
          tpu.wait_dma2 semaphore(%run_scoped3A : memref<!tpu.dma_semaphore, #tpu.memory_space<semaphore_mem>>) src(%dma_wait3A_577 : memref<3200xf32, #tpu.memory_space<hbm>>) dst(%arg17 : memref<3200xf32, #tpu.memory_space<vmem>>)
          tpu.yield
        }) : () -> ()
        "tpu.region"() ({
          %run_scoped3A = tpu.sem_alloc : memref<!tpu.dma_semaphore, #tpu.memory_space<semaphore_mem>>
          %dma_start3A_574 = tpu.memref_slice %arg9[%add3A_391] : memref<819200xf32, #tpu.memory_space<hbm>> -> memref<3200xf32, #tpu.memory_space<hbm>>
          %dma_start3A_575 = tpu.memref_slice %arg9[%add3A_391] : memref<819200xf32, #tpu.memory_space<hbm>> -> memref<3200xf32, #tpu.memory_space<hbm>>
          tpu.enqueue_dma source(%dma_start3A_575 : memref<3200xf32, #tpu.memory_space<hbm>>) target(%arg18 : memref<3200xf32, #tpu.memory_space<vmem>>) target_semaphore(%run_scoped3A : memref<!tpu.dma_semaphore, #tpu.memory_space<semaphore_mem>>)
          %dma_wait3A_576 = tpu.memref_slice %arg9[%add3A_391] : memref<819200xf32, #tpu.memory_space<hbm>> -> memref<3200xf32, #tpu.memory_space<hbm>>
          %dma_wait3A_577 = tpu.memref_slice %arg9[%add3A_391] : memref<819200xf32, #tpu.memory_space<hbm>> -> memref<3200xf32, #tpu.memory_space<hbm>>
          tpu.wait_dma2 semaphore(%run_scoped3A : memref<!tpu.dma_semaphore, #tpu.memory_space<semaphore_mem>>) src(%dma_wait3A_577 : memref<3200xf32, #tpu.memory_space<hbm>>) dst(%arg18 : memref<3200xf32, #tpu.memory_space<vmem>>)
          tpu.yield
        }) : () -> ()
        %add3A_392 = arith.constant 0 : i32
        %add3A_393 = arith.addi %mul3A_155, %add3A_392 : i32
        %get3A_394 = arith.index_cast %add3A_393 : i32 to index
        %get3A_395 = tpu.vector_load %arg14[%get3A_394] {strides = array<i32>} : memref<3200xf32, #tpu.memory_space<vmem>>, vector<16xf32>,
        %convert_element_type3A_396 = arith.fptosi %get3A_395 : vector<16xf32> to vector<16xi32>
        %jit3A_397 = arith.constant 0 : i32
        %jit3A_398 = arith.constant 255 : i32
        %max3A_399 = vector.broadcast %jit3A_397 : i32 to vector<16xi32>
        %max3A_400 = arith.maxsi %max3A_399, %convert_element_type3A_396 : vector<16xi32>
        %min3A_401 = vector.broadcast %jit3A_398 : i32 to vector<16xi32>
        %min3A_402 = arith.minsi %min3A_401, %max3A_400 : vector<16xi32>
        %add3A_403 = arith.constant 0 : i32
        %add3A_404 = arith.addi %mul3A_155, %add3A_403 : i32
        %get3A_405 = arith.index_cast %add3A_404 : i32 to index
        %get3A_406 = tpu.vector_load %arg16[%get3A_405] {strides = array<i32>} : memref<3200xf32, #tpu.memory_space<vmem>>, vector<16xf32>,
        %convert_element_type3A_407 = arith.fptosi %get3A_406 : vector<16xf32> to vector<16xi32>
        %jit3A_408 = arith.constant 0 : i32
        %jit3A_409 = arith.constant 63 : i32
        %max3A_410 = vector.broadcast %jit3A_408 : i32 to vector<16xi32>
        %max3A_411 = arith.maxsi %max3A_410, %convert_element_type3A_407 : vector<16xi32>
        %min3A_412 = vector.broadcast %jit3A_409 : i32 to vector<16xi32>
        %min3A_413 = arith.minsi %min3A_412, %max3A_411 : vector<16xi32>
        %add3A_414 = arith.constant 0 : i32
        %add3A_415 = arith.addi %mul3A_155, %add3A_414 : i32
        %get3A_416 = arith.index_cast %add3A_415 : i32 to index
        %get3A_417 = tpu.vector_load %arg18[%get3A_416] {strides = array<i32>} : memref<3200xf32, #tpu.memory_space<vmem>>, vector<16xf32>,
        %convert_element_type3A_418 = arith.fptosi %get3A_417 : vector<16xf32> to vector<16xi32>
        %jit3A_419 = arith.constant 0 : i32
        %jit3A_420 = arith.constant 1 : i32
        %max3A_421 = vector.broadcast %jit3A_419 : i32 to vector<16xi32>
        %max3A_422 = arith.maxsi %max3A_421, %convert_element_type3A_418 : vector<16xi32>
        %min3A_423 = vector.broadcast %jit3A_420 : i32 to vector<16xi32>
        %min3A_424 = arith.minsi %min3A_423, %max3A_422 : vector<16xi32>
        %swap3A_425 = arith.constant 0 : index
        %swap3A_426 = tpu.vector_load %arg25[%swap3A_425] {strides = array<i32>} : memref<64xi32, #tpu.memory_space<vmem>>, vector<16xi32>,
        tpu.vector_store %arg25[%swap3A_425], %min3A_402 {strides = array<i32>} : memref<64xi32, #tpu.memory_space<vmem>>, vector<16xi32>,
        %mul3A_427 = arith.constant 64 : i32
        %mul3A_428 = vector.broadcast %mul3A_427 : i32 to vector<16xi32>
        %mul3A_429 = arith.muli %min3A_424, %mul3A_428 : vector<16xi32>
        %add3A_430 = arith.constant 256 : i32
        %add3A_431 = vector.broadcast %add3A_430 : i32 to vector<16xi32>
        %add3A_432 = arith.addi %add3A_431, %mul3A_429 : vector<16xi32>
        %add3A_433 = arith.addi %add3A_432, %min3A_413 : vector<16xi32>
        %swap3A_434 = arith.constant 0 : index
        %swap3A_435 = tpu.vector_load %arg26[%swap3A_434] {strides = array<i32>} : memref<64xi32, #tpu.memory_space<vmem>>, vector<16xi32>,
        tpu.vector_store %arg26[%swap3A_434], %add3A_433 {strides = array<i32>} : memref<64xi32, #tpu.memory_space<vmem>>, vector<16xi32>,
        %add3A_436 = arith.constant 16 : i32
        %add3A_437 = arith.addi %mul3A_155, %add3A_436 : i32
        %get3A_438 = arith.index_cast %add3A_437 : i32 to index
        %get3A_439 = tpu.vector_load %arg14[%get3A_438] {strides = array<i32>} : memref<3200xf32, #tpu.memory_space<vmem>>, vector<16xf32>,
        %convert_element_type3A_440 = arith.fptosi %get3A_439 : vector<16xf32> to vector<16xi32>
        %jit3A_441 = arith.constant 0 : i32
        %jit3A_442 = arith.constant 255 : i32
        %max3A_443 = vector.broadcast %jit3A_441 : i32 to vector<16xi32>
        %max3A_444 = arith.maxsi %max3A_443, %convert_element_type3A_440 : vector<16xi32>
        %min3A_445 = vector.broadcast %jit3A_442 : i32 to vector<16xi32>
        %min3A_446 = arith.minsi %min3A_445, %max3A_444 : vector<16xi32>
        %add3A_447 = arith.constant 16 : i32
        %add3A_448 = arith.addi %mul3A_155, %add3A_447 : i32
        %get3A_449 = arith.index_cast %add3A_448 : i32 to index
        %get3A_450 = tpu.vector_load %arg16[%get3A_449] {strides = array<i32>} : memref<3200xf32, #tpu.memory_space<vmem>>, vector<16xf32>,
        %convert_element_type3A_451 = arith.fptosi %get3A_450 : vector<16xf32> to vector<16xi32>
        %jit3A_452 = arith.constant 0 : i32
        %jit3A_453 = arith.constant 63 : i32
        %max3A_454 = vector.broadcast %jit3A_452 : i32 to vector<16xi32>
        %max3A_455 = arith.maxsi %max3A_454, %convert_element_type3A_451 : vector<16xi32>
        %min3A_456 = vector.broadcast %jit3A_453 : i32 to vector<16xi32>
        %min3A_457 = arith.minsi %min3A_456, %max3A_455 : vector<16xi32>
        %add3A_458 = arith.constant 16 : i32
        %add3A_459 = arith.addi %mul3A_155, %add3A_458 : i32
        %get3A_460 = arith.index_cast %add3A_459 : i32 to index
        %get3A_461 = tpu.vector_load %arg18[%get3A_460] {strides = array<i32>} : memref<3200xf32, #tpu.memory_space<vmem>>, vector<16xf32>,
        %convert_element_type3A_462 = arith.fptosi %get3A_461 : vector<16xf32> to vector<16xi32>
        %jit3A_463 = arith.constant 0 : i32
        %jit3A_464 = arith.constant 1 : i32
        %max3A_465 = vector.broadcast %jit3A_463 : i32 to vector<16xi32>
        %max3A_466 = arith.maxsi %max3A_465, %convert_element_type3A_462 : vector<16xi32>
        %min3A_467 = vector.broadcast %jit3A_464 : i32 to vector<16xi32>
        %min3A_468 = arith.minsi %min3A_467, %max3A_466 : vector<16xi32>
        %swap3A_469 = arith.constant 16 : index
        %swap3A_470 = tpu.vector_load %arg25[%swap3A_469] {strides = array<i32>} : memref<64xi32, #tpu.memory_space<vmem>>, vector<16xi32>,
        tpu.vector_store %arg25[%swap3A_469], %min3A_446 {strides = array<i32>} : memref<64xi32, #tpu.memory_space<vmem>>, vector<16xi32>,
        %mul3A_471 = arith.constant 64 : i32
        %mul3A_472 = vector.broadcast %mul3A_471 : i32 to vector<16xi32>
        %mul3A_473 = arith.muli %min3A_468, %mul3A_472 : vector<16xi32>
        %add3A_474 = arith.constant 256 : i32
        %add3A_475 = vector.broadcast %add3A_474 : i32 to vector<16xi32>
        %add3A_476 = arith.addi %add3A_475, %mul3A_473 : vector<16xi32>
        %add3A_477 = arith.addi %add3A_476, %min3A_457 : vector<16xi32>
        %swap3A_478 = arith.constant 16 : index
        %swap3A_479 = tpu.vector_load %arg26[%swap3A_478] {strides = array<i32>} : memref<64xi32, #tpu.memory_space<vmem>>, vector<16xi32>,
        tpu.vector_store %arg26[%swap3A_478], %add3A_477 {strides = array<i32>} : memref<64xi32, #tpu.memory_space<vmem>>, vector<16xi32>,
        %add3A_480 = arith.constant 32 : i32
        %add3A_481 = arith.addi %mul3A_155, %add3A_480 : i32
        %get3A_482 = arith.index_cast %add3A_481 : i32 to index
        %get3A_483 = tpu.vector_load %arg14[%get3A_482] {strides = array<i32>} : memref<3200xf32, #tpu.memory_space<vmem>>, vector<16xf32>,
        %convert_element_type3A_484 = arith.fptosi %get3A_483 : vector<16xf32> to vector<16xi32>
        %jit3A_485 = arith.constant 0 : i32
        %jit3A_486 = arith.constant 255 : i32
        %max3A_487 = vector.broadcast %jit3A_485 : i32 to vector<16xi32>
        %max3A_488 = arith.maxsi %max3A_487, %convert_element_type3A_484 : vector<16xi32>
        %min3A_489 = vector.broadcast %jit3A_486 : i32 to vector<16xi32>
        %min3A_490 = arith.minsi %min3A_489, %max3A_488 : vector<16xi32>
        %add3A_491 = arith.constant 32 : i32
        %add3A_492 = arith.addi %mul3A_155, %add3A_491 : i32
        %get3A_493 = arith.index_cast %add3A_492 : i32 to index
        %get3A_494 = tpu.vector_load %arg16[%get3A_493] {strides = array<i32>} : memref<3200xf32, #tpu.memory_space<vmem>>, vector<16xf32>,
        %convert_element_type3A_495 = arith.fptosi %get3A_494 : vector<16xf32> to vector<16xi32>
        %jit3A_496 = arith.constant 0 : i32
        %jit3A_497 = arith.constant 63 : i32
        %max3A_498 = vector.broadcast %jit3A_496 : i32 to vector<16xi32>
        %max3A_499 = arith.maxsi %max3A_498, %convert_element_type3A_495 : vector<16xi32>
        %min3A_500 = vector.broadcast %jit3A_497 : i32 to vector<16xi32>
        %min3A_501 = arith.minsi %min3A_500, %max3A_499 : vector<16xi32>
        %add3A_502 = arith.constant 32 : i32
        %add3A_503 = arith.addi %mul3A_155, %add3A_502 : i32
        %get3A_504 = arith.index_cast %add3A_503 : i32 to index
        %get3A_505 = tpu.vector_load %arg18[%get3A_504] {strides = array<i32>} : memref<3200xf32, #tpu.memory_space<vmem>>, vector<16xf32>,
        %convert_element_type3A_506 = arith.fptosi %get3A_505 : vector<16xf32> to vector<16xi32>
        %jit3A_507 = arith.constant 0 : i32
        %jit3A_508 = arith.constant 1 : i32
        %max3A_509 = vector.broadcast %jit3A_507 : i32 to vector<16xi32>
        %max3A_510 = arith.maxsi %max3A_509, %convert_element_type3A_506 : vector<16xi32>
        %min3A_511 = vector.broadcast %jit3A_508 : i32 to vector<16xi32>
        %min3A_512 = arith.minsi %min3A_511, %max3A_510 : vector<16xi32>
        %swap3A_513 = arith.constant 32 : index
        %swap3A_514 = tpu.vector_load %arg25[%swap3A_513] {strides = array<i32>} : memref<64xi32, #tpu.memory_space<vmem>>, vector<16xi32>,
        tpu.vector_store %arg25[%swap3A_513], %min3A_490 {strides = array<i32>} : memref<64xi32, #tpu.memory_space<vmem>>, vector<16xi32>,
        %mul3A_515 = arith.constant 64 : i32
        %mul3A_516 = vector.broadcast %mul3A_515 : i32 to vector<16xi32>
        %mul3A_517 = arith.muli %min3A_512, %mul3A_516 : vector<16xi32>
        %add3A_518 = arith.constant 256 : i32
        %add3A_519 = vector.broadcast %add3A_518 : i32 to vector<16xi32>
        %add3A_520 = arith.addi %add3A_519, %mul3A_517 : vector<16xi32>
        %add3A_521 = arith.addi %add3A_520, %min3A_501 : vector<16xi32>
        %swap3A_522 = arith.constant 32 : index
        %swap3A_523 = tpu.vector_load %arg26[%swap3A_522] {strides = array<i32>} : memref<64xi32, #tpu.memory_space<vmem>>, vector<16xi32>,
        tpu.vector_store %arg26[%swap3A_522], %add3A_521 {strides = array<i32>} : memref<64xi32, #tpu.memory_space<vmem>>, vector<16xi32>,
        %add3A_524 = arith.constant 48 : i32
        %add3A_525 = arith.addi %mul3A_155, %add3A_524 : i32
        %get3A_526 = arith.index_cast %add3A_525 : i32 to index
        %get3A_527 = tpu.vector_load %arg14[%get3A_526] {strides = array<i32>} : memref<3200xf32, #tpu.memory_space<vmem>>, vector<16xf32>,
        %convert_element_type3A_528 = arith.fptosi %get3A_527 : vector<16xf32> to vector<16xi32>
        %jit3A_529 = arith.constant 0 : i32
        %jit3A_530 = arith.constant 255 : i32
        %max3A_531 = vector.broadcast %jit3A_529 : i32 to vector<16xi32>
        %max3A_532 = arith.maxsi %max3A_531, %convert_element_type3A_528 : vector<16xi32>
        %min3A_533 = vector.broadcast %jit3A_530 : i32 to vector<16xi32>
        %min3A_534 = arith.minsi %min3A_533, %max3A_532 : vector<16xi32>
        %add3A_535 = arith.constant 48 : i32
        %add3A_536 = arith.addi %mul3A_155, %add3A_535 : i32
        %get3A_537 = arith.index_cast %add3A_536 : i32 to index
        %get3A_538 = tpu.vector_load %arg16[%get3A_537] {strides = array<i32>} : memref<3200xf32, #tpu.memory_space<vmem>>, vector<16xf32>,
        %convert_element_type3A_539 = arith.fptosi %get3A_538 : vector<16xf32> to vector<16xi32>
        %jit3A_540 = arith.constant 0 : i32
        %jit3A_541 = arith.constant 63 : i32
        %max3A_542 = vector.broadcast %jit3A_540 : i32 to vector<16xi32>
        %max3A_543 = arith.maxsi %max3A_542, %convert_element_type3A_539 : vector<16xi32>
        %min3A_544 = vector.broadcast %jit3A_541 : i32 to vector<16xi32>
        %min3A_545 = arith.minsi %min3A_544, %max3A_543 : vector<16xi32>
        %add3A_546 = arith.constant 48 : i32
        %add3A_547 = arith.addi %mul3A_155, %add3A_546 : i32
        %get3A_548 = arith.index_cast %add3A_547 : i32 to index
        %get3A_549 = tpu.vector_load %arg18[%get3A_548] {strides = array<i32>} : memref<3200xf32, #tpu.memory_space<vmem>>, vector<16xf32>,
        %convert_element_type3A_550 = arith.fptosi %get3A_549 : vector<16xf32> to vector<16xi32>
        %jit3A_551 = arith.constant 0 : i32
        %jit3A_552 = arith.constant 1 : i32
        %max3A_553 = vector.broadcast %jit3A_551 : i32 to vector<16xi32>
        %max3A_554 = arith.maxsi %max3A_553, %convert_element_type3A_550 : vector<16xi32>
        %min3A_555 = vector.broadcast %jit3A_552 : i32 to vector<16xi32>
        %min3A_556 = arith.minsi %min3A_555, %max3A_554 : vector<16xi32>
        %swap3A_557 = arith.constant 48 : index
        %swap3A_558 = tpu.vector_load %arg25[%swap3A_557] {strides = array<i32>} : memref<64xi32, #tpu.memory_space<vmem>>, vector<16xi32>,
        tpu.vector_store %arg25[%swap3A_557], %min3A_534 {strides = array<i32>} : memref<64xi32, #tpu.memory_space<vmem>>, vector<16xi32>,
        %mul3A_559 = arith.constant 64 : i32
        %mul3A_560 = vector.broadcast %mul3A_559 : i32 to vector<16xi32>
        %mul3A_561 = arith.muli %min3A_556, %mul3A_560 : vector<16xi32>
        %add3A_562 = arith.constant 256 : i32
        %add3A_563 = vector.broadcast %add3A_562 : i32 to vector<16xi32>
        %add3A_564 = arith.addi %add3A_563, %mul3A_561 : vector<16xi32>
        %add3A_565 = arith.addi %add3A_564, %min3A_545 : vector<16xi32>
        %swap3A_566 = arith.constant 48 : index
        %swap3A_567 = tpu.vector_load %arg26[%swap3A_566] {strides = array<i32>} : memref<64xi32, #tpu.memory_space<vmem>>, vector<16xi32>,
        tpu.vector_store %arg26[%swap3A_566], %add3A_565 {strides = array<i32>} : memref<64xi32, #tpu.memory_space<vmem>>, vector<16xi32>,
        %dma_start3A_568 = arith.constant 0 : i32
        %dma_start3A_569 = arith.constant 0 : i32
        %dma_start3A_570 = tpu.memref_slice %arg11[%dma_start3A_568, %dma_start3A_569] : memref<384x256xf32, #tpu.memory_space<vmem_shared>> -> memref<384x256xf32, #tpu.memory_space<vmem_shared>>
        tpu.enqueue_indirect_dma source(%dma_start3A_570 : memref<384x256xf32, #tpu.memory_space<vmem_shared>>) target(%arg19 : memref<64x256xf32, #tpu.memory_space<vmem>>) offsets(%arg25 : memref<64xi32, #tpu.memory_space<vmem>>) semaphore(%arg29 : memref<!tpu.dma_semaphore, #tpu.memory_space<semaphore_mem>>)
        %dma_start3A_571 = arith.constant 0 : i32
        %dma_start3A_572 = arith.constant 0 : i32
        %dma_start3A_573 = tpu.memref_slice %arg11[%dma_start3A_571, %dma_start3A_572] : memref<384x256xf32, #tpu.memory_space<vmem_shared>> -> memref<384x256xf32, #tpu.memory_space<vmem_shared>>
        tpu.enqueue_indirect_dma source(%dma_start3A_573 : memref<384x256xf32, #tpu.memory_space<vmem_shared>>) target(%arg20 : memref<64x256xf32, #tpu.memory_space<vmem>>) offsets(%arg26 : memref<64xi32, #tpu.memory_space<vmem>>) semaphore(%arg29 : memref<!tpu.dma_semaphore, #tpu.memory_space<semaphore_mem>>)
      } else {
      }
      %add3A_165 = arith.constant 0 : i32
      %add3A_166 = arith.addi %add3A_157, %add3A_165 : i32
      %get3A_167 = arith.index_cast %add3A_166 : i32 to index
      %get3A_168 = tpu.vector_load %arg14[%get3A_167] {strides = array<i32>} : memref<3200xf32, #tpu.memory_space<vmem>>, vector<16xf32>,
      %convert_element_type3A_169 = arith.fptosi %get3A_168 : vector<16xf32> to vector<16xi32>
      %jit3A = arith.constant 0 : i32
      %jit3A_170 = arith.constant 255 : i32
      %max3A = vector.broadcast %jit3A : i32 to vector<16xi32>
      %max3A_171 = arith.maxsi %max3A, %convert_element_type3A_169 : vector<16xi32>
      %min3A = vector.broadcast %jit3A_170 : i32 to vector<16xi32>
      %min3A_172 = arith.minsi %min3A, %max3A_171 : vector<16xi32>
      %add3A_173 = arith.constant 0 : i32
      %add3A_174 = arith.addi %add3A_157, %add3A_173 : i32
      %get3A_175 = arith.index_cast %add3A_174 : i32 to index
      %get3A_176 = tpu.vector_load %arg16[%get3A_175] {strides = array<i32>} : memref<3200xf32, #tpu.memory_space<vmem>>, vector<16xf32>,
      %convert_element_type3A_177 = arith.fptosi %get3A_176 : vector<16xf32> to vector<16xi32>
      %jit3A_178 = arith.constant 0 : i32
      %jit3A_179 = arith.constant 63 : i32
      %max3A_180 = vector.broadcast %jit3A_178 : i32 to vector<16xi32>
      %max3A_181 = arith.maxsi %max3A_180, %convert_element_type3A_177 : vector<16xi32>
      %min3A_182 = vector.broadcast %jit3A_179 : i32 to vector<16xi32>
      %min3A_183 = arith.minsi %min3A_182, %max3A_181 : vector<16xi32>
      %add3A_184 = arith.constant 0 : i32
      %add3A_185 = arith.addi %add3A_157, %add3A_184 : i32
      %get3A_186 = arith.index_cast %add3A_185 : i32 to index
      %get3A_187 = tpu.vector_load %arg18[%get3A_186] {strides = array<i32>} : memref<3200xf32, #tpu.memory_space<vmem>>, vector<16xf32>,
      %convert_element_type3A_188 = arith.fptosi %get3A_187 : vector<16xf32> to vector<16xi32>
      %jit3A_189 = arith.constant 0 : i32
      %jit3A_190 = arith.constant 1 : i32
      %max3A_191 = vector.broadcast %jit3A_189 : i32 to vector<16xi32>
      %max3A_192 = arith.maxsi %max3A_191, %convert_element_type3A_188 : vector<16xi32>
      %min3A_193 = vector.broadcast %jit3A_190 : i32 to vector<16xi32>
      %min3A_194 = arith.minsi %min3A_193, %max3A_192 : vector<16xi32>
      %swap3A = arith.constant 0 : index
      %swap3A_195 = tpu.vector_load %arg27[%swap3A] {strides = array<i32>} : memref<64xi32, #tpu.memory_space<vmem>>, vector<16xi32>,
      tpu.vector_store %arg27[%swap3A], %min3A_172 {strides = array<i32>} : memref<64xi32, #tpu.memory_space<vmem>>, vector<16xi32>,
      %mul3A_196 = arith.constant 64 : i32
      %mul3A_197 = vector.broadcast %mul3A_196 : i32 to vector<16xi32>
      %mul3A_198 = arith.muli %min3A_194, %mul3A_197 : vector<16xi32>
      %add3A_199 = arith.constant 256 : i32
      %add3A_200 = vector.broadcast %add3A_199 : i32 to vector<16xi32>
      %add3A_201 = arith.addi %add3A_200, %mul3A_198 : vector<16xi32>
      %add3A_202 = arith.addi %add3A_201, %min3A_183 : vector<16xi32>
      %swap3A_203 = arith.constant 0 : index
      %swap3A_204 = tpu.vector_load %arg28[%swap3A_203] {strides = array<i32>} : memref<64xi32, #tpu.memory_space<vmem>>, vector<16xi32>,
      tpu.vector_store %arg28[%swap3A_203], %add3A_202 {strides = array<i32>} : memref<64xi32, #tpu.memory_space<vmem>>, vector<16xi32>,
      %add3A_205 = arith.constant 16 : i32
      %add3A_206 = arith.addi %add3A_157, %add3A_205 : i32
      %get3A_207 = arith.index_cast %add3A_206 : i32 to index
      %get3A_208 = tpu.vector_load %arg14[%get3A_207] {strides = array<i32>} : memref<3200xf32, #tpu.memory_space<vmem>>, vector<16xf32>,
      %convert_element_type3A_209 = arith.fptosi %get3A_208 : vector<16xf32> to vector<16xi32>
      %jit3A_210 = arith.constant 0 : i32
      %jit3A_211 = arith.constant 255 : i32
      %max3A_212 = vector.broadcast %jit3A_210 : i32 to vector<16xi32>
      %max3A_213 = arith.maxsi %max3A_212, %convert_element_type3A_209 : vector<16xi32>
      %min3A_214 = vector.broadcast %jit3A_211 : i32 to vector<16xi32>
      %min3A_215 = arith.minsi %min3A_214, %max3A_213 : vector<16xi32>
      %add3A_216 = arith.constant 16 : i32
      %add3A_217 = arith.addi %add3A_157, %add3A_216 : i32
      %get3A_218 = arith.index_cast %add3A_217 : i32 to index
      %get3A_219 = tpu.vector_load %arg16[%get3A_218] {strides = array<i32>} : memref<3200xf32, #tpu.memory_space<vmem>>, vector<16xf32>,
      %convert_element_type3A_220 = arith.fptosi %get3A_219 : vector<16xf32> to vector<16xi32>
      %jit3A_221 = arith.constant 0 : i32
      %jit3A_222 = arith.constant 63 : i32
      %max3A_223 = vector.broadcast %jit3A_221 : i32 to vector<16xi32>
      %max3A_224 = arith.maxsi %max3A_223, %convert_element_type3A_220 : vector<16xi32>
      %min3A_225 = vector.broadcast %jit3A_222 : i32 to vector<16xi32>
      %min3A_226 = arith.minsi %min3A_225, %max3A_224 : vector<16xi32>
      %add3A_227 = arith.constant 16 : i32
      %add3A_228 = arith.addi %add3A_157, %add3A_227 : i32
      %get3A_229 = arith.index_cast %add3A_228 : i32 to index
      %get3A_230 = tpu.vector_load %arg18[%get3A_229] {strides = array<i32>} : memref<3200xf32, #tpu.memory_space<vmem>>, vector<16xf32>,
      %convert_element_type3A_231 = arith.fptosi %get3A_230 : vector<16xf32> to vector<16xi32>
      %jit3A_232 = arith.constant 0 : i32
      %jit3A_233 = arith.constant 1 : i32
      %max3A_234 = vector.broadcast %jit3A_232 : i32 to vector<16xi32>
      %max3A_235 = arith.maxsi %max3A_234, %convert_element_type3A_231 : vector<16xi32>
      %min3A_236 = vector.broadcast %jit3A_233 : i32 to vector<16xi32>
      %min3A_237 = arith.minsi %min3A_236, %max3A_235 : vector<16xi32>
      %swap3A_238 = arith.constant 16 : index
      %swap3A_239 = tpu.vector_load %arg27[%swap3A_238] {strides = array<i32>} : memref<64xi32, #tpu.memory_space<vmem>>, vector<16xi32>,
      tpu.vector_store %arg27[%swap3A_238], %min3A_215 {strides = array<i32>} : memref<64xi32, #tpu.memory_space<vmem>>, vector<16xi32>,
      %mul3A_240 = arith.constant 64 : i32
      %mul3A_241 = vector.broadcast %mul3A_240 : i32 to vector<16xi32>
      %mul3A_242 = arith.muli %min3A_237, %mul3A_241 : vector<16xi32>
      %add3A_243 = arith.constant 256 : i32
      %add3A_244 = vector.broadcast %add3A_243 : i32 to vector<16xi32>
      %add3A_245 = arith.addi %add3A_244, %mul3A_242 : vector<16xi32>
      %add3A_246 = arith.addi %add3A_245, %min3A_226 : vector<16xi32>
      %swap3A_247 = arith.constant 16 : index
      %swap3A_248 = tpu.vector_load %arg28[%swap3A_247] {strides = array<i32>} : memref<64xi32, #tpu.memory_space<vmem>>, vector<16xi32>,
      tpu.vector_store %arg28[%swap3A_247], %add3A_246 {strides = array<i32>} : memref<64xi32, #tpu.memory_space<vmem>>, vector<16xi32>,
      %add3A_249 = arith.constant 32 : i32
      %add3A_250 = arith.addi %add3A_157, %add3A_249 : i32
      %get3A_251 = arith.index_cast %add3A_250 : i32 to index
      %get3A_252 = tpu.vector_load %arg14[%get3A_251] {strides = array<i32>} : memref<3200xf32, #tpu.memory_space<vmem>>, vector<16xf32>,
      %convert_element_type3A_253 = arith.fptosi %get3A_252 : vector<16xf32> to vector<16xi32>
      %jit3A_254 = arith.constant 0 : i32
      %jit3A_255 = arith.constant 255 : i32
      %max3A_256 = vector.broadcast %jit3A_254 : i32 to vector<16xi32>
      %max3A_257 = arith.maxsi %max3A_256, %convert_element_type3A_253 : vector<16xi32>
      %min3A_258 = vector.broadcast %jit3A_255 : i32 to vector<16xi32>
      %min3A_259 = arith.minsi %min3A_258, %max3A_257 : vector<16xi32>
      %add3A_260 = arith.constant 32 : i32
      %add3A_261 = arith.addi %add3A_157, %add3A_260 : i32
      %get3A_262 = arith.index_cast %add3A_261 : i32 to index
      %get3A_263 = tpu.vector_load %arg16[%get3A_262] {strides = array<i32>} : memref<3200xf32, #tpu.memory_space<vmem>>, vector<16xf32>,
      %convert_element_type3A_264 = arith.fptosi %get3A_263 : vector<16xf32> to vector<16xi32>
      %jit3A_265 = arith.constant 0 : i32
      %jit3A_266 = arith.constant 63 : i32
      %max3A_267 = vector.broadcast %jit3A_265 : i32 to vector<16xi32>
      %max3A_268 = arith.maxsi %max3A_267, %convert_element_type3A_264 : vector<16xi32>
      %min3A_269 = vector.broadcast %jit3A_266 : i32 to vector<16xi32>
      %min3A_270 = arith.minsi %min3A_269, %max3A_268 : vector<16xi32>
      %add3A_271 = arith.constant 32 : i32
      %add3A_272 = arith.addi %add3A_157, %add3A_271 : i32
      %get3A_273 = arith.index_cast %add3A_272 : i32 to index
      %get3A_274 = tpu.vector_load %arg18[%get3A_273] {strides = array<i32>} : memref<3200xf32, #tpu.memory_space<vmem>>, vector<16xf32>,
      %convert_element_type3A_275 = arith.fptosi %get3A_274 : vector<16xf32> to vector<16xi32>
      %jit3A_276 = arith.constant 0 : i32
      %jit3A_277 = arith.constant 1 : i32
      %max3A_278 = vector.broadcast %jit3A_276 : i32 to vector<16xi32>
      %max3A_279 = arith.maxsi %max3A_278, %convert_element_type3A_275 : vector<16xi32>
      %min3A_280 = vector.broadcast %jit3A_277 : i32 to vector<16xi32>
      %min3A_281 = arith.minsi %min3A_280, %max3A_279 : vector<16xi32>
      %swap3A_282 = arith.constant 32 : index
      %swap3A_283 = tpu.vector_load %arg27[%swap3A_282] {strides = array<i32>} : memref<64xi32, #tpu.memory_space<vmem>>, vector<16xi32>,
      tpu.vector_store %arg27[%swap3A_282], %min3A_259 {strides = array<i32>} : memref<64xi32, #tpu.memory_space<vmem>>, vector<16xi32>,
      %mul3A_284 = arith.constant 64 : i32
      %mul3A_285 = vector.broadcast %mul3A_284 : i32 to vector<16xi32>
      %mul3A_286 = arith.muli %min3A_281, %mul3A_285 : vector<16xi32>
      %add3A_287 = arith.constant 256 : i32
      %add3A_288 = vector.broadcast %add3A_287 : i32 to vector<16xi32>
      %add3A_289 = arith.addi %add3A_288, %mul3A_286 : vector<16xi32>
      %add3A_290 = arith.addi %add3A_289, %min3A_270 : vector<16xi32>
      %swap3A_291 = arith.constant 32 : index
      %swap3A_292 = tpu.vector_load %arg28[%swap3A_291] {strides = array<i32>} : memref<64xi32, #tpu.memory_space<vmem>>, vector<16xi32>,
      tpu.vector_store %arg28[%swap3A_291], %add3A_290 {strides = array<i32>} : memref<64xi32, #tpu.memory_space<vmem>>, vector<16xi32>,
      %add3A_293 = arith.constant 48 : i32
      %add3A_294 = arith.addi %add3A_157, %add3A_293 : i32
      %get3A_295 = arith.index_cast %add3A_294 : i32 to index
      %get3A_296 = tpu.vector_load %arg14[%get3A_295] {strides = array<i32>} : memref<3200xf32, #tpu.memory_space<vmem>>, vector<16xf32>,
      %convert_element_type3A_297 = arith.fptosi %get3A_296 : vector<16xf32> to vector<16xi32>
      %jit3A_298 = arith.constant 0 : i32
      %jit3A_299 = arith.constant 255 : i32
      %max3A_300 = vector.broadcast %jit3A_298 : i32 to vector<16xi32>
      %max3A_301 = arith.maxsi %max3A_300, %convert_element_type3A_297 : vector<16xi32>
      %min3A_302 = vector.broadcast %jit3A_299 : i32 to vector<16xi32>
      %min3A_303 = arith.minsi %min3A_302, %max3A_301 : vector<16xi32>
      %add3A_304 = arith.constant 48 : i32
      %add3A_305 = arith.addi %add3A_157, %add3A_304 : i32
      %get3A_306 = arith.index_cast %add3A_305 : i32 to index
      %get3A_307 = tpu.vector_load %arg16[%get3A_306] {strides = array<i32>} : memref<3200xf32, #tpu.memory_space<vmem>>, vector<16xf32>,
      %convert_element_type3A_308 = arith.fptosi %get3A_307 : vector<16xf32> to vector<16xi32>
      %jit3A_309 = arith.constant 0 : i32
      %jit3A_310 = arith.constant 63 : i32
      %max3A_311 = vector.broadcast %jit3A_309 : i32 to vector<16xi32>
      %max3A_312 = arith.maxsi %max3A_311, %convert_element_type3A_308 : vector<16xi32>
      %min3A_313 = vector.broadcast %jit3A_310 : i32 to vector<16xi32>
      %min3A_314 = arith.minsi %min3A_313, %max3A_312 : vector<16xi32>
      %add3A_315 = arith.constant 48 : i32
      %add3A_316 = arith.addi %add3A_157, %add3A_315 : i32
      %get3A_317 = arith.index_cast %add3A_316 : i32 to index
      %get3A_318 = tpu.vector_load %arg18[%get3A_317] {strides = array<i32>} : memref<3200xf32, #tpu.memory_space<vmem>>, vector<16xf32>,
      %convert_element_type3A_319 = arith.fptosi %get3A_318 : vector<16xf32> to vector<16xi32>
      %jit3A_320 = arith.constant 0 : i32
      %jit3A_321 = arith.constant 1 : i32
      %max3A_322 = vector.broadcast %jit3A_320 : i32 to vector<16xi32>
      %max3A_323 = arith.maxsi %max3A_322, %convert_element_type3A_319 : vector<16xi32>
      %min3A_324 = vector.broadcast %jit3A_321 : i32 to vector<16xi32>
      %min3A_325 = arith.minsi %min3A_324, %max3A_323 : vector<16xi32>
      %swap3A_326 = arith.constant 48 : index
      %swap3A_327 = tpu.vector_load %arg27[%swap3A_326] {strides = array<i32>} : memref<64xi32, #tpu.memory_space<vmem>>, vector<16xi32>,
      tpu.vector_store %arg27[%swap3A_326], %min3A_303 {strides = array<i32>} : memref<64xi32, #tpu.memory_space<vmem>>, vector<16xi32>,
      %mul3A_328 = arith.constant 64 : i32
      %mul3A_329 = vector.broadcast %mul3A_328 : i32 to vector<16xi32>
      %mul3A_330 = arith.muli %min3A_325, %mul3A_329 : vector<16xi32>
      %add3A_331 = arith.constant 256 : i32
      %add3A_332 = vector.broadcast %add3A_331 : i32 to vector<16xi32>
      %add3A_333 = arith.addi %add3A_332, %mul3A_330 : vector<16xi32>
      %add3A_334 = arith.addi %add3A_333, %min3A_314 : vector<16xi32>
      %swap3A_335 = arith.constant 48 : index
      %swap3A_336 = tpu.vector_load %arg28[%swap3A_335] {strides = array<i32>} : memref<64xi32, #tpu.memory_space<vmem>>, vector<16xi32>,
      tpu.vector_store %arg28[%swap3A_335], %add3A_334 {strides = array<i32>} : memref<64xi32, #tpu.memory_space<vmem>>, vector<16xi32>,
      %dma_start3A = arith.constant 0 : i32
      %dma_start3A_337 = arith.constant 0 : i32
      %dma_start3A_338 = tpu.memref_slice %arg11[%dma_start3A, %dma_start3A_337] : memref<384x256xf32, #tpu.memory_space<vmem_shared>> -> memref<384x256xf32, #tpu.memory_space<vmem_shared>>
      tpu.enqueue_indirect_dma source(%dma_start3A_338 : memref<384x256xf32, #tpu.memory_space<vmem_shared>>) target(%arg21 : memref<64x256xf32, #tpu.memory_space<vmem>>) offsets(%arg27 : memref<64xi32, #tpu.memory_space<vmem>>) semaphore(%arg30 : memref<!tpu.dma_semaphore, #tpu.memory_space<semaphore_mem>>)
      %dma_start3A_339 = arith.constant 0 : i32
      %dma_start3A_340 = arith.constant 0 : i32
      %dma_start3A_341 = tpu.memref_slice %arg11[%dma_start3A_339, %dma_start3A_340] : memref<384x256xf32, #tpu.memory_space<vmem_shared>> -> memref<384x256xf32, #tpu.memory_space<vmem_shared>>
      tpu.enqueue_indirect_dma source(%dma_start3A_341 : memref<384x256xf32, #tpu.memory_space<vmem_shared>>) target(%arg22 : memref<64x256xf32, #tpu.memory_space<vmem>>) offsets(%arg28 : memref<64xi32, #tpu.memory_space<vmem>>) semaphore(%arg30 : memref<!tpu.dma_semaphore, #tpu.memory_space<semaphore_mem>>)
      %ge3A = arith.constant 1 : i32
      %ge3A_342 = arith.cmpi sge, %scan3A_148, %ge3A : i32
      %convert_element_type3A_343 = arith.extui %ge3A_342 : i1 to i32
      %cond3A_344 = arith.constant 0 : i32
      %cond3A_345 = arith.cmpi ne, %convert_element_type3A_343, %cond3A_344 : i32
      scf.if %cond3A_345 {
        %dma_wait3A_388 = arith.constant 0 : i32
        %dma_wait3A_389 = tpu.memref_slice %arg10[%dma_wait3A_388] : memref<209715200xf32, #tpu.memory_space<hbm>> -> memref<16384xf32, #tpu.memory_space<hbm>>
        %dma_wait3A_390 = arith.constant 0 : i32
        %dma_wait3A_391 = tpu.memref_slice %arg10[%dma_wait3A_390] : memref<209715200xf32, #tpu.memory_space<hbm>> -> memref<16384xf32, #tpu.memory_space<hbm>>
        tpu.wait_dma2 semaphore(%arg31 : memref<!tpu.dma_semaphore, #tpu.memory_space<semaphore_mem>>) src(%arg23 : memref<16384xf32, #tpu.memory_space<vmem>>) dst(%dma_wait3A_391 : memref<16384xf32, #tpu.memory_space<hbm>>)
      } else {
      }
      %dma_wait3A_346 = arith.constant 0 : i32
      %dma_wait3A_347 = arith.constant 0 : i32
      %dma_wait3A_348 = tpu.memref_slice %arg11[%dma_wait3A_346, %dma_wait3A_347] : memref<384x256xf32, #tpu.memory_space<vmem_shared>> -> memref<384x256xf32, #tpu.memory_space<vmem_shared>>
      tpu.wait_indirect_dma semaphore(%arg29 : memref<!tpu.dma_semaphore, #tpu.memory_space<semaphore_mem>>) src(%dma_wait3A_348 : memref<384x256xf32, #tpu.memory_space<vmem_shared>>) dst(%arg19 : memref<64x256xf32, #tpu.memory_space<vmem>>)
      %dma_wait3A_349 = arith.constant 0 : i32
      %dma_wait3A_350 = arith.constant 0 : i32
      %dma_wait3A_351 = tpu.memref_slice %arg11[%dma_wait3A_349, %dma_wait3A_350] : memref<384x256xf32, #tpu.memory_space<vmem_shared>> -> memref<384x256xf32, #tpu.memory_space<vmem_shared>>
      tpu.wait_indirect_dma semaphore(%arg29 : memref<!tpu.dma_semaphore, #tpu.memory_space<semaphore_mem>>) src(%dma_wait3A_351 : memref<384x256xf32, #tpu.memory_space<vmem_shared>>) dst(%arg20 : memref<64x256xf32, #tpu.memory_space<vmem>>)
      %parallel_loop3A = arith.constant 0 : i32
      %parallel_loop3A_352 = arith.constant 64 : i32
      %parallel_loop3A_353 = arith.constant 1 : i32
      scf.for %parallel_loop3A_388 = %parallel_loop3A to %parallel_loop3A_352 step %parallel_loop3A_353  : i32 {
        %parallel_loop3A_389 = arith.addi %mul3A_155, %parallel_loop3A_388 : i32
        %parallel_loop3A_390 = vector.broadcast %parallel_loop3A_389 : i32 to vector<16xi32>
        %parallel_loop3A_391 = arith.addi %broadcast_in_dim3A_5, %parallel_loop3A_390 : vector<16xi32>
        %parallel_loop3A_392 = tpu.vector_load_idx %arg15[%parallel_loop3A_391] : memref<3200xf32, #tpu.memory_space<vmem>>[vector<16xi32>], vector<16xf32>,
        %parallel_loop3A_393 = arith.addi %mul3A_155, %parallel_loop3A_388 : i32
        %parallel_loop3A_394 = vector.broadcast %parallel_loop3A_393 : i32 to vector<16xi32>
        %parallel_loop3A_395 = arith.addi %broadcast_in_dim3A_5, %parallel_loop3A_394 : vector<16xi32>
        %parallel_loop3A_396 = tpu.vector_load_idx %arg17[%parallel_loop3A_395] : memref<3200xf32, #tpu.memory_space<vmem>>[vector<16xi32>], vector<16xf32>,
        %parallel_loop3A_397 = arith.index_cast %parallel_loop3A_388 : i32 to index
        %parallel_loop3A_398 = arith.constant 0 : index
        %parallel_loop3A_399 = tpu.vector_load %arg19[%parallel_loop3A_397, %parallel_loop3A_398] {strides = array<i32>} : memref<64x256xf32, #tpu.memory_space<vmem>>, vector<16xf32>,
        %parallel_loop3A_400 = arith.index_cast %parallel_loop3A_388 : i32 to index
        %parallel_loop3A_401 = arith.constant 0 : index
        %parallel_loop3A_402 = tpu.vector_load %arg20[%parallel_loop3A_400, %parallel_loop3A_401] {strides = array<i32>} : memref<64x256xf32, #tpu.memory_space<vmem>>, vector<16xf32>,
        %parallel_loop3A_403 = arith.addf %parallel_loop3A_399, %parallel_loop3A_402 : vector<16xf32>
        %parallel_loop3A_404 = arith.mulf %parallel_loop3A_392, %get3A_8 : vector<16xf32>
        %parallel_loop3A_405 = arith.addf %parallel_loop3A_403, %parallel_loop3A_404 : vector<16xf32>
        %parallel_loop3A_406 = arith.mulf %parallel_loop3A_396, %get3A_40 : vector<16xf32>
        %parallel_loop3A_407 = arith.addf %parallel_loop3A_405, %parallel_loop3A_406 : vector<16xf32>
        %parallel_loop3A_408 = arith.addf %broadcast_in_dim3A_7, %parallel_loop3A_407 : vector<16xf32>
        %parallel_loop3A_409 = arith.mulf %parallel_loop3A_407, %parallel_loop3A_407 : vector<16xf32>
        %parallel_loop3A_410 = arith.addf %broadcast_in_dim3A_7, %parallel_loop3A_409 : vector<16xf32>
        %parallel_loop3A_411 = arith.index_cast %parallel_loop3A_388 : i32 to index
        %parallel_loop3A_412 = arith.constant 16 : index
        %parallel_loop3A_413 = tpu.vector_load %arg19[%parallel_loop3A_411, %parallel_loop3A_412] {strides = array<i32>} : memref<64x256xf32, #tpu.memory_space<vmem>>, vector<16xf32>,
        %parallel_loop3A_414 = arith.index_cast %parallel_loop3A_388 : i32 to index
        %parallel_loop3A_415 = arith.constant 16 : index
        %parallel_loop3A_416 = tpu.vector_load %arg20[%parallel_loop3A_414, %parallel_loop3A_415] {strides = array<i32>} : memref<64x256xf32, #tpu.memory_space<vmem>>, vector<16xf32>,
        %parallel_loop3A_417 = arith.addf %parallel_loop3A_413, %parallel_loop3A_416 : vector<16xf32>
        %parallel_loop3A_418 = arith.mulf %parallel_loop3A_392, %get3A_10 : vector<16xf32>
        %parallel_loop3A_419 = arith.addf %parallel_loop3A_417, %parallel_loop3A_418 : vector<16xf32>
        %parallel_loop3A_420 = arith.mulf %parallel_loop3A_396, %get3A_42 : vector<16xf32>
        %parallel_loop3A_421 = arith.addf %parallel_loop3A_419, %parallel_loop3A_420 : vector<16xf32>
        %parallel_loop3A_422 = arith.addf %parallel_loop3A_408, %parallel_loop3A_421 : vector<16xf32>
        %parallel_loop3A_423 = arith.mulf %parallel_loop3A_421, %parallel_loop3A_421 : vector<16xf32>
        %parallel_loop3A_424 = arith.addf %parallel_loop3A_410, %parallel_loop3A_423 : vector<16xf32>
        %parallel_loop3A_425 = arith.index_cast %parallel_loop3A_388 : i32 to index
        %parallel_loop3A_426 = arith.constant 32 : index
        %parallel_loop3A_427 = tpu.vector_load %arg19[%parallel_loop3A_425, %parallel_loop3A_426] {strides = array<i32>} : memref<64x256xf32, #tpu.memory_space<vmem>>, vector<16xf32>,
        %parallel_loop3A_428 = arith.index_cast %parallel_loop3A_388 : i32 to index
        %parallel_loop3A_429 = arith.constant 32 : index
        %parallel_loop3A_430 = tpu.vector_load %arg20[%parallel_loop3A_428, %parallel_loop3A_429] {strides = array<i32>} : memref<64x256xf32, #tpu.memory_space<vmem>>, vector<16xf32>,
        %parallel_loop3A_431 = arith.addf %parallel_loop3A_427, %parallel_loop3A_430 : vector<16xf32>
        %parallel_loop3A_432 = arith.mulf %parallel_loop3A_392, %get3A_12 : vector<16xf32>
        %parallel_loop3A_433 = arith.addf %parallel_loop3A_431, %parallel_loop3A_432 : vector<16xf32>
        %parallel_loop3A_434 = arith.mulf %parallel_loop3A_396, %get3A_44 : vector<16xf32>
        %parallel_loop3A_435 = arith.addf %parallel_loop3A_433, %parallel_loop3A_434 : vector<16xf32>
        %parallel_loop3A_436 = arith.addf %parallel_loop3A_422, %parallel_loop3A_435 : vector<16xf32>
        %parallel_loop3A_437 = arith.mulf %parallel_loop3A_435, %parallel_loop3A_435 : vector<16xf32>
        %parallel_loop3A_438 = arith.addf %parallel_loop3A_424, %parallel_loop3A_437 : vector<16xf32>
        %parallel_loop3A_439 = arith.index_cast %parallel_loop3A_388 : i32 to index
        %parallel_loop3A_440 = arith.constant 48 : index
        %parallel_loop3A_441 = tpu.vector_load %arg19[%parallel_loop3A_439, %parallel_loop3A_440] {strides = array<i32>} : memref<64x256xf32, #tpu.memory_space<vmem>>, vector<16xf32>,
        %parallel_loop3A_442 = arith.index_cast %parallel_loop3A_388 : i32 to index
        %parallel_loop3A_443 = arith.constant 48 : index
        %parallel_loop3A_444 = tpu.vector_load %arg20[%parallel_loop3A_442, %parallel_loop3A_443] {strides = array<i32>} : memref<64x256xf32, #tpu.memory_space<vmem>>, vector<16xf32>,
        %parallel_loop3A_445 = arith.addf %parallel_loop3A_441, %parallel_loop3A_444 : vector<16xf32>
        %parallel_loop3A_446 = arith.mulf %parallel_loop3A_392, %get3A_14 : vector<16xf32>
        %parallel_loop3A_447 = arith.addf %parallel_loop3A_445, %parallel_loop3A_446 : vector<16xf32>
        %parallel_loop3A_448 = arith.mulf %parallel_loop3A_396, %get3A_46 : vector<16xf32>
        %parallel_loop3A_449 = arith.addf %parallel_loop3A_447, %parallel_loop3A_448 : vector<16xf32>
        %parallel_loop3A_450 = arith.addf %parallel_loop3A_436, %parallel_loop3A_449 : vector<16xf32>
        %parallel_loop3A_451 = arith.mulf %parallel_loop3A_449, %parallel_loop3A_449 : vector<16xf32>
        %parallel_loop3A_452 = arith.addf %parallel_loop3A_438, %parallel_loop3A_451 : vector<16xf32>
        %parallel_loop3A_453 = arith.index_cast %parallel_loop3A_388 : i32 to index
        %parallel_loop3A_454 = arith.constant 64 : index
        %parallel_loop3A_455 = tpu.vector_load %arg19[%parallel_loop3A_453, %parallel_loop3A_454] {strides = array<i32>} : memref<64x256xf32, #tpu.memory_space<vmem>>, vector<16xf32>,
        %parallel_loop3A_456 = arith.index_cast %parallel_loop3A_388 : i32 to index
        %parallel_loop3A_457 = arith.constant 64 : index
        %parallel_loop3A_458 = tpu.vector_load %arg20[%parallel_loop3A_456, %parallel_loop3A_457] {strides = array<i32>} : memref<64x256xf32, #tpu.memory_space<vmem>>, vector<16xf32>,
        %parallel_loop3A_459 = arith.addf %parallel_loop3A_455, %parallel_loop3A_458 : vector<16xf32>
        %parallel_loop3A_460 = arith.mulf %parallel_loop3A_392, %get3A_16 : vector<16xf32>
        %parallel_loop3A_461 = arith.addf %parallel_loop3A_459, %parallel_loop3A_460 : vector<16xf32>
        %parallel_loop3A_462 = arith.mulf %parallel_loop3A_396, %get3A_48 : vector<16xf32>
        %parallel_loop3A_463 = arith.addf %parallel_loop3A_461, %parallel_loop3A_462 : vector<16xf32>
        %parallel_loop3A_464 = arith.addf %parallel_loop3A_450, %parallel_loop3A_463 : vector<16xf32>
        %parallel_loop3A_465 = arith.mulf %parallel_loop3A_463, %parallel_loop3A_463 : vector<16xf32>
        %parallel_loop3A_466 = arith.addf %parallel_loop3A_452, %parallel_loop3A_465 : vector<16xf32>
        %parallel_loop3A_467 = arith.index_cast %parallel_loop3A_388 : i32 to index
        %parallel_loop3A_468 = arith.constant 80 : index
        %parallel_loop3A_469 = tpu.vector_load %arg19[%parallel_loop3A_467, %parallel_loop3A_468] {strides = array<i32>} : memref<64x256xf32, #tpu.memory_space<vmem>>, vector<16xf32>,
        %parallel_loop3A_470 = arith.index_cast %parallel_loop3A_388 : i32 to index
        %parallel_loop3A_471 = arith.constant 80 : index
        %parallel_loop3A_472 = tpu.vector_load %arg20[%parallel_loop3A_470, %parallel_loop3A_471] {strides = array<i32>} : memref<64x256xf32, #tpu.memory_space<vmem>>, vector<16xf32>,
        %parallel_loop3A_473 = arith.addf %parallel_loop3A_469, %parallel_loop3A_472 : vector<16xf32>
        %parallel_loop3A_474 = arith.mulf %parallel_loop3A_392, %get3A_18 : vector<16xf32>
        %parallel_loop3A_475 = arith.addf %parallel_loop3A_473, %parallel_loop3A_474 : vector<16xf32>
        %parallel_loop3A_476 = arith.mulf %parallel_loop3A_396, %get3A_50 : vector<16xf32>
        %parallel_loop3A_477 = arith.addf %parallel_loop3A_475, %parallel_loop3A_476 : vector<16xf32>
        %parallel_loop3A_478 = arith.addf %parallel_loop3A_464, %parallel_loop3A_477 : vector<16xf32>
        %parallel_loop3A_479 = arith.mulf %parallel_loop3A_477, %parallel_loop3A_477 : vector<16xf32>
        %parallel_loop3A_480 = arith.addf %parallel_loop3A_466, %parallel_loop3A_479 : vector<16xf32>
        %parallel_loop3A_481 = arith.index_cast %parallel_loop3A_388 : i32 to index
        %parallel_loop3A_482 = arith.constant 96 : index
        %parallel_loop3A_483 = tpu.vector_load %arg19[%parallel_loop3A_481, %parallel_loop3A_482] {strides = array<i32>} : memref<64x256xf32, #tpu.memory_space<vmem>>, vector<16xf32>,
        %parallel_loop3A_484 = arith.index_cast %parallel_loop3A_388 : i32 to index
        %parallel_loop3A_485 = arith.constant 96 : index
        %parallel_loop3A_486 = tpu.vector_load %arg20[%parallel_loop3A_484, %parallel_loop3A_485] {strides = array<i32>} : memref<64x256xf32, #tpu.memory_space<vmem>>, vector<16xf32>,
        %parallel_loop3A_487 = arith.addf %parallel_loop3A_483, %parallel_loop3A_486 : vector<16xf32>
        %parallel_loop3A_488 = arith.mulf %parallel_loop3A_392, %get3A_20 : vector<16xf32>
        %parallel_loop3A_489 = arith.addf %parallel_loop3A_487, %parallel_loop3A_488 : vector<16xf32>
        %parallel_loop3A_490 = arith.mulf %parallel_loop3A_396, %get3A_52 : vector<16xf32>
        %parallel_loop3A_491 = arith.addf %parallel_loop3A_489, %parallel_loop3A_490 : vector<16xf32>
        %parallel_loop3A_492 = arith.addf %parallel_loop3A_478, %parallel_loop3A_491 : vector<16xf32>
        %parallel_loop3A_493 = arith.mulf %parallel_loop3A_491, %parallel_loop3A_491 : vector<16xf32>
        %parallel_loop3A_494 = arith.addf %parallel_loop3A_480, %parallel_loop3A_493 : vector<16xf32>
        %parallel_loop3A_495 = arith.index_cast %parallel_loop3A_388 : i32 to index
        %parallel_loop3A_496 = arith.constant 112 : index
        %parallel_loop3A_497 = tpu.vector_load %arg19[%parallel_loop3A_495, %parallel_loop3A_496] {strides = array<i32>} : memref<64x256xf32, #tpu.memory_space<vmem>>, vector<16xf32>,
        %parallel_loop3A_498 = arith.index_cast %parallel_loop3A_388 : i32 to index
        %parallel_loop3A_499 = arith.constant 112 : index
        %parallel_loop3A_500 = tpu.vector_load %arg20[%parallel_loop3A_498, %parallel_loop3A_499] {strides = array<i32>} : memref<64x256xf32, #tpu.memory_space<vmem>>, vector<16xf32>,
        %parallel_loop3A_501 = arith.addf %parallel_loop3A_497, %parallel_loop3A_500 : vector<16xf32>
        %parallel_loop3A_502 = arith.mulf %parallel_loop3A_392, %get3A_22 : vector<16xf32>
        %parallel_loop3A_503 = arith.addf %parallel_loop3A_501, %parallel_loop3A_502 : vector<16xf32>
        %parallel_loop3A_504 = arith.mulf %parallel_loop3A_396, %get3A_54 : vector<16xf32>
        %parallel_loop3A_505 = arith.addf %parallel_loop3A_503, %parallel_loop3A_504 : vector<16xf32>
        %parallel_loop3A_506 = arith.addf %parallel_loop3A_492, %parallel_loop3A_505 : vector<16xf32>
        %parallel_loop3A_507 = arith.mulf %parallel_loop3A_505, %parallel_loop3A_505 : vector<16xf32>
        %parallel_loop3A_508 = arith.addf %parallel_loop3A_494, %parallel_loop3A_507 : vector<16xf32>
        %parallel_loop3A_509 = arith.index_cast %parallel_loop3A_388 : i32 to index
        %parallel_loop3A_510 = arith.constant 128 : index
        %parallel_loop3A_511 = tpu.vector_load %arg19[%parallel_loop3A_509, %parallel_loop3A_510] {strides = array<i32>} : memref<64x256xf32, #tpu.memory_space<vmem>>, vector<16xf32>,
        %parallel_loop3A_512 = arith.index_cast %parallel_loop3A_388 : i32 to index
        %parallel_loop3A_513 = arith.constant 128 : index
        %parallel_loop3A_514 = tpu.vector_load %arg20[%parallel_loop3A_512, %parallel_loop3A_513] {strides = array<i32>} : memref<64x256xf32, #tpu.memory_space<vmem>>, vector<16xf32>,
        %parallel_loop3A_515 = arith.addf %parallel_loop3A_511, %parallel_loop3A_514 : vector<16xf32>
        %parallel_loop3A_516 = arith.mulf %parallel_loop3A_392, %get3A_24 : vector<16xf32>
        %parallel_loop3A_517 = arith.addf %parallel_loop3A_515, %parallel_loop3A_516 : vector<16xf32>
        %parallel_loop3A_518 = arith.mulf %parallel_loop3A_396, %get3A_56 : vector<16xf32>
        %parallel_loop3A_519 = arith.addf %parallel_loop3A_517, %parallel_loop3A_518 : vector<16xf32>
        %parallel_loop3A_520 = arith.addf %parallel_loop3A_506, %parallel_loop3A_519 : vector<16xf32>
        %parallel_loop3A_521 = arith.mulf %parallel_loop3A_519, %parallel_loop3A_519 : vector<16xf32>
        %parallel_loop3A_522 = arith.addf %parallel_loop3A_508, %parallel_loop3A_521 : vector<16xf32>
        %parallel_loop3A_523 = arith.index_cast %parallel_loop3A_388 : i32 to index
        %parallel_loop3A_524 = arith.constant 144 : index
        %parallel_loop3A_525 = tpu.vector_load %arg19[%parallel_loop3A_523, %parallel_loop3A_524] {strides = array<i32>} : memref<64x256xf32, #tpu.memory_space<vmem>>, vector<16xf32>,
        %parallel_loop3A_526 = arith.index_cast %parallel_loop3A_388 : i32 to index
        %parallel_loop3A_527 = arith.constant 144 : index
        %parallel_loop3A_528 = tpu.vector_load %arg20[%parallel_loop3A_526, %parallel_loop3A_527] {strides = array<i32>} : memref<64x256xf32, #tpu.memory_space<vmem>>, vector<16xf32>,
        %parallel_loop3A_529 = arith.addf %parallel_loop3A_525, %parallel_loop3A_528 : vector<16xf32>
        %parallel_loop3A_530 = arith.mulf %parallel_loop3A_392, %get3A_26 : vector<16xf32>
        %parallel_loop3A_531 = arith.addf %parallel_loop3A_529, %parallel_loop3A_530 : vector<16xf32>
        %parallel_loop3A_532 = arith.mulf %parallel_loop3A_396, %get3A_58 : vector<16xf32>
        %parallel_loop3A_533 = arith.addf %parallel_loop3A_531, %parallel_loop3A_532 : vector<16xf32>
        %parallel_loop3A_534 = arith.addf %parallel_loop3A_520, %parallel_loop3A_533 : vector<16xf32>
        %parallel_loop3A_535 = arith.mulf %parallel_loop3A_533, %parallel_loop3A_533 : vector<16xf32>
        %parallel_loop3A_536 = arith.addf %parallel_loop3A_522, %parallel_loop3A_535 : vector<16xf32>
        %parallel_loop3A_537 = arith.index_cast %parallel_loop3A_388 : i32 to index
        %parallel_loop3A_538 = arith.constant 160 : index
        %parallel_loop3A_539 = tpu.vector_load %arg19[%parallel_loop3A_537, %parallel_loop3A_538] {strides = array<i32>} : memref<64x256xf32, #tpu.memory_space<vmem>>, vector<16xf32>,
        %parallel_loop3A_540 = arith.index_cast %parallel_loop3A_388 : i32 to index
        %parallel_loop3A_541 = arith.constant 160 : index
        %parallel_loop3A_542 = tpu.vector_load %arg20[%parallel_loop3A_540, %parallel_loop3A_541] {strides = array<i32>} : memref<64x256xf32, #tpu.memory_space<vmem>>, vector<16xf32>,
        %parallel_loop3A_543 = arith.addf %parallel_loop3A_539, %parallel_loop3A_542 : vector<16xf32>
        %parallel_loop3A_544 = arith.mulf %parallel_loop3A_392, %get3A_28 : vector<16xf32>
        %parallel_loop3A_545 = arith.addf %parallel_loop3A_543, %parallel_loop3A_544 : vector<16xf32>
        %parallel_loop3A_546 = arith.mulf %parallel_loop3A_396, %get3A_60 : vector<16xf32>
        %parallel_loop3A_547 = arith.addf %parallel_loop3A_545, %parallel_loop3A_546 : vector<16xf32>
        %parallel_loop3A_548 = arith.addf %parallel_loop3A_534, %parallel_loop3A_547 : vector<16xf32>
        %parallel_loop3A_549 = arith.mulf %parallel_loop3A_547, %parallel_loop3A_547 : vector<16xf32>
        %parallel_loop3A_550 = arith.addf %parallel_loop3A_536, %parallel_loop3A_549 : vector<16xf32>
        %parallel_loop3A_551 = arith.index_cast %parallel_loop3A_388 : i32 to index
        %parallel_loop3A_552 = arith.constant 176 : index
        %parallel_loop3A_553 = tpu.vector_load %arg19[%parallel_loop3A_551, %parallel_loop3A_552] {strides = array<i32>} : memref<64x256xf32, #tpu.memory_space<vmem>>, vector<16xf32>,
        %parallel_loop3A_554 = arith.index_cast %parallel_loop3A_388 : i32 to index
        %parallel_loop3A_555 = arith.constant 176 : index
        %parallel_loop3A_556 = tpu.vector_load %arg20[%parallel_loop3A_554, %parallel_loop3A_555] {strides = array<i32>} : memref<64x256xf32, #tpu.memory_space<vmem>>, vector<16xf32>,
        %parallel_loop3A_557 = arith.addf %parallel_loop3A_553, %parallel_loop3A_556 : vector<16xf32>
        %parallel_loop3A_558 = arith.mulf %parallel_loop3A_392, %get3A_30 : vector<16xf32>
        %parallel_loop3A_559 = arith.addf %parallel_loop3A_557, %parallel_loop3A_558 : vector<16xf32>
        %parallel_loop3A_560 = arith.mulf %parallel_loop3A_396, %get3A_62 : vector<16xf32>
        %parallel_loop3A_561 = arith.addf %parallel_loop3A_559, %parallel_loop3A_560 : vector<16xf32>
        %parallel_loop3A_562 = arith.addf %parallel_loop3A_548, %parallel_loop3A_561 : vector<16xf32>
        %parallel_loop3A_563 = arith.mulf %parallel_loop3A_561, %parallel_loop3A_561 : vector<16xf32>
        %parallel_loop3A_564 = arith.addf %parallel_loop3A_550, %parallel_loop3A_563 : vector<16xf32>
        %parallel_loop3A_565 = arith.index_cast %parallel_loop3A_388 : i32 to index
        %parallel_loop3A_566 = arith.constant 192 : index
        %parallel_loop3A_567 = tpu.vector_load %arg19[%parallel_loop3A_565, %parallel_loop3A_566] {strides = array<i32>} : memref<64x256xf32, #tpu.memory_space<vmem>>, vector<16xf32>,
        %parallel_loop3A_568 = arith.index_cast %parallel_loop3A_388 : i32 to index
        %parallel_loop3A_569 = arith.constant 192 : index
        %parallel_loop3A_570 = tpu.vector_load %arg20[%parallel_loop3A_568, %parallel_loop3A_569] {strides = array<i32>} : memref<64x256xf32, #tpu.memory_space<vmem>>, vector<16xf32>,
        %parallel_loop3A_571 = arith.addf %parallel_loop3A_567, %parallel_loop3A_570 : vector<16xf32>
        %parallel_loop3A_572 = arith.mulf %parallel_loop3A_392, %get3A_32 : vector<16xf32>
        %parallel_loop3A_573 = arith.addf %parallel_loop3A_571, %parallel_loop3A_572 : vector<16xf32>
        %parallel_loop3A_574 = arith.mulf %parallel_loop3A_396, %get3A_64 : vector<16xf32>
        %parallel_loop3A_575 = arith.addf %parallel_loop3A_573, %parallel_loop3A_574 : vector<16xf32>
        %parallel_loop3A_576 = arith.addf %parallel_loop3A_562, %parallel_loop3A_575 : vector<16xf32>
        %parallel_loop3A_577 = arith.mulf %parallel_loop3A_575, %parallel_loop3A_575 : vector<16xf32>
        %parallel_loop3A_578 = arith.addf %parallel_loop3A_564, %parallel_loop3A_577 : vector<16xf32>
        %parallel_loop3A_579 = arith.index_cast %parallel_loop3A_388 : i32 to index
        %parallel_loop3A_580 = arith.constant 208 : index
        %parallel_loop3A_581 = tpu.vector_load %arg19[%parallel_loop3A_579, %parallel_loop3A_580] {strides = array<i32>} : memref<64x256xf32, #tpu.memory_space<vmem>>, vector<16xf32>,
        %parallel_loop3A_582 = arith.index_cast %parallel_loop3A_388 : i32 to index
        %parallel_loop3A_583 = arith.constant 208 : index
        %parallel_loop3A_584 = tpu.vector_load %arg20[%parallel_loop3A_582, %parallel_loop3A_583] {strides = array<i32>} : memref<64x256xf32, #tpu.memory_space<vmem>>, vector<16xf32>,
        %parallel_loop3A_585 = arith.addf %parallel_loop3A_581, %parallel_loop3A_584 : vector<16xf32>
        %parallel_loop3A_586 = arith.mulf %parallel_loop3A_392, %get3A_34 : vector<16xf32>
        %parallel_loop3A_587 = arith.addf %parallel_loop3A_585, %parallel_loop3A_586 : vector<16xf32>
        %parallel_loop3A_588 = arith.mulf %parallel_loop3A_396, %get3A_66 : vector<16xf32>
        %parallel_loop3A_589 = arith.addf %parallel_loop3A_587, %parallel_loop3A_588 : vector<16xf32>
        %parallel_loop3A_590 = arith.addf %parallel_loop3A_576, %parallel_loop3A_589 : vector<16xf32>
        %parallel_loop3A_591 = arith.mulf %parallel_loop3A_589, %parallel_loop3A_589 : vector<16xf32>
        %parallel_loop3A_592 = arith.addf %parallel_loop3A_578, %parallel_loop3A_591 : vector<16xf32>
        %parallel_loop3A_593 = arith.index_cast %parallel_loop3A_388 : i32 to index
        %parallel_loop3A_594 = arith.constant 224 : index
        %parallel_loop3A_595 = tpu.vector_load %arg19[%parallel_loop3A_593, %parallel_loop3A_594] {strides = array<i32>} : memref<64x256xf32, #tpu.memory_space<vmem>>, vector<16xf32>,
        %parallel_loop3A_596 = arith.index_cast %parallel_loop3A_388 : i32 to index
        %parallel_loop3A_597 = arith.constant 224 : index
        %parallel_loop3A_598 = tpu.vector_load %arg20[%parallel_loop3A_596, %parallel_loop3A_597] {strides = array<i32>} : memref<64x256xf32, #tpu.memory_space<vmem>>, vector<16xf32>,
        %parallel_loop3A_599 = arith.addf %parallel_loop3A_595, %parallel_loop3A_598 : vector<16xf32>
        %parallel_loop3A_600 = arith.mulf %parallel_loop3A_392, %get3A_36 : vector<16xf32>
        %parallel_loop3A_601 = arith.addf %parallel_loop3A_599, %parallel_loop3A_600 : vector<16xf32>
        %parallel_loop3A_602 = arith.mulf %parallel_loop3A_396, %get3A_68 : vector<16xf32>
        %parallel_loop3A_603 = arith.addf %parallel_loop3A_601, %parallel_loop3A_602 : vector<16xf32>
        %parallel_loop3A_604 = arith.addf %parallel_loop3A_590, %parallel_loop3A_603 : vector<16xf32>
        %parallel_loop3A_605 = arith.mulf %parallel_loop3A_603, %parallel_loop3A_603 : vector<16xf32>
        %parallel_loop3A_606 = arith.addf %parallel_loop3A_592, %parallel_loop3A_605 : vector<16xf32>
        %parallel_loop3A_607 = arith.index_cast %parallel_loop3A_388 : i32 to index
        %parallel_loop3A_608 = arith.constant 240 : index
        %parallel_loop3A_609 = tpu.vector_load %arg19[%parallel_loop3A_607, %parallel_loop3A_608] {strides = array<i32>} : memref<64x256xf32, #tpu.memory_space<vmem>>, vector<16xf32>,
        %parallel_loop3A_610 = arith.index_cast %parallel_loop3A_388 : i32 to index
        %parallel_loop3A_611 = arith.constant 240 : index
        %parallel_loop3A_612 = tpu.vector_load %arg20[%parallel_loop3A_610, %parallel_loop3A_611] {strides = array<i32>} : memref<64x256xf32, #tpu.memory_space<vmem>>, vector<16xf32>,
        %parallel_loop3A_613 = arith.addf %parallel_loop3A_609, %parallel_loop3A_612 : vector<16xf32>
        %parallel_loop3A_614 = arith.mulf %parallel_loop3A_392, %get3A_38 : vector<16xf32>
        %parallel_loop3A_615 = arith.addf %parallel_loop3A_613, %parallel_loop3A_614 : vector<16xf32>
        %parallel_loop3A_616 = arith.mulf %parallel_loop3A_396, %get3A_70 : vector<16xf32>
        %parallel_loop3A_617 = arith.addf %parallel_loop3A_615, %parallel_loop3A_616 : vector<16xf32>
        %parallel_loop3A_618 = arith.addf %parallel_loop3A_604, %parallel_loop3A_617 : vector<16xf32>
        %parallel_loop3A_619 = arith.mulf %parallel_loop3A_617, %parallel_loop3A_617 : vector<16xf32>
        %parallel_loop3A_620 = arith.addf %parallel_loop3A_606, %parallel_loop3A_619 : vector<16xf32>
        %parallel_loop3A_621 = arith.constant true
        %parallel_loop3A_622 = vector.broadcast %parallel_loop3A_621 : i1 to vector<16xi1>
        %parallel_loop3A_623 = tpu.scan <sum>, %parallel_loop3A_618 masked %parallel_loop3A_622 : vector<16xf32>, vector<16xi1> -> vector<16xf32>
        %parallel_loop3A_624 = vector.extract %parallel_loop3A_623[15] : f32 from vector<16xf32>
        %parallel_loop3A_625 = arith.constant true
        %parallel_loop3A_626 = vector.broadcast %parallel_loop3A_625 : i1 to vector<16xi1>
        %parallel_loop3A_627 = tpu.scan <sum>, %parallel_loop3A_620 masked %parallel_loop3A_626 : vector<16xf32>, vector<16xi1> -> vector<16xf32>
        %parallel_loop3A_628 = vector.extract %parallel_loop3A_627[15] : f32 from vector<16xf32>
        %parallel_loop3A_629 = arith.mulf %parallel_loop3A_624, %scan3A_135 : f32
        %parallel_loop3A_630 = arith.mulf %parallel_loop3A_628, %scan3A_135 : f32
        %parallel_loop3A_631 = arith.mulf %parallel_loop3A_629, %parallel_loop3A_629 : f32
        %parallel_loop3A_632 = arith.subf %parallel_loop3A_630, %parallel_loop3A_631 : f32
        %parallel_loop3A_633 = arith.constant 9.99999974E-6 : f32
        %parallel_loop3A_634 = arith.addf %parallel_loop3A_632, %parallel_loop3A_633 : f32
        %parallel_loop3A_635 = vector.broadcast %parallel_loop3A_634 : f32 to vector<16xf32>
        %parallel_loop3A_636 = arith.addf %broadcast_in_dim3A_7, %parallel_loop3A_635 : vector<16xf32>
        %parallel_loop3A_637 = arith.constant 5.000000e-01 : f32
        %parallel_loop3A_638 = vector.broadcast %parallel_loop3A_637 : f32 to vector<16xf32>
        %parallel_loop3A_639 = arith.mulf %parallel_loop3A_636, %parallel_loop3A_638 : vector<16xf32>
        %parallel_loop3A_640 = vector.bitcast %parallel_loop3A_636 : vector<16xf32> to vector<16xi32>
        %parallel_loop3A_641 = arith.constant 1 : i32
        %parallel_loop3A_642 = vector.broadcast %parallel_loop3A_641 : i32 to vector<16xi32>
        %parallel_loop3A_643 = arith.shrsi %parallel_loop3A_640, %parallel_loop3A_642 : vector<16xi32>
        %parallel_loop3A_644 = arith.constant 1597463007 : i32
        %parallel_loop3A_645 = vector.broadcast %parallel_loop3A_644 : i32 to vector<16xi32>
        %parallel_loop3A_646 = arith.subi %parallel_loop3A_645, %parallel_loop3A_643 : vector<16xi32>
        %parallel_loop3A_647 = vector.bitcast %parallel_loop3A_646 : vector<16xi32> to vector<16xf32>
        %parallel_loop3A_648 = arith.mulf %parallel_loop3A_639, %parallel_loop3A_647 : vector<16xf32>
        %parallel_loop3A_649 = arith.mulf %parallel_loop3A_648, %parallel_loop3A_647 : vector<16xf32>
        %parallel_loop3A_650 = arith.constant 1.500000e+00 : f32
        %parallel_loop3A_651 = vector.broadcast %parallel_loop3A_650 : f32 to vector<16xf32>
        %parallel_loop3A_652 = arith.subf %parallel_loop3A_651, %parallel_loop3A_649 : vector<16xf32>
        %parallel_loop3A_653 = arith.mulf %parallel_loop3A_647, %parallel_loop3A_652 : vector<16xf32>
        %parallel_loop3A_654 = arith.mulf %parallel_loop3A_639, %parallel_loop3A_653 : vector<16xf32>
        %parallel_loop3A_655 = arith.mulf %parallel_loop3A_654, %parallel_loop3A_653 : vector<16xf32>
        %parallel_loop3A_656 = arith.constant 1.500000e+00 : f32
        %parallel_loop3A_657 = vector.broadcast %parallel_loop3A_656 : f32 to vector<16xf32>
        %parallel_loop3A_658 = arith.subf %parallel_loop3A_657, %parallel_loop3A_655 : vector<16xf32>
        %parallel_loop3A_659 = arith.mulf %parallel_loop3A_653, %parallel_loop3A_658 : vector<16xf32>
        %parallel_loop3A_660 = arith.mulf %parallel_loop3A_639, %parallel_loop3A_659 : vector<16xf32>
        %parallel_loop3A_661 = arith.mulf %parallel_loop3A_660, %parallel_loop3A_659 : vector<16xf32>
        %parallel_loop3A_662 = arith.constant 1.500000e+00 : f32
        %parallel_loop3A_663 = vector.broadcast %parallel_loop3A_662 : f32 to vector<16xf32>
        %parallel_loop3A_664 = arith.subf %parallel_loop3A_663, %parallel_loop3A_661 : vector<16xf32>
        %parallel_loop3A_665 = arith.mulf %parallel_loop3A_659, %parallel_loop3A_664 : vector<16xf32>
        %parallel_loop3A_666 = vector.broadcast %parallel_loop3A_629 : f32 to vector<16xf32>
        %parallel_loop3A_667 = arith.addf %broadcast_in_dim3A_7, %parallel_loop3A_666 : vector<16xf32>
        %parallel_loop3A_668 = arith.constant 256 : i32
        %parallel_loop3A_669 = arith.muli %parallel_loop3A_388, %parallel_loop3A_668 : i32
        %parallel_loop3A_670 = arith.subf %parallel_loop3A_407, %parallel_loop3A_667 : vector<16xf32>
        %parallel_loop3A_671 = arith.mulf %parallel_loop3A_670, %parallel_loop3A_665 : vector<16xf32>
        %parallel_loop3A_672 = arith.mulf %parallel_loop3A_671, %get3A_72 : vector<16xf32>
        %parallel_loop3A_673 = arith.addf %parallel_loop3A_672, %get3A_104 : vector<16xf32>
        %parallel_loop3A_674 = arith.constant 0 : i32
        %parallel_loop3A_675 = arith.addi %parallel_loop3A_669, %parallel_loop3A_674 : i32
        %parallel_loop3A_676 = arith.index_cast %parallel_loop3A_675 : i32 to index
        %parallel_loop3A_677 = tpu.vector_load %arg23[%parallel_loop3A_676] {strides = array<i32>} : memref<16384xf32, #tpu.memory_space<vmem>>, vector<16xf32>,
        tpu.vector_store %arg23[%parallel_loop3A_676], %parallel_loop3A_673 {strides = array<i32>} : memref<16384xf32, #tpu.memory_space<vmem>>, vector<16xf32>,
        %parallel_loop3A_678 = arith.subf %parallel_loop3A_421, %parallel_loop3A_667 : vector<16xf32>
        %parallel_loop3A_679 = arith.mulf %parallel_loop3A_678, %parallel_loop3A_665 : vector<16xf32>
        %parallel_loop3A_680 = arith.mulf %parallel_loop3A_679, %get3A_74 : vector<16xf32>
        %parallel_loop3A_681 = arith.addf %parallel_loop3A_680, %get3A_106 : vector<16xf32>
        %parallel_loop3A_682 = arith.constant 16 : i32
        %parallel_loop3A_683 = arith.addi %parallel_loop3A_669, %parallel_loop3A_682 : i32
        %parallel_loop3A_684 = arith.index_cast %parallel_loop3A_683 : i32 to index
        %parallel_loop3A_685 = tpu.vector_load %arg23[%parallel_loop3A_684] {strides = array<i32>} : memref<16384xf32, #tpu.memory_space<vmem>>, vector<16xf32>,
        tpu.vector_store %arg23[%parallel_loop3A_684], %parallel_loop3A_681 {strides = array<i32>} : memref<16384xf32, #tpu.memory_space<vmem>>, vector<16xf32>,
        %parallel_loop3A_686 = arith.subf %parallel_loop3A_435, %parallel_loop3A_667 : vector<16xf32>
        %parallel_loop3A_687 = arith.mulf %parallel_loop3A_686, %parallel_loop3A_665 : vector<16xf32>
        %parallel_loop3A_688 = arith.mulf %parallel_loop3A_687, %get3A_76 : vector<16xf32>
        %parallel_loop3A_689 = arith.addf %parallel_loop3A_688, %get3A_108 : vector<16xf32>
        %parallel_loop3A_690 = arith.constant 32 : i32
        %parallel_loop3A_691 = arith.addi %parallel_loop3A_669, %parallel_loop3A_690 : i32
        %parallel_loop3A_692 = arith.index_cast %parallel_loop3A_691 : i32 to index
        %parallel_loop3A_693 = tpu.vector_load %arg23[%parallel_loop3A_692] {strides = array<i32>} : memref<16384xf32, #tpu.memory_space<vmem>>, vector<16xf32>,
        tpu.vector_store %arg23[%parallel_loop3A_692], %parallel_loop3A_689 {strides = array<i32>} : memref<16384xf32, #tpu.memory_space<vmem>>, vector<16xf32>,
        %parallel_loop3A_694 = arith.subf %parallel_loop3A_449, %parallel_loop3A_667 : vector<16xf32>
        %parallel_loop3A_695 = arith.mulf %parallel_loop3A_694, %parallel_loop3A_665 : vector<16xf32>
        %parallel_loop3A_696 = arith.mulf %parallel_loop3A_695, %get3A_78 : vector<16xf32>
        %parallel_loop3A_697 = arith.addf %parallel_loop3A_696, %get3A_110 : vector<16xf32>
        %parallel_loop3A_698 = arith.constant 48 : i32
        %parallel_loop3A_699 = arith.addi %parallel_loop3A_669, %parallel_loop3A_698 : i32
        %parallel_loop3A_700 = arith.index_cast %parallel_loop3A_699 : i32 to index
        %parallel_loop3A_701 = tpu.vector_load %arg23[%parallel_loop3A_700] {strides = array<i32>} : memref<16384xf32, #tpu.memory_space<vmem>>, vector<16xf32>,
        tpu.vector_store %arg23[%parallel_loop3A_700], %parallel_loop3A_697 {strides = array<i32>} : memref<16384xf32, #tpu.memory_space<vmem>>, vector<16xf32>,
        %parallel_loop3A_702 = arith.subf %parallel_loop3A_463, %parallel_loop3A_667 : vector<16xf32>
        %parallel_loop3A_703 = arith.mulf %parallel_loop3A_702, %parallel_loop3A_665 : vector<16xf32>
        %parallel_loop3A_704 = arith.mulf %parallel_loop3A_703, %get3A_80 : vector<16xf32>
        %parallel_loop3A_705 = arith.addf %parallel_loop3A_704, %get3A_112 : vector<16xf32>
        %parallel_loop3A_706 = arith.constant 64 : i32
        %parallel_loop3A_707 = arith.addi %parallel_loop3A_669, %parallel_loop3A_706 : i32
        %parallel_loop3A_708 = arith.index_cast %parallel_loop3A_707 : i32 to index
        %parallel_loop3A_709 = tpu.vector_load %arg23[%parallel_loop3A_708] {strides = array<i32>} : memref<16384xf32, #tpu.memory_space<vmem>>, vector<16xf32>,
        tpu.vector_store %arg23[%parallel_loop3A_708], %parallel_loop3A_705 {strides = array<i32>} : memref<16384xf32, #tpu.memory_space<vmem>>, vector<16xf32>,
        %parallel_loop3A_710 = arith.subf %parallel_loop3A_477, %parallel_loop3A_667 : vector<16xf32>
        %parallel_loop3A_711 = arith.mulf %parallel_loop3A_710, %parallel_loop3A_665 : vector<16xf32>
        %parallel_loop3A_712 = arith.mulf %parallel_loop3A_711, %get3A_82 : vector<16xf32>
        %parallel_loop3A_713 = arith.addf %parallel_loop3A_712, %get3A_114 : vector<16xf32>
        %parallel_loop3A_714 = arith.constant 80 : i32
        %parallel_loop3A_715 = arith.addi %parallel_loop3A_669, %parallel_loop3A_714 : i32
        %parallel_loop3A_716 = arith.index_cast %parallel_loop3A_715 : i32 to index
        %parallel_loop3A_717 = tpu.vector_load %arg23[%parallel_loop3A_716] {strides = array<i32>} : memref<16384xf32, #tpu.memory_space<vmem>>, vector<16xf32>,
        tpu.vector_store %arg23[%parallel_loop3A_716], %parallel_loop3A_713 {strides = array<i32>} : memref<16384xf32, #tpu.memory_space<vmem>>, vector<16xf32>,
        %parallel_loop3A_718 = arith.subf %parallel_loop3A_491, %parallel_loop3A_667 : vector<16xf32>
        %parallel_loop3A_719 = arith.mulf %parallel_loop3A_718, %parallel_loop3A_665 : vector<16xf32>
        %parallel_loop3A_720 = arith.mulf %parallel_loop3A_719, %get3A_84 : vector<16xf32>
        %parallel_loop3A_721 = arith.addf %parallel_loop3A_720, %get3A_116 : vector<16xf32>
        %parallel_loop3A_722 = arith.constant 96 : i32
        %parallel_loop3A_723 = arith.addi %parallel_loop3A_669, %parallel_loop3A_722 : i32
        %parallel_loop3A_724 = arith.index_cast %parallel_loop3A_723 : i32 to index
        %parallel_loop3A_725 = tpu.vector_load %arg23[%parallel_loop3A_724] {strides = array<i32>} : memref<16384xf32, #tpu.memory_space<vmem>>, vector<16xf32>,
        tpu.vector_store %arg23[%parallel_loop3A_724], %parallel_loop3A_721 {strides = array<i32>} : memref<16384xf32, #tpu.memory_space<vmem>>, vector<16xf32>,
        %parallel_loop3A_726 = arith.subf %parallel_loop3A_505, %parallel_loop3A_667 : vector<16xf32>
        %parallel_loop3A_727 = arith.mulf %parallel_loop3A_726, %parallel_loop3A_665 : vector<16xf32>
        %parallel_loop3A_728 = arith.mulf %parallel_loop3A_727, %get3A_86 : vector<16xf32>
        %parallel_loop3A_729 = arith.addf %parallel_loop3A_728, %get3A_118 : vector<16xf32>
        %parallel_loop3A_730 = arith.constant 112 : i32
        %parallel_loop3A_731 = arith.addi %parallel_loop3A_669, %parallel_loop3A_730 : i32
        %parallel_loop3A_732 = arith.index_cast %parallel_loop3A_731 : i32 to index
        %parallel_loop3A_733 = tpu.vector_load %arg23[%parallel_loop3A_732] {strides = array<i32>} : memref<16384xf32, #tpu.memory_space<vmem>>, vector<16xf32>,
        tpu.vector_store %arg23[%parallel_loop3A_732], %parallel_loop3A_729 {strides = array<i32>} : memref<16384xf32, #tpu.memory_space<vmem>>, vector<16xf32>,
        %parallel_loop3A_734 = arith.subf %parallel_loop3A_519, %parallel_loop3A_667 : vector<16xf32>
        %parallel_loop3A_735 = arith.mulf %parallel_loop3A_734, %parallel_loop3A_665 : vector<16xf32>
        %parallel_loop3A_736 = arith.mulf %parallel_loop3A_735, %get3A_88 : vector<16xf32>
        %parallel_loop3A_737 = arith.addf %parallel_loop3A_736, %get3A_120 : vector<16xf32>
        %parallel_loop3A_738 = arith.constant 128 : i32
        %parallel_loop3A_739 = arith.addi %parallel_loop3A_669, %parallel_loop3A_738 : i32
        %parallel_loop3A_740 = arith.index_cast %parallel_loop3A_739 : i32 to index
        %parallel_loop3A_741 = tpu.vector_load %arg23[%parallel_loop3A_740] {strides = array<i32>} : memref<16384xf32, #tpu.memory_space<vmem>>, vector<16xf32>,
        tpu.vector_store %arg23[%parallel_loop3A_740], %parallel_loop3A_737 {strides = array<i32>} : memref<16384xf32, #tpu.memory_space<vmem>>, vector<16xf32>,
        %parallel_loop3A_742 = arith.subf %parallel_loop3A_533, %parallel_loop3A_667 : vector<16xf32>
        %parallel_loop3A_743 = arith.mulf %parallel_loop3A_742, %parallel_loop3A_665 : vector<16xf32>
        %parallel_loop3A_744 = arith.mulf %parallel_loop3A_743, %get3A_90 : vector<16xf32>
        %parallel_loop3A_745 = arith.addf %parallel_loop3A_744, %get3A_122 : vector<16xf32>
        %parallel_loop3A_746 = arith.constant 144 : i32
        %parallel_loop3A_747 = arith.addi %parallel_loop3A_669, %parallel_loop3A_746 : i32
        %parallel_loop3A_748 = arith.index_cast %parallel_loop3A_747 : i32 to index
        %parallel_loop3A_749 = tpu.vector_load %arg23[%parallel_loop3A_748] {strides = array<i32>} : memref<16384xf32, #tpu.memory_space<vmem>>, vector<16xf32>,
        tpu.vector_store %arg23[%parallel_loop3A_748], %parallel_loop3A_745 {strides = array<i32>} : memref<16384xf32, #tpu.memory_space<vmem>>, vector<16xf32>,
        %parallel_loop3A_750 = arith.subf %parallel_loop3A_547, %parallel_loop3A_667 : vector<16xf32>
        %parallel_loop3A_751 = arith.mulf %parallel_loop3A_750, %parallel_loop3A_665 : vector<16xf32>
        %parallel_loop3A_752 = arith.mulf %parallel_loop3A_751, %get3A_92 : vector<16xf32>
        %parallel_loop3A_753 = arith.addf %parallel_loop3A_752, %get3A_124 : vector<16xf32>
        %parallel_loop3A_754 = arith.constant 160 : i32
        %parallel_loop3A_755 = arith.addi %parallel_loop3A_669, %parallel_loop3A_754 : i32
        %parallel_loop3A_756 = arith.index_cast %parallel_loop3A_755 : i32 to index
        %parallel_loop3A_757 = tpu.vector_load %arg23[%parallel_loop3A_756] {strides = array<i32>} : memref<16384xf32, #tpu.memory_space<vmem>>, vector<16xf32>,
        tpu.vector_store %arg23[%parallel_loop3A_756], %parallel_loop3A_753 {strides = array<i32>} : memref<16384xf32, #tpu.memory_space<vmem>>, vector<16xf32>,
        %parallel_loop3A_758 = arith.subf %parallel_loop3A_561, %parallel_loop3A_667 : vector<16xf32>
        %parallel_loop3A_759 = arith.mulf %parallel_loop3A_758, %parallel_loop3A_665 : vector<16xf32>
        %parallel_loop3A_760 = arith.mulf %parallel_loop3A_759, %get3A_94 : vector<16xf32>
        %parallel_loop3A_761 = arith.addf %parallel_loop3A_760, %get3A_126 : vector<16xf32>
        %parallel_loop3A_762 = arith.constant 176 : i32
        %parallel_loop3A_763 = arith.addi %parallel_loop3A_669, %parallel_loop3A_762 : i32
        %parallel_loop3A_764 = arith.index_cast %parallel_loop3A_763 : i32 to index
        %parallel_loop3A_765 = tpu.vector_load %arg23[%parallel_loop3A_764] {strides = array<i32>} : memref<16384xf32, #tpu.memory_space<vmem>>, vector<16xf32>,
        tpu.vector_store %arg23[%parallel_loop3A_764], %parallel_loop3A_761 {strides = array<i32>} : memref<16384xf32, #tpu.memory_space<vmem>>, vector<16xf32>,
        %parallel_loop3A_766 = arith.subf %parallel_loop3A_575, %parallel_loop3A_667 : vector<16xf32>
        %parallel_loop3A_767 = arith.mulf %parallel_loop3A_766, %parallel_loop3A_665 : vector<16xf32>
        %parallel_loop3A_768 = arith.mulf %parallel_loop3A_767, %get3A_96 : vector<16xf32>
        %parallel_loop3A_769 = arith.addf %parallel_loop3A_768, %get3A_128 : vector<16xf32>
        %parallel_loop3A_770 = arith.constant 192 : i32
        %parallel_loop3A_771 = arith.addi %parallel_loop3A_669, %parallel_loop3A_770 : i32
        %parallel_loop3A_772 = arith.index_cast %parallel_loop3A_771 : i32 to index
        %parallel_loop3A_773 = tpu.vector_load %arg23[%parallel_loop3A_772] {strides = array<i32>} : memref<16384xf32, #tpu.memory_space<vmem>>, vector<16xf32>,
        tpu.vector_store %arg23[%parallel_loop3A_772], %parallel_loop3A_769 {strides = array<i32>} : memref<16384xf32, #tpu.memory_space<vmem>>, vector<16xf32>,
        %parallel_loop3A_774 = arith.subf %parallel_loop3A_589, %parallel_loop3A_667 : vector<16xf32>
        %parallel_loop3A_775 = arith.mulf %parallel_loop3A_774, %parallel_loop3A_665 : vector<16xf32>
        %parallel_loop3A_776 = arith.mulf %parallel_loop3A_775, %get3A_98 : vector<16xf32>
        %parallel_loop3A_777 = arith.addf %parallel_loop3A_776, %get3A_130 : vector<16xf32>
        %parallel_loop3A_778 = arith.constant 208 : i32
        %parallel_loop3A_779 = arith.addi %parallel_loop3A_669, %parallel_loop3A_778 : i32
        %parallel_loop3A_780 = arith.index_cast %parallel_loop3A_779 : i32 to index
        %parallel_loop3A_781 = tpu.vector_load %arg23[%parallel_loop3A_780] {strides = array<i32>} : memref<16384xf32, #tpu.memory_space<vmem>>, vector<16xf32>,
        tpu.vector_store %arg23[%parallel_loop3A_780], %parallel_loop3A_777 {strides = array<i32>} : memref<16384xf32, #tpu.memory_space<vmem>>, vector<16xf32>,
        %parallel_loop3A_782 = arith.subf %parallel_loop3A_603, %parallel_loop3A_667 : vector<16xf32>
        %parallel_loop3A_783 = arith.mulf %parallel_loop3A_782, %parallel_loop3A_665 : vector<16xf32>
        %parallel_loop3A_784 = arith.mulf %parallel_loop3A_783, %get3A_100 : vector<16xf32>
        %parallel_loop3A_785 = arith.addf %parallel_loop3A_784, %get3A_132 : vector<16xf32>
        %parallel_loop3A_786 = arith.constant 224 : i32
        %parallel_loop3A_787 = arith.addi %parallel_loop3A_669, %parallel_loop3A_786 : i32
        %parallel_loop3A_788 = arith.index_cast %parallel_loop3A_787 : i32 to index
        %parallel_loop3A_789 = tpu.vector_load %arg23[%parallel_loop3A_788] {strides = array<i32>} : memref<16384xf32, #tpu.memory_space<vmem>>, vector<16xf32>,
        tpu.vector_store %arg23[%parallel_loop3A_788], %parallel_loop3A_785 {strides = array<i32>} : memref<16384xf32, #tpu.memory_space<vmem>>, vector<16xf32>,
        %parallel_loop3A_790 = arith.subf %parallel_loop3A_617, %parallel_loop3A_667 : vector<16xf32>
        %parallel_loop3A_791 = arith.mulf %parallel_loop3A_790, %parallel_loop3A_665 : vector<16xf32>
        %parallel_loop3A_792 = arith.mulf %parallel_loop3A_791, %get3A_102 : vector<16xf32>
        %parallel_loop3A_793 = arith.addf %parallel_loop3A_792, %get3A_134 : vector<16xf32>
        %parallel_loop3A_794 = arith.constant 240 : i32
        %parallel_loop3A_795 = arith.addi %parallel_loop3A_669, %parallel_loop3A_794 : i32
        %parallel_loop3A_796 = arith.index_cast %parallel_loop3A_795 : i32 to index
        %parallel_loop3A_797 = tpu.vector_load %arg23[%parallel_loop3A_796] {strides = array<i32>} : memref<16384xf32, #tpu.memory_space<vmem>>, vector<16xf32>,
        tpu.vector_store %arg23[%parallel_loop3A_796], %parallel_loop3A_793 {strides = array<i32>} : memref<16384xf32, #tpu.memory_space<vmem>>, vector<16xf32>,
      } {sc.loop_unroll_factor = 6 : i64, sc.parallel_access}
      %mul3A_354 = arith.constant 64 : i32
      %mul3A_355 = arith.muli %mul3A_150, %mul3A_354 : i32
      %add3A_356 = arith.addi %mul3A_2, %mul3A_355 : i32
      %mul3A_357 = arith.constant 256 : i32
      %mul3A_358 = arith.muli %add3A_356, %mul3A_357 : i32
      %dma_start3A_359 = tpu.memref_slice %arg10[%mul3A_358] : memref<209715200xf32, #tpu.memory_space<hbm>> -> memref<16384xf32, #tpu.memory_space<hbm>>
      %dma_start3A_360 = tpu.memref_slice %arg10[%mul3A_358] : memref<209715200xf32, #tpu.memory_space<hbm>> -> memref<16384xf32, #tpu.memory_space<hbm>>
      tpu.enqueue_dma source(%arg23 : memref<16384xf32, #tpu.memory_space<vmem>>) target(%dma_start3A_360 : memref<16384xf32, #tpu.memory_space<hbm>>) target_semaphore(%arg31 : memref<!tpu.dma_semaphore, #tpu.memory_space<semaphore_mem>>)
      %rem3A_361 = arith.constant 25 : i32
      %rem3A_362 = arith.remsi %scan3A_148, %rem3A_361 : i32
      %ne3A = arith.constant 24 : i32
      %ne3A_363 = arith.cmpi ne, %rem3A_362, %ne3A : i32
      %convert_element_type3A_364 = arith.extui %ne3A_363 : i1 to i32
      %cond3A_365 = arith.constant 0 : i32
      %cond3A_366 = arith.cmpi ne, %convert_element_type3A_364, %cond3A_365 : i32
      scf.if %cond3A_366 {
        %add3A_388 = arith.constant 64 : i32
        %add3A_389 = arith.addi %add3A_157, %add3A_388 : i32
        %add3A_390 = arith.constant 0 : i32
        %add3A_391 = arith.addi %add3A_389, %add3A_390 : i32
        %get3A_392 = arith.index_cast %add3A_391 : i32 to index
        %get3A_393 = tpu.vector_load %arg14[%get3A_392] {strides = array<i32>} : memref<3200xf32, #tpu.memory_space<vmem>>, vector<16xf32>,
        %convert_element_type3A_394 = arith.fptosi %get3A_393 : vector<16xf32> to vector<16xi32>
        %jit3A_395 = arith.constant 0 : i32
        %jit3A_396 = arith.constant 255 : i32
        %max3A_397 = vector.broadcast %jit3A_395 : i32 to vector<16xi32>
        %max3A_398 = arith.maxsi %max3A_397, %convert_element_type3A_394 : vector<16xi32>
        %min3A_399 = vector.broadcast %jit3A_396 : i32 to vector<16xi32>
        %min3A_400 = arith.minsi %min3A_399, %max3A_398 : vector<16xi32>
        %add3A_401 = arith.constant 0 : i32
        %add3A_402 = arith.addi %add3A_389, %add3A_401 : i32
        %get3A_403 = arith.index_cast %add3A_402 : i32 to index
        %get3A_404 = tpu.vector_load %arg16[%get3A_403] {strides = array<i32>} : memref<3200xf32, #tpu.memory_space<vmem>>, vector<16xf32>,
        %convert_element_type3A_405 = arith.fptosi %get3A_404 : vector<16xf32> to vector<16xi32>
        %jit3A_406 = arith.constant 0 : i32
        %jit3A_407 = arith.constant 63 : i32
        %max3A_408 = vector.broadcast %jit3A_406 : i32 to vector<16xi32>
        %max3A_409 = arith.maxsi %max3A_408, %convert_element_type3A_405 : vector<16xi32>
        %min3A_410 = vector.broadcast %jit3A_407 : i32 to vector<16xi32>
        %min3A_411 = arith.minsi %min3A_410, %max3A_409 : vector<16xi32>
        %add3A_412 = arith.constant 0 : i32
        %add3A_413 = arith.addi %add3A_389, %add3A_412 : i32
        %get3A_414 = arith.index_cast %add3A_413 : i32 to index
        %get3A_415 = tpu.vector_load %arg18[%get3A_414] {strides = array<i32>} : memref<3200xf32, #tpu.memory_space<vmem>>, vector<16xf32>,
        %convert_element_type3A_416 = arith.fptosi %get3A_415 : vector<16xf32> to vector<16xi32>
        %jit3A_417 = arith.constant 0 : i32
        %jit3A_418 = arith.constant 1 : i32
        %max3A_419 = vector.broadcast %jit3A_417 : i32 to vector<16xi32>
        %max3A_420 = arith.maxsi %max3A_419, %convert_element_type3A_416 : vector<16xi32>
        %min3A_421 = vector.broadcast %jit3A_418 : i32 to vector<16xi32>
        %min3A_422 = arith.minsi %min3A_421, %max3A_420 : vector<16xi32>
        %swap3A_423 = arith.constant 0 : index
        %swap3A_424 = tpu.vector_load %arg25[%swap3A_423] {strides = array<i32>} : memref<64xi32, #tpu.memory_space<vmem>>, vector<16xi32>,
        tpu.vector_store %arg25[%swap3A_423], %min3A_400 {strides = array<i32>} : memref<64xi32, #tpu.memory_space<vmem>>, vector<16xi32>,
        %mul3A_425 = arith.constant 64 : i32
        %mul3A_426 = vector.broadcast %mul3A_425 : i32 to vector<16xi32>
        %mul3A_427 = arith.muli %min3A_422, %mul3A_426 : vector<16xi32>
        %add3A_428 = arith.constant 256 : i32
        %add3A_429 = vector.broadcast %add3A_428 : i32 to vector<16xi32>
        %add3A_430 = arith.addi %add3A_429, %mul3A_427 : vector<16xi32>
        %add3A_431 = arith.addi %add3A_430, %min3A_411 : vector<16xi32>
        %swap3A_432 = arith.constant 0 : index
        %swap3A_433 = tpu.vector_load %arg26[%swap3A_432] {strides = array<i32>} : memref<64xi32, #tpu.memory_space<vmem>>, vector<16xi32>,
        tpu.vector_store %arg26[%swap3A_432], %add3A_431 {strides = array<i32>} : memref<64xi32, #tpu.memory_space<vmem>>, vector<16xi32>,
        %add3A_434 = arith.constant 16 : i32
        %add3A_435 = arith.addi %add3A_389, %add3A_434 : i32
        %get3A_436 = arith.index_cast %add3A_435 : i32 to index
        %get3A_437 = tpu.vector_load %arg14[%get3A_436] {strides = array<i32>} : memref<3200xf32, #tpu.memory_space<vmem>>, vector<16xf32>,
        %convert_element_type3A_438 = arith.fptosi %get3A_437 : vector<16xf32> to vector<16xi32>
        %jit3A_439 = arith.constant 0 : i32
        %jit3A_440 = arith.constant 255 : i32
        %max3A_441 = vector.broadcast %jit3A_439 : i32 to vector<16xi32>
        %max3A_442 = arith.maxsi %max3A_441, %convert_element_type3A_438 : vector<16xi32>
        %min3A_443 = vector.broadcast %jit3A_440 : i32 to vector<16xi32>
        %min3A_444 = arith.minsi %min3A_443, %max3A_442 : vector<16xi32>
        %add3A_445 = arith.constant 16 : i32
        %add3A_446 = arith.addi %add3A_389, %add3A_445 : i32
        %get3A_447 = arith.index_cast %add3A_446 : i32 to index
        %get3A_448 = tpu.vector_load %arg16[%get3A_447] {strides = array<i32>} : memref<3200xf32, #tpu.memory_space<vmem>>, vector<16xf32>,
        %convert_element_type3A_449 = arith.fptosi %get3A_448 : vector<16xf32> to vector<16xi32>
        %jit3A_450 = arith.constant 0 : i32
        %jit3A_451 = arith.constant 63 : i32
        %max3A_452 = vector.broadcast %jit3A_450 : i32 to vector<16xi32>
        %max3A_453 = arith.maxsi %max3A_452, %convert_element_type3A_449 : vector<16xi32>
        %min3A_454 = vector.broadcast %jit3A_451 : i32 to vector<16xi32>
        %min3A_455 = arith.minsi %min3A_454, %max3A_453 : vector<16xi32>
        %add3A_456 = arith.constant 16 : i32
        %add3A_457 = arith.addi %add3A_389, %add3A_456 : i32
        %get3A_458 = arith.index_cast %add3A_457 : i32 to index
        %get3A_459 = tpu.vector_load %arg18[%get3A_458] {strides = array<i32>} : memref<3200xf32, #tpu.memory_space<vmem>>, vector<16xf32>,
        %convert_element_type3A_460 = arith.fptosi %get3A_459 : vector<16xf32> to vector<16xi32>
        %jit3A_461 = arith.constant 0 : i32
        %jit3A_462 = arith.constant 1 : i32
        %max3A_463 = vector.broadcast %jit3A_461 : i32 to vector<16xi32>
        %max3A_464 = arith.maxsi %max3A_463, %convert_element_type3A_460 : vector<16xi32>
        %min3A_465 = vector.broadcast %jit3A_462 : i32 to vector<16xi32>
        %min3A_466 = arith.minsi %min3A_465, %max3A_464 : vector<16xi32>
        %swap3A_467 = arith.constant 16 : index
        %swap3A_468 = tpu.vector_load %arg25[%swap3A_467] {strides = array<i32>} : memref<64xi32, #tpu.memory_space<vmem>>, vector<16xi32>,
        tpu.vector_store %arg25[%swap3A_467], %min3A_444 {strides = array<i32>} : memref<64xi32, #tpu.memory_space<vmem>>, vector<16xi32>,
        %mul3A_469 = arith.constant 64 : i32
        %mul3A_470 = vector.broadcast %mul3A_469 : i32 to vector<16xi32>
        %mul3A_471 = arith.muli %min3A_466, %mul3A_470 : vector<16xi32>
        %add3A_472 = arith.constant 256 : i32
        %add3A_473 = vector.broadcast %add3A_472 : i32 to vector<16xi32>
        %add3A_474 = arith.addi %add3A_473, %mul3A_471 : vector<16xi32>
        %add3A_475 = arith.addi %add3A_474, %min3A_455 : vector<16xi32>
        %swap3A_476 = arith.constant 16 : index
        %swap3A_477 = tpu.vector_load %arg26[%swap3A_476] {strides = array<i32>} : memref<64xi32, #tpu.memory_space<vmem>>, vector<16xi32>,
        tpu.vector_store %arg26[%swap3A_476], %add3A_475 {strides = array<i32>} : memref<64xi32, #tpu.memory_space<vmem>>, vector<16xi32>,
        %add3A_478 = arith.constant 32 : i32
        %add3A_479 = arith.addi %add3A_389, %add3A_478 : i32
        %get3A_480 = arith.index_cast %add3A_479 : i32 to index
        %get3A_481 = tpu.vector_load %arg14[%get3A_480] {strides = array<i32>} : memref<3200xf32, #tpu.memory_space<vmem>>, vector<16xf32>,
        %convert_element_type3A_482 = arith.fptosi %get3A_481 : vector<16xf32> to vector<16xi32>
        %jit3A_483 = arith.constant 0 : i32
        %jit3A_484 = arith.constant 255 : i32
        %max3A_485 = vector.broadcast %jit3A_483 : i32 to vector<16xi32>
        %max3A_486 = arith.maxsi %max3A_485, %convert_element_type3A_482 : vector<16xi32>
        %min3A_487 = vector.broadcast %jit3A_484 : i32 to vector<16xi32>
        %min3A_488 = arith.minsi %min3A_487, %max3A_486 : vector<16xi32>
        %add3A_489 = arith.constant 32 : i32
        %add3A_490 = arith.addi %add3A_389, %add3A_489 : i32
        %get3A_491 = arith.index_cast %add3A_490 : i32 to index
        %get3A_492 = tpu.vector_load %arg16[%get3A_491] {strides = array<i32>} : memref<3200xf32, #tpu.memory_space<vmem>>, vector<16xf32>,
        %convert_element_type3A_493 = arith.fptosi %get3A_492 : vector<16xf32> to vector<16xi32>
        %jit3A_494 = arith.constant 0 : i32
        %jit3A_495 = arith.constant 63 : i32
        %max3A_496 = vector.broadcast %jit3A_494 : i32 to vector<16xi32>
        %max3A_497 = arith.maxsi %max3A_496, %convert_element_type3A_493 : vector<16xi32>
        %min3A_498 = vector.broadcast %jit3A_495 : i32 to vector<16xi32>
        %min3A_499 = arith.minsi %min3A_498, %max3A_497 : vector<16xi32>
        %add3A_500 = arith.constant 32 : i32
        %add3A_501 = arith.addi %add3A_389, %add3A_500 : i32
        %get3A_502 = arith.index_cast %add3A_501 : i32 to index
        %get3A_503 = tpu.vector_load %arg18[%get3A_502] {strides = array<i32>} : memref<3200xf32, #tpu.memory_space<vmem>>, vector<16xf32>,
        %convert_element_type3A_504 = arith.fptosi %get3A_503 : vector<16xf32> to vector<16xi32>
        %jit3A_505 = arith.constant 0 : i32
        %jit3A_506 = arith.constant 1 : i32
        %max3A_507 = vector.broadcast %jit3A_505 : i32 to vector<16xi32>
        %max3A_508 = arith.maxsi %max3A_507, %convert_element_type3A_504 : vector<16xi32>
        %min3A_509 = vector.broadcast %jit3A_506 : i32 to vector<16xi32>
        %min3A_510 = arith.minsi %min3A_509, %max3A_508 : vector<16xi32>
        %swap3A_511 = arith.constant 32 : index
        %swap3A_512 = tpu.vector_load %arg25[%swap3A_511] {strides = array<i32>} : memref<64xi32, #tpu.memory_space<vmem>>, vector<16xi32>,
        tpu.vector_store %arg25[%swap3A_511], %min3A_488 {strides = array<i32>} : memref<64xi32, #tpu.memory_space<vmem>>, vector<16xi32>,
        %mul3A_513 = arith.constant 64 : i32
        %mul3A_514 = vector.broadcast %mul3A_513 : i32 to vector<16xi32>
        %mul3A_515 = arith.muli %min3A_510, %mul3A_514 : vector<16xi32>
        %add3A_516 = arith.constant 256 : i32
        %add3A_517 = vector.broadcast %add3A_516 : i32 to vector<16xi32>
        %add3A_518 = arith.addi %add3A_517, %mul3A_515 : vector<16xi32>
        %add3A_519 = arith.addi %add3A_518, %min3A_499 : vector<16xi32>
        %swap3A_520 = arith.constant 32 : index
        %swap3A_521 = tpu.vector_load %arg26[%swap3A_520] {strides = array<i32>} : memref<64xi32, #tpu.memory_space<vmem>>, vector<16xi32>,
        tpu.vector_store %arg26[%swap3A_520], %add3A_519 {strides = array<i32>} : memref<64xi32, #tpu.memory_space<vmem>>, vector<16xi32>,
        %add3A_522 = arith.constant 48 : i32
        %add3A_523 = arith.addi %add3A_389, %add3A_522 : i32
        %get3A_524 = arith.index_cast %add3A_523 : i32 to index
        %get3A_525 = tpu.vector_load %arg14[%get3A_524] {strides = array<i32>} : memref<3200xf32, #tpu.memory_space<vmem>>, vector<16xf32>,
        %convert_element_type3A_526 = arith.fptosi %get3A_525 : vector<16xf32> to vector<16xi32>
        %jit3A_527 = arith.constant 0 : i32
        %jit3A_528 = arith.constant 255 : i32
        %max3A_529 = vector.broadcast %jit3A_527 : i32 to vector<16xi32>
        %max3A_530 = arith.maxsi %max3A_529, %convert_element_type3A_526 : vector<16xi32>
        %min3A_531 = vector.broadcast %jit3A_528 : i32 to vector<16xi32>
        %min3A_532 = arith.minsi %min3A_531, %max3A_530 : vector<16xi32>
        %add3A_533 = arith.constant 48 : i32
        %add3A_534 = arith.addi %add3A_389, %add3A_533 : i32
        %get3A_535 = arith.index_cast %add3A_534 : i32 to index
        %get3A_536 = tpu.vector_load %arg16[%get3A_535] {strides = array<i32>} : memref<3200xf32, #tpu.memory_space<vmem>>, vector<16xf32>,
        %convert_element_type3A_537 = arith.fptosi %get3A_536 : vector<16xf32> to vector<16xi32>
        %jit3A_538 = arith.constant 0 : i32
        %jit3A_539 = arith.constant 63 : i32
        %max3A_540 = vector.broadcast %jit3A_538 : i32 to vector<16xi32>
        %max3A_541 = arith.maxsi %max3A_540, %convert_element_type3A_537 : vector<16xi32>
        %min3A_542 = vector.broadcast %jit3A_539 : i32 to vector<16xi32>
        %min3A_543 = arith.minsi %min3A_542, %max3A_541 : vector<16xi32>
        %add3A_544 = arith.constant 48 : i32
        %add3A_545 = arith.addi %add3A_389, %add3A_544 : i32
        %get3A_546 = arith.index_cast %add3A_545 : i32 to index
        %get3A_547 = tpu.vector_load %arg18[%get3A_546] {strides = array<i32>} : memref<3200xf32, #tpu.memory_space<vmem>>, vector<16xf32>,
        %convert_element_type3A_548 = arith.fptosi %get3A_547 : vector<16xf32> to vector<16xi32>
        %jit3A_549 = arith.constant 0 : i32
        %jit3A_550 = arith.constant 1 : i32
        %max3A_551 = vector.broadcast %jit3A_549 : i32 to vector<16xi32>
        %max3A_552 = arith.maxsi %max3A_551, %convert_element_type3A_548 : vector<16xi32>
        %min3A_553 = vector.broadcast %jit3A_550 : i32 to vector<16xi32>
        %min3A_554 = arith.minsi %min3A_553, %max3A_552 : vector<16xi32>
        %swap3A_555 = arith.constant 48 : index
        %swap3A_556 = tpu.vector_load %arg25[%swap3A_555] {strides = array<i32>} : memref<64xi32, #tpu.memory_space<vmem>>, vector<16xi32>,
        tpu.vector_store %arg25[%swap3A_555], %min3A_532 {strides = array<i32>} : memref<64xi32, #tpu.memory_space<vmem>>, vector<16xi32>,
        %mul3A_557 = arith.constant 64 : i32
        %mul3A_558 = vector.broadcast %mul3A_557 : i32 to vector<16xi32>
        %mul3A_559 = arith.muli %min3A_554, %mul3A_558 : vector<16xi32>
        %add3A_560 = arith.constant 256 : i32
        %add3A_561 = vector.broadcast %add3A_560 : i32 to vector<16xi32>
        %add3A_562 = arith.addi %add3A_561, %mul3A_559 : vector<16xi32>
        %add3A_563 = arith.addi %add3A_562, %min3A_543 : vector<16xi32>
        %swap3A_564 = arith.constant 48 : index
        %swap3A_565 = tpu.vector_load %arg26[%swap3A_564] {strides = array<i32>} : memref<64xi32, #tpu.memory_space<vmem>>, vector<16xi32>,
        tpu.vector_store %arg26[%swap3A_564], %add3A_563 {strides = array<i32>} : memref<64xi32, #tpu.memory_space<vmem>>, vector<16xi32>,
        %dma_start3A_566 = arith.constant 0 : i32
        %dma_start3A_567 = arith.constant 0 : i32
        %dma_start3A_568 = tpu.memref_slice %arg11[%dma_start3A_566, %dma_start3A_567] : memref<384x256xf32, #tpu.memory_space<vmem_shared>> -> memref<384x256xf32, #tpu.memory_space<vmem_shared>>
        tpu.enqueue_indirect_dma source(%dma_start3A_568 : memref<384x256xf32, #tpu.memory_space<vmem_shared>>) target(%arg19 : memref<64x256xf32, #tpu.memory_space<vmem>>) offsets(%arg25 : memref<64xi32, #tpu.memory_space<vmem>>) semaphore(%arg29 : memref<!tpu.dma_semaphore, #tpu.memory_space<semaphore_mem>>)
        %dma_start3A_569 = arith.constant 0 : i32
        %dma_start3A_570 = arith.constant 0 : i32
        %dma_start3A_571 = tpu.memref_slice %arg11[%dma_start3A_569, %dma_start3A_570] : memref<384x256xf32, #tpu.memory_space<vmem_shared>> -> memref<384x256xf32, #tpu.memory_space<vmem_shared>>
        tpu.enqueue_indirect_dma source(%dma_start3A_571 : memref<384x256xf32, #tpu.memory_space<vmem_shared>>) target(%arg20 : memref<64x256xf32, #tpu.memory_space<vmem>>) offsets(%arg26 : memref<64xi32, #tpu.memory_space<vmem>>) semaphore(%arg29 : memref<!tpu.dma_semaphore, #tpu.memory_space<semaphore_mem>>)
      } else {
      }
      %ge3A_367 = arith.constant 1 : i32
      %ge3A_368 = arith.cmpi sge, %scan3A_148, %ge3A_367 : i32
      %convert_element_type3A_369 = arith.extui %ge3A_368 : i1 to i32
      %cond3A_370 = arith.constant 0 : i32
      %cond3A_371 = arith.cmpi ne, %convert_element_type3A_369, %cond3A_370 : i32
      scf.if %cond3A_371 {
        %dma_wait3A_388 = arith.constant 0 : i32
        %dma_wait3A_389 = tpu.memref_slice %arg10[%dma_wait3A_388] : memref<209715200xf32, #tpu.memory_space<hbm>> -> memref<16384xf32, #tpu.memory_space<hbm>>
        %dma_wait3A_390 = arith.constant 0 : i32
        %dma_wait3A_391 = tpu.memref_slice %arg10[%dma_wait3A_390] : memref<209715200xf32, #tpu.memory_space<hbm>> -> memref<16384xf32, #tpu.memory_space<hbm>>
        tpu.wait_dma2 semaphore(%arg32 : memref<!tpu.dma_semaphore, #tpu.memory_space<semaphore_mem>>) src(%arg24 : memref<16384xf32, #tpu.memory_space<vmem>>) dst(%dma_wait3A_391 : memref<16384xf32, #tpu.memory_space<hbm>>)
      } else {
      }
      %dma_wait3A_372 = arith.constant 0 : i32
      %dma_wait3A_373 = arith.constant 0 : i32
      %dma_wait3A_374 = tpu.memref_slice %arg11[%dma_wait3A_372, %dma_wait3A_373] : memref<384x256xf32, #tpu.memory_space<vmem_shared>> -> memref<384x256xf32, #tpu.memory_space<vmem_shared>>
      tpu.wait_indirect_dma semaphore(%arg30 : memref<!tpu.dma_semaphore, #tpu.memory_space<semaphore_mem>>) src(%dma_wait3A_374 : memref<384x256xf32, #tpu.memory_space<vmem_shared>>) dst(%arg21 : memref<64x256xf32, #tpu.memory_space<vmem>>)
      %dma_wait3A_375 = arith.constant 0 : i32
      %dma_wait3A_376 = arith.constant 0 : i32
      %dma_wait3A_377 = tpu.memref_slice %arg11[%dma_wait3A_375, %dma_wait3A_376] : memref<384x256xf32, #tpu.memory_space<vmem_shared>> -> memref<384x256xf32, #tpu.memory_space<vmem_shared>>
      tpu.wait_indirect_dma semaphore(%arg30 : memref<!tpu.dma_semaphore, #tpu.memory_space<semaphore_mem>>) src(%dma_wait3A_377 : memref<384x256xf32, #tpu.memory_space<vmem_shared>>) dst(%arg22 : memref<64x256xf32, #tpu.memory_space<vmem>>)
      %parallel_loop3A_378 = arith.constant 0 : i32
      %parallel_loop3A_379 = arith.constant 64 : i32
      %parallel_loop3A_380 = arith.constant 1 : i32
      scf.for %parallel_loop3A_388 = %parallel_loop3A_378 to %parallel_loop3A_379 step %parallel_loop3A_380  : i32 {
        %parallel_loop3A_389 = arith.addi %add3A_157, %parallel_loop3A_388 : i32
        %parallel_loop3A_390 = vector.broadcast %parallel_loop3A_389 : i32 to vector<16xi32>
        %parallel_loop3A_391 = arith.addi %broadcast_in_dim3A_5, %parallel_loop3A_390 : vector<16xi32>
        %parallel_loop3A_392 = tpu.vector_load_idx %arg15[%parallel_loop3A_391] : memref<3200xf32, #tpu.memory_space<vmem>>[vector<16xi32>], vector<16xf32>,
        %parallel_loop3A_393 = arith.addi %add3A_157, %parallel_loop3A_388 : i32
        %parallel_loop3A_394 = vector.broadcast %parallel_loop3A_393 : i32 to vector<16xi32>
        %parallel_loop3A_395 = arith.addi %broadcast_in_dim3A_5, %parallel_loop3A_394 : vector<16xi32>
        %parallel_loop3A_396 = tpu.vector_load_idx %arg17[%parallel_loop3A_395] : memref<3200xf32, #tpu.memory_space<vmem>>[vector<16xi32>], vector<16xf32>,
        %parallel_loop3A_397 = arith.index_cast %parallel_loop3A_388 : i32 to index
        %parallel_loop3A_398 = arith.constant 0 : index
        %parallel_loop3A_399 = tpu.vector_load %arg21[%parallel_loop3A_397, %parallel_loop3A_398] {strides = array<i32>} : memref<64x256xf32, #tpu.memory_space<vmem>>, vector<16xf32>,
        %parallel_loop3A_400 = arith.index_cast %parallel_loop3A_388 : i32 to index
        %parallel_loop3A_401 = arith.constant 0 : index
        %parallel_loop3A_402 = tpu.vector_load %arg22[%parallel_loop3A_400, %parallel_loop3A_401] {strides = array<i32>} : memref<64x256xf32, #tpu.memory_space<vmem>>, vector<16xf32>,
        %parallel_loop3A_403 = arith.addf %parallel_loop3A_399, %parallel_loop3A_402 : vector<16xf32>
        %parallel_loop3A_404 = arith.mulf %parallel_loop3A_392, %get3A_8 : vector<16xf32>
        %parallel_loop3A_405 = arith.addf %parallel_loop3A_403, %parallel_loop3A_404 : vector<16xf32>
        %parallel_loop3A_406 = arith.mulf %parallel_loop3A_396, %get3A_40 : vector<16xf32>
        %parallel_loop3A_407 = arith.addf %parallel_loop3A_405, %parallel_loop3A_406 : vector<16xf32>
        %parallel_loop3A_408 = arith.addf %broadcast_in_dim3A_7, %parallel_loop3A_407 : vector<16xf32>
        %parallel_loop3A_409 = arith.mulf %parallel_loop3A_407, %parallel_loop3A_407 : vector<16xf32>
        %parallel_loop3A_410 = arith.addf %broadcast_in_dim3A_7, %parallel_loop3A_409 : vector<16xf32>
        %parallel_loop3A_411 = arith.index_cast %parallel_loop3A_388 : i32 to index
        %parallel_loop3A_412 = arith.constant 16 : index
        %parallel_loop3A_413 = tpu.vector_load %arg21[%parallel_loop3A_411, %parallel_loop3A_412] {strides = array<i32>} : memref<64x256xf32, #tpu.memory_space<vmem>>, vector<16xf32>,
        %parallel_loop3A_414 = arith.index_cast %parallel_loop3A_388 : i32 to index
        %parallel_loop3A_415 = arith.constant 16 : index
        %parallel_loop3A_416 = tpu.vector_load %arg22[%parallel_loop3A_414, %parallel_loop3A_415] {strides = array<i32>} : memref<64x256xf32, #tpu.memory_space<vmem>>, vector<16xf32>,
        %parallel_loop3A_417 = arith.addf %parallel_loop3A_413, %parallel_loop3A_416 : vector<16xf32>
        %parallel_loop3A_418 = arith.mulf %parallel_loop3A_392, %get3A_10 : vector<16xf32>
        %parallel_loop3A_419 = arith.addf %parallel_loop3A_417, %parallel_loop3A_418 : vector<16xf32>
        %parallel_loop3A_420 = arith.mulf %parallel_loop3A_396, %get3A_42 : vector<16xf32>
        %parallel_loop3A_421 = arith.addf %parallel_loop3A_419, %parallel_loop3A_420 : vector<16xf32>
        %parallel_loop3A_422 = arith.addf %parallel_loop3A_408, %parallel_loop3A_421 : vector<16xf32>
        %parallel_loop3A_423 = arith.mulf %parallel_loop3A_421, %parallel_loop3A_421 : vector<16xf32>
        %parallel_loop3A_424 = arith.addf %parallel_loop3A_410, %parallel_loop3A_423 : vector<16xf32>
        %parallel_loop3A_425 = arith.index_cast %parallel_loop3A_388 : i32 to index
        %parallel_loop3A_426 = arith.constant 32 : index
        %parallel_loop3A_427 = tpu.vector_load %arg21[%parallel_loop3A_425, %parallel_loop3A_426] {strides = array<i32>} : memref<64x256xf32, #tpu.memory_space<vmem>>, vector<16xf32>,
        %parallel_loop3A_428 = arith.index_cast %parallel_loop3A_388 : i32 to index
        %parallel_loop3A_429 = arith.constant 32 : index
        %parallel_loop3A_430 = tpu.vector_load %arg22[%parallel_loop3A_428, %parallel_loop3A_429] {strides = array<i32>} : memref<64x256xf32, #tpu.memory_space<vmem>>, vector<16xf32>,
        %parallel_loop3A_431 = arith.addf %parallel_loop3A_427, %parallel_loop3A_430 : vector<16xf32>
        %parallel_loop3A_432 = arith.mulf %parallel_loop3A_392, %get3A_12 : vector<16xf32>
        %parallel_loop3A_433 = arith.addf %parallel_loop3A_431, %parallel_loop3A_432 : vector<16xf32>
        %parallel_loop3A_434 = arith.mulf %parallel_loop3A_396, %get3A_44 : vector<16xf32>
        %parallel_loop3A_435 = arith.addf %parallel_loop3A_433, %parallel_loop3A_434 : vector<16xf32>
        %parallel_loop3A_436 = arith.addf %parallel_loop3A_422, %parallel_loop3A_435 : vector<16xf32>
        %parallel_loop3A_437 = arith.mulf %parallel_loop3A_435, %parallel_loop3A_435 : vector<16xf32>
        %parallel_loop3A_438 = arith.addf %parallel_loop3A_424, %parallel_loop3A_437 : vector<16xf32>
        %parallel_loop3A_439 = arith.index_cast %parallel_loop3A_388 : i32 to index
        %parallel_loop3A_440 = arith.constant 48 : index
        %parallel_loop3A_441 = tpu.vector_load %arg21[%parallel_loop3A_439, %parallel_loop3A_440] {strides = array<i32>} : memref<64x256xf32, #tpu.memory_space<vmem>>, vector<16xf32>,
        %parallel_loop3A_442 = arith.index_cast %parallel_loop3A_388 : i32 to index
        %parallel_loop3A_443 = arith.constant 48 : index
        %parallel_loop3A_444 = tpu.vector_load %arg22[%parallel_loop3A_442, %parallel_loop3A_443] {strides = array<i32>} : memref<64x256xf32, #tpu.memory_space<vmem>>, vector<16xf32>,
        %parallel_loop3A_445 = arith.addf %parallel_loop3A_441, %parallel_loop3A_444 : vector<16xf32>
        %parallel_loop3A_446 = arith.mulf %parallel_loop3A_392, %get3A_14 : vector<16xf32>
        %parallel_loop3A_447 = arith.addf %parallel_loop3A_445, %parallel_loop3A_446 : vector<16xf32>
        %parallel_loop3A_448 = arith.mulf %parallel_loop3A_396, %get3A_46 : vector<16xf32>
        %parallel_loop3A_449 = arith.addf %parallel_loop3A_447, %parallel_loop3A_448 : vector<16xf32>
        %parallel_loop3A_450 = arith.addf %parallel_loop3A_436, %parallel_loop3A_449 : vector<16xf32>
        %parallel_loop3A_451 = arith.mulf %parallel_loop3A_449, %parallel_loop3A_449 : vector<16xf32>
        %parallel_loop3A_452 = arith.addf %parallel_loop3A_438, %parallel_loop3A_451 : vector<16xf32>
        %parallel_loop3A_453 = arith.index_cast %parallel_loop3A_388 : i32 to index
        %parallel_loop3A_454 = arith.constant 64 : index
        %parallel_loop3A_455 = tpu.vector_load %arg21[%parallel_loop3A_453, %parallel_loop3A_454] {strides = array<i32>} : memref<64x256xf32, #tpu.memory_space<vmem>>, vector<16xf32>,
        %parallel_loop3A_456 = arith.index_cast %parallel_loop3A_388 : i32 to index
        %parallel_loop3A_457 = arith.constant 64 : index
        %parallel_loop3A_458 = tpu.vector_load %arg22[%parallel_loop3A_456, %parallel_loop3A_457] {strides = array<i32>} : memref<64x256xf32, #tpu.memory_space<vmem>>, vector<16xf32>,
        %parallel_loop3A_459 = arith.addf %parallel_loop3A_455, %parallel_loop3A_458 : vector<16xf32>
        %parallel_loop3A_460 = arith.mulf %parallel_loop3A_392, %get3A_16 : vector<16xf32>
        %parallel_loop3A_461 = arith.addf %parallel_loop3A_459, %parallel_loop3A_460 : vector<16xf32>
        %parallel_loop3A_462 = arith.mulf %parallel_loop3A_396, %get3A_48 : vector<16xf32>
        %parallel_loop3A_463 = arith.addf %parallel_loop3A_461, %parallel_loop3A_462 : vector<16xf32>
        %parallel_loop3A_464 = arith.addf %parallel_loop3A_450, %parallel_loop3A_463 : vector<16xf32>
        %parallel_loop3A_465 = arith.mulf %parallel_loop3A_463, %parallel_loop3A_463 : vector<16xf32>
        %parallel_loop3A_466 = arith.addf %parallel_loop3A_452, %parallel_loop3A_465 : vector<16xf32>
        %parallel_loop3A_467 = arith.index_cast %parallel_loop3A_388 : i32 to index
        %parallel_loop3A_468 = arith.constant 80 : index
        %parallel_loop3A_469 = tpu.vector_load %arg21[%parallel_loop3A_467, %parallel_loop3A_468] {strides = array<i32>} : memref<64x256xf32, #tpu.memory_space<vmem>>, vector<16xf32>,
        %parallel_loop3A_470 = arith.index_cast %parallel_loop3A_388 : i32 to index
        %parallel_loop3A_471 = arith.constant 80 : index
        %parallel_loop3A_472 = tpu.vector_load %arg22[%parallel_loop3A_470, %parallel_loop3A_471] {strides = array<i32>} : memref<64x256xf32, #tpu.memory_space<vmem>>, vector<16xf32>,
        %parallel_loop3A_473 = arith.addf %parallel_loop3A_469, %parallel_loop3A_472 : vector<16xf32>
        %parallel_loop3A_474 = arith.mulf %parallel_loop3A_392, %get3A_18 : vector<16xf32>
        %parallel_loop3A_475 = arith.addf %parallel_loop3A_473, %parallel_loop3A_474 : vector<16xf32>
        %parallel_loop3A_476 = arith.mulf %parallel_loop3A_396, %get3A_50 : vector<16xf32>
        %parallel_loop3A_477 = arith.addf %parallel_loop3A_475, %parallel_loop3A_476 : vector<16xf32>
        %parallel_loop3A_478 = arith.addf %parallel_loop3A_464, %parallel_loop3A_477 : vector<16xf32>
        %parallel_loop3A_479 = arith.mulf %parallel_loop3A_477, %parallel_loop3A_477 : vector<16xf32>
        %parallel_loop3A_480 = arith.addf %parallel_loop3A_466, %parallel_loop3A_479 : vector<16xf32>
        %parallel_loop3A_481 = arith.index_cast %parallel_loop3A_388 : i32 to index
        %parallel_loop3A_482 = arith.constant 96 : index
        %parallel_loop3A_483 = tpu.vector_load %arg21[%parallel_loop3A_481, %parallel_loop3A_482] {strides = array<i32>} : memref<64x256xf32, #tpu.memory_space<vmem>>, vector<16xf32>,
        %parallel_loop3A_484 = arith.index_cast %parallel_loop3A_388 : i32 to index
        %parallel_loop3A_485 = arith.constant 96 : index
        %parallel_loop3A_486 = tpu.vector_load %arg22[%parallel_loop3A_484, %parallel_loop3A_485] {strides = array<i32>} : memref<64x256xf32, #tpu.memory_space<vmem>>, vector<16xf32>,
        %parallel_loop3A_487 = arith.addf %parallel_loop3A_483, %parallel_loop3A_486 : vector<16xf32>
        %parallel_loop3A_488 = arith.mulf %parallel_loop3A_392, %get3A_20 : vector<16xf32>
        %parallel_loop3A_489 = arith.addf %parallel_loop3A_487, %parallel_loop3A_488 : vector<16xf32>
        %parallel_loop3A_490 = arith.mulf %parallel_loop3A_396, %get3A_52 : vector<16xf32>
        %parallel_loop3A_491 = arith.addf %parallel_loop3A_489, %parallel_loop3A_490 : vector<16xf32>
        %parallel_loop3A_492 = arith.addf %parallel_loop3A_478, %parallel_loop3A_491 : vector<16xf32>
        %parallel_loop3A_493 = arith.mulf %parallel_loop3A_491, %parallel_loop3A_491 : vector<16xf32>
        %parallel_loop3A_494 = arith.addf %parallel_loop3A_480, %parallel_loop3A_493 : vector<16xf32>
        %parallel_loop3A_495 = arith.index_cast %parallel_loop3A_388 : i32 to index
        %parallel_loop3A_496 = arith.constant 112 : index
        %parallel_loop3A_497 = tpu.vector_load %arg21[%parallel_loop3A_495, %parallel_loop3A_496] {strides = array<i32>} : memref<64x256xf32, #tpu.memory_space<vmem>>, vector<16xf32>,
        %parallel_loop3A_498 = arith.index_cast %parallel_loop3A_388 : i32 to index
        %parallel_loop3A_499 = arith.constant 112 : index
        %parallel_loop3A_500 = tpu.vector_load %arg22[%parallel_loop3A_498, %parallel_loop3A_499] {strides = array<i32>} : memref<64x256xf32, #tpu.memory_space<vmem>>, vector<16xf32>,
        %parallel_loop3A_501 = arith.addf %parallel_loop3A_497, %parallel_loop3A_500 : vector<16xf32>
        %parallel_loop3A_502 = arith.mulf %parallel_loop3A_392, %get3A_22 : vector<16xf32>
        %parallel_loop3A_503 = arith.addf %parallel_loop3A_501, %parallel_loop3A_502 : vector<16xf32>
        %parallel_loop3A_504 = arith.mulf %parallel_loop3A_396, %get3A_54 : vector<16xf32>
        %parallel_loop3A_505 = arith.addf %parallel_loop3A_503, %parallel_loop3A_504 : vector<16xf32>
        %parallel_loop3A_506 = arith.addf %parallel_loop3A_492, %parallel_loop3A_505 : vector<16xf32>
        %parallel_loop3A_507 = arith.mulf %parallel_loop3A_505, %parallel_loop3A_505 : vector<16xf32>
        %parallel_loop3A_508 = arith.addf %parallel_loop3A_494, %parallel_loop3A_507 : vector<16xf32>
        %parallel_loop3A_509 = arith.index_cast %parallel_loop3A_388 : i32 to index
        %parallel_loop3A_510 = arith.constant 128 : index
        %parallel_loop3A_511 = tpu.vector_load %arg21[%parallel_loop3A_509, %parallel_loop3A_510] {strides = array<i32>} : memref<64x256xf32, #tpu.memory_space<vmem>>, vector<16xf32>,
        %parallel_loop3A_512 = arith.index_cast %parallel_loop3A_388 : i32 to index
        %parallel_loop3A_513 = arith.constant 128 : index
        %parallel_loop3A_514 = tpu.vector_load %arg22[%parallel_loop3A_512, %parallel_loop3A_513] {strides = array<i32>} : memref<64x256xf32, #tpu.memory_space<vmem>>, vector<16xf32>,
        %parallel_loop3A_515 = arith.addf %parallel_loop3A_511, %parallel_loop3A_514 : vector<16xf32>
        %parallel_loop3A_516 = arith.mulf %parallel_loop3A_392, %get3A_24 : vector<16xf32>
        %parallel_loop3A_517 = arith.addf %parallel_loop3A_515, %parallel_loop3A_516 : vector<16xf32>
        %parallel_loop3A_518 = arith.mulf %parallel_loop3A_396, %get3A_56 : vector<16xf32>
        %parallel_loop3A_519 = arith.addf %parallel_loop3A_517, %parallel_loop3A_518 : vector<16xf32>
        %parallel_loop3A_520 = arith.addf %parallel_loop3A_506, %parallel_loop3A_519 : vector<16xf32>
        %parallel_loop3A_521 = arith.mulf %parallel_loop3A_519, %parallel_loop3A_519 : vector<16xf32>
        %parallel_loop3A_522 = arith.addf %parallel_loop3A_508, %parallel_loop3A_521 : vector<16xf32>
        %parallel_loop3A_523 = arith.index_cast %parallel_loop3A_388 : i32 to index
        %parallel_loop3A_524 = arith.constant 144 : index
        %parallel_loop3A_525 = tpu.vector_load %arg21[%parallel_loop3A_523, %parallel_loop3A_524] {strides = array<i32>} : memref<64x256xf32, #tpu.memory_space<vmem>>, vector<16xf32>,
        %parallel_loop3A_526 = arith.index_cast %parallel_loop3A_388 : i32 to index
        %parallel_loop3A_527 = arith.constant 144 : index
        %parallel_loop3A_528 = tpu.vector_load %arg22[%parallel_loop3A_526, %parallel_loop3A_527] {strides = array<i32>} : memref<64x256xf32, #tpu.memory_space<vmem>>, vector<16xf32>,
        %parallel_loop3A_529 = arith.addf %parallel_loop3A_525, %parallel_loop3A_528 : vector<16xf32>
        %parallel_loop3A_530 = arith.mulf %parallel_loop3A_392, %get3A_26 : vector<16xf32>
        %parallel_loop3A_531 = arith.addf %parallel_loop3A_529, %parallel_loop3A_530 : vector<16xf32>
        %parallel_loop3A_532 = arith.mulf %parallel_loop3A_396, %get3A_58 : vector<16xf32>
        %parallel_loop3A_533 = arith.addf %parallel_loop3A_531, %parallel_loop3A_532 : vector<16xf32>
        %parallel_loop3A_534 = arith.addf %parallel_loop3A_520, %parallel_loop3A_533 : vector<16xf32>
        %parallel_loop3A_535 = arith.mulf %parallel_loop3A_533, %parallel_loop3A_533 : vector<16xf32>
        %parallel_loop3A_536 = arith.addf %parallel_loop3A_522, %parallel_loop3A_535 : vector<16xf32>
        %parallel_loop3A_537 = arith.index_cast %parallel_loop3A_388 : i32 to index
        %parallel_loop3A_538 = arith.constant 160 : index
        %parallel_loop3A_539 = tpu.vector_load %arg21[%parallel_loop3A_537, %parallel_loop3A_538] {strides = array<i32>} : memref<64x256xf32, #tpu.memory_space<vmem>>, vector<16xf32>,
        %parallel_loop3A_540 = arith.index_cast %parallel_loop3A_388 : i32 to index
        %parallel_loop3A_541 = arith.constant 160 : index
        %parallel_loop3A_542 = tpu.vector_load %arg22[%parallel_loop3A_540, %parallel_loop3A_541] {strides = array<i32>} : memref<64x256xf32, #tpu.memory_space<vmem>>, vector<16xf32>,
        %parallel_loop3A_543 = arith.addf %parallel_loop3A_539, %parallel_loop3A_542 : vector<16xf32>
        %parallel_loop3A_544 = arith.mulf %parallel_loop3A_392, %get3A_28 : vector<16xf32>
        %parallel_loop3A_545 = arith.addf %parallel_loop3A_543, %parallel_loop3A_544 : vector<16xf32>
        %parallel_loop3A_546 = arith.mulf %parallel_loop3A_396, %get3A_60 : vector<16xf32>
        %parallel_loop3A_547 = arith.addf %parallel_loop3A_545, %parallel_loop3A_546 : vector<16xf32>
        %parallel_loop3A_548 = arith.addf %parallel_loop3A_534, %parallel_loop3A_547 : vector<16xf32>
        %parallel_loop3A_549 = arith.mulf %parallel_loop3A_547, %parallel_loop3A_547 : vector<16xf32>
        %parallel_loop3A_550 = arith.addf %parallel_loop3A_536, %parallel_loop3A_549 : vector<16xf32>
        %parallel_loop3A_551 = arith.index_cast %parallel_loop3A_388 : i32 to index
        %parallel_loop3A_552 = arith.constant 176 : index
        %parallel_loop3A_553 = tpu.vector_load %arg21[%parallel_loop3A_551, %parallel_loop3A_552] {strides = array<i32>} : memref<64x256xf32, #tpu.memory_space<vmem>>, vector<16xf32>,
        %parallel_loop3A_554 = arith.index_cast %parallel_loop3A_388 : i32 to index
        %parallel_loop3A_555 = arith.constant 176 : index
        %parallel_loop3A_556 = tpu.vector_load %arg22[%parallel_loop3A_554, %parallel_loop3A_555] {strides = array<i32>} : memref<64x256xf32, #tpu.memory_space<vmem>>, vector<16xf32>,
        %parallel_loop3A_557 = arith.addf %parallel_loop3A_553, %parallel_loop3A_556 : vector<16xf32>
        %parallel_loop3A_558 = arith.mulf %parallel_loop3A_392, %get3A_30 : vector<16xf32>
        %parallel_loop3A_559 = arith.addf %parallel_loop3A_557, %parallel_loop3A_558 : vector<16xf32>
        %parallel_loop3A_560 = arith.mulf %parallel_loop3A_396, %get3A_62 : vector<16xf32>
        %parallel_loop3A_561 = arith.addf %parallel_loop3A_559, %parallel_loop3A_560 : vector<16xf32>
        %parallel_loop3A_562 = arith.addf %parallel_loop3A_548, %parallel_loop3A_561 : vector<16xf32>
        %parallel_loop3A_563 = arith.mulf %parallel_loop3A_561, %parallel_loop3A_561 : vector<16xf32>
        %parallel_loop3A_564 = arith.addf %parallel_loop3A_550, %parallel_loop3A_563 : vector<16xf32>
        %parallel_loop3A_565 = arith.index_cast %parallel_loop3A_388 : i32 to index
        %parallel_loop3A_566 = arith.constant 192 : index
        %parallel_loop3A_567 = tpu.vector_load %arg21[%parallel_loop3A_565, %parallel_loop3A_566] {strides = array<i32>} : memref<64x256xf32, #tpu.memory_space<vmem>>, vector<16xf32>,
        %parallel_loop3A_568 = arith.index_cast %parallel_loop3A_388 : i32 to index
        %parallel_loop3A_569 = arith.constant 192 : index
        %parallel_loop3A_570 = tpu.vector_load %arg22[%parallel_loop3A_568, %parallel_loop3A_569] {strides = array<i32>} : memref<64x256xf32, #tpu.memory_space<vmem>>, vector<16xf32>,
        %parallel_loop3A_571 = arith.addf %parallel_loop3A_567, %parallel_loop3A_570 : vector<16xf32>
        %parallel_loop3A_572 = arith.mulf %parallel_loop3A_392, %get3A_32 : vector<16xf32>
        %parallel_loop3A_573 = arith.addf %parallel_loop3A_571, %parallel_loop3A_572 : vector<16xf32>
        %parallel_loop3A_574 = arith.mulf %parallel_loop3A_396, %get3A_64 : vector<16xf32>
        %parallel_loop3A_575 = arith.addf %parallel_loop3A_573, %parallel_loop3A_574 : vector<16xf32>
        %parallel_loop3A_576 = arith.addf %parallel_loop3A_562, %parallel_loop3A_575 : vector<16xf32>
        %parallel_loop3A_577 = arith.mulf %parallel_loop3A_575, %parallel_loop3A_575 : vector<16xf32>
        %parallel_loop3A_578 = arith.addf %parallel_loop3A_564, %parallel_loop3A_577 : vector<16xf32>
        %parallel_loop3A_579 = arith.index_cast %parallel_loop3A_388 : i32 to index
        %parallel_loop3A_580 = arith.constant 208 : index
        %parallel_loop3A_581 = tpu.vector_load %arg21[%parallel_loop3A_579, %parallel_loop3A_580] {strides = array<i32>} : memref<64x256xf32, #tpu.memory_space<vmem>>, vector<16xf32>,
        %parallel_loop3A_582 = arith.index_cast %parallel_loop3A_388 : i32 to index
        %parallel_loop3A_583 = arith.constant 208 : index
        %parallel_loop3A_584 = tpu.vector_load %arg22[%parallel_loop3A_582, %parallel_loop3A_583] {strides = array<i32>} : memref<64x256xf32, #tpu.memory_space<vmem>>, vector<16xf32>,
        %parallel_loop3A_585 = arith.addf %parallel_loop3A_581, %parallel_loop3A_584 : vector<16xf32>
        %parallel_loop3A_586 = arith.mulf %parallel_loop3A_392, %get3A_34 : vector<16xf32>
        %parallel_loop3A_587 = arith.addf %parallel_loop3A_585, %parallel_loop3A_586 : vector<16xf32>
        %parallel_loop3A_588 = arith.mulf %parallel_loop3A_396, %get3A_66 : vector<16xf32>
        %parallel_loop3A_589 = arith.addf %parallel_loop3A_587, %parallel_loop3A_588 : vector<16xf32>
        %parallel_loop3A_590 = arith.addf %parallel_loop3A_576, %parallel_loop3A_589 : vector<16xf32>
        %parallel_loop3A_591 = arith.mulf %parallel_loop3A_589, %parallel_loop3A_589 : vector<16xf32>
        %parallel_loop3A_592 = arith.addf %parallel_loop3A_578, %parallel_loop3A_591 : vector<16xf32>
        %parallel_loop3A_593 = arith.index_cast %parallel_loop3A_388 : i32 to index
        %parallel_loop3A_594 = arith.constant 224 : index
        %parallel_loop3A_595 = tpu.vector_load %arg21[%parallel_loop3A_593, %parallel_loop3A_594] {strides = array<i32>} : memref<64x256xf32, #tpu.memory_space<vmem>>, vector<16xf32>,
        %parallel_loop3A_596 = arith.index_cast %parallel_loop3A_388 : i32 to index
        %parallel_loop3A_597 = arith.constant 224 : index
        %parallel_loop3A_598 = tpu.vector_load %arg22[%parallel_loop3A_596, %parallel_loop3A_597] {strides = array<i32>} : memref<64x256xf32, #tpu.memory_space<vmem>>, vector<16xf32>,
        %parallel_loop3A_599 = arith.addf %parallel_loop3A_595, %parallel_loop3A_598 : vector<16xf32>
        %parallel_loop3A_600 = arith.mulf %parallel_loop3A_392, %get3A_36 : vector<16xf32>
        %parallel_loop3A_601 = arith.addf %parallel_loop3A_599, %parallel_loop3A_600 : vector<16xf32>
        %parallel_loop3A_602 = arith.mulf %parallel_loop3A_396, %get3A_68 : vector<16xf32>
        %parallel_loop3A_603 = arith.addf %parallel_loop3A_601, %parallel_loop3A_602 : vector<16xf32>
        %parallel_loop3A_604 = arith.addf %parallel_loop3A_590, %parallel_loop3A_603 : vector<16xf32>
        %parallel_loop3A_605 = arith.mulf %parallel_loop3A_603, %parallel_loop3A_603 : vector<16xf32>
        %parallel_loop3A_606 = arith.addf %parallel_loop3A_592, %parallel_loop3A_605 : vector<16xf32>
        %parallel_loop3A_607 = arith.index_cast %parallel_loop3A_388 : i32 to index
        %parallel_loop3A_608 = arith.constant 240 : index
        %parallel_loop3A_609 = tpu.vector_load %arg21[%parallel_loop3A_607, %parallel_loop3A_608] {strides = array<i32>} : memref<64x256xf32, #tpu.memory_space<vmem>>, vector<16xf32>,
        %parallel_loop3A_610 = arith.index_cast %parallel_loop3A_388 : i32 to index
        %parallel_loop3A_611 = arith.constant 240 : index
        %parallel_loop3A_612 = tpu.vector_load %arg22[%parallel_loop3A_610, %parallel_loop3A_611] {strides = array<i32>} : memref<64x256xf32, #tpu.memory_space<vmem>>, vector<16xf32>,
        %parallel_loop3A_613 = arith.addf %parallel_loop3A_609, %parallel_loop3A_612 : vector<16xf32>
        %parallel_loop3A_614 = arith.mulf %parallel_loop3A_392, %get3A_38 : vector<16xf32>
        %parallel_loop3A_615 = arith.addf %parallel_loop3A_613, %parallel_loop3A_614 : vector<16xf32>
        %parallel_loop3A_616 = arith.mulf %parallel_loop3A_396, %get3A_70 : vector<16xf32>
        %parallel_loop3A_617 = arith.addf %parallel_loop3A_615, %parallel_loop3A_616 : vector<16xf32>
        %parallel_loop3A_618 = arith.addf %parallel_loop3A_604, %parallel_loop3A_617 : vector<16xf32>
        %parallel_loop3A_619 = arith.mulf %parallel_loop3A_617, %parallel_loop3A_617 : vector<16xf32>
        %parallel_loop3A_620 = arith.addf %parallel_loop3A_606, %parallel_loop3A_619 : vector<16xf32>
        %parallel_loop3A_621 = arith.constant true
        %parallel_loop3A_622 = vector.broadcast %parallel_loop3A_621 : i1 to vector<16xi1>
        %parallel_loop3A_623 = tpu.scan <sum>, %parallel_loop3A_618 masked %parallel_loop3A_622 : vector<16xf32>, vector<16xi1> -> vector<16xf32>
        %parallel_loop3A_624 = vector.extract %parallel_loop3A_623[15] : f32 from vector<16xf32>
        %parallel_loop3A_625 = arith.constant true
        %parallel_loop3A_626 = vector.broadcast %parallel_loop3A_625 : i1 to vector<16xi1>
        %parallel_loop3A_627 = tpu.scan <sum>, %parallel_loop3A_620 masked %parallel_loop3A_626 : vector<16xf32>, vector<16xi1> -> vector<16xf32>
        %parallel_loop3A_628 = vector.extract %parallel_loop3A_627[15] : f32 from vector<16xf32>
        %parallel_loop3A_629 = arith.mulf %parallel_loop3A_624, %scan3A_135 : f32
        %parallel_loop3A_630 = arith.mulf %parallel_loop3A_628, %scan3A_135 : f32
        %parallel_loop3A_631 = arith.mulf %parallel_loop3A_629, %parallel_loop3A_629 : f32
        %parallel_loop3A_632 = arith.subf %parallel_loop3A_630, %parallel_loop3A_631 : f32
        %parallel_loop3A_633 = arith.constant 9.99999974E-6 : f32
        %parallel_loop3A_634 = arith.addf %parallel_loop3A_632, %parallel_loop3A_633 : f32
        %parallel_loop3A_635 = vector.broadcast %parallel_loop3A_634 : f32 to vector<16xf32>
        %parallel_loop3A_636 = arith.addf %broadcast_in_dim3A_7, %parallel_loop3A_635 : vector<16xf32>
        %parallel_loop3A_637 = arith.constant 5.000000e-01 : f32
        %parallel_loop3A_638 = vector.broadcast %parallel_loop3A_637 : f32 to vector<16xf32>
        %parallel_loop3A_639 = arith.mulf %parallel_loop3A_636, %parallel_loop3A_638 : vector<16xf32>
        %parallel_loop3A_640 = vector.bitcast %parallel_loop3A_636 : vector<16xf32> to vector<16xi32>
        %parallel_loop3A_641 = arith.constant 1 : i32
        %parallel_loop3A_642 = vector.broadcast %parallel_loop3A_641 : i32 to vector<16xi32>
        %parallel_loop3A_643 = arith.shrsi %parallel_loop3A_640, %parallel_loop3A_642 : vector<16xi32>
        %parallel_loop3A_644 = arith.constant 1597463007 : i32
        %parallel_loop3A_645 = vector.broadcast %parallel_loop3A_644 : i32 to vector<16xi32>
        %parallel_loop3A_646 = arith.subi %parallel_loop3A_645, %parallel_loop3A_643 : vector<16xi32>
        %parallel_loop3A_647 = vector.bitcast %parallel_loop3A_646 : vector<16xi32> to vector<16xf32>
        %parallel_loop3A_648 = arith.mulf %parallel_loop3A_639, %parallel_loop3A_647 : vector<16xf32>
        %parallel_loop3A_649 = arith.mulf %parallel_loop3A_648, %parallel_loop3A_647 : vector<16xf32>
        %parallel_loop3A_650 = arith.constant 1.500000e+00 : f32
        %parallel_loop3A_651 = vector.broadcast %parallel_loop3A_650 : f32 to vector<16xf32>
        %parallel_loop3A_652 = arith.subf %parallel_loop3A_651, %parallel_loop3A_649 : vector<16xf32>
        %parallel_loop3A_653 = arith.mulf %parallel_loop3A_647, %parallel_loop3A_652 : vector<16xf32>
        %parallel_loop3A_654 = arith.mulf %parallel_loop3A_639, %parallel_loop3A_653 : vector<16xf32>
        %parallel_loop3A_655 = arith.mulf %parallel_loop3A_654, %parallel_loop3A_653 : vector<16xf32>
        %parallel_loop3A_656 = arith.constant 1.500000e+00 : f32
        %parallel_loop3A_657 = vector.broadcast %parallel_loop3A_656 : f32 to vector<16xf32>
        %parallel_loop3A_658 = arith.subf %parallel_loop3A_657, %parallel_loop3A_655 : vector<16xf32>
        %parallel_loop3A_659 = arith.mulf %parallel_loop3A_653, %parallel_loop3A_658 : vector<16xf32>
        %parallel_loop3A_660 = arith.mulf %parallel_loop3A_639, %parallel_loop3A_659 : vector<16xf32>
        %parallel_loop3A_661 = arith.mulf %parallel_loop3A_660, %parallel_loop3A_659 : vector<16xf32>
        %parallel_loop3A_662 = arith.constant 1.500000e+00 : f32
        %parallel_loop3A_663 = vector.broadcast %parallel_loop3A_662 : f32 to vector<16xf32>
        %parallel_loop3A_664 = arith.subf %parallel_loop3A_663, %parallel_loop3A_661 : vector<16xf32>
        %parallel_loop3A_665 = arith.mulf %parallel_loop3A_659, %parallel_loop3A_664 : vector<16xf32>
        %parallel_loop3A_666 = vector.broadcast %parallel_loop3A_629 : f32 to vector<16xf32>
        %parallel_loop3A_667 = arith.addf %broadcast_in_dim3A_7, %parallel_loop3A_666 : vector<16xf32>
        %parallel_loop3A_668 = arith.constant 256 : i32
        %parallel_loop3A_669 = arith.muli %parallel_loop3A_388, %parallel_loop3A_668 : i32
        %parallel_loop3A_670 = arith.subf %parallel_loop3A_407, %parallel_loop3A_667 : vector<16xf32>
        %parallel_loop3A_671 = arith.mulf %parallel_loop3A_670, %parallel_loop3A_665 : vector<16xf32>
        %parallel_loop3A_672 = arith.mulf %parallel_loop3A_671, %get3A_72 : vector<16xf32>
        %parallel_loop3A_673 = arith.addf %parallel_loop3A_672, %get3A_104 : vector<16xf32>
        %parallel_loop3A_674 = arith.constant 0 : i32
        %parallel_loop3A_675 = arith.addi %parallel_loop3A_669, %parallel_loop3A_674 : i32
        %parallel_loop3A_676 = arith.index_cast %parallel_loop3A_675 : i32 to index
        %parallel_loop3A_677 = tpu.vector_load %arg24[%parallel_loop3A_676] {strides = array<i32>} : memref<16384xf32, #tpu.memory_space<vmem>>, vector<16xf32>,
        tpu.vector_store %arg24[%parallel_loop3A_676], %parallel_loop3A_673 {strides = array<i32>} : memref<16384xf32, #tpu.memory_space<vmem>>, vector<16xf32>,
        %parallel_loop3A_678 = arith.subf %parallel_loop3A_421, %parallel_loop3A_667 : vector<16xf32>
        %parallel_loop3A_679 = arith.mulf %parallel_loop3A_678, %parallel_loop3A_665 : vector<16xf32>
        %parallel_loop3A_680 = arith.mulf %parallel_loop3A_679, %get3A_74 : vector<16xf32>
        %parallel_loop3A_681 = arith.addf %parallel_loop3A_680, %get3A_106 : vector<16xf32>
        %parallel_loop3A_682 = arith.constant 16 : i32
        %parallel_loop3A_683 = arith.addi %parallel_loop3A_669, %parallel_loop3A_682 : i32
        %parallel_loop3A_684 = arith.index_cast %parallel_loop3A_683 : i32 to index
        %parallel_loop3A_685 = tpu.vector_load %arg24[%parallel_loop3A_684] {strides = array<i32>} : memref<16384xf32, #tpu.memory_space<vmem>>, vector<16xf32>,
        tpu.vector_store %arg24[%parallel_loop3A_684], %parallel_loop3A_681 {strides = array<i32>} : memref<16384xf32, #tpu.memory_space<vmem>>, vector<16xf32>,
        %parallel_loop3A_686 = arith.subf %parallel_loop3A_435, %parallel_loop3A_667 : vector<16xf32>
        %parallel_loop3A_687 = arith.mulf %parallel_loop3A_686, %parallel_loop3A_665 : vector<16xf32>
        %parallel_loop3A_688 = arith.mulf %parallel_loop3A_687, %get3A_76 : vector<16xf32>
        %parallel_loop3A_689 = arith.addf %parallel_loop3A_688, %get3A_108 : vector<16xf32>
        %parallel_loop3A_690 = arith.constant 32 : i32
        %parallel_loop3A_691 = arith.addi %parallel_loop3A_669, %parallel_loop3A_690 : i32
        %parallel_loop3A_692 = arith.index_cast %parallel_loop3A_691 : i32 to index
        %parallel_loop3A_693 = tpu.vector_load %arg24[%parallel_loop3A_692] {strides = array<i32>} : memref<16384xf32, #tpu.memory_space<vmem>>, vector<16xf32>,
        tpu.vector_store %arg24[%parallel_loop3A_692], %parallel_loop3A_689 {strides = array<i32>} : memref<16384xf32, #tpu.memory_space<vmem>>, vector<16xf32>,
        %parallel_loop3A_694 = arith.subf %parallel_loop3A_449, %parallel_loop3A_667 : vector<16xf32>
        %parallel_loop3A_695 = arith.mulf %parallel_loop3A_694, %parallel_loop3A_665 : vector<16xf32>
        %parallel_loop3A_696 = arith.mulf %parallel_loop3A_695, %get3A_78 : vector<16xf32>
        %parallel_loop3A_697 = arith.addf %parallel_loop3A_696, %get3A_110 : vector<16xf32>
        %parallel_loop3A_698 = arith.constant 48 : i32
        %parallel_loop3A_699 = arith.addi %parallel_loop3A_669, %parallel_loop3A_698 : i32
        %parallel_loop3A_700 = arith.index_cast %parallel_loop3A_699 : i32 to index
        %parallel_loop3A_701 = tpu.vector_load %arg24[%parallel_loop3A_700] {strides = array<i32>} : memref<16384xf32, #tpu.memory_space<vmem>>, vector<16xf32>,
        tpu.vector_store %arg24[%parallel_loop3A_700], %parallel_loop3A_697 {strides = array<i32>} : memref<16384xf32, #tpu.memory_space<vmem>>, vector<16xf32>,
        %parallel_loop3A_702 = arith.subf %parallel_loop3A_463, %parallel_loop3A_667 : vector<16xf32>
        %parallel_loop3A_703 = arith.mulf %parallel_loop3A_702, %parallel_loop3A_665 : vector<16xf32>
        %parallel_loop3A_704 = arith.mulf %parallel_loop3A_703, %get3A_80 : vector<16xf32>
        %parallel_loop3A_705 = arith.addf %parallel_loop3A_704, %get3A_112 : vector<16xf32>
        %parallel_loop3A_706 = arith.constant 64 : i32
        %parallel_loop3A_707 = arith.addi %parallel_loop3A_669, %parallel_loop3A_706 : i32
        %parallel_loop3A_708 = arith.index_cast %parallel_loop3A_707 : i32 to index
        %parallel_loop3A_709 = tpu.vector_load %arg24[%parallel_loop3A_708] {strides = array<i32>} : memref<16384xf32, #tpu.memory_space<vmem>>, vector<16xf32>,
        tpu.vector_store %arg24[%parallel_loop3A_708], %parallel_loop3A_705 {strides = array<i32>} : memref<16384xf32, #tpu.memory_space<vmem>>, vector<16xf32>,
        %parallel_loop3A_710 = arith.subf %parallel_loop3A_477, %parallel_loop3A_667 : vector<16xf32>
        %parallel_loop3A_711 = arith.mulf %parallel_loop3A_710, %parallel_loop3A_665 : vector<16xf32>
        %parallel_loop3A_712 = arith.mulf %parallel_loop3A_711, %get3A_82 : vector<16xf32>
        %parallel_loop3A_713 = arith.addf %parallel_loop3A_712, %get3A_114 : vector<16xf32>
        %parallel_loop3A_714 = arith.constant 80 : i32
        %parallel_loop3A_715 = arith.addi %parallel_loop3A_669, %parallel_loop3A_714 : i32
        %parallel_loop3A_716 = arith.index_cast %parallel_loop3A_715 : i32 to index
        %parallel_loop3A_717 = tpu.vector_load %arg24[%parallel_loop3A_716] {strides = array<i32>} : memref<16384xf32, #tpu.memory_space<vmem>>, vector<16xf32>,
        tpu.vector_store %arg24[%parallel_loop3A_716], %parallel_loop3A_713 {strides = array<i32>} : memref<16384xf32, #tpu.memory_space<vmem>>, vector<16xf32>,
        %parallel_loop3A_718 = arith.subf %parallel_loop3A_491, %parallel_loop3A_667 : vector<16xf32>
        %parallel_loop3A_719 = arith.mulf %parallel_loop3A_718, %parallel_loop3A_665 : vector<16xf32>
        %parallel_loop3A_720 = arith.mulf %parallel_loop3A_719, %get3A_84 : vector<16xf32>
        %parallel_loop3A_721 = arith.addf %parallel_loop3A_720, %get3A_116 : vector<16xf32>
        %parallel_loop3A_722 = arith.constant 96 : i32
        %parallel_loop3A_723 = arith.addi %parallel_loop3A_669, %parallel_loop3A_722 : i32
        %parallel_loop3A_724 = arith.index_cast %parallel_loop3A_723 : i32 to index
        %parallel_loop3A_725 = tpu.vector_load %arg24[%parallel_loop3A_724] {strides = array<i32>} : memref<16384xf32, #tpu.memory_space<vmem>>, vector<16xf32>,
        tpu.vector_store %arg24[%parallel_loop3A_724], %parallel_loop3A_721 {strides = array<i32>} : memref<16384xf32, #tpu.memory_space<vmem>>, vector<16xf32>,
        %parallel_loop3A_726 = arith.subf %parallel_loop3A_505, %parallel_loop3A_667 : vector<16xf32>
        %parallel_loop3A_727 = arith.mulf %parallel_loop3A_726, %parallel_loop3A_665 : vector<16xf32>
        %parallel_loop3A_728 = arith.mulf %parallel_loop3A_727, %get3A_86 : vector<16xf32>
        %parallel_loop3A_729 = arith.addf %parallel_loop3A_728, %get3A_118 : vector<16xf32>
        %parallel_loop3A_730 = arith.constant 112 : i32
        %parallel_loop3A_731 = arith.addi %parallel_loop3A_669, %parallel_loop3A_730 : i32
        %parallel_loop3A_732 = arith.index_cast %parallel_loop3A_731 : i32 to index
        %parallel_loop3A_733 = tpu.vector_load %arg24[%parallel_loop3A_732] {strides = array<i32>} : memref<16384xf32, #tpu.memory_space<vmem>>, vector<16xf32>,
        tpu.vector_store %arg24[%parallel_loop3A_732], %parallel_loop3A_729 {strides = array<i32>} : memref<16384xf32, #tpu.memory_space<vmem>>, vector<16xf32>,
        %parallel_loop3A_734 = arith.subf %parallel_loop3A_519, %parallel_loop3A_667 : vector<16xf32>
        %parallel_loop3A_735 = arith.mulf %parallel_loop3A_734, %parallel_loop3A_665 : vector<16xf32>
        %parallel_loop3A_736 = arith.mulf %parallel_loop3A_735, %get3A_88 : vector<16xf32>
        %parallel_loop3A_737 = arith.addf %parallel_loop3A_736, %get3A_120 : vector<16xf32>
        %parallel_loop3A_738 = arith.constant 128 : i32
        %parallel_loop3A_739 = arith.addi %parallel_loop3A_669, %parallel_loop3A_738 : i32
        %parallel_loop3A_740 = arith.index_cast %parallel_loop3A_739 : i32 to index
        %parallel_loop3A_741 = tpu.vector_load %arg24[%parallel_loop3A_740] {strides = array<i32>} : memref<16384xf32, #tpu.memory_space<vmem>>, vector<16xf32>,
        tpu.vector_store %arg24[%parallel_loop3A_740], %parallel_loop3A_737 {strides = array<i32>} : memref<16384xf32, #tpu.memory_space<vmem>>, vector<16xf32>,
        %parallel_loop3A_742 = arith.subf %parallel_loop3A_533, %parallel_loop3A_667 : vector<16xf32>
        %parallel_loop3A_743 = arith.mulf %parallel_loop3A_742, %parallel_loop3A_665 : vector<16xf32>
        %parallel_loop3A_744 = arith.mulf %parallel_loop3A_743, %get3A_90 : vector<16xf32>
        %parallel_loop3A_745 = arith.addf %parallel_loop3A_744, %get3A_122 : vector<16xf32>
        %parallel_loop3A_746 = arith.constant 144 : i32
        %parallel_loop3A_747 = arith.addi %parallel_loop3A_669, %parallel_loop3A_746 : i32
        %parallel_loop3A_748 = arith.index_cast %parallel_loop3A_747 : i32 to index
        %parallel_loop3A_749 = tpu.vector_load %arg24[%parallel_loop3A_748] {strides = array<i32>} : memref<16384xf32, #tpu.memory_space<vmem>>, vector<16xf32>,
        tpu.vector_store %arg24[%parallel_loop3A_748], %parallel_loop3A_745 {strides = array<i32>} : memref<16384xf32, #tpu.memory_space<vmem>>, vector<16xf32>,
        %parallel_loop3A_750 = arith.subf %parallel_loop3A_547, %parallel_loop3A_667 : vector<16xf32>
        %parallel_loop3A_751 = arith.mulf %parallel_loop3A_750, %parallel_loop3A_665 : vector<16xf32>
        %parallel_loop3A_752 = arith.mulf %parallel_loop3A_751, %get3A_92 : vector<16xf32>
        %parallel_loop3A_753 = arith.addf %parallel_loop3A_752, %get3A_124 : vector<16xf32>
        %parallel_loop3A_754 = arith.constant 160 : i32
        %parallel_loop3A_755 = arith.addi %parallel_loop3A_669, %parallel_loop3A_754 : i32
        %parallel_loop3A_756 = arith.index_cast %parallel_loop3A_755 : i32 to index
        %parallel_loop3A_757 = tpu.vector_load %arg24[%parallel_loop3A_756] {strides = array<i32>} : memref<16384xf32, #tpu.memory_space<vmem>>, vector<16xf32>,
        tpu.vector_store %arg24[%parallel_loop3A_756], %parallel_loop3A_753 {strides = array<i32>} : memref<16384xf32, #tpu.memory_space<vmem>>, vector<16xf32>,
        %parallel_loop3A_758 = arith.subf %parallel_loop3A_561, %parallel_loop3A_667 : vector<16xf32>
        %parallel_loop3A_759 = arith.mulf %parallel_loop3A_758, %parallel_loop3A_665 : vector<16xf32>
        %parallel_loop3A_760 = arith.mulf %parallel_loop3A_759, %get3A_94 : vector<16xf32>
        %parallel_loop3A_761 = arith.addf %parallel_loop3A_760, %get3A_126 : vector<16xf32>
        %parallel_loop3A_762 = arith.constant 176 : i32
        %parallel_loop3A_763 = arith.addi %parallel_loop3A_669, %parallel_loop3A_762 : i32
        %parallel_loop3A_764 = arith.index_cast %parallel_loop3A_763 : i32 to index
        %parallel_loop3A_765 = tpu.vector_load %arg24[%parallel_loop3A_764] {strides = array<i32>} : memref<16384xf32, #tpu.memory_space<vmem>>, vector<16xf32>,
        tpu.vector_store %arg24[%parallel_loop3A_764], %parallel_loop3A_761 {strides = array<i32>} : memref<16384xf32, #tpu.memory_space<vmem>>, vector<16xf32>,
        %parallel_loop3A_766 = arith.subf %parallel_loop3A_575, %parallel_loop3A_667 : vector<16xf32>
        %parallel_loop3A_767 = arith.mulf %parallel_loop3A_766, %parallel_loop3A_665 : vector<16xf32>
        %parallel_loop3A_768 = arith.mulf %parallel_loop3A_767, %get3A_96 : vector<16xf32>
        %parallel_loop3A_769 = arith.addf %parallel_loop3A_768, %get3A_128 : vector<16xf32>
        %parallel_loop3A_770 = arith.constant 192 : i32
        %parallel_loop3A_771 = arith.addi %parallel_loop3A_669, %parallel_loop3A_770 : i32
        %parallel_loop3A_772 = arith.index_cast %parallel_loop3A_771 : i32 to index
        %parallel_loop3A_773 = tpu.vector_load %arg24[%parallel_loop3A_772] {strides = array<i32>} : memref<16384xf32, #tpu.memory_space<vmem>>, vector<16xf32>,
        tpu.vector_store %arg24[%parallel_loop3A_772], %parallel_loop3A_769 {strides = array<i32>} : memref<16384xf32, #tpu.memory_space<vmem>>, vector<16xf32>,
        %parallel_loop3A_774 = arith.subf %parallel_loop3A_589, %parallel_loop3A_667 : vector<16xf32>
        %parallel_loop3A_775 = arith.mulf %parallel_loop3A_774, %parallel_loop3A_665 : vector<16xf32>
        %parallel_loop3A_776 = arith.mulf %parallel_loop3A_775, %get3A_98 : vector<16xf32>
        %parallel_loop3A_777 = arith.addf %parallel_loop3A_776, %get3A_130 : vector<16xf32>
        %parallel_loop3A_778 = arith.constant 208 : i32
        %parallel_loop3A_779 = arith.addi %parallel_loop3A_669, %parallel_loop3A_778 : i32
        %parallel_loop3A_780 = arith.index_cast %parallel_loop3A_779 : i32 to index
        %parallel_loop3A_781 = tpu.vector_load %arg24[%parallel_loop3A_780] {strides = array<i32>} : memref<16384xf32, #tpu.memory_space<vmem>>, vector<16xf32>,
        tpu.vector_store %arg24[%parallel_loop3A_780], %parallel_loop3A_777 {strides = array<i32>} : memref<16384xf32, #tpu.memory_space<vmem>>, vector<16xf32>,
        %parallel_loop3A_782 = arith.subf %parallel_loop3A_603, %parallel_loop3A_667 : vector<16xf32>
        %parallel_loop3A_783 = arith.mulf %parallel_loop3A_782, %parallel_loop3A_665 : vector<16xf32>
        %parallel_loop3A_784 = arith.mulf %parallel_loop3A_783, %get3A_100 : vector<16xf32>
        %parallel_loop3A_785 = arith.addf %parallel_loop3A_784, %get3A_132 : vector<16xf32>
        %parallel_loop3A_786 = arith.constant 224 : i32
        %parallel_loop3A_787 = arith.addi %parallel_loop3A_669, %parallel_loop3A_786 : i32
        %parallel_loop3A_788 = arith.index_cast %parallel_loop3A_787 : i32 to index
        %parallel_loop3A_789 = tpu.vector_load %arg24[%parallel_loop3A_788] {strides = array<i32>} : memref<16384xf32, #tpu.memory_space<vmem>>, vector<16xf32>,
        tpu.vector_store %arg24[%parallel_loop3A_788], %parallel_loop3A_785 {strides = array<i32>} : memref<16384xf32, #tpu.memory_space<vmem>>, vector<16xf32>,
        %parallel_loop3A_790 = arith.subf %parallel_loop3A_617, %parallel_loop3A_667 : vector<16xf32>
        %parallel_loop3A_791 = arith.mulf %parallel_loop3A_790, %parallel_loop3A_665 : vector<16xf32>
        %parallel_loop3A_792 = arith.mulf %parallel_loop3A_791, %get3A_102 : vector<16xf32>
        %parallel_loop3A_793 = arith.addf %parallel_loop3A_792, %get3A_134 : vector<16xf32>
        %parallel_loop3A_794 = arith.constant 240 : i32
        %parallel_loop3A_795 = arith.addi %parallel_loop3A_669, %parallel_loop3A_794 : i32
        %parallel_loop3A_796 = arith.index_cast %parallel_loop3A_795 : i32 to index
        %parallel_loop3A_797 = tpu.vector_load %arg24[%parallel_loop3A_796] {strides = array<i32>} : memref<16384xf32, #tpu.memory_space<vmem>>, vector<16xf32>,
        tpu.vector_store %arg24[%parallel_loop3A_796], %parallel_loop3A_793 {strides = array<i32>} : memref<16384xf32, #tpu.memory_space<vmem>>, vector<16xf32>,
      } {sc.loop_unroll_factor = 6 : i64, sc.parallel_access}
      %mul3A_381 = arith.constant 64 : i32
      %mul3A_382 = arith.muli %add3A_152, %mul3A_381 : i32
      %add3A_383 = arith.addi %mul3A_2, %mul3A_382 : i32
      %mul3A_384 = arith.constant 256 : i32
      %mul3A_385 = arith.muli %add3A_383, %mul3A_384 : i32
      %dma_start3A_386 = tpu.memref_slice %arg10[%mul3A_385] : memref<209715200xf32, #tpu.memory_space<hbm>> -> memref<16384xf32, #tpu.memory_space<hbm>>
      %dma_start3A_387 = tpu.memref_slice %arg10[%mul3A_385] : memref<209715200xf32, #tpu.memory_space<hbm>> -> memref<16384xf32, #tpu.memory_space<hbm>>
      tpu.enqueue_dma source(%arg24 : memref<16384xf32, #tpu.memory_space<vmem>>) target(%dma_start3A_387 : memref<16384xf32, #tpu.memory_space<hbm>>) target_semaphore(%arg32 : memref<!tpu.dma_semaphore, #tpu.memory_space<semaphore_mem>>)
    }
    %scan3A_140 = arith.constant 200 : i32
    %dma_wait3A = arith.constant 0 : i32
    %dma_wait3A_141 = tpu.memref_slice %arg10[%dma_wait3A] : memref<209715200xf32, #tpu.memory_space<hbm>> -> memref<16384xf32, #tpu.memory_space<hbm>>
    %dma_wait3A_142 = arith.constant 0 : i32
    %dma_wait3A_143 = tpu.memref_slice %arg10[%dma_wait3A_142] : memref<209715200xf32, #tpu.memory_space<hbm>> -> memref<16384xf32, #tpu.memory_space<hbm>>
    tpu.wait_dma2 semaphore(%arg31 : memref<!tpu.dma_semaphore, #tpu.memory_space<semaphore_mem>>) src(%arg23 : memref<16384xf32, #tpu.memory_space<vmem>>) dst(%dma_wait3A_143 : memref<16384xf32, #tpu.memory_space<hbm>>)
    %dma_wait3A_144 = arith.constant 0 : i32
    %dma_wait3A_145 = tpu.memref_slice %arg10[%dma_wait3A_144] : memref<209715200xf32, #tpu.memory_space<hbm>> -> memref<16384xf32, #tpu.memory_space<hbm>>
    %dma_wait3A_146 = arith.constant 0 : i32
    %dma_wait3A_147 = tpu.memref_slice %arg10[%dma_wait3A_146] : memref<209715200xf32, #tpu.memory_space<hbm>> -> memref<16384xf32, #tpu.memory_space<hbm>>
    tpu.wait_dma2 semaphore(%arg32 : memref<!tpu.dma_semaphore, #tpu.memory_space<semaphore_mem>>) src(%arg24 : memref<16384xf32, #tpu.memory_space<vmem>>) dst(%dma_wait3A_147 : memref<16384xf32, #tpu.memory_space<hbm>>)
    return
  }
}

module attributes {stable_mosaic.version = 14 : i64} {
  func.func @_fold_tables_body(%arg0: memref<256x32xf32, #tpu.memory_space<vmem>>, %arg1: memref<64x32xf32, #tpu.memory_space<vmem>>, %arg2: memref<2x8xf32, #tpu.memory_space<vmem>>, %arg3: memref<1x32xf32, #tpu.memory_space<vmem>>, %arg4: memref<1x32xf32, #tpu.memory_space<vmem>>, %arg5: memref<136x256xf32, #tpu.memory_space<vmem>>, %arg6: memref<256xf32, #tpu.memory_space<vmem>>, %arg7: memref<32xf32, #tpu.memory_space<vmem>>, %arg8: memref<32xf32, #tpu.memory_space<vmem>>, %arg9: memref<384x256xf32, #tpu.memory_space<vmem>>, %arg10: memref<2x256xf32, #tpu.memory_space<vmem>>) attributes {dimension_semantics = [], scalar_prefetch = 0 : i64, scratch_operands = 0 : i64, tpu.core_type = #tpu.core_type<tc>} {
    %get3A = arith.constant 0 : index
    %get3A_0 = arith.constant 0 : index
    %get3A_1 = vector.load %arg5[%get3A, %get3A_0] : memref<136x256xf32, #tpu.memory_space<vmem>>, vector<136x256xf32>
    %slice3A = vector.extract_strided_slice %get3A_1 {offsets = [0, 0], sizes = [32, 256], strides = [1, 1]} : vector<136x256xf32> to vector<32x256xf32>
    %slice3A_2 = vector.extract_strided_slice %get3A_1 {offsets = [32, 0], sizes = [32, 256], strides = [1, 1]} : vector<136x256xf32> to vector<32x256xf32>
    %slice3A_3 = vector.extract_strided_slice %get3A_1 {offsets = [64, 0], sizes = [32, 256], strides = [1, 1]} : vector<136x256xf32> to vector<32x256xf32>
    %slice3A_4 = vector.extract_strided_slice %get3A_1 {offsets = [96, 0], sizes = [32, 256], strides = [1, 1]} : vector<136x256xf32> to vector<32x256xf32>
    %slice3A_5 = vector.extract_strided_slice %get3A_1 {offsets = [128, 0], sizes = [8, 256], strides = [1, 1]} : vector<136x256xf32> to vector<8x256xf32>
    %get3A_6 = arith.constant 0 : index
    %get3A_7 = arith.constant 0 : index
    %get3A_8 = vector.load %arg0[%get3A_6, %get3A_7] : memref<256x32xf32, #tpu.memory_space<vmem>>, vector<256x32xf32>
    %dot_general3A = arith.constant dense<0.000000e+00> : vector<256x256xf32>
    %dot_general3A_9 = tpu.matmul %get3A_8, %slice3A, %dot_general3A {dimension_numbers = #tpu.dot_dimension_numbers<[1], [0], [0], [1], [0, 0, 1, 1], [], []>, transpose_lhs_hint = false} : vector<256x32xf32>, vector<32x256xf32>, vector<256x256xf32> -> vector<256x256xf32>
    %swap3A = arith.constant 0 : index
    %swap3A_10 = arith.constant 0 : index
    %swap3A_11 = vector.load %arg9[%swap3A, %swap3A_10] : memref<384x256xf32, #tpu.memory_space<vmem>>, vector<256x256xf32>
    tpu.vector_store %arg9[%swap3A, %swap3A_10], %dot_general3A_9 {strides = array<i32>} : memref<384x256xf32, #tpu.memory_space<vmem>>, vector<256x256xf32>,
    %get3A_12 = arith.constant 0 : index
    %get3A_13 = vector.load %arg6[%get3A_12] : memref<256xf32, #tpu.memory_space<vmem>>, vector<256xf32>
    %get3A_14 = arith.constant 0 : index
    %get3A_15 = vector.load %arg7[%get3A_14] : memref<32xf32, #tpu.memory_space<vmem>>, vector<32xf32>
    %reshape3A = vector.shape_cast %get3A_15 : vector<32xf32> to vector<1x32xf32>
    %dot_general3A_16 = arith.constant dense<0.000000e+00> : vector<1x256xf32>
    %dot_general3A_17 = tpu.matmul %reshape3A, %slice3A_2, %dot_general3A_16 {dimension_numbers = #tpu.dot_dimension_numbers<[1], [0], [0], [1], [0, 0, 1, 1], [], []>, transpose_lhs_hint = false} : vector<1x32xf32>, vector<32x256xf32>, vector<1x256xf32> -> vector<1x256xf32>
    %squeeze3A = vector.shape_cast %dot_general3A_17 : vector<1x256xf32> to vector<256xf32>
    %add3A = arith.addf %get3A_13, %squeeze3A : vector<256xf32>
    %get3A_18 = arith.constant 0 : index
    %get3A_19 = vector.load %arg8[%get3A_18] : memref<32xf32, #tpu.memory_space<vmem>>, vector<32xf32>
    %reshape3A_20 = vector.shape_cast %get3A_19 : vector<32xf32> to vector<1x32xf32>
    %dot_general3A_21 = arith.constant dense<0.000000e+00> : vector<1x256xf32>
    %dot_general3A_22 = tpu.matmul %reshape3A_20, %slice3A_4, %dot_general3A_21 {dimension_numbers = #tpu.dot_dimension_numbers<[1], [0], [0], [1], [0, 0, 1, 1], [], []>, transpose_lhs_hint = false} : vector<1x32xf32>, vector<32x256xf32>, vector<1x256xf32> -> vector<1x256xf32>
    %squeeze3A_23 = vector.shape_cast %dot_general3A_22 : vector<1x256xf32> to vector<256xf32>
    %add3A_24 = arith.addf %add3A, %squeeze3A_23 : vector<256xf32>
    %get3A_25 = arith.constant 0 : index
    %get3A_26 = arith.constant 0 : index
    %get3A_27 = vector.load %arg1[%get3A_25, %get3A_26] : memref<64x32xf32, #tpu.memory_space<vmem>>, vector<64x32xf32>
    %dot_general3A_28 = arith.constant dense<0.000000e+00> : vector<64x256xf32>
    %dot_general3A_29 = tpu.matmul %get3A_27, %slice3A_3, %dot_general3A_28 {dimension_numbers = #tpu.dot_dimension_numbers<[1], [0], [0], [1], [0, 0, 1, 1], [], []>, transpose_lhs_hint = false} : vector<64x32xf32>, vector<32x256xf32>, vector<64x256xf32> -> vector<64x256xf32>
    %get3A_30 = arith.constant 0 : index
    %get3A_31 = arith.constant 0 : index
    %get3A_32 = vector.load %arg2[%get3A_30, %get3A_31] : memref<2x8xf32, #tpu.memory_space<vmem>>, vector<2x8xf32>
    %dot_general3A_33 = arith.constant dense<0.000000e+00> : vector<2x256xf32>
    %dot_general3A_34 = tpu.matmul %get3A_32, %slice3A_5, %dot_general3A_33 {dimension_numbers = #tpu.dot_dimension_numbers<[1], [0], [0], [1], [0, 0, 1, 1], [], []>, transpose_lhs_hint = false} : vector<2x8xf32>, vector<8x256xf32>, vector<2x256xf32> -> vector<2x256xf32>
    %broadcast_in_dim3A = vector.shape_cast %dot_general3A_29 : vector<64x256xf32> to vector<1x64x256xf32>
    %broadcast_in_dim3A_35 = vector.shape_cast %dot_general3A_34 : vector<2x256xf32> to vector<2x1x256xf32>
    %add3A_36 = vector.broadcast %broadcast_in_dim3A : vector<1x64x256xf32> to vector<2x64x256xf32>
    %add3A_37 = vector.broadcast %broadcast_in_dim3A_35 : vector<2x1x256xf32> to vector<2x64x256xf32>
    %add3A_38 = arith.addf %add3A_36, %add3A_37 : vector<2x64x256xf32>
    %broadcast_in_dim3A_39 = vector.shape_cast %add3A_24 : vector<256xf32> to vector<1x1x256xf32>
    %add3A_40 = vector.broadcast %broadcast_in_dim3A_39 : vector<1x1x256xf32> to vector<2x64x256xf32>
    %add3A_41 = arith.addf %add3A_38, %add3A_40 : vector<2x64x256xf32>
    %reshape3A_42 = vector.shape_cast %add3A_41 : vector<2x64x256xf32> to vector<128x256xf32>
    %swap3A_43 = arith.constant 256 : index
    %swap3A_44 = arith.constant 0 : index
    %swap3A_45 = vector.load %arg9[%swap3A_43, %swap3A_44] : memref<384x256xf32, #tpu.memory_space<vmem>>, vector<128x256xf32>
    tpu.vector_store %arg9[%swap3A_43, %swap3A_44], %reshape3A_42 {strides = array<i32>} : memref<384x256xf32, #tpu.memory_space<vmem>>, vector<128x256xf32>,
    %get3A_46 = arith.constant 0 : index
    %get3A_47 = arith.constant 0 : index
    %get3A_48 = vector.load %arg3[%get3A_46, %get3A_47] : memref<1x32xf32, #tpu.memory_space<vmem>>, vector<1x32xf32>
    %dot_general3A_49 = arith.constant dense<0.000000e+00> : vector<1x256xf32>
    %dot_general3A_50 = tpu.matmul %get3A_48, %slice3A_2, %dot_general3A_49 {dimension_numbers = #tpu.dot_dimension_numbers<[1], [0], [0], [1], [0, 0, 1, 1], [], []>, transpose_lhs_hint = false} : vector<1x32xf32>, vector<32x256xf32>, vector<1x256xf32> -> vector<1x256xf32>
    %get3A_51 = arith.constant 0 : index
    %get3A_52 = arith.constant 0 : index
    %get3A_53 = vector.load %arg4[%get3A_51, %get3A_52] : memref<1x32xf32, #tpu.memory_space<vmem>>, vector<1x32xf32>
    %dot_general3A_54 = arith.constant dense<0.000000e+00> : vector<1x256xf32>
    %dot_general3A_55 = tpu.matmul %get3A_53, %slice3A_4, %dot_general3A_54 {dimension_numbers = #tpu.dot_dimension_numbers<[1], [0], [0], [1], [0, 0, 1, 1], [], []>, transpose_lhs_hint = false} : vector<1x32xf32>, vector<32x256xf32>, vector<1x256xf32> -> vector<1x256xf32>
    %concatenate3A = tpu.concatenate %dot_general3A_50, %dot_general3A_55 in 0 : vector<1x256xf32>, vector<1x256xf32> -> vector<2x256xf32>
    %swap3A_56 = arith.constant 0 : index
    %swap3A_57 = arith.constant 0 : index
    %swap3A_58 = vector.load %arg10[%swap3A_56, %swap3A_57] : memref<2x256xf32, #tpu.memory_space<vmem>>, vector<2x256xf32>
    tpu.vector_store %arg10[%swap3A_56, %swap3A_57], %concatenate3A {strides = array<i32>} : memref<2x256xf32, #tpu.memory_space<vmem>>, vector<2x256xf32>,
    return
  }
}

</mosaic_0001>

<sc_bundles>
// kernel: kernel.4.cloned.1.call-start
scs
__scs_entry_jumppad:
0x0: {  	(pc) =	sbr.rel $0x88, $3  }
0x1: {  	(tag) =	ssettag $0x0;
	lr =	simm.s32 $0x1  }
0x2: {  	[smem:$0x3F95] =	sst lr;
	_ =	strace $0xD0000000  }
0x3: {  	_ = 	snop  }
0x4: {  	_ = 	snop  }
0x5: {  	_ = 	snop  }
0x6: {  	_ = 	snop  }
0x7: {  	_ = 	snop  }
__scs_overlays_trampoline_lowered:
0x8: {  	[smem:$0x3FA4] =	sst s0  }
0x9: {  	[smem:$0x3FA5] =	sst s1  }
0xa: {  	[smem:$0x3FA6] =	sst s2  }
0xb: {  	[smem:$0x3FA7] =	sst s3  }
0xc: {  	[smem:$0x3FA8] =	sst s4  }
0xd: {  	[smem:$0x3FA9] =	sst s5  }
0xe: {  	[smem:$0x3FAA] =	sst s6  }
0xf: {  	[smem:$0x3FAB] =	sst s7  }
0x10: {  	[smem:$0x3FAC] =	sst s8  }
0x11: {  	[smem:$0x3FAD] =	sst s9;
	s0 =	simm.s32 @!p0 $0x0  }
0x12: {  	s1 =	sld [smem:$0x3F93];
	s0 =	simm.s32 @p0 $0x1  }
0x13: {  	[smem:$0x3FAE] =	sst s0;
	s0 =	simm.s32 @!p1 $0x0  }
0x14: {  	s2 =	sld [smem:$0x3F92];
	s0 =	simm.s32 @p1 $0x1  }
0x15: {  	[smem:$0x3FAF] =	sst s0;
	s0 =	simm.s32 @!p2 $0x0  }
0x16: {  	s3 =	sld [smem:$0x3FDB];
	s0 =	simm.s32 @p2 $0x1  }
0x17: {  	s4 =	simm.s32 $0x1BF5;
	[smem:$0x3FB1] =	sst s0  }
0x18: {  	s0 =	sld [smem:$0x3F94];
	_ =	swait.ge [sflag:s4], $0x0  }
0x19: {  	s7 =	sld [smem:$0x3F95]  }
0x1a: {  	s8 =	sadd.s32 $0xFFFFE003, lr  }
0x1b: {  	s9 =	sadd.s32 $0xFFFFFEF7, lr;
	s5 =	simm.s32 $0xFFFFFFFF;
	p2 =	slt.u32 s8, $0xFFFFF086  }
0x1c: {  	p1 =	slt.u32 s9, $0xF7A;
	s5 =	simm.s32 @!p2 $0x0  }
0x1d: {  	s5 =	simm.s32 @p1 $0x1;
	p0 =	seq.s32 s7, s2  }
0x1e: {  	s7 =	smul.u32 @!p0 $0xF7A, s2;
	p2 =	seq.s32 @!p0 s5, $0x0  }
0x1f: {  	s9 =	smul.u32 $0xF7A, s1;
	s8 =	simm.s32 @!p0 $0x1BF5;
	p2 =	por !p2, p0  }
0x20: {  	[sflag:s8] =	ssyncset.s32 @!p0 $0xFFFFF086;
	s6 =	sadd.s32 @!p0 s3, s7;
	s7 =	simm.s32 @!p0 $0x108  }
0x21: {  	s3 =	sadd.s32 s3, s9;
	s6 =	sadd.s32 @!p0 $0x88, s6;
	s7 =	simm.s32 @p2 $0x1082  }
0x22: {  	[simem:s7], [sflag:s8] =	dma.local @!p0 [hbm:s6], $0xF7A  }
0x23: {  	s9 =	sor.u32 $0xD0000000, s2;
	s6 =	simm.s32 $0x108;
	_ =	swait.ge @!p0 [sflag:s8], $0x0  }
0x24: {  	s3 =	sadd.s32 $0x88, s3;
	s6 =	simm.s32 @!p1 $0x1082;
	[sflag:s4] =	ssyncset.s32 $0xFFFFF086  }
0x25: {  	[simem:s6], [sflag:s4] =	dma.local [hbm:s3], $0xF7A  }
0x26: {  	[smem:$0x3F95] =	sst s1;
	(tag) =	ssettag s2;
	_ =	strace s9  }
0x27: {  	s1 =	sld [smem:$0x3FA5]  }
0x28: {  	s2 =	sld [smem:$0x3FA6]  }
0x29: {  	s4 =	sld [smem:$0x3FA8]  }
0x2a: {  	p0 =	seq.s32 s5, $0x0;
	s5 =	sld [smem:$0x3FA9]  }
0x2b: {  	s6 =	sld [smem:$0x3FAA]  }
0x2c: {  	s7 =	sld [smem:$0x3FAB]  }
0x2d: {  	s3 =	simm.s32 $0x108;
	s8 =	sld [smem:$0x3FAC]  }
0x2e: {  	s3 =	simm.s32 @!p0 $0x1082;
	s9 =	sld [smem:$0x3FAD]  }
0x2f: {  	lr =	sadd.s32 s0, s3;
	s0 =	sld [smem:$0x3FA4]  }
0x30: {  	s3 =	sld [smem:$0x3FA7]  }
0x31: {  	[smem:$0x3FB0] =	sst s10  }
0x32: {  	s10 =	sld [smem:$0x3FAE];
	_ =	sdelay $0x3  }
0x33: {  	p0 =	seq.s32 s10, $0x1;
	s10 =	sld [smem:$0x3FB0];
	_ =	sdelay $0x3  }
0x34: {  	[smem:$0x3FB0] =	sst s10  }
0x35: {  	s10 =	sld [smem:$0x3FAF];
	_ =	sdelay $0x3  }
0x36: {  	p1 =	seq.s32 s10, $0x1;
	s10 =	sld [smem:$0x3FB0];
	_ =	sdelay $0x3  }
0x37: {  	[smem:$0x3FB0] =	sst s10  }
0x38: {  	s10 =	sld [smem:$0x3FB1]  }
0x39: {  	_ = 	snop;
	(pc) =	sbr.ind lr, $3  }
0x3a: {  	_ = 	snop  }
0x3b: {  	_ = 	snop  }
0x3c: {  	p2 =	seq.s32 s10, $0x1;
	s10 =	sld [smem:$0x3FB0]  }
0x3d: {  	_ =	shalt  }
0x3e: {  	_ =	shalt  }
0x3f: {  	_ =	shalt  }
0x40: {  	_ =	shalt  }
0x41: {  	_ =	shalt  }
0x42: {  	_ =	shalt  }
0x43: {  	_ =	shalt  }
0x44: {  	_ =	shalt  }
0x45: {  	_ =	shalt  }
0x46: {  	_ =	shalt  }
0x47: {  	_ =	shalt  }
0x48: {  	_ =	shalt  }
0x49: {  	_ =	shalt  }
0x4a: {  	_ =	shalt  }
0x4b: {  	_ =	shalt  }
0x4c: {  	_ =	shalt  }
0x4d: {  	_ =	shalt  }
0x4e: {  	_ =	shalt  }
0x4f: {  	_ =	shalt  }
0x50: {  	_ =	shalt  }
0x51: {  	_ =	shalt  }
0x52: {  	_ =	shalt  }
0x53: {  	_ =	shalt  }
0x54: {  	_ =	shalt  }
0x55: {  	_ =	shalt  }
0x56: {  	_ =	shalt  }
0x57: {  	_ =	shalt  }
0x58: {  	_ =	shalt  }
0x59: {  	_ =	shalt  }
0x5a: {  	_ =	shalt  }
0x5b: {  	_ =	shalt  }
0x5c: {  	_ =	shalt  }
0x5d: {  	_ =	shalt  }
0x5e: {  	_ =	shalt  }
0x5f: {  	_ =	shalt  }
0x60: {  	_ =	shalt  }
0x61: {  	_ =	shalt  }
0x62: {  	_ =	shalt  }
0x63: {  	_ =	shalt  }
0x64: {  	_ =	shalt  }
0x65: {  	_ =	shalt  }
0x66: {  	_ =	shalt  }
0x67: {  	_ =	shalt  }
0x68: {  	_ =	shalt  }
0x69: {  	_ =	shalt  }
0x6a: {  	_ =	shalt  }
0x6b: {  	_ =	shalt  }
0x6c: {  	_ =	shalt  }
0x6d: {  	_ =	shalt  }
0x6e: {  	_ =	shalt  }
0x6f: {  	_ =	shalt  }
0x70: {  	_ =	shalt  }
0x71: {  	_ =	shalt  }
0x72: {  	_ =	shalt  }
0x73: {  	_ =	shalt  }
0x74: {  	_ =	shalt  }
0x75: {  	_ =	shalt  }
0x76: {  	_ =	shalt  }
0x77: {  	_ =	shalt  }
0x78: {  	_ =	shalt  }
0x79: {  	_ =	shalt  }
0x7a: {  	_ =	shalt  }
0x7b: {  	_ =	shalt  }
0x7c: {  	_ =	shalt  }
0x7d: {  	_ =	shalt  }
0x7e: {  	_ =	shalt  }
0x7f: {  	_ =	shalt  }
0x80: {  	_ =	shalt  }
0x81: {  	_ =	shalt  }
0x82: {  	_ =	shalt  }
0x83: {  	_ =	shalt  }
0x84: {  	_ =	shalt  }
0x85: {  	_ =	shalt  }
0x86: {  	_ =	shalt  }
0x87: {  	_ =	shalt  }
.Lfunc_end0:
.L_simem_size_0:
called_computation_lowered:
.L_overlay_start_0:
0x88: {  	s2 =	sld [smem:$0x3FD9]  }
0x89: {  	s3 =	sld [smem:$0x3FFE];
	_ =	sdelay $0x1  }
0x8a: {  	s1 =	srdreg.scid  }
0x8b: {  	s0 =	sand.u32 $0x1, s1  }
0x8c: {  	s17 =	sshll.u32 s0, $0xA;
	s2 =	sadd.s32 s3, s2  }
0x8d: {  	s2 =	sadd.s32 s2, s17  }
0x8e: {  	[smem:$0x3FBC] =	sst s2  }
0x8f: {  	_ = 	snop  }
0x90: {  	s2 =	sld [smem:$0x3FD0];
	(tm) =	ssettm $0x1  }
0x91: {  	s18 =	sld [smem:$0x3FFB];
	_ =	sdelay $0x3  }
0x92: {  	_ =	strace s18  }
0x93: {  	s3 =	sld [smem:$0x3FFC];
	_ =	sdelay $0x3  }
0x94: {  	_ =	strace s3  }
0x95: {  	s3 =	sld [smem:$0x3FFD];
	_ =	sdelay $0x3  }
0x96: {  	_ =	strace s3  }
0x97: {  	_ =	strace $0x8FFFFFFF  }
0x98: {  	s19 =	sld [smem:$0x3FDB];
	_ =	sdelay $0x1  }
0x99: {  	s4 =	simm.s32 $_scs_section_size  }
0x9a: {  	s5 =	simm.s32 $_size__tile_overlayer_lowered;
	s6 =	simm.s32 $_tile_overlayer_lowered  }
0x9b: {  	s22 =	simm.s32 $0x1BFF;
	s21 =	sshll.u32 s6, $0x1;
	s3 =	sadd.s32 s4, s19  }
0x9c: {  	s7 =	simm.s32 $0x0;
	s20 =	sshll.u32 s5, $0x1;
	s5 =	sadd.s32 s21, s3  }
0x9d: {  	[timem:s7], [sflag:s22] =	dma.local [hbm:s5], s20  }
0x9e: {  	_ =	swait.ge [sflag:s22], s20  }
0x9f: {  	s4 =	ssub.s32 $0x0, s20;
	[sflag:s22] =	ssyncset.done $0x0  }
0xa0: {  	[sflag:s22] =	ssyncadd.s32 s4;
	_ =	sdelay $0x1  }
0xa1: {  	s23 =	simm.s32 $0x1B8B  }
0xa2: {  	_ =	swait.ge [sflag:s23], $0x1  }
0xa3: {  	[sflag:s23] =	ssyncset.done $0x0  }
0xa4: {  	s25 =	simm.s32 $0x1B8E;
	s24 =	sld [smem:$0x3FFE];
	[sflag:s23] =	ssyncadd.s32 $0xFFFFFFFF  }
0xa5: {  	s26 =	simm.s32 $execute0_lowered;
	[smem:$0x3FD2] =	sst s25  }
0xa6: {  	s5 =	sshll.u32 s26, $0x1;
	_ =	strace $0x80000046;
	[dreg:$0x1] =	wrdreg $0xFFFFFFFF  }
0xa7: {  	s28 =	simm.s32 $_size_execute0_lowered;
	s3 =	sadd.s32 s3, s5;
	[dreg:$0x0] =	wrdreg $0x0  }
0xa8: {  	s5 =	sshll.u32 s28, $0x1;
	[dreg:$0x2] =	wrdreg s3  }
0xa9: {  	[dreg:$0x3] =	wrdreg s5  }
0xaa: {  	[dreg:$0x4] =	wrdreg $0xC0  }
0xab: {  	_ =	task [dreg:s7], $0x5FFFF  }
0xac: {  	[dreg:$0x1] =	wrdreg $0xFFFFFFFF  }
0xad: {  	[dreg:$0x0] =	wrdreg $0x60  }
0xae: {  	[dreg:$0x2] =	wrdreg s24  }
0xaf: {  	[dreg:$0x3] =	wrdreg s2  }
0xb0: {  	[dreg:$0x4] =	wrdreg $0x0  }
0xb1: {  	[dreg:$0x5] =	wrdreg $0x9  }
0xb2: {  	_ =	task.clear_ibuf [dreg:s7], $0x6FFFF;
	_ =	strace $0x90000046  }
0xb3: {  	s29 =	simm.s32 $0x9;
	_ =	strace $0x80000048  }
0xb4: {  	_ =	swait.ge [sflag:s29], $0x1  }
0xb5: {  	[sflag:s29] =	ssyncadd.s32 $0xFFFFFFFF  }
0xb6: {  	_ =	strace $0x90000048  }
0xb7: {  	_ =	sfence  }
0xb8: {  	s30 =	sld [smem:$0x0];
	_ =	sdelay $0x2  }
0xb9: {  	s31 =	sshll.u32 s1, $0xD;
	s1 =	sshrl.u32 s1, $0x2  }
0xba: {  	s3 =	sand.u32 $0x4000, s31;
	s1 =	sadd.s32 s1, s30  }
0xbb: {  	s0 =	sor.u32 s3, s0;
	s1 =	sshll.u32 s1, $0x11  }
0xbc: {  	s0 =	sor.u32 s1, s0  }
0xbd: {  	s0 =	sadd.s32 $0x8F2B, s0  }
0xbe: {  	[sflag:s0] =	ssyncadd.remote.s32 $0x1  }
0xbf: {  	_ =	sfence.sel $0xFFFF  }
0xc0: {  	[dreg:$0x0] =	wrdreg $0xFFFFFFFF;
	(pc) =	sbr.abs _section_cstart, $3  }
0xc1: {  	[dreg:$0x1] =	wrdreg $0xFFFFFFFF  }
0xc2: {  	_ =	task.clear_ibuf [dreg:s7], $0x2FFFF;
	_ =	strace $0x9FFFFFFF  }
0xc3: {  	(tm) =	ssettm $0x7FFFFFFF  }
tec
execute0_lowered:
.L_overlay_start_1:
0x0: {  	(tag) =	ssettag $0x1  }
0x1: {  	s0 =	rddreg [dreg:$0x0]  }
0x2: {  	s2 =	rddreg [dreg:$0x2]  }
0x3: {  	s3 =	simm.s32 $0x0;
	s23 =	srdreg.scid;
	s4 =	stileid.u32  }
0x4: {  	s18 =	simm.s32 $0x5;
	[smem:$0x7FF] =	sst s3;
	s1 =	sadd.s32 $0x1A00, s0  }
0x5: {  	s20 =	sadd.s32 $0x4A00, s0;
	s21 =	sadd.s32 $0x68C00, s0;
	s22 =	sadd.s32 $0x4FC00, s0  }
0x6: {  	s5 =	sadd.s32 $0x36C00, s0;
	_ =	strace $0x80000047;
	[dreg:$0x4] =	wrdreg s1  }
0x7: {  	s24 =	sshll.u32 s4, $0x1;
	s6 =	sadd.s32 $0x1DC00, s0;
	[dreg:$0x5] =	wrdreg s20  }
0x8: {  	s26 =	sadd.s32 $0x4C00, s0;
	s11 =	sadd.s32 $0x68E00, s0;
	[dreg:$0x6] =	wrdreg s21  }
0x9: {  	p0 =	sne.s32 s4, $0x0;
	[dreg:$0x7] =	wrdreg s22;
	s1 =	sand.u32 $0x1, s23  }
0xa: {  	[dreg:$0x8] =	wrdreg s5;
	s25 =	ssub.s32 $0x2, s1;
	s1 =	sor.u32 s1, s24  }
0xb: {  	s4 =	simm.s32 $0x1;
	[dreg:$0x9] =	wrdreg s6;
	s7 =	smul.u32 $0xC8000, s1  }
0xc: {  	[dreg:$0xa] =	wrdreg s26;
	s21 =	simm.s32 $0x2880;
	s30 =	smul.u32 $0x6400, s1  }
0xd: {  	s23 =	simm.s32 $0x4180;
	s28 =	sshrl.u32 s25, $0x1;
	s1 =	smul.u32 $0x640000, s1  }
0xe: {  	s6 =	simm.s32 $0x2;
	s29 =	ssub.s32 s25, s28;
	[dreg:$0xb] =	wrdreg s30  }
0xf: {  	s5 =	simm.s32 $0x0;
	[dreg:$0xc] =	wrdreg s1;
	s0 =	smax.u32 s29, $0x1  }
0x10: {  	s31 =	sadd.s32 s7, s11;
	[dreg:$0xd] =	wrdreg s0;
	s0 =	sshrl.u32 @!p0 s2, $0x3  }
0x11: {  	s25 =	simm.s32 $0x40;
	s15 =	sadd.s32 $0x800, s31;
	[dreg:$0xe] =	wrdreg s0  }
.LBB2_1:
0x12: {  	[dreg:$0xf] =	wrdreg s5  }
0x13: {  	s1 =	rddreg [dreg:$0x4]  }
0x14: {  	s0 =	simm.s32 @!p0 $0x1C05;
	s5 =	rddreg [dreg:$0xe]  }
0x15: {  	[spmem:s5], [sflag:s0] =	dma.local @!p0 [hbm:s1], $0x3000  }
0x16: {  	s0 =	simm.s32 @!p0 $0x5  }
0x17: {  	_ =	swait.ge @!p0 [sflag:s0], $0x3000  }
0x18: {  	[sflag:s0] =	ssyncset.done @!p0 $0x0  }
0x19: {  	s29 =	simm.s32 $0x1800;
	s28 =	rddreg [dreg:$0x5];
	[sflag:s0] =	ssyncadd.s32 @!p0 $0xFFFFD000  }
0x1a: {  	[tilespmem:s29], [sflag:$0x5] =	stream.linear.gather [hbm4b:s28+s3], $0x200, $0x38;
	[tilespmem:$0x1DB80] =	vst v63  }
0x1b: {  	_ =	swait.ge [sflag:s18], $0x200  }
0x1c: {  	[sflag:s18] =	ssyncset.done $0x0  }
0x1d: {  	s31 =	simm.s32 $0x1A00;
	s30 =	rddreg [dreg:$0x6];
	[sflag:s18] =	ssyncadd.s32 $0xFFFFFE00  }
0x1e: {  	[tilespmem:s31], [sflag:$0x5] =	stream.linear.gather [hbm4b:s30+s3], $0x200, $0x38;
	[tilespmem:$0x1DB80] =	vst v63  }
0x1f: {  	_ =	swait.ge [sflag:s18], $0x200  }
0x20: {  	[sflag:s18] =	ssyncset.done $0x0  }
0x21: {  	[sflag:s18] =	ssyncadd.s32 $0xFFFFFE00  }
0x22: {  	[bflag:$0x0] =	sbarrier.arrive $0xFFFF  }
0x23: {  	v0 =	vld [tilespmem:$0x1850]  }
0x24: {  	v36 =	vld [tilespmem:$0x1870]  }
0x25: {  	v37 =	vld [tilespmem:$0x1880]  }
0x26: {  	v38 =	vld [tilespmem:$0x1890]  }
0x27: {  	v39 =	vld [tilespmem:$0x18A0]  }
0x28: {  	v41 =	vld [tilespmem:$0x18B0];
	[tilespmem:$0x1FC00] =	vst v0  }
0x29: {  	v42 =	vld [tilespmem:$0x18C0];
	[tilespmem:$0x1FC10] =	vst v36  }
0x2a: {  	v43 =	vld [tilespmem:$0x18D0];
	[tilespmem:$0x1FC20] =	vst v37  }
0x2b: {  	v44 =	vld [tilespmem:$0x18E0];
	[tilespmem:$0x1FC30] =	vst v38  }
0x2c: {  	v46 =	vld [tilespmem:$0x18F0];
	[tilespmem:$0x1FC40] =	vst v39  }
0x2d: {  	v47 =	vld [tilespmem:$0x1900];
	[tilespmem:$0x1FC50] =	vst v41  }
0x2e: {  	v48 =	vld [tilespmem:$0x1910];
	[tilespmem:$0x1FC60] =	vst v42  }
0x2f: {  	v49 =	vld [tilespmem:$0x1920];
	[tilespmem:$0x1FC70] =	vst v43  }
0x30: {  	v51 =	vld [tilespmem:$0x1930];
	[tilespmem:$0x1FC80] =	vst v44  }
0x31: {  	v52 =	vld [tilespmem:$0x1940];
	[tilespmem:$0x1FC90] =	vst v46  }
0x32: {  	v53 =	vld [tilespmem:$0x1950];
	[tilespmem:$0x1FCA0] =	vst v47  }
0x33: {  	v54 =	vld [tilespmem:$0x1960];
	[tilespmem:$0x1FCB0] =	vst v48  }
0x34: {  	v55 =	vld [tilespmem:$0x1970];
	[tilespmem:$0x1FCC0] =	vst v49  }
0x35: {  	v56 =	vld [tilespmem:$0x1980];
	[tilespmem:$0x1FCD0] =	vst v51  }
0x36: {  	v57 =	vld [tilespmem:$0x19A0];
	[tilespmem:$0x1FCE0] =	vst v52  }
0x37: {  	v58 =	vld [tilespmem:$0x19B0];
	[tilespmem:$0x1FCF0] =	vst v53  }
0x38: {  	v59 =	vld [tilespmem:$0x19C0];
	[tilespmem:$0x1FD00] =	vst v54  }
0x39: {  	v60 =	vld [tilespmem:$0x19D0];
	[tilespmem:$0x1FD10] =	vst v55  }
0x3a: {  	v61 =	vld [tilespmem:$0x19E0];
	[tilespmem:$0x1FD20] =	vst v56  }
0x3b: {  	v40 =	vld [tilespmem:$0x1800];
	[tilespmem:$0x1FD30] =	vst v57  }
0x3c: {  	v45 =	vld [tilespmem:$0x1810];
	[tilespmem:$0x1FD40] =	vst v58  }
0x3d: {  	v50 =	vld [tilespmem:$0x1820];
	[tilespmem:$0x1FD50] =	vst v59  }
0x3e: {  	v27 =	vld [tilespmem:$0x1830];
	[tilespmem:$0x1FD60] =	vst v60  }
0x3f: {  	v28 =	vld [tilespmem:$0x1840];
	[tilespmem:$0x1FD70] =	vst v61  }
0x40: {  	v30 =	vld [tilespmem:$0x1860];
	[tilespmem:$0x1FD80] =	vst v40  }
0x41: {  	v63 =	vld [tilespmem:$0x1AA0];
	[tilespmem:$0x1FD90] =	vst v45  }
0x42: {  	v62 =	vld [tilespmem:$0x1AB0];
	[tilespmem:$0x1FDA0] =	vst v50  }
0x43: {  	v1 =	vld [tilespmem:$0x1AC0];
	[tilespmem:$0x1FDB0] =	vst v27  }
0x44: {  	v2 =	vld [tilespmem:$0x1AD0];
	[tilespmem:$0x1FDC0] =	vst v28  }
0x45: {  	v5 =	vld [tilespmem:$0x1AE0];
	[tilespmem:$0x1FDD0] =	vst v30  }
0x46: {  	v3 =	vld [tilespmem:$0x1AF0];
	[tilespmem:$0x1FEA0] =	vst v63  }
0x47: {  	v4 =	vld [tilespmem:$0x1B00];
	[tilespmem:$0x1FEB0] =	vst v62  }
0x48: {  	v6 =	vld [tilespmem:$0x1B10];
	[tilespmem:$0x1FEC0] =	vst v1  }
0x49: {  	v7 =	vld [tilespmem:$0x1B20];
	[tilespmem:$0x1FED0] =	vst v2  }
0x4a: {  	v9 =	vld [tilespmem:$0x1B40];
	[tilespmem:$0x1FEE0] =	vst v5  }
0x4b: {  	v10 =	vld [tilespmem:$0x1B50];
	[tilespmem:$0x1FEF0] =	vst v3  }
0x4c: {  	v11 =	vld [tilespmem:$0x1B60];
	[tilespmem:$0x1FF00] =	vst v4  }
0x4d: {  	v12 =	vld [tilespmem:$0x1B70];
	[tilespmem:$0x1FF10] =	vst v6  }
0x4e: {  	v13 =	vld [tilespmem:$0x1B80];
	[tilespmem:$0x1FF20] =	vst v7  }
0x4f: {  	v14 =	vld [tilespmem:$0x1B90];
	[tilespmem:$0x1FF40] =	vst v9  }
0x50: {  	v15 =	vld [tilespmem:$0x1BA0];
	[tilespmem:$0x1FF50] =	vst v10  }
0x51: {  	v16 =	vld [tilespmem:$0x1BB0];
	[tilespmem:$0x1FF60] =	vst v11  }
0x52: {  	v17 =	vld [tilespmem:$0x1BC0];
	[tilespmem:$0x1FF70] =	vst v12  }
0x53: {  	v18 =	vld [tilespmem:$0x1BD0];
	[tilespmem:$0x1FF80] =	vst v13  }
0x54: {  	v19 =	vld [tilespmem:$0x1BE0];
	[tilespmem:$0x1FF90] =	vst v14  }
0x55: {  	v20 =	vld [tilespmem:$0x1BF0];
	[tilespmem:$0x1FFA0] =	vst v15  }
0x56: {  	v44 =	vld [tilespmem:$0x1990];
	[tilespmem:$0x1FFB0] =	vst v16  }
0x57: {  	v36 =	vld [tilespmem:$0x19F0];
	[tilespmem:$0x1FFC0] =	vst v17  }
0x58: {  	v51 =	vld [tilespmem:$0x1A00];
	[tilespmem:$0x1FFD0] =	vst v18  }
0x59: {  	v39 =	vld [tilespmem:$0x1A10];
	[tilespmem:$0x1FFE0] =	vst v19  }
0x5a: {  	v52 =	vld [tilespmem:$0x1A20];
	[tilespmem:$0x1FFF0] =	vst v20  }
0x5b: {  	v37 =	vld [tilespmem:$0x1A30];
	[tilespmem:$0x1FDE0] =	vst v44  }
0x5c: {  	v53 =	vld [tilespmem:$0x1A40];
	[tilespmem:$0x1FDF0] =	vst v36  }
0x5d: {  	v54 =	vld [tilespmem:$0x1A50];
	[tilespmem:$0x1FE00] =	vst v51  }
0x5e: {  	v57 =	vld [tilespmem:$0x1A60];
	[tilespmem:$0x1FE10] =	vst v39  }
0x5f: {  	v38 =	vld [tilespmem:$0x1A70];
	[tilespmem:$0x1FE20] =	vst v52  }
0x60: {  	v58 =	vld [tilespmem:$0x1A80];
	[tilespmem:$0x1FE30] =	vst v37  }
0x61: {  	v59 =	vld [tilespmem:$0x1A90];
	[tilespmem:$0x1FE40] =	vst v53  }
0x62: {  	v47 =	vld [tilespmem:$0x1B30];
	[tilespmem:$0x1FE50] =	vst v54  }
0x63: {  	[tilespmem:$0x1FE60] =	vst v57  }
0x64: {  	[tilespmem:$0x1FE70] =	vst v38  }
0x65: {  	[tilespmem:$0x1FE80] =	vst v58  }
0x66: {  	[tilespmem:$0x1FE90] =	vst v59  }
0x67: {  	s20 =	simm.s32 $0x0;
	s22 =	simm.s32 $0x0;
	s24 =	simm.s32 $0x0;
	[tilespmem:$0x1FF30] =	vst v47  }
.LBB2_2:
0x68: {  	s0 =	smul.u32 $0x29, s24;
	_ =	sdelay $0x1  }
0x69: {  	s0 =	sshrl.u32 s0, $0xA  }
0x6a: {  	s1 =	sshll.u32 s24, $0x1;
	s0 =	sand.u32 $0x3F, s0  }
0x6b: {  	s5 =	sand.u32 $0xFFFE, s1;
	s7 =	smul.u32 $0x19, s0  }
0x6c: {  	s5 =	smul.u32 $0x147B, s5  }
0x6d: {  	s7 =	ssub.s32 s24, s7  }
0x6e: {  	s5 =	sshrl.u32 s5, $0x12;
	s30 =	sand.u32 $0xFF, s7  }
0x6f: {  	s5 =	smul.u32 $0x32, s5;
	p1 =	sne.s32 s30, $0x0  }
.Ltmp0:
0x70: {  	_ = 	snop;
	(pc) =	sbr.rel @p1 .LBB2_4-.Ltmp0, $4  }
0x71: {  	_ = 	snop  }
0x72: {  	s1 =	ssub.s32 s1, s5  }
0x73: {  	s1 =	sshll.u32 s1, $0x6  }
0x74: {  	s29 =	sand.u32 $0xFF80, s1  }
0x75: {  	s0 =	smul.u32 $0xC80, s0  }
0x76: {  	s1 =	rddreg [dreg:$0xb]  }
0x77: {  	s0 =	sadd.s32 s1, s0  }
0x78: {  	s9 =	rddreg [dreg:$0x7];
	s0 =	sshrl.u32 s0, $0x3  }
0x79: {  	s5 =	simm.s32 $0x1C00;
	s1 =	sadd.s32 s9, s0  }
0x7a: {  	[tilespmem:s5], [sflag:$0x5] =	stream.linear.gather [hbm4b:s1+s3], $0xC80, $0x38;
	[tilespmem:$0x1DB80] =	vst v63  }
0x7b: {  	_ =	swait.ge [sflag:s18], $0xC80  }
0x7c: {  	[sflag:s18] =	ssyncset.done $0x0;
	s10 =	rddreg [dreg:$0x8]  }
0x7d: {  	[sflag:s18] =	ssyncadd.s32 $0xFFFFF380;
	s1 =	sadd.s32 s10, s0  }
0x7e: {  	[tilespmem:s21], [sflag:$0x5] =	stream.linear.gather [hbm4b:s1+s3], $0xC80, $0x38;
	[tilespmem:$0x1DB80] =	vst v63  }
0x7f: {  	_ =	swait.ge [sflag:s18], $0xC80  }
0x80: {  	[sflag:s18] =	ssyncset.done $0x0;
	s12 =	rddreg [dreg:$0x9]  }
0x81: {  	s13 =	simm.s32 $0x3500;
	[sflag:s18] =	ssyncadd.s32 $0xFFFFF380;
	s1 =	sadd.s32 s12, s0  }
0x82: {  	[tilespmem:s13], [sflag:$0x5] =	stream.linear.gather [hbm4b:s1+s3], $0xC80, $0x38;
	[tilespmem:$0x1DB80] =	vst v63  }
0x83: {  	_ =	swait.ge [sflag:s18], $0xC80  }
0x84: {  	[sflag:s18] =	ssyncset.done $0x0;
	s14 =	rddreg [dreg:$0xa]  }
0x85: {  	[sflag:s18] =	ssyncadd.s32 $0xFFFFF380;
	s1 =	sadd.s32 s14, s0  }
0x86: {  	[tilespmem:s23], [sflag:$0x5] =	stream.linear.gather [hbm4b:s1+s3], $0xC80, $0x38;
	[tilespmem:$0x1DB80] =	vst v63  }
0x87: {  	_ =	swait.ge [sflag:s18], $0xC80  }
0x88: {  	[sflag:s18] =	ssyncset.done $0x0  }
0x89: {  	[sflag:s18] =	ssyncadd.s32 $0xFFFFF380  }
0x8a: {  	s16 =	rddreg [dreg:$0x1]  }
0x8b: {  	s17 =	simm.s32 $0x4E00;
	s0 =	sadd.s32 s16, s0  }
0x8c: {  	[tilespmem:s17], [sflag:$0x5] =	stream.linear.gather [hbm4b:s0+s3], $0xC80, $0x38;
	[tilespmem:$0x1DB80] =	vst v63  }
0x8d: {  	_ =	swait.ge [sflag:s18], $0xC80  }
0x8e: {  	[sflag:s18] =	ssyncset.done $0x0  }
0x8f: {  	[sflag:s18] =	ssyncadd.s32 $0xFFFFF380  }
0x90: {  	v0 =	vld [tilespmem:s29+$0x1C00]  }
0x91: {  	v1 =	vld [tilespmem:s29+$0x3500]  }
0x92: {  	v2 =	vld [tilespmem:s29+$0x4E00];
	_ =	sdelay $0x3  }
0x93: {  	v0 =	vtrunc.f32 v0  }
0x94: {  	v1 =	vtrunc.f32 v1;
	v2 =	vtrunc.f32 v2  }
0x95: {  	v0 =	vcvt.f32.s32 v0;
	v1 =	vcvt.f32.s32 v1  }
0x96: {  	v2 =	vcvt.f32.s32 v2  }
0x97: {  	v3 =	vimm.s32 $0x100;
	vm0 =	vgt.s32 v0, $0x0;
	vm1 =	vgt.s32 v1, $0x0  }
0x98: {  	vm6 =	vgt.s32 v2, $0x0;
	v0 =	vnsel vm0, $0x0, v0;
	v1 =	vnsel vm1, $0x0, v1  }
0x99: {  	v2 =	vsel vm6, $0x140, v3;
	v0 =	vmin.u32 v0, $0xFF;
	v1 =	vmin.u32 v1, $0x3F  }
0x9a: {  	[tilespmem:$0x1DA80] =	vst v0;
	v54 =	vor.u32 v1, v2  }
0x9b: {  	[tilespmem:$0x1DAC0] =	vst v54  }
0x9c: {  	v0 =	vld [tilespmem:s29+$0x1C10]  }
0x9d: {  	v55 =	vld [tilespmem:s29+$0x3510]  }
0x9e: {  	v56 =	vld [tilespmem:s29+$0x4E10];
	_ =	sdelay $0x3  }
0x9f: {  	v0 =	vtrunc.f32 v0  }
0xa0: {  	v1 =	vtrunc.f32 v55;
	v2 =	vtrunc.f32 v56  }
0xa1: {  	v0 =	vcvt.f32.s32 v0;
	v1 =	vcvt.f32.s32 v1  }
0xa2: {  	v2 =	vcvt.f32.s32 v2  }
0xa3: {  	vm7 =	vgt.s32 v0, $0x0;
	vm8 =	vgt.s32 v1, $0x0  }
0xa4: {  	vm9 =	vgt.s32 v2, $0x0;
	v0 =	vnsel vm7, $0x0, v0;
	v1 =	vnsel vm8, $0x0, v1  }
0xa5: {  	v2 =	vsel vm9, $0x140, v3;
	v0 =	vmin.u32 v0, $0xFF;
	v1 =	vmin.u32 v1, $0x3F  }
0xa6: {  	[tilespmem:$0x1DA90] =	vst v0;
	v57 =	vor.u32 v1, v2  }
0xa7: {  	[tilespmem:$0x1DAD0] =	vst v57  }
0xa8: {  	v0 =	vld [tilespmem:s29+$0x1C20]  }
0xa9: {  	v58 =	vld [tilespmem:s29+$0x3520]  }
0xaa: {  	v59 =	vld [tilespmem:s29+$0x4E20];
	_ =	sdelay $0x3  }
0xab: {  	v0 =	vtrunc.f32 v0  }
0xac: {  	v1 =	vtrunc.f32 v58;
	v2 =	vtrunc.f32 v59  }
0xad: {  	v0 =	vcvt.f32.s32 v0;
	v1 =	vcvt.f32.s32 v1  }
0xae: {  	v2 =	vcvt.f32.s32 v2  }
0xaf: {  	vm10 =	vgt.s32 v0, $0x0;
	vm11 =	vgt.s32 v1, $0x0  }
0xb0: {  	vm12 =	vgt.s32 v2, $0x0;
	v0 =	vnsel vm10, $0x0, v0;
	v1 =	vnsel vm11, $0x0, v1  }
0xb1: {  	v2 =	vsel vm12, $0x140, v3;
	v0 =	vmin.u32 v0, $0xFF;
	v1 =	vmin.u32 v1, $0x3F  }
0xb2: {  	[tilespmem:$0x1DAA0] =	vst v0;
	v60 =	vor.u32 v1, v2  }
0xb3: {  	[tilespmem:$0x1DAE0] =	vst v60  }
0xb4: {  	v0 =	vld [tilespmem:s29+$0x1C30]  }
0xb5: {  	v61 =	vld [tilespmem:s29+$0x3530]  }
0xb6: {  	v62 =	vld [tilespmem:s29+$0x4E30];
	_ =	sdelay $0x3  }
0xb7: {  	v0 =	vtrunc.f32 v0  }
0xb8: {  	v1 =	vtrunc.f32 v61;
	v2 =	vtrunc.f32 v62  }
0xb9: {  	v0 =	vcvt.f32.s32 v0;
	v1 =	vcvt.f32.s32 v1  }
0xba: {  	v2 =	vcvt.f32.s32 v2  }
0xbb: {  	vm13 =	vgt.s32 v0, $0x0;
	vm14 =	vgt.s32 v1, $0x0  }
0xbc: {  	vm15 =	vgt.s32 v2, $0x0;
	v0 =	vnsel vm13, $0x0, v0;
	v1 =	vnsel vm14, $0x0, v1  }
0xbd: {  	v2 =	vsel vm15, $0x140, v3;
	v0 =	vmin.u32 v0, $0xFF;
	v1 =	vmin.u32 v1, $0x3F  }
0xbe: {  	[tilespmem:$0x1DAB0] =	vst v0;
	v63 =	vor.u32 v1, v2  }
0xbf: {  	s19 =	simm.s32 $0x1DA80;
	s26 =	simm.s32 $0x5A80;
	[tilespmem:$0x1DAF0] =	vst v63  }
0xc0: {  	[tilespmem:s26], [sflag:$0x1] =	stream.indirect.gather [spmem:s2], $0x100, s19, s25, $0xb8;
	[tilespmem:$0x1DB80] =	vst v63  }
0xc1: {  	s28 =	simm.s32 $0x1DAC0;
	s31 =	simm.s32 $0x9A80  }
0xc2: {  	[tilespmem:s31], [sflag:$0x1] =	stream.indirect.gather [spmem:s2], $0x100, s28, s25, $0xb8;
	[tilespmem:$0x1DB80] =	vst v63  }
.LBB2_4:
0xc3: {  	s28 =	sor.u32 $0x40, s29  }
0xc4: {  	v0 =	vld [tilespmem:s28+$0x1C00]  }
0xc5: {  	v1 =	vld [tilespmem:s28+$0x3500]  }
0xc6: {  	v2 =	vld [tilespmem:s28+$0x4E00];
	_ =	sdelay $0x3  }
0xc7: {  	v0 =	vtrunc.f32 v0  }
0xc8: {  	v1 =	vtrunc.f32 v1;
	v2 =	vtrunc.f32 v2  }
0xc9: {  	v0 =	vcvt.f32.s32 v0;
	v1 =	vcvt.f32.s32 v1  }
0xca: {  	v2 =	vcvt.f32.s32 v2  }
0xcb: {  	v3 =	vimm.s32 $0x100;
	vm0 =	vgt.s32 v0, $0x0;
	vm1 =	vgt.s32 v1, $0x0  }
0xcc: {  	vm6 =	vgt.s32 v2, $0x0;
	v0 =	vnsel vm0, $0x0, v0;
	v1 =	vnsel vm1, $0x0, v1  }
0xcd: {  	v2 =	vsel vm6, $0x140, v3;
	v0 =	vmin.u32 v0, $0xFF;
	v1 =	vmin.u32 v1, $0x3F  }
0xce: {  	[tilespmem:$0x1DB00] =	vst v0;
	v54 =	vor.u32 v1, v2  }
0xcf: {  	[tilespmem:$0x1DB40] =	vst v54  }
0xd0: {  	v0 =	vld [tilespmem:s29+$0x1C50]  }
0xd1: {  	v55 =	vld [tilespmem:s29+$0x3550]  }
0xd2: {  	v56 =	vld [tilespmem:s29+$0x4E50];
	_ =	sdelay $0x3  }
0xd3: {  	v0 =	vtrunc.f32 v0  }
0xd4: {  	v1 =	vtrunc.f32 v55;
	v2 =	vtrunc.f32 v56  }
0xd5: {  	v0 =	vcvt.f32.s32 v0;
	v1 =	vcvt.f32.s32 v1  }
0xd6: {  	v2 =	vcvt.f32.s32 v2  }
0xd7: {  	vm7 =	vgt.s32 v0, $0x0;
	vm8 =	vgt.s32 v1, $0x0  }
0xd8: {  	vm9 =	vgt.s32 v2, $0x0;
	v0 =	vnsel vm7, $0x0, v0;
	v1 =	vnsel vm8, $0x0, v1  }
0xd9: {  	v2 =	vsel vm9, $0x140, v3;
	v0 =	vmin.u32 v0, $0xFF;
	v1 =	vmin.u32 v1, $0x3F  }
0xda: {  	[tilespmem:$0x1DB10] =	vst v0;
	v57 =	vor.u32 v1, v2  }
0xdb: {  	[tilespmem:$0x1DB50] =	vst v57  }
0xdc: {  	v0 =	vld [tilespmem:s29+$0x1C60]  }
0xdd: {  	v58 =	vld [tilespmem:s29+$0x3560]  }
0xde: {  	v59 =	vld [tilespmem:s29+$0x4E60];
	_ =	sdelay $0x3  }
0xdf: {  	v0 =	vtrunc.f32 v0  }
0xe0: {  	v1 =	vtrunc.f32 v58;
	v2 =	vtrunc.f32 v59  }
0xe1: {  	v0 =	vcvt.f32.s32 v0;
	v1 =	vcvt.f32.s32 v1  }
0xe2: {  	v2 =	vcvt.f32.s32 v2  }
0xe3: {  	vm10 =	vgt.s32 v0, $0x0;
	vm11 =	vgt.s32 v1, $0x0  }
0xe4: {  	vm12 =	vgt.s32 v2, $0x0;
	v0 =	vnsel vm10, $0x0, v0;
	v1 =	vnsel vm11, $0x0, v1  }
0xe5: {  	v2 =	vsel vm12, $0x140, v3;
	v0 =	vmin.u32 v0, $0xFF;
	v1 =	vmin.u32 v1, $0x3F  }
0xe6: {  	[tilespmem:$0x1DB20] =	vst v0;
	v60 =	vor.u32 v1, v2  }
0xe7: {  	[tilespmem:$0x1DB60] =	vst v60  }
0xe8: {  	v0 =	vld [tilespmem:s29+$0x1C70]  }
0xe9: {  	v61 =	vld [tilespmem:s29+$0x3570]  }
0xea: {  	v62 =	vld [tilespmem:s29+$0x4E70];
	_ =	sdelay $0x3  }
0xeb: {  	v0 =	vtrunc.f32 v0  }
0xec: {  	v1 =	vtrunc.f32 v61;
	v2 =	vtrunc.f32 v62  }
0xed: {  	v0 =	vcvt.f32.s32 v0;
	v1 =	vcvt.f32.s32 v1  }
0xee: {  	v2 =	vcvt.f32.s32 v2  }
0xef: {  	vm13 =	vgt.s32 v0, $0x0;
	vm14 =	vgt.s32 v1, $0x0  }
0xf0: {  	vm15 =	vgt.s32 v2, $0x0;
	v0 =	vnsel vm13, $0x0, v0;
	v1 =	vnsel vm14, $0x0, v1  }
0xf1: {  	v2 =	vsel vm15, $0x140, v3;
	v0 =	vmin.u32 v0, $0xFF;
	v1 =	vmin.u32 v1, $0x3F  }
0xf2: {  	s0 =	simm.s32 $0x1DB00;
	[tilespmem:$0x1DB30] =	vst v0;
	v63 =	vor.u32 v1, v2  }
0xf3: {  	s1 =	simm.s32 $0xDA80;
	s19 =	simm.s32 $0x1DB40;
	p1 =	seq.s32 s24, $0x0;
	[tilespmem:$0x1DB70] =	vst v63  }
0xf4: {  	[tilespmem:s1], [sflag:$0x2] =	stream.indirect.gather [spmem:s2], $0x100, s0, s25, $0xb8;
	[tilespmem:$0x1DB80] =	vst v63  }
0xf5: {  	s26 =	simm.s32 $0x11A80;
	s31 =	sand.u32 $0xFFFE, s20;
	s1 =	simm.s32 @!p1 $0x3  }
0xf6: {  	[tilespmem:s26], [sflag:$0x2] =	stream.indirect.gather [spmem:s2], $0x100, s19, s25, $0xb8;
	[tilespmem:$0x1DB80] =	vst v63  }
0xf7: {  	s0 =	sshrl.u32 s31, $0x1;
	_ =	swait.ge @!p1 [sflag:s1], $0x4000  }
0xf8: {  	s0 =	smul.u32 $0x147B, s0;
	[sflag:s1] =	ssyncset.done @!p1 $0x0  }
0xf9: {  	[sflag:s1] =	ssyncadd.s32 @!p1 $0xFFFFC000  }
0xfa: {  	s0 =	sshrl.u32 s0, $0x11;
	_ =	swait.ge [sflag:s4], $0x4000  }
0xfb: {  	s0 =	smul.u32 $0xC80, s0;
	[sflag:s4] =	ssyncset.done $0x0  }
0xfc: {  	[sflag:s4] =	ssyncadd.s32 $0xFFFFC000  }
0xfd: {  	s7 =	simm.s32 $0x0;
	s0 =	ssub.s32 s22, s0;
	_ =	swait.ge [sflag:s4], $0x4000  }
0xfe: {  	s8 =	simm.s32 $0x0;
	s0 =	sand.u32 $0xFFFF, s0;
	[sflag:s4] =	ssyncset.done $0x0  }
0xff: {  	s26 =	sadd.s32 $0x7C, s0;
	s1 =	sadd.s32 $0x3C, s0;
	[sflag:s4] =	ssyncadd.s32 $0xFFFFC000  }
.LBB2_5:
0x100: {  	v60 =	vld [tilespmem:$0x1FD70]  }
0x101: {  	v16 =	vld [tilespmem:$0x1FD60]  }
0x102: {  	v41 =	vld [tilespmem:$0x1FD50]  }
0x103: {  	v52 =	vld [tilespmem:$0x1FD40]  }
0x104: {  	v20 =	vld [tilespmem:$0x1FD30]  }
0x105: {  	v19 =	vld [tilespmem:$0x1FD20]  }
0x106: {  	v22 =	vld [tilespmem:$0x1FD10]  }
0x107: {  	v23 =	vld [tilespmem:$0x1FD00]  }
0x108: {  	v33 =	vld [tilespmem:$0x1FCF0]  }
0x109: {  	v61 =	vld [tilespmem:$0x1FCE0]  }
0x10a: {  	v59 =	vld [tilespmem:$0x1FCD0]  }
0x10b: {  	v13 =	vld [tilespmem:$0x1FCC0]  }
0x10c: {  	v39 =	vld [tilespmem:$0x1FCB0];
	s0 =	sor.u32 s29, s8  }
0x10d: {  	v63 =	vld [tilespmem:$0x1FCA0];
	v0 =	vmov s0  }
0x10e: {  	v31 =	vld [tilespmem:$0x1FC90];
	s9 =	sshll.u32 s8, $0x8;
	v0 =	vand.u32 $0xFFFFFFFE, v0  }
0x10f: {  	v2 =	vld [tilespmem:s9+$0x5A80];
	v0 =	vbroadcast v0, $0x0  }
0x110: {  	v3 =	vld [tilespmem:s9+$0x9A80]  }
0x111: {  	v4 =	vld [tilespmem:s9+$0x5A90]  }
0x112: {  	v5 =	vld [tilespmem:s9+$0x9A90]  }
0x113: {  	v6 =	vld [tilespmem:s9+$0x5AA0]  }
0x114: {  	v7 =	vld [tilespmem:s9+$0x9AA0]  }
0x115: {  	v1 =	vld.idx.msk [tilespmem:v0+s21+$0x0], $0xffff  }
0x116: {  	v8 =	vld [tilespmem:s9+$0x5AB0]  }
0x117: {  	v0 =	vld.idx.msk [tilespmem:v0+s23+$0x0], $0xffff  }
0x118: {  	v9 =	vld [tilespmem:s9+$0x9AB0]  }
0x119: {  	v37 =	vld [tilespmem:s9+$0x5AC0]  }
0x11a: {  	v10 =	vld [tilespmem:s9+$0x9AC0];
	v2 =	vadd.f32 v3, v2;
	v57 =	vmul.f32 v1, v40  }
0x11b: {  	v51 =	vld [tilespmem:$0x1FC80];
	v4 =	vadd.f32 v5, v4;
	v32 =	vadd.f32 v7, v6  }
0x11c: {  	v15 =	vld [tilespmem:$0x1FC60];
	v58 =	vmul.f32 v0, v63;
	v12 =	vmul.f32 v1, v45;
	v2 =	vadd.f32 v2, v57  }
0x11d: {  	v54 =	vld [tilespmem:s9+$0x9AD0];
	v46 =	vadd.f32 v9, v8;
	v18 =	vmul.f32 v0, v39;
	v34 =	vmul.f32 v1, v50  }
0x11e: {  	v8 =	vld [tilespmem:s9+$0x5AD0];
	v43 =	vmul.f32 v0, v13;
	v14 =	vadd.f32 v4, v12;
	v11 =	vadd.f32 v2, v58  }
0x11f: {  	v25 =	vld [tilespmem:$0x1FC40];
	v47 =	vmul.f32 v1, v27;
	v42 =	vadd.f32 v32, v34;
	v32 =	vadd.f32 v10, v37  }
0x120: {  	v35 =	vld [tilespmem:$0x1FC00];
	v12 =	vadd.f32 v14, v18;
	v38 =	vadd.f32 $0.0e+00, v11  }
0x121: {  	v56 =	vld [tilespmem:$0x1FC10];
	v57 =	vadd.f32 v42, v43;
	v58 =	vadd.f32 v46, v47;
	v18 =	vmul.f32 v0, v59  }
0x122: {  	v37 =	vld [tilespmem:s9+$0x5AE0];
	[tilespmem:$0x1F530] =	vst v12;
	v53 =	vmul.f32 v11, v11;
	v7 =	vadd.f32 v12, v38;
	v12 =	vmul.f32 v12, v12  }
0x123: {  	v54 =	vadd.f32 v54, v8;
	v34 =	vmul.f32 v1, v28;
	v43 =	vadd.f32 v58, v18;
	v38 =	vld [tilespmem:s9+$0x9AE0]  }
0x124: {  	v8 =	vld [tilespmem:s9+$0x5AF0];
	[tilespmem:$0x1F520] =	vst v11;
	v42 =	vmul.f32 v57, v57;
	v9 =	vadd.f32 v12, v53;
	v7 =	vadd.f32 v57, v7  }
0x125: {  	v47 =	vadd.f32 v32, v34;
	[tilespmem:$0x1F540] =	vst v57;
	v11 =	vld [tilespmem:s9+$0x9AF0];
	v53 =	vmul.f32 v0, v61;
	v57 =	vmul.f32 v1, v35  }
0x126: {  	v62 =	vld [tilespmem:$0x1FC20];
	v34 =	vmul.f32 v0, v33;
	v9 =	vadd.f32 v42, v9;
	v7 =	vadd.f32 v43, v7  }
0x127: {  	v55 =	vmovc v30;
	v58 =	vmul.f32 v43, v43;
	v18 =	vadd.f32 v47, v53;
	v32 =	vadd.f32 v54, v57;
	v42 =	vld [tilespmem:s9+$0x5B00]  }
0x128: {  	[tilespmem:$0x1F550] =	vst v43;
	v43 =	vld [tilespmem:s9+$0x9B00];
	v57 =	vmul.f32 v0, v23;
	v37 =	vadd.f32 v38, v37;
	v38 =	vmul.f32 v1, v30  }
0x129: {  	v21 =	vld [tilespmem:$0x1FC30];
	v30 =	vmovc v23;
	v9 =	vadd.f32 v58, v9;
	v7 =	vadd.f32 v18, v7;
	v47 =	vmul.f32 v18, v18  }
0x12a: {  	v23 =	vld [tilespmem:s9+$0x9B10];
	[tilespmem:$0x1F560] =	vst v18;
	v53 =	vadd.f32 v32, v34;
	v58 =	vadd.f32 v11, v8;
	v18 =	vmul.f32 v1, v56  }
0x12b: {  	v8 =	vld [tilespmem:s9+$0x5B10];
	v54 =	vadd.f32 v37, v38;
	v38 =	vmul.f32 v0, v22;
	v9 =	vadd.f32 v47, v9  }
0x12c: {  	v7 =	vadd.f32 v53, v7;
	v32 =	vmul.f32 v53, v53;
	v37 =	vadd.f32 v58, v18;
	v47 =	vld [tilespmem:s9+$0x5B20]  }
0x12d: {  	[tilespmem:$0x1F570] =	vst v53;
	v53 =	vld [tilespmem:s9+$0x9B20];
	v34 =	vadd.f32 v54, v57;
	v42 =	vadd.f32 v43, v42;
	v43 =	vmul.f32 v1, v62  }
0x12e: {  	v24 =	vld [tilespmem:$0x1FC50];
	v46 =	vmovc v28;
	v18 =	vmul.f32 v0, v19;
	v9 =	vadd.f32 v32, v9;
	v57 =	vadd.f32 v37, v38  }
0x12f: {  	v28 =	vmovc v22;
	v32 =	vld [tilespmem:s9+$0x5B30];
	v7 =	vadd.f32 v34, v7;
	v54 =	vmul.f32 v34, v34;
	v58 =	vadd.f32 v42, v43  }
0x130: {  	[tilespmem:$0x1F580] =	vst v34;
	v22 =	vadd.f32 v23, v8;
	v23 =	vmul.f32 v1, v21;
	v34 =	vld [tilespmem:s9+$0x9B30];
	v43 =	vmul.f32 v0, v44  }
0x131: {  	v48 =	vmovc v27;
	v3 =	vld [tilespmem:s9+$0x5B60];
	v37 =	vmul.f32 v57, v57;
	v9 =	vadd.f32 v54, v9;
	v7 =	vadd.f32 v57, v7  }
0x132: {  	v26 =	vmovc v21;
	v38 =	vadd.f32 v58, v18;
	v47 =	vadd.f32 v53, v47;
	v53 =	vmul.f32 v1, v25;
	v54 =	vld [tilespmem:s9+$0x5B40]  }
0x133: {  	v27 =	vmovc v19;
	v21 =	vmul.f32 v0, v20;
	v42 =	vadd.f32 v22, v23;
	v58 =	vld [tilespmem:s9+$0x9B40];
	v9 =	vadd.f32 v37, v9  }
0x134: {  	s10 =	sor.u32 $0x1, s8;
	[tilespmem:$0x1F590] =	vst v57;
	v7 =	vadd.f32 v38, v7;
	v57 =	vmul.f32 v38, v38;
	v19 =	vadd.f32 v47, v53;
	v47 =	vld [tilespmem:s9+$0x9B60]  }
0x135: {  	s5 =	sor.u32 s29, s10;
	v23 =	vmul.f32 v1, v24;
	v18 =	vadd.f32 v42, v43;
	v22 =	vadd.f32 v34, v32;
	v32 =	vld [tilespmem:s9+$0x5B50]  }
0x136: {  	v49 =	vmovc v45;
	v11 =	vmov s5;
	[tilespmem:$0x1F5A0] =	vst v38;
	v38 =	vmul.f32 v0, v52;
	v34 =	vld [tilespmem:s9+$0x9B50];
	v9 =	vadd.f32 v57, v9  }
0x137: {  	v17 =	vld [tilespmem:$0x1FC70];
	s10 =	sshll.u32 s10, $0x8;
	v45 =	vmovc v13;
	v7 =	vadd.f32 v18, v7;
	v13 =	vmul.f32 v18, v18;
	v14 =	vadd.f32 v19, v21  }
0x138: {  	v10 =	vld [tilespmem:s10+$0x5A80];
	v43 =	vmul.f32 v1, v15;
	v37 =	vadd.f32 v22, v23;
	v42 =	vadd.f32 v58, v54  }
0x139: {  	v57 =	vmul.f32 v0, v41;
	v23 =	vmovc v15;
	v15 =	vld [tilespmem:s10+$0x9A80];
	v9 =	vadd.f32 v13, v9;
	v7 =	vadd.f32 v14, v7  }
0x13a: {  	v6 =	vld [tilespmem:s10+$0x5A90];
	[tilespmem:$0x1F5C0] =	vst v14;
	v14 =	vmul.f32 v14, v14;
	v53 =	vadd.f32 v37, v38;
	v54 =	vadd.f32 v42, v43  }
0x13b: {  	v2 =	vld.idx.msk [tilespmem:v11+s21+$0x0], $0xffff;
	v42 =	vmul.f32 v0, v16;
	v47 =	vadd.f32 v47, v3;
	v58 =	vadd.f32 v34, v32  }
0x13c: {  	v3 =	vld.idx.msk [tilespmem:v11+s23+$0x0], $0xffff;
	v32 =	vmul.f32 v1, v17;
	v9 =	vadd.f32 v14, v9;
	v7 =	vadd.f32 v53, v7  }
0x13d: {  	v13 =	vld [tilespmem:s9+$0x5B70];
	[tilespmem:$0x1F5D0] =	vst v53;
	v34 =	vmul.f32 v53, v53;
	v37 =	vadd.f32 v54, v57;
	v53 =	vmul.f32 v1, v51  }
0x13e: {  	v54 =	vld [tilespmem:s10+$0x9A90];
	v1 =	vmul.f32 v1, v31;
	v38 =	vadd.f32 v58, v32;
	v10 =	vadd.f32 v15, v10  }
0x13f: {  	v43 =	vadd.f32 v34, v9;
	v7 =	vadd.f32 v37, v7;
	v57 =	vmul.f32 v37, v37;
	v34 =	vld [tilespmem:s10+$0x5AA0]  }
0x140: {  	v32 =	vmul.f32 v0, v60;
	[tilespmem:$0x1F5E0] =	vst v37;
	v21 =	vadd.f32 v47, v53;
	v37 =	vld [tilespmem:s10+$0x9AA0];
	v58 =	vadd.f32 v38, v42  }
0x141: {  	v0 =	vmul.f32 v0, v36;
	v47 =	vmul.f32 v2, v49;
	v42 =	vld [tilespmem:s9+$0x9B70];
	v8 =	vadd.f32 v57, v43  }
0x142: {  	v53 =	vld [tilespmem:s10+$0x5AB0];
	v19 =	vadd.f32 v21, v32;
	v43 =	vmul.f32 v2, v40;
	v38 =	vmul.f32 v58, v58  }
0x143: {  	[tilespmem:$0x1F5B0] =	vst v18;
	v18 =	vmul.f32 v3, v39;
	v7 =	vadd.f32 v58, v7;
	v6 =	vadd.f32 v54, v6;
	v54 =	vld [tilespmem:s10+$0x9AB0]  }
0x144: {  	v21 =	vmul.f32 v2, v50;
	v57 =	vadd.f32 v10, v43;
	v5 =	vadd.f32 v38, v8  }
0x145: {  	v14 =	vld [tilespmem:s10+$0x5AC0];
	[tilespmem:$0x1F5F0] =	vst v58;
	v58 =	vmul.f32 v3, v63;
	v4 =	vadd.f32 v19, v7;
	v6 =	vadd.f32 v6, v47  }
0x146: {  	v9 =	vadd.f32 v37, v34;
	v8 =	vld [tilespmem:s10+$0x9AC0];
	v34 =	vmul.f32 v3, v45;
	v13 =	vadd.f32 v42, v13  }
0x147: {  	v38 =	vmul.f32 v2, v48;
	v15 =	vadd.f32 v57, v58;
	v18 =	vadd.f32 v6, v18  }
0x148: {  	v11 =	vld [tilespmem:s10+$0x5AD0];
	v32 =	vadd.f32 v9, v21;
	v21 =	vmul.f32 v3, v59;
	v7 =	vadd.f32 v54, v53  }
0x149: {  	v1 =	vadd.f32 v13, v1;
	v42 =	vadd.f32 $0.0e+00, v15;
	v43 =	vmul.f32 v15, v15;
	v53 =	vld [tilespmem:s10+$0x9AD0]  }
0x14a: {  	v10 =	vld [tilespmem:s10+$0x5AE0];
	v54 =	vmul.f32 v18, v18;
	v57 =	vadd.f32 v32, v34;
	v58 =	vadd.f32 v7, v38  }
0x14b: {  	v32 =	vmul.f32 v2, v46;
	v8 =	vadd.f32 v8, v14;
	v12 =	vadd.f32 v18, v42;
	v14 =	vld [tilespmem:s10+$0x9AE0]  }
0x14c: {  	v13 =	vadd.f32 v54, v43;
	v34 =	vmul.f32 v57, v57;
	v38 =	vadd.f32 v58, v21  }
0x14d: {  	[tilespmem:$0x1F620] =	vst v15;
	v15 =	vld [tilespmem:s10+$0x9AF0];
	v43 =	vmul.f32 v3, v61;
	v42 =	vadd.f32 v8, v32;
	v12 =	vadd.f32 v57, v12  }
0x14e: {  	[tilespmem:$0x1F640] =	vst v57;
	v54 =	vmul.f32 v2, v35;
	v53 =	vadd.f32 v53, v11;
	v11 =	vld [tilespmem:s10+$0x5AF0];
	v13 =	vadd.f32 v34, v13  }
0x14f: {  	v34 =	vmul.f32 v3, v33;
	v57 =	vmovc v38;
	v58 =	vmul.f32 v38, v38;
	v21 =	vadd.f32 v42, v43  }
0x150: {  	v8 =	vld [tilespmem:s10+$0x9B00];
	[tilespmem:$0x1F650] =	vst v38;
	v42 =	vmul.f32 v2, v55;
	v32 =	vadd.f32 v53, v54;
	v38 =	vadd.f32 v14, v10  }
0x151: {  	v16 =	vmul.f32 v3, v30;
	v43 =	vadd.f32 v57, v12;
	v14 =	vld [tilespmem:s10+$0x5B00];
	v53 =	vadd.f32 v58, v13  }
0x152: {  	[tilespmem:$0x1F630] =	vst v18;
	v54 =	vmul.f32 v21, v21;
	v57 =	vadd.f32 v32, v34;
	v58 =	vadd.f32 v38, v42  }
0x153: {  	v6 =	vld [tilespmem:s10+$0x5B10];
	v18 =	vmul.f32 v2, v62;
	[tilespmem:$0x1F660] =	vst v21;
	v21 =	vadd.f32 v21, v43;
	v32 =	vadd.f32 v15, v11  }
0x154: {  	v34 =	vmul.f32 v2, v56;
	v12 =	vadd.f32 v54, v53;
	v54 =	vld [tilespmem:s10+$0x9B10];
	v42 =	vadd.f32 v58, v16  }
0x155: {  	v38 =	vmul.f32 v57, v57;
	v9 =	vadd.f32 v57, v21;
	v21 =	vadd.f32 v1, v0  }
0x156: {  	v22 =	vmovc v17;
	v53 =	vmul.f32 v3, v28;
	v43 =	vadd.f32 v32, v34;
	v17 =	vadd.f32 v8, v14  }
0x157: {  	[tilespmem:$0x1F670] =	vst v57;
	v32 =	vld [tilespmem:s10+$0x5B20];
	v12 =	vadd.f32 v38, v12;
	v57 =	vmul.f32 v42, v42;
	v34 =	vadd.f32 v42, v9  }
0x158: {  	v38 =	vld [tilespmem:s10+$0x9B20];
	v58 =	vadd.f32 v43, v53;
	v7 =	vadd.f32 v17, v18;
	v53 =	vmul.f32 v3, v27  }
0x159: {  	s12 =	sadd.s32 $0x2, s8;
	[tilespmem:$0x1F680] =	vst v42;
	v42 =	vadd.f32 v57, v12;
	v6 =	vadd.f32 v54, v6;
	v54 =	vmul.f32 v2, v26;
	v57 =	vld [tilespmem:s10+$0x5B30]  }
0x15a: {  	s13 =	sor.u32 s29, s12;
	v18 =	vmul.f32 v3, v44;
	[tilespmem:$0x1F690] =	vst v58;
	v43 =	vmul.f32 v58, v58;
	v0 =	vadd.f32 v58, v34;
	v58 =	vld [tilespmem:s10+$0x9B30]  }
0x15b: {  	v10 =	vld [tilespmem:s10+$0x5B40];
	v17 =	vadd.f32 v7, v53;
	v34 =	vmov s13;
	v6 =	vadd.f32 v6, v54  }
0x15c: {  	v13 =	vld [tilespmem:s10+$0x9B50];
	v11 =	vand.u32 $0xFFFFFFFE, v34;
	v54 =	vmul.f32 v2, v24;
	v9 =	vadd.f32 v43, v42  }
0x15d: {  	v1 =	vadd.f32 v38, v32;
	v32 =	vmul.f32 v2, v25;
	v0 =	vadd.f32 v17, v0;
	v38 =	vld [tilespmem:s10+$0x9B40]  }
0x15e: {  	v12 =	vld [tilespmem:s10+$0x5B50];
	v14 =	vmul.f32 v17, v17;
	v43 =	vmul.f32 v3, v20;
	v42 =	vadd.f32 v6, v18  }
0x15f: {  	v6 =	vbroadcast v11, $0x0;
	v1 =	vadd.f32 v1, v32;
	v53 =	vadd.f32 v58, v57  }
0x160: {  	v9 =	vadd.f32 v14, v9;
	v0 =	vadd.f32 v42, v0;
	v57 =	vmul.f32 v42, v42  }
0x161: {  	v32 =	vmul.f32 v3, v52;
	v58 =	vadd.f32 v1, v43;
	v20 =	vadd.f32 v53, v54  }
0x162: {  	v16 =	vld [tilespmem:s10+$0x9B60];
	v34 =	vadd.f32 v38, v10;
	v38 =	vmul.f32 v2, v23;
	v9 =	vadd.f32 v57, v9  }
0x163: {  	s12 =	sshll.u32 s12, $0x8;
	v11 =	vld [tilespmem:s10+$0x5B60];
	[tilespmem:$0x1F6B0] =	vst v42;
	v57 =	vadd.f32 v13, v12;
	v42 =	vadd.f32 v58, v0  }
0x164: {  	v54 =	vmul.f32 v3, v41;
	v12 =	vld [tilespmem:s12+$0x5A80];
	v43 =	vadd.f32 v20, v32;
	v53 =	vadd.f32 v34, v38  }
0x165: {  	[tilespmem:$0x1F6A0] =	vst v17;
	v17 =	vmul.f32 v58, v58;
	v0 =	vld.idx.msk [tilespmem:v6+s21+$0x0], $0xffff  }
0x166: {  	[tilespmem:$0x1F6C0] =	vst v58;
	v58 =	vmul.f32 v2, v22;
	v32 =	vadd.f32 v43, v42;
	v42 =	vadd.f32 v53, v54;
	v53 =	vld [tilespmem:$0x1FD60]  }
0x167: {  	v54 =	vld [tilespmem:s12+$0x5A90]  }
0x168: {  	v15 =	vmul.f32 v19, v19;
	[tilespmem:$0x1F6D0] =	vst v43;
	v34 =	vmul.f32 v43, v43;
	v43 =	vadd.f32 v57, v58;
	v58 =	vld [tilespmem:s12+$0x9A90]  }
0x169: {  	s14 =	sadd.s32 $0x3, s8;
	v4 =	vadd.f32 v21, v4;
	v38 =	vld [tilespmem:s12+$0x9A80];
	v9 =	vadd.f32 v17, v9  }
0x16a: {  	s16 =	sor.u32 s29, s14;
	v5 =	vadd.f32 v15, v5;
	v11 =	vadd.f32 v16, v11;
	v1 =	vld.idx.msk [tilespmem:v6+s23+$0x0], $0xffff;
	v57 =	vmul.f32 v21, v21  }
0x16b: {  	(xrf2) =	vadd.scan.msk.f32 $0xffff, v4;
	v4 =	vmov s16;
	v6 =	vld [tilespmem:s12+$0x5AA0];
	v9 =	vadd.f32 v34, v9;
	v13 =	vadd.f32 v42, v32  }
0x16c: {  	[tilespmem:$0x1F6E0] =	vst v42;
	v20 =	vmul.f32 v42, v42;
	v5 =	vadd.f32 v57, v5;
	v32 =	vld [tilespmem:s12+$0x9AA0];
	v42 =	vmul.f32 v2, v51  }
0x16d: {  	v57 =	vmul.f32 v3, v60;
	v7 =	vmul.f32 v3, v53;
	v8 =	vadd.f32 v58, v54;
	v54 =	vld [tilespmem:s12+$0x5AB0]  }
0x16e: {  	v2 =	vmul.f32 v2, v31;
	v12 =	vadd.f32 v38, v12;
	v53 =	vmul.f32 v0, v49;
	v58 =	vld [tilespmem:s12+$0x9AB0]  }
0x16f: {  	v29 =	vmovc v30;
	v34 =	vmul.f32 v1, v63;
	v9 =	vadd.f32 v20, v9;
	v7 =	vadd.f32 v43, v7  }
0x170: {  	v37 =	vmovc v50;
	v11 =	vadd.f32 v11, v42;
	v43 =	vmul.f32 v0, v40;
	v8 =	vadd.f32 v8, v53  }
0x171: {  	[tilespmem:$0x1F600] =	vst v19;
	v19 =	vld [tilespmem:s12+$0x5AC0];
	v42 =	vmul.f32 v0, v37;
	v6 =	vadd.f32 v32, v6;
	v10 =	vadd.f32 v7, v13  }
0x172: {  	v47 =	vmovc v45;
	v15 =	vld [tilespmem:s12+$0x5AD0];
	v38 =	vmul.f32 v1, v39;
	v12 =	vadd.f32 v12, v43;
	v43 =	vadd.f32 v11, v57  }
0x173: {  	v50 =	vmovc v48;
	v53 =	vmul.f32 v1, v45;
	v11 =	vld [tilespmem:s12+$0x9AC0];
	v6 =	vadd.f32 v6, v42;
	v54 =	vadd.f32 v58, v54  }
0x174: {  	[tilespmem:$0x1F610] =	vst v21;
	v45 =	vld [tilespmem:s10+$0x9B70];
	v21 =	vmul.f32 v7, v7;
	v32 =	vadd.f32 v12, v34;
	v34 =	vadd.f32 v8, v38  }
0x175: {  	[tilespmem:$0x1F700] =	vst v43;
	v38 =	vmul.f32 v0, v50;
	v10 =	vadd.f32 v43, v10;
	v42 =	vmul.f32 v43, v43;
	v43 =	vld [tilespmem:s12+$0x9AD0]  }
0x176: {  	v48 =	vmovc v46;
	v9 =	vadd.f32 v21, v9;
	v12 =	vld [tilespmem:s10+$0x5B70];
	v17 =	vmul.f32 v32, v32;
	v21 =	vmul.f32 v34, v34  }
0x177: {  	v14 =	vld [tilespmem:s12+$0x5AE0];
	v58 =	vmul.f32 v1, v59;
	[tilespmem:$0x1F730] =	vst v34;
	v34 =	vadd.f32 v6, v53;
	v54 =	vadd.f32 v54, v38  }
0x178: {  	[tilespmem:$0x1F6F0] =	vst v7;
	v7 =	vmul.f32 v0, v48;
	v38 =	vld [tilespmem:s12+$0x9AE0];
	v11 =	vadd.f32 v11, v19;
	v21 =	vadd.f32 v21, v17  }
0x179: {  	v57 =	vmovc v50;
	v50 =	vmul.f32 v34, v34;
	v30 =	vadd.f32 v54, v58;
	v54 =	vmul.f32 v1, v61  }
0x17a: {  	v18 =	vld [tilespmem:s12+$0x9AF0];
	v53 =	vadd.f32 v11, v7;
	v58 =	vadd.f32 v43, v15;
	v7 =	vmul.f32 v0, v35  }
0x17b: {  	v46 =	vmovc v35;
	v3 =	vmul.f32 v3, v36;
	v15 =	vld [tilespmem:s12+$0x5AF0];
	v12 =	vadd.f32 v45, v12;
	v16 =	vadd.f32 v50, v21  }
0x17c: {  	[tilespmem:$0x1F720] =	vst v32;
	v21 =	vmul.f32 v30, v30;
	v35 =	vadd.f32 v53, v54;
	v32 =	vadd.f32 v58, v7  }
0x17d: {  	v45 =	vmul.f32 v1, v33;
	v50 =	vadd.f32 v38, v14;
	v14 =	vld [tilespmem:s12+$0x5B00];
	v2 =	vadd.f32 v12, v2  }
0x17e: {  	v9 =	vadd.f32 v42, v9;
	v53 =	vmul.f32 v0, v55;
	v54 =	vadd.f32 v21, v16;
	v16 =	vld [tilespmem:s12+$0x9B00]  }
0x17f: {  	v42 =	vmovc v33;
	v38 =	vmul.f32 v35, v35;
	v33 =	vadd.f32 v32, v45;
	v36 =	vadd.f32 v2, v3;
	v3 =	vld [tilespmem:s12+$0x9B10]  }
0x180: {  	v43 =	vadd.f32 v50, v53;
	v45 =	vmul.f32 v1, v29;
	v53 =	vadd.f32 v18, v15;
	v18 =	vld [tilespmem:s12+$0x5B10]  }
0x181: {  	(xrf2) =	vadd.scan.msk.f32 $0xffff, v5;
	v5 =	vld.idx.msk [tilespmem:v4+s21+$0x0], $0xffff;
	v21 =	vmul.f32 v0, v56;
	v50 =	vadd.f32 v38, v54  }
0x182: {  	v4 =	vld.idx.msk [tilespmem:v4+s23+$0x0], $0xffff;
	v54 =	vmul.f32 v33, v33;
	v31 =	vadd.f32 v43, v45;
	v38 =	vmul.f32 v1, v28  }
0x183: {  	v12 =	vld [tilespmem:s12+$0x9B20];
	v45 =	vmul.f32 v0, v62;
	v10 =	vadd.f32 v36, v10;
	v32 =	vadd.f32 v53, v21  }
0x184: {  	v15 =	vld [tilespmem:s12+$0x5B20];
	v53 =	vmul.f32 v36, v36;
	v43 =	vadd.f32 v16, v14;
	v2 =	vadd.f32 v54, v50  }
0x185: {  	v13 =	vld [tilespmem:s12+$0x5B30];
	v50 =	vadd.f32 v32, v38;
	v32 =	vmul.f32 v0, v26;
	v3 =	vadd.f32 v3, v18  }
0x186: {  	v38 =	vadd.f32 v43, v45;
	v43 =	vadd.f32 v53, v9;
	v53 =	vld [tilespmem:s12+$0x9B30]  }
0x187: {  	v3 =	vadd.f32 v3, v32;
	v32 =	vld [tilespmem:$0x1FD30]  }
0x188: {  	v11 =	vld [tilespmem:s12+$0x5B40];
	[tilespmem:$0x1F710] =	vst v36;
	v36 =	vmul.f32 v31, v31;
	(xrf2) =	vadd.scan.msk.f32 $0xffff, v10  }
0x189: {  	v17 =	vmul.f32 v0, v25;
	v54 =	vmul.f32 v1, v27;
	v16 =	vadd.f32 v12, v15;
	v9 =	vld [tilespmem:s12+$0x9B40];
	(xrf2) =	vadd.scan.msk.f32 $0xffff, v43  }
0x18a: {  	v8 =	vld [tilespmem:s12+$0x5B50];
	v7 =	vmul.f32 v1, v52;
	v2 =	vadd.f32 v36, v2;
	v45 =	vmul.f32 v50, v50  }
0x18b: {  	s31 =	sshll.u32 s14, $0x8;
	v15 =	vld [tilespmem:s12+$0x9B50];
	v38 =	vadd.f32 v38, v54;
	v54 =	vmul.f32 v1, v44;
	v18 =	vadd.f32 v16, v17  }
0x18c: {  	v10 =	vld [tilespmem:s31+$0x9AA0];
	v43 =	vmul.f32 v0, v24;
	v13 =	vadd.f32 v53, v13;
	v36 =	vmul.f32 v1, v32  }
0x18d: {  	v17 =	vld [tilespmem:s31+$0x5AA0];
	v2 =	vadd.f32 v45, v2;
	v12 =	vmul.f32 v38, v38;
	v45 =	vadd.f32 v3, v54  }
0x18e: {  	v16 =	vld [tilespmem:s31+$0x9A90];
	v9 =	vadd.f32 v9, v11;
	v43 =	vadd.f32 v13, v43  }
0x18f: {  	v3 =	vld [tilespmem:s31+$0x5A90];
	v2 =	vadd.f32 v12, v2;
	v54 =	vmul.f32 v45, v45;
	v32 =	vadd.f32 v18, v36  }
0x190: {  	v14 =	vld [tilespmem:s31+$0x9A80];
	v8 =	vadd.f32 v15, v8;
	v43 =	vadd.f32 v43, v7;
	v36, _, _ =	vpop (xrf2)  }
0x191: {  	v13 =	vld [tilespmem:s31+$0x5A80];
	v2 =	vadd.f32 v54, v2;
	v54 =	vmul.f32 v32, v32;
	(v2sf) =	vpush v36, $0xF;
	v7, _, _ =	vpop (xrf2)  }
0x192: {  	v10 =	vadd.f32 v10, v17;
	v12 =	vmul.f32 v43, v43;
	(v2sf) =	vpush v7, $0xF;
	v18, _, _ =	vpop (xrf2)  }
0x193: {  	v11 =	vld [tilespmem:s31+$0x9AB0];
	v2 =	vadd.f32 v54, v2;
	v54 =	vmul.f32 v0, v23;
	(v2sf) =	vpush v18, $0xF;
	v36, _, _ =	vpop (xrf2)  }
0x194: {  	v3 =	vadd.f32 v16, v3;
	v16 =	vld [tilespmem:s31+$0x5AB0];
	v7 =	vmul.f32 v1, v41;
	(v2sf) =	vpush v36, $0xF  }
0x195: {  	v18 =	vld [tilespmem:$0x1FD60];
	v2 =	vadd.f32 v12, v2;
	v9 =	vadd.f32 v9, v54;
	v36 =	vmul.f32 v5, v40  }
0x196: {  	v12 =	vadd.f32 v14, v13;
	v54 =	vmul.f32 v5, v49;
	v13 =	vmul.f32 v4, v63  }
0x197: {  	v14 =	vmul.f32 v4, v39;
	v49 =	vadd.f32 v9, v7;
	v7 =	vmul.f32 v0, v22  }
0x198: {  	v12 =	vadd.f32 v12, v36;
	v3 =	vadd.f32 v3, v54;
	v54 =	vmul.f32 v5, v37  }
0x199: {  	v58 =	vmov v29;
	v15 =	vld [tilespmem:s31+$0x5AD0];
	v11 =	vadd.f32 v11, v16;
	v8 =	vadd.f32 v8, v7  }
0x19a: {  	v21 =	vmovc v28;
	v17 =	vld [tilespmem:s31+$0x5AC0];
	v28 =	vadd.f32 v12, v13;
	v12 =	vmul.f32 v1, v18;
	v29 =	vadd.f32 v3, v14  }
0x19b: {  	v39 =	vmovc v37;
	v9 =	vld [tilespmem:s31+$0x9AC0];
	v37 =	vmul.f32 v4, v47;
	v36 =	vadd.f32 v10, v54;
	v18 =	vmul.f32 v5, v57  }
0x19c: {  	v16 =	vld [tilespmem:s12+$0x9B60];
	v54 =	vmovc v57;
	v57 =	vadd.f32 v8, v12;
	v8 =	vmul.f32 v28, v28;
	v7 =	vmul.f32 v29, v29  }
0x19d: {  	v13 =	vld [tilespmem:s31+$0x9AD0];
	v36 =	vadd.f32 v36, v37;
	v3 =	vadd.f32 v11, v18;
	v37 =	vmul.f32 v4, v59  }
0x19e: {  	v10 =	vld [tilespmem:s12+$0x5B60];
	v14 =	vmul.f32 v49, v49  }
0x19f: {  	v19 =	vmovc v27;
	v11 =	vld [tilespmem:s31+$0x5AE0];
	v8 =	vadd.f32 v7, v8;
	v27 =	vadd.f32 v3, v37;
	v37 =	vmul.f32 v36, v36  }
0x1a0: {  	v48 =	vmul.f32 v5, v48;
	v2 =	vadd.f32 v14, v2;
	v14 =	vld [tilespmem:s31+$0x9AE0];
	v9 =	vadd.f32 v9, v17  }
0x1a1: {  	v3 =	vadd.f32 v37, v8;
	v8 =	vmul.f32 v57, v57  }
0x1a2: {  	v9 =	vadd.f32 v9, v48;
	v48 =	vmul.f32 v4, v61;
	v37 =	vadd.f32 v13, v15;
	v13 =	vld [tilespmem:s31+$0x5AF0]  }
0x1a3: {  	v18 =	vmul.f32 v5, v46;
	v2 =	vadd.f32 v8, v2;
	v8 =	vld [tilespmem:s31+$0x9AF0]  }
0x1a4: {  	v20 =	vmovc v26;
	v17 =	vld [tilespmem:s31+$0x5B00];
	v10 =	vadd.f32 v16, v10;
	v7 =	vmul.f32 v27, v27;
	v26 =	vadd.f32 v9, v48  }
0x1a5: {  	v16 =	vld [tilespmem:s31+$0x9B00];
	v11 =	vadd.f32 v14, v11;
	v9 =	vadd.f32 v37, v18;
	v37 =	vmul.f32 v4, v42  }
0x1a6: {  	v15 =	vld [tilespmem:s31+$0x9B10];
	v14 =	vmul.f32 v4, v58;
	v3 =	vadd.f32 v7, v3;
	v7 =	vmul.f32 v5, v55  }
0x1a7: {  	v6 =	vmovc v25;
	v48 =	vmovc v46;
	v12 =	vmul.f32 v26, v26;
	v46 =	vmov v42;
	v25 =	vadd.f32 v9, v37;
	v9 =	vld [tilespmem:s31+$0x5B10]  }
0x1a8: {  	v42 =	vmovc v58;
	v58 =	vmul.f32 v5, v56;
	v11 =	vadd.f32 v11, v7;
	v8 =	vadd.f32 v8, v13  }
0x1a9: {  	v3 =	vadd.f32 v12, v3;
	v37 =	vmul.f32 v25, v25  }
0x1aa: {  	v53 =	vmovc v24;
	v7 =	vmul.f32 v4, v21;
	v24 =	vadd.f32 v11, v14;
	v11 =	vld [tilespmem:s31+$0x5B20];
	v8 =	vadd.f32 v8, v58  }
0x1ab: {  	v20 =	vmul.f32 v5, v20;
	v14 =	vadd.f32 v16, v17;
	v13 =	vld [tilespmem:s31+$0x9B20];
	v3 =	vadd.f32 v37, v3  }
0x1ac: {  	v16 =	vmul.f32 v24, v24;
	v37 =	vadd.f32 v15, v9;
	v58 =	vadd.f32 v8, v7  }
0x1ad: {  	v18 =	vld [tilespmem:s31+$0x5B30];
	v21 =	vmul.f32 v5, v62;
	v12 =	vmul.f32 v0, v51  }
0x1ae: {  	v9 =	vld [tilespmem:s12+$0x5B70];
	v3 =	vadd.f32 v16, v3;
	v8 =	vadd.f32 v37, v20;
	v37 =	vmul.f32 v58, v58  }
0x1af: {  	v14 =	vadd.f32 v14, v21;
	v21 =	vmul.f32 v4, v19;
	v15 =	vld [tilespmem:s12+$0x9B70];
	v16 =	vmul.f32 v5, v6  }
0x1b0: {  	v11 =	vadd.f32 v13, v11;
	v3 =	vadd.f32 v37, v3;
	v37 =	vmul.f32 v1, v60;
	v60 =	vld [tilespmem:$0x1FD30]  }
0x1b1: {  	v10 =	vadd.f32 v10, v12;
	v21 =	vadd.f32 v14, v21;
	v14 =	vld [tilespmem:s31+$0x9B30];
	v7 =	vmul.f32 v4, v44  }
0x1b2: {  	v11 =	vadd.f32 v11, v16;
	v16 =	vld [tilespmem:s31+$0x5B40]  }
0x1b3: {  	v20 =	vadd.f32 v8, v7;
	v7 =	vadd.f32 v10, v37;
	v37 =	vld [tilespmem:$0x1FC90]  }
0x1b4: {  	s17 =	sadd.s32 $0x4, s8;
	v8 =	vadd.f32 v15, v9;
	v9 =	vld [tilespmem:s31+$0x9B40]  }
0x1b5: {  	s19 =	sor.u32 s29, s17;
	v44 =	vmul.f32 v21, v21;
	v13 =	vmul.f32 v4, v60  }
0x1b6: {  	v19 =	vmov s19;
	v15 =	vmul.f32 v4, v52;
	v52 =	vmul.f32 v5, v23  }
0x1b7: {  	v6 =	vmul.f32 v20, v20;
	v3 =	vadd.f32 v44, v3;
	v60 =	vadd.f32 v11, v13  }
0x1b8: {  	v17 =	vadd.f32 v14, v18;
	v44 =	vand.u32 $0xFFFFFFFE, v19;
	v0 =	vmul.f32 v0, v37  }
0x1b9: {  	v3 =	vadd.f32 v6, v3;
	v9 =	vadd.f32 v9, v16;
	v6 =	vmul.f32 v60, v60  }
0x1ba: {  	v18 =	vmul.f32 v5, v53;
	v14 =	vld [tilespmem:s31+$0x9B50];
	v10 =	vbroadcast v44, $0x0;
	v0 =	vadd.f32 v8, v0  }
0x1bb: {  	v44 =	vmovc v23;
	v23 =	vmul.f32 v4, v41;
	v13 =	vld [tilespmem:s31+$0x5B50];
	v8 =	vadd.f32 v6, v3;
	v6 =	vadd.f32 v9, v52  }
0x1bc: {  	v11 =	vadd.f32 v17, v18;
	v17 =	vld [tilespmem:$0x1FD60]  }
0x1bd: {  	v41 =	vmov v22;
	v52 =	vmul.f32 v5, v22;
	v22 =	vadd.f32 v6, v23;
	v6 =	vld [tilespmem:$0x1FDF0]  }
0x1be: {  	v19 =	vadd.f32 v11, v15;
	_ =	sdelay $0x1  }
0x1bf: {  	v12 =	vld [tilespmem:s31+$0x5B60];
	v18 =	vmovc v7;
	v13 =	vadd.f32 v14, v13;
	v14 =	vmul.f32 v7, v7;
	v7 =	vmul.f32 v19, v19  }
0x1c0: {  	v11 =	vld [tilespmem:s31+$0x9B60];
	v23 =	vmul.f32 v4, v17  }
0x1c1: {  	v15 =	vadd.f32 v7, v8;
	v17 =	vmul.f32 v22, v22;
	v1 =	vmul.f32 v1, v6  }
0x1c2: {  	v16 =	vld [tilespmem:s31+$0x5B70];
	v14 =	vadd.f32 v14, v2;
	v2 =	vadd.f32 v13, v52  }
0x1c3: {  	v52 =	vadd.f32 v0, v1;
	v0 =	vadd.f32 v17, v15;
	v17 =	vld [tilespmem:$0x1F720]  }
0x1c4: {  	s0 =	sshll.u32 s17, $0x8;
	v3 =	vld.idx.msk [tilespmem:v10+s21+$0x0], $0xffff  }
0x1c5: {  	v8 =	vld [tilespmem:s0+$0x5A80];
	v7 =	vmul.f32 v5, v51;
	v6 =	vadd.f32 v2, v23;
	v23 =	vadd.f32 v11, v12  }
0x1c6: {  	v13 =	vld [tilespmem:s31+$0x9B70]  }
0x1c7: {  	v9 =	vadd.f32 v23, v7;
	v7 =	vld [tilespmem:$0x1FD70]  }
0x1c8: {  	v1 =	vadd.f32 $0.0e+00, v17;
	v17 =	vld [tilespmem:$0x1F730]  }
0x1c9: {  	v11 =	vld [tilespmem:s0+$0x9A80]  }
0x1ca: {  	v23 =	vmul.f32 v6, v6  }
0x1cb: {  	v2 =	vld.idx.msk [tilespmem:v10+s23+$0x0], $0xffff;
	v12 =	vmul.f32 v52, v52  }
0x1cc: {  	v13 =	vadd.f32 v13, v16;
	v16 =	vld [tilespmem:s0+$0x9AA0];
	v0 =	vadd.f32 v23, v0;
	v15 =	vmul.f32 v4, v7  }
0x1cd: {  	v5 =	vmul.f32 v5, v37;
	v12 =	vadd.f32 v12, v14;
	v14 =	vld [tilespmem:s0+$0x5A90];
	v1 =	vadd.f32 v17, v1  }
0x1ce: {  	v23 =	vmul.f32 v3, v40;
	v8 =	vadd.f32 v11, v8;
	v7 =	vadd.f32 v9, v15;
	v9 =	vld [tilespmem:s0+$0x9A90]  }
0x1cf: {  	[tilespmem:$0x1F740] =	vst v34;
	v5 =	vadd.f32 v13, v5;
	v13 =	vld [tilespmem:s0+$0x5AB0];
	v1 =	vadd.f32 v34, v1  }
0x1d0: {  	[tilespmem:$0x1F750] =	vst v30;
	v11 =	vld [tilespmem:s0+$0x5AA0];
	v8 =	vadd.f32 v8, v23;
	v23 =	vmul.f32 v2, v63;
	v15 =	vmul.f32 v7, v7  }
0x1d1: {  	[tilespmem:$0x1F7E0] =	vst v28;
	v1 =	vadd.f32 v30, v1;
	v30 =	vmov v63;
	v63 =	vadd.f32 $0.0e+00, v28;
	v28 =	vld [tilespmem:$0x1FD90]  }
0x1d2: {  	[tilespmem:$0x1F8C0] =	vst v7;
	v0 =	vadd.f32 v15, v0;
	v15 =	vld [tilespmem:s0+$0x9AB0];
	v34 =	vmov v7;
	v7 =	vadd.f32 v8, v23  }
0x1d3: {  	v8 =	vadd.f32 v9, v14;
	v9 =	vadd.f32 v29, v63;
	v63 =	vld [tilespmem:$0x1FCB0]  }
0x1d4: {  	[tilespmem:$0x1F760] =	vst v35  }
0x1d5: {  	[tilespmem:$0x1F770] =	vst v33;
	v1 =	vadd.f32 v35, v1  }
0x1d6: {  	[tilespmem:$0x1F780] =	vst v31;
	v23 =	vmul.f32 v3, v28  }
0x1d7: {  	[tilespmem:$0x1F790] =	vst v50;
	v11 =	vadd.f32 v16, v11;
	v35 =	vmul.f32 v3, v39;
	v1 =	vadd.f32 v33, v1  }
0x1d8: {  	[tilespmem:$0x1F7A0] =	vst v38;
	v16 =	vadd.f32 v15, v13;
	v8 =	vadd.f32 v8, v23;
	v23 =	vmul.f32 v2, v63  }
0x1d9: {  	[tilespmem:$0x1F7B0] =	vst v45;
	v11 =	vadd.f32 v11, v35;
	v35 =	vmul.f32 v2, v47;
	v1 =	vadd.f32 v31, v1  }
0x1da: {  	[tilespmem:$0x1F7C0] =	vst v32;
	v33 =	vmov v47;
	v47 =	vadd.f32 v36, v9;
	v17 =	vadd.f32 v8, v23  }
0x1db: {  	[tilespmem:$0x1F7F0] =	vst v29;
	v29 =	vadd.f32 v11, v35;
	v35 =	vmul.f32 v7, v7;
	v1 =	vadd.f32 v50, v1  }
0x1dc: {  	[tilespmem:$0x1F7D0] =	vst v43;
	v8 =	vadd.f32 v27, v47;
	v23 =	vmul.f32 v3, v54;
	v47 =	vmul.f32 v17, v17  }
0x1dd: {  	[tilespmem:$0x1F800] =	vst v36;
	v14 =	vld [tilespmem:s0+$0x5AC0];
	v1 =	vadd.f32 v38, v1  }
0x1de: {  	[tilespmem:$0x1F810] =	vst v27;
	v9 =	vadd.f32 v16, v23;
	v11 =	vadd.f32 v47, v35;
	v35 =	vld [tilespmem:$0x1FDF0]  }
0x1df: {  	[tilespmem:$0x1F820] =	vst v26;
	v8 =	vadd.f32 v26, v8;
	v23 =	vld [tilespmem:s0+$0x9AC0];
	v1 =	vadd.f32 v45, v1  }
0x1e0: {  	[tilespmem:$0x1F830] =	vst v25  }
0x1e1: {  	[tilespmem:$0x1F840] =	vst v24;
	v50 =	vmul.f32 v2, v59;
	v8 =	vadd.f32 v25, v8;
	v1 =	vadd.f32 v32, v1;
	v32 =	vld [tilespmem:$0x1FDC0]  }
0x1e2: {  	[tilespmem:$0x1FA10] =	vst v7  }
0x1e3: {  	v10 =	vld [tilespmem:s0+$0x5AD0];
	v31 =	vmovc v7;
	v7 =	vadd.f32 v9, v50;
	v8 =	vadd.f32 v24, v8;
	v4 =	vmul.f32 v4, v35  }
0x1e4: {  	[tilespmem:$0x1F860] =	vst v21;
	v38 =	vmul.f32 v29, v29;
	v50 =	vadd.f32 v23, v14;
	v1 =	vadd.f32 v43, v1;
	v23 =	vld [tilespmem:s0+$0x5AE0]  }
0x1e5: {  	v36 =	vmov v17;
	[tilespmem:$0x1FA20] =	vst v17;
	v8 =	vadd.f32 v58, v8;
	v17 =	vadd.f32 v5, v4;
	v4 =	vld [tilespmem:s0+$0x9AD0]  }
0x1e6: {  	[tilespmem:$0x1F850] =	vst v58;
	v45 =	vadd.f32 v38, v11;
	v47 =	vmul.f32 v7, v7;
	v35 =	vld [tilespmem:s0+$0x9AE0];
	v16 =	vmul.f32 v3, v32  }
0x1e7: {  	[tilespmem:$0x1F870] =	vst v20;
	v1 =	vadd.f32 v49, v1;
	v8 =	vadd.f32 v21, v8  }
0x1e8: {  	[tilespmem:$0x1F880] =	vst v60;
	v38 =	vmul.f32 v2, v61;
	v5 =	vadd.f32 v47, v45;
	v11 =	vadd.f32 v50, v16  }
0x1e9: {  	[tilespmem:$0x1F890] =	vst v19;
	v13 =	vld [tilespmem:s0+$0x9AF0];
	v43 =	vmul.f32 v3, v48;
	v1 =	vadd.f32 v57, v1;
	v8 =	vadd.f32 v20, v8  }
0x1ea: {  	v21 =	vmul.f32 v3, v55;
	v47 =	vmovc v48;
	v45 =	vadd.f32 v11, v38;
	v11 =	vld [tilespmem:s0+$0x5AF0];
	v4 =	vadd.f32 v4, v10  }
0x1eb: {  	v48 =	vmovc v55;
	v55 =	vld [tilespmem:$0x1FD10];
	v20 =	vmul.f32 v2, v46;
	v1 =	vadd.f32 v18, v1;
	v9 =	vadd.f32 v35, v23  }
0x1ec: {  	[tilespmem:$0x1F8A0] =	vst v22;
	v50 =	vld [tilespmem:s0+$0x9B00];
	v38 =	vadd.f32 v60, v8;
	v4 =	vadd.f32 v4, v43;
	v43 =	vmul.f32 v45, v45  }
0x1ed: {  	v58 =	vmovc v49;
	v49 =	vmovc v18;
	v1 =	vadd.f32 v52, v1;
	v18 =	vmov v45;
	v10 =	vld [tilespmem:s0+$0x5B00];
	v9 =	vadd.f32 v9, v21  }
0x1ee: {  	[tilespmem:$0x1FA50] =	vst v45;
	v45 =	vmul.f32 v2, v42;
	v23 =	vadd.f32 v4, v20;
	v5 =	vadd.f32 v43, v5  }
0x1ef: {  	[tilespmem:$0x1F8B0] =	vst v6;
	v16 =	vld [tilespmem:s0+$0x9B10];
	v4 =	vadd.f32 v19, v38;
	v38 =	vadd.f32 v13, v11;
	v43 =	vmul.f32 v3, v56  }
0x1f0: {  	[tilespmem:$0x1FA30] =	vst v29;
	v60 =	vmov v56;
	v21 =	vadd.f32 v9, v45;
	v45 =	vld [tilespmem:s0+$0x5B10];
	v35 =	vmul.f32 v23, v23  }
0x1f1: {  	(xrf2) =	vadd.scan.msk.f32 $0xffff, v1;
	v56 =	vld [tilespmem:$0x1FD20];
	v19 =	vmovc v23;
	[tilespmem:$0x1FA60] =	vst v23;
	v1 =	vadd.f32 v38, v43;
	v23 =	vmul.f32 v2, v55  }
0x1f2: {  	[tilespmem:$0x1FA40] =	vst v7;
	v10 =	vadd.f32 v50, v10  }
0x1f3: {  	[tilespmem:$0x1F8D0] =	vst v17;
	v5 =	vadd.f32 v35, v5;
	v35 =	vmul.f32 v3, v62;
	v20 =	vadd.f32 v1, v23  }
0x1f4: {  	(xrf2) =	vadd.scan.msk.f32 $0xffff, v12;
	v4 =	vadd.f32 v22, v4;
	[tilespmem:$0x1FA70] =	vst v21;
	v1 =	vld [tilespmem:s0+$0x5B20]  }
0x1f5: {  	v38 =	vadd.f32 v10, v35;
	v10 =	vld [tilespmem:s0+$0x9B20];
	[tilespmem:$0x1FA80] =	vst v20  }
0x1f6: {  	v50 =	vmovc v62;
	v4 =	vadd.f32 v6, v4;
	v8 =	vadd.f32 v16, v45;
	v45 =	vmul.f32 v2, v56;
	v62 =	vld [tilespmem:$0x1FC30]  }
0x1f7: {  	v22 =	vmul.f32 v21, v21  }
0x1f8: {  	v4 =	vadd.f32 v34, v4;
	v34 =	vadd.f32 v38, v45;
	v38 =	vld [tilespmem:$0x1FDE0]  }
0x1f9: {  	v43 =	vmul.f32 v17, v17;
	v5 =	vadd.f32 v22, v5;
	v15 =	vld [tilespmem:s0+$0x5B30]  }
0x1fa: {  	v13 =	vmul.f32 v20, v20;
	v9 =	vld [tilespmem:s0+$0x9B30];
	v4 =	vadd.f32 v17, v4;
	v45 =	vmul.f32 v34, v34  }
0x1fb: {  	v26 =	vld [tilespmem:$0x1FC40];
	v22 =	vmul.f32 v3, v62  }
0x1fc: {  	s13 =	sadd.s32 $0x5, s8;
	v12 =	vld [tilespmem:s0+$0x5B40];
	(xrf2) =	vadd.scan.msk.f32 $0xffff, v4;
	v4 =	vadd.f32 v13, v5  }
0x1fd: {  	s14 =	sor.u32 s29, s13;
	v0 =	vadd.f32 v43, v0;
	v43, _, _ =	vpop (xrf2);
	v23 =	vadd.f32 v8, v22;
	v8 =	vmul.f32 v2, v38;
	v38 =	vld [tilespmem:$0x1FD30]  }
0x1fe: {  	v11 =	vmov s14;
	v16 =	vld [tilespmem:s0+$0x9B40];
	(v2sf) =	vpush v43, $0xF;
	v4 =	vadd.f32 v45, v4;
	v45, _, _ =	vpop (xrf2)  }
0x1ff: {  	(v2sf) =	vpush v45, $0xF;
	v45 =	vld [tilespmem:$0x1FD40]  }
0x200: {  	v5 =	vld [tilespmem:s0+$0x5B50];
	v1 =	vadd.f32 v10, v1;
	v35 =	vmul.f32 v3, v26  }
0x201: {  	s17 =	sshll.u32 s13, $0x8;
	v10 =	vld [tilespmem:s0+$0x9B50];
	v9 =	vadd.f32 v9, v15  }
0x202: {  	v13 =	vld [tilespmem:s17+$0x5A80];
	v1 =	vadd.f32 v1, v35;
	v35 =	vmul.f32 v3, v53;
	v43 =	vmul.f32 v2, v38  }
0x203: {  	(xrf2) =	vadd.scan.msk.f32 $0xffff, v0;
	v0 =	vld.idx.msk [tilespmem:v11+s21+$0x0], $0xffff;
	v22 =	vadd.f32 v23, v8  }
0x204: {  	v23 =	vadd.f32 v1, v43;
	v43 =	vadd.f32 v9, v35;
	v9 =	vmul.f32 v2, v45;
	v45 =	vld [tilespmem:$0x1FD50]  }
0x205: {  	v15 =	vld [tilespmem:s0+$0x9B60]  }
0x206: {  	v5 =	vadd.f32 v10, v5;
	v1 =	vld.idx.msk [tilespmem:v11+s23+$0x0], $0xffff;
	v24 =	vadd.f32 v43, v9;
	v43 =	vmul.f32 v3, v41  }
0x207: {  	v12 =	vadd.f32 v16, v12;
	v11 =	vld [tilespmem:s0+$0x5B60];
	v35 =	vmul.f32 v3, v44  }
0x208: {  	v6 =	vmul.f32 v22, v22;
	v38 =	vmovc v53;
	v53 =	vmul.f32 v23, v23;
	v5 =	vadd.f32 v5, v43;
	v43 =	vld [tilespmem:$0x1FD60]  }
0x209: {  	v10 =	vadd.f32 v12, v35;
	v12 =	vmul.f32 v2, v45;
	v45 =	vld [tilespmem:s17+$0x9A80]  }
0x20a: {  	v4 =	vadd.f32 v6, v4  }
0x20b: {  	v8 =	vld [tilespmem:s17+$0x5A90]  }
0x20c: {  	v9 =	vld [tilespmem:s0+$0x5B70];
	v4 =	vadd.f32 v53, v4;
	v35 =	vmul.f32 v24, v24;
	v53, _, _ =	vpop (xrf2)  }
0x20d: {  	(v2sf) =	vpush v53, $0xF;
	v53 =	vadd.f32 v15, v11;
	v15 =	vld [tilespmem:s0+$0x9B70];
	v16 =	vmul.f32 v2, v43  }
0x20e: {  	v4 =	vadd.f32 v35, v4;
	v13 =	vadd.f32 v45, v13;
	v45 =	vld [tilespmem:$0x1FD70]  }
0x20f: {  	v35 =	vmul.f32 v3, v51;
	v25 =	vadd.f32 v10, v12;
	v27 =	vadd.f32 v5, v16;
	v5 =	vld [tilespmem:s17+$0x9A90];
	_ =	sdelay $0x1  }
0x210: {  	v14 =	vld [tilespmem:s17+$0x9AA0];
	v12 =	vmul.f32 v25, v25;
	v10 =	vadd.f32 v53, v35;
	v53 =	vmul.f32 v0, v40  }
0x211: {  	v3 =	vmul.f32 v3, v37;
	v11 =	vld [tilespmem:s17+$0x5AA0];
	v35 =	vmul.f32 v0, v28  }
0x212: {  	v4 =	vadd.f32 v12, v4;
	v40 =	vadd.f32 v13, v53;
	v13 =	vld [tilespmem:s17+$0x5AB0];
	v43 =	vmul.f32 v27, v27  }
0x213: {  	v6, _, _ =	vpop (xrf2);
	v9 =	vadd.f32 v15, v9;
	v15 =	vld [tilespmem:s17+$0x9AB0];
	v16 =	vmul.f32 v2, v45;
	v5 =	vadd.f32 v5, v8  }
0x214: {  	(v2sf) =	vpush v6, $0xF;
	v4 =	vadd.f32 v43, v4;
	v43 =	vmul.f32 v1, v30  }
0x215: {  	s16 =	spop (v2sf);
	v12 =	vld [tilespmem:s17+$0x9AC0];
	v45 =	vmul.f32 v1, v63;
	v28 =	vadd.f32 v10, v16;
	v5 =	vadd.f32 v5, v35  }
0x216: {  	s19 =	spop (v2sf);
	s5 =	smul.f32 $3.906250000e-03, s16;
	v11 =	vadd.f32 v14, v11;
	v53 =	vmul.f32 v0, v39;
	v3 =	vadd.f32 v9, v3;
	v8 =	vld [tilespmem:s17+$0x5AC0]  }
0x217: {  	s14 =	smul.f32 $3.906250000e-03, s19;
	v39 =	vld [tilespmem:s17+$0x9AD0];
	v16 =	vadd.f32 v40, v43;
	v17 =	vmul.f32 v28, v28;
	v63 =	vadd.f32 v5, v45  }
0x218: {  	s19 =	smul.f32 s5, s5;
	v13 =	vadd.f32 v15, v13;
	v35 =	vadd.f32 v11, v53;
	v45 =	vmul.f32 v1, v33;
	v33 =	vld [tilespmem:s17+$0x5AD0]  }
0x219: {  	v53 =	vmul.f32 v16, v16;
	v4 =	vadd.f32 v17, v4;
	v17 =	vmul.f32 v63, v63  }
0x21a: {  	s14 =	ssub.f32 s14, s19;
	v6 =	vmul.f32 v1, v59;
	v43 =	vmovc v37;
	v37 =	vmovc v16;
	v40 =	vadd.f32 v35, v45;
	v35 =	vadd.f32 $0.0e+00, v31  }
0x21b: {  	[tilespmem:$0x1FB10] =	vst v16;
	v16 =	vmul.f32 v1, v61;
	v8 =	vadd.f32 v12, v8;
	v5 =	vadd.f32 v17, v53  }
0x21c: {  	s14 =	sadd.f32 $9.999999740e-06, s14;
	v59 =	vld [tilespmem:s17+$0x9AF0];
	v45 =	vmul.f32 v40, v40;
	v53 =	vmul.f32 v0, v54;
	v10 =	vadd.f32 v36, v35  }
0x21d: {  	v15 =	vld [tilespmem:s17+$0x5AF0];
	v54 =	vmul.f32 v0, v32;
	v17 =	vmul.f32 v0, v47;
	v9 =	vadd.f32 v39, v33  }
0x21e: {  	v11 =	vld [tilespmem:s17+$0x5AE0];
	v36 =	vmov s14;
	v5 =	vadd.f32 v45, v5;
	v13 =	vadd.f32 v13, v53  }
0x21f: {  	v12 =	vmul.f32 $5.000000000e-01, v36;
	v39 =	vld [tilespmem:s17+$0x9AE0];
	v8 =	vadd.f32 v8, v54;
	v10 =	vadd.f32 v29, v10  }
0x220: {  	s13 =	spop (v2sf);
	v45 =	vld [tilespmem:$0x1FDF0];
	v54 =	vmul.f32 v1, v46;
	v33 =	vadd.f32 v9, v17;
	v9 =	vshra.s32 v36, $0x1  }
0x221: {  	s16 =	spop (v2sf);
	s19 =	smul.f32 $3.906250000e-03, s13;
	v31 =	vadd.f32 v13, v6;
	v10 =	vadd.f32 v7, v10;
	v9 =	vsub.s32 $0x5F3759DF, v9  }
0x222: {  	s16 =	smul.f32 $3.906250000e-03, s16;
	v35 =	vadd.f32 v8, v16;
	v6 =	vmul.f32 v0, v26;
	v53 =	vmul.f32 v9, v12  }
0x223: {  	s13 =	smul.f32 s19, s19;
	v30 =	vadd.f32 v33, v54;
	v54 =	vmul.f32 v0, v48;
	v10 =	vadd.f32 v18, v10  }
0x224: {  	v47 =	vmul.f32 v31, v31;
	v14 =	vmul.f32 v35, v35;
	v39 =	vadd.f32 v39, v11  }
0x225: {  	s14 =	ssub.f32 s16, s13;
	v7 =	vld [tilespmem:$0x1FDE0];
	v2 =	vmul.f32 v2, v45;
	v33 =	vmul.f32 v9, v53;
	v53 =	vadd.f32 v59, v15  }
0x226: {  	v59 =	vmul.f32 v0, v60;
	v10 =	vadd.f32 v19, v10;
	v61 =	vadd.f32 v47, v5  }
0x227: {  	s14 =	sadd.f32 $9.999999740e-06, s14;
	v46 =	vmul.f32 v30, v30;
	v19 =	vadd.f32 v3, v2;
	v5 =	vsub.f32 $1.500000000e+00, v33  }
0x228: {  	v45 =	vld [tilespmem:s17+$0x5B00];
	v3 =	vadd.f32 v39, v54;
	v60 =	vadd.f32 v53, v59;
	v39 =	vmul.f32 v1, v56  }
0x229: {  	v47 =	vld [tilespmem:s17+$0x9B00];
	v56 =	vmov s14;
	v59 =	vmul.f32 v0, v62;
	v62 =	vmov s5  }
0x22a: {  	v16 =	vmul.f32 v1, v7;
	v36 =	vadd.f32 v21, v10;
	v2 =	vadd.f32 v14, v61  }
0x22b: {  	v61 =	vmul.f32 v1, v42;
	v14 =	vadd.f32 $0.0e+00, v62;
	v5 =	vmul.f32 v9, v5  }
0x22c: {  	v32 =	vld [tilespmem:s17+$0x5B10];
	v11 =	vmul.f32 $5.000000000e-01, v56;
	v8 =	vadd.f32 v20, v36;
	v2 =	vadd.f32 v46, v2  }
0x22d: {  	v29 =	vld [tilespmem:s17+$0x5B40];
	v20 =	vmul.f32 v1, v55;
	v42 =	vadd.f32 v3, v61;
	v18 =	vmul.f32 v5, v12  }
0x22e: {  	v13 =	vshra.s32 v56, $0x1;
	v21 =	vadd.f32 v47, v45;
	v47 =	vld [tilespmem:s17+$0x5B20];
	v8 =	vadd.f32 v34, v8  }
0x22f: {  	[tilespmem:$0x1FA90] =	vst v34;
	v48 =	vadd.f32 v60, v20;
	v34 =	vld [tilespmem:s17+$0x9B10];
	v36 =	vmul.f32 v42, v42;
	v33 =	vmul.f32 v18, v5  }
0x230: {  	[tilespmem:$0x1FAA0] =	vst v22;
	v45 =	vmul.f32 v19, v19;
	v8 =	vadd.f32 v22, v8;
	v22 =	vmul.f32 v0, v50;
	v50 =	vld [tilespmem:s17+$0x9B20]  }
0x231: {  	v56 =	vld [tilespmem:$0x1F580];
	v2 =	vadd.f32 v36, v2;
	v46 =	vmul.f32 v48, v48;
	v9 =	vsub.f32 $1.500000000e+00, v33  }
0x232: {  	v62 =	vld [tilespmem:s17+$0x5B30];
	v13 =	vsub.s32 $0x5F3759DF, v13;
	v4 =	vadd.f32 v45, v4;
	v8 =	vadd.f32 v23, v8  }
0x233: {  	v3 =	vadd.f32 v21, v22;
	v2 =	vadd.f32 v46, v2;
	v22 =	vld [tilespmem:$0x1FD30];
	v5 =	vmul.f32 v9, v5  }
0x234: {  	v61 =	vmul.f32 v13, v11;
	v45 =	vld [tilespmem:$0x1F540];
	v53 =	vadd.f32 v34, v32;
	v8 =	vadd.f32 v24, v8  }
0x235: {  	v36 =	vld [tilespmem:$0x1F520];
	v54 =	vadd.f32 v3, v39;
	v9 =	vadd.f32 v50, v47;
	v60 =	vmul.f32 v5, v12  }
0x236: {  	v39 =	vld [tilespmem:$0x1F530];
	v3 =	vadd.f32 v53, v59;
	v12 =	vmul.f32 v13, v61;
	v8 =	vadd.f32 v25, v8  }
0x237: {  	[tilespmem:$0x1FAC0] =	vst v24;
	v24 =	vld [tilespmem:s17+$0x9B30];
	v55 =	vmul.f32 v54, v54;
	v20 =	vadd.f32 v9, v6;
	v21 =	vmul.f32 v60, v5  }
0x238: {  	[tilespmem:$0x1FAB0] =	vst v23;
	v47 =	vld [tilespmem:$0x1F560];
	v10 =	vmul.f32 v1, v22;
	v53 =	vadd.f32 v3, v16;
	v23 =	vsub.f32 $1.500000000e+00, v12  }
0x239: {  	v50 =	vld [tilespmem:$0x1F570];
	v3 =	vbroadcast v14, $0x0;
	v8 =	vadd.f32 v27, v8;
	v2 =	vadd.f32 v55, v2  }
0x23a: {  	v7 =	vld [tilespmem:$0x1F5D0];
	v34 =	vadd.f32 v20, v10;
	v33 =	vsub.f32 $1.500000000e+00, v21  }
0x23b: {  	v61 =	vld [tilespmem:$0x1F5B0];
	v9 =	vsub.f32 v36, v3;
	v10 =	vsub.f32 v39, v3  }
0x23c: {  	s14 =	spop (v2sf);
	v60 =	vld [tilespmem:$0x1F5A0];
	v12 =	vsub.f32 v45, v3;
	v17 =	vsub.f32 v56, v3  }
0x23d: {  	s16 =	spop (v2sf);
	s5 =	smul.f32 $3.906250000e-03, s14;
	v46 =	vld [tilespmem:$0x1F550];
	v21 =	vadd.f32 v24, v62;
	v8 =	vadd.f32 v28, v8  }
0x23e: {  	[tilespmem:$0x1FAD0] =	vst v25;
	s14 =	smul.f32 $3.906250000e-03, s16;
	v32 =	vld [tilespmem:$0x1F5E0];
	v14 =	vsub.f32 v47, v3;
	v15 =	vsub.f32 v50, v3  }
0x23f: {  	[tilespmem:$0x1FAF0] =	vst v28;
	s13 =	smul.f32 s5, s5;
	v56 =	vld [tilespmem:$0x1FD40];
	v28 =	vmul.f32 v53, v53;
	v5 =	vmul.f32 v33, v5;
	v8 =	vadd.f32 v19, v8  }
0x240: {  	[tilespmem:$0x1FB00] =	vst v19;
	v59 =	vld [tilespmem:$0x1F590];
	v20 =	vsub.f32 v61, v3;
	v61 =	vmul.f32 v0, v44;
	v45 =	vmul.f32 v34, v34  }
0x241: {  	s14 =	ssub.f32 s14, s13;
	v25 =	vld [tilespmem:$0x1F5F0];
	v19 =	vsub.f32 v60, v3;
	v62 =	vmul.f32 v5, v9;
	v47 =	vmul.f32 v5, v10;
	(xrf2) =	vadd.scan.msk.f32 $0xffff, v8  }
0x242: {  	v6 =	vld [tilespmem:$0x1F5C0];
	v2 =	vadd.f32 v28, v2;
	v50 =	vmul.f32 v5, v12;
	(xrf2) =	vadd.scan.msk.f32 $0xffff, v4;
	v4 =	vmul.f32 v13, v23  }
0x243: {  	s14 =	sadd.f32 $9.999999740e-06, s14;
	v36 =	vld [tilespmem:$0x1F610];
	v60 =	vmul.f32 v5, v14;
	v44 =	vmul.f32 v5, v20;
	v8 =	vsub.f32 v32, v3  }
0x244: {  	v24 =	vld [tilespmem:s17+$0x5B60];
	v2 =	vadd.f32 v45, v2;
	v10 =	vmul.f32 v1, v56;
	v55 =	vmul.f32 v4, v11  }
0x245: {  	v33 =	vld [tilespmem:$0x1F600];
	v45 =	vmov s19;
	v32 =	vmov s14;
	v13 =	vsub.f32 v46, v3  }
0x246: {  	v23 =	vsub.f32 v7, v3;
	v46 =	vmul.f32 v0, v38;
	[tilespmem:$0x1F8E0] =	vst v47;
	v47 =	vld [tilespmem:$0x1FD50];
	v16 =	vmul.f32 v55, v4  }
0x247: {  	v38 =	vmul.f32 v5, v19;
	[tilespmem:$0x1F960] =	vst v44;
	v14 =	vmul.f32 $5.000000000e-01, v32;
	v12 =	vshra.s32 v32, $0x1;
	v44 =	vld [tilespmem:$0x1F670]  }
0x248: {  	[tilespmem:$0x1FAE0] =	vst v27;
	v32 =	vld [tilespmem:$0x1F6F0];
	v12 =	vsub.s32 $0x5F3759DF, v12;
	v55 =	vmul.f32 v5, v13;
	v16 =	vsub.f32 $1.500000000e+00, v16  }
0x249: {  	v9 =	vadd.f32 v21, v46;
	v21 =	vld [tilespmem:s17+$0x5B50];
	[tilespmem:$0x1F950] =	vst v38;
	v13 =	vadd.f32 $0.0e+00, v45;
	v45 =	vmul.f32 v12, v14  }
0x24a: {  	v22 =	vsub.f32 v6, v3;
	v38 =	vld [tilespmem:$0x1F650];
	[tilespmem:$0x1F900] =	vst v55;
	v55 =	vmul.f32 v5, v23;
	v4 =	vmul.f32 v16, v4  }
0x24b: {  	v18 =	vsub.f32 v59, v3;
	[tilespmem:$0x1F8F0] =	vst v50;
	v16 =	vmul.f32 v5, v15;
	v15 =	vmul.f32 v1, v47;
	v47 =	vld [tilespmem:$0x1F680]  }
0x24c: {  	v25 =	vsub.f32 v25, v3;
	v50 =	vmul.f32 v5, v22;
	[tilespmem:$0x1F980] =	vst v55;
	v55 =	vld [tilespmem:$0x1F6A0];
	v27, _, _ =	vpop (xrf2);
	v11 =	vmul.f32 v4, v11  }
0x24d: {  	v26 =	vsub.f32 v33, v3;
	v19 =	vmul.f32 v12, v45;
	(v2sf) =	vpush v27, $0xF;
	v27 =	vld [tilespmem:s17+$0x9B40]  }
0x24e: {  	[tilespmem:$0x1FBB0] =	vst v34;
	v3 =	vsub.f32 v36, v3;
	v23 =	vld [tilespmem:$0x1F620];
	v39, _, _ =	vpop (xrf2);
	v56 =	vmul.f32 v11, v4;
	v11 =	vbroadcast v13, $0x0  }
0x24f: {  	[tilespmem:$0x1F910] =	vst v60;
	v60 =	vmul.f32 v5, v25;
	v19 =	vsub.f32 $1.500000000e+00, v19;
	(v2sf) =	vpush v39, $0xF;
	v39 =	vld [tilespmem:s17+$0x9B50]  }
0x250: {  	v25 =	vld [tilespmem:s17+$0x9B60];
	v36 =	vmul.f32 v5, v18;
	[tilespmem:$0x1F920] =	vst v16;
	v16 =	vsub.f32 v38, v11;
	v18 =	vsub.f32 v44, v11  }
0x251: {  	[tilespmem:$0x1F970] =	vst v50;
	v50 =	vld [tilespmem:$0x1F690];
	v20 =	vsub.f32 v47, v11;
	v22 =	vsub.f32 v55, v11  }
0x252: {  	[tilespmem:$0x1F9A0] =	vst v60;
	v60 =	vld [tilespmem:$0x1F6D0];
	v7 =	vsub.f32 v32, v11;
	v59 =	vadd.f32 v27, v29  }
0x253: {  	v17 =	vmul.f32 v5, v17;
	[tilespmem:$0x1F940] =	vst v36;
	v36 =	vld [tilespmem:$0x1F640];
	v29 =	vadd.f32 v9, v10;
	v10 =	vsub.f32 v23, v11  }
0x254: {  	v28 =	vmovc v34;
	v3 =	vmul.f32 v5, v3;
	v9 =	vadd.f32 v39, v21;
	v39 =	vld [tilespmem:$0x1F660];
	v34 =	vadd.f32 v59, v61  }
0x255: {  	v27 =	vmul.f32 v0, v41;
	v59 =	vmul.f32 v5, v8;
	v61 =	vsub.f32 $1.500000000e+00, v56;
	v56 =	vld [tilespmem:$0x1F6B0]  }
0x256: {  	v41 =	vmul.f32 v0, v51;
	v46 =	vmul.f32 v29, v29;
	v33 =	vadd.f32 v34, v15;
	v34 =	vld [tilespmem:$0x1F630]  }
0x257: {  	s16 =	spop (v2sf);
	v0 =	vmul.f32 v0, v43;
	v21 =	vsub.f32 v50, v11;
	v9 =	vadd.f32 v9, v27;
	[tilespmem:$0x1F990] =	vst v59;
	v59 =	vld [tilespmem:$0x1F6C0]  }
0x258: {  	s19 =	spop (v2sf);
	s14 =	smul.f32 $3.906250000e-03, s16;
	v2 =	vadd.f32 v46, v2;
	v15 =	vsub.f32 v36, v11;
	v4 =	vmul.f32 v61, v4;
	v61 =	vld [tilespmem:$0x1F6E0]  }
0x259: {  	[tilespmem:$0x1F930] =	vst v17;
	s16 =	smul.f32 $3.906250000e-03, s19;
	v46 =	vmul.f32 v5, v26;
	v5 =	vsub.f32 v60, v11;
	v36 =	vld [tilespmem:$0x1F710];
	v17 =	vsub.f32 v39, v11  }
0x25a: {  	s13 =	smul.f32 s14, s14;
	v60 =	vld [tilespmem:$0x1FD70];
	v26 =	vmul.f32 v33, v33;
	v39 =	vadd.f32 v25, v24;
	v45 =	vmul.f32 v4, v10  }
0x25b: {  	[tilespmem:$0x1F9B0] =	vst v46;
	v50 =	vmul.f32 v4, v15;
	v46 =	vmul.f32 v4, v20;
	v23 =	vsub.f32 v56, v11  }
0x25c: {  	s16 =	ssub.f32 s16, s13;
	v56 =	vmul.f32 v4, v16;
	v2 =	vadd.f32 v26, v2;
	v51 =	vadd.f32 v39, v41  }
0x25d: {  	v38 =	vld [tilespmem:$0x1FD60];
	v47 =	vmul.f32 v4, v17;
	v17 =	vmul.f32 v4, v21;
	v13 =	vsub.f32 v34, v11  }
0x25e: {  	[tilespmem:$0x1F9C0] =	vst v3;
	s16 =	sadd.f32 $9.999999740e-06, s16;
	v39 =	vmul.f32 v4, v7;
	v3 =	vsub.f32 v59, v11;
	v8 =	vsub.f32 v61, v11;
	v34 =	vld [tilespmem:$0x1F700]  }
0x25f: {  	v6 =	vsub.f32 v36, v11;
	v10 =	vmul.f32 v1, v60;
	v60 =	vmul.f32 v4, v18  }
0x260: {  	v61 =	vadd.f32 $0.0e+00, v37;
	v18 =	vmul.f32 v4, v22;
	v22 =	vmov s16;
	v36 =	vld [tilespmem:$0x1FDF0]  }
0x261: {  	v32 =	vld [tilespmem:s17+$0x5B70];
	v44 =	vmul.f32 v4, v13;
	v16 =	vadd.f32 v51, v10;
	v3 =	vmul.f32 v4, v3  }
0x262: {  	[tilespmem:$0x1FB20] =	vst v63;
	s19 =	spop (v2sf);
	v20 =	vadd.f32 v63, v61;
	v13 =	vmul.f32 $5.000000000e-01, v22;
	v61 =	vmul.f32 v4, v5;
	v63 =	vld [tilespmem:s17+$0x9B70]  }
0x263: {  	s13 =	spop (v2sf);
	s19 =	smul.f32 $3.906250000e-03, s19;
	v34 =	vsub.f32 v34, v11;
	v11 =	vmul.f32 v12, v19;
	v12 =	vmul.f32 v1, v38  }
0x264: {  	v10 =	vshra.s32 v22, $0x1;
	s13 =	smul.f32 $3.906250000e-03, s13;
	v19 =	vmul.f32 v4, v23;
	v38 =	vmul.f32 v4, v6  }
0x265: {  	s16 =	smul.f32 s19, s19;
	v23 =	vsub.s32 $0x5F3759DF, v10;
	v1 =	vmul.f32 v1, v36;
	v21 =	vmul.f32 v11, v14  }
0x266: {  	[tilespmem:$0x1FB30] =	vst v40;
	v59 =	vmul.f32 v23, v13;
	v24 =	vadd.f32 v9, v12;
	v9 =	vadd.f32 v40, v20  }
0x267: {  	[tilespmem:$0x1FA00] =	vst v3;
	s13 =	ssub.f32 s13, s16;
	v40 =	vmul.f32 v4, v8;
	v20 =	vadd.f32 v63, v32;
	v3 =	vmul.f32 v21, v11  }
0x268: {  	v37 =	vmul.f32 v4, v34;
	v51 =	vadd.f32 v31, v9;
	v9 =	vmul.f32 v23, v59  }
0x269: {  	[tilespmem:$0x1F9D0] =	vst v17;
	v10 =	vld [tilespmem:$0x1F8F0];
	s13 =	sadd.f32 $9.999999740e-06, s13;
	v15 =	vmul.f32 v24, v24;
	v32 =	vadd.f32 v20, v0;
	v3 =	vsub.f32 $1.500000000e+00, v3  }
0x26a: {  	[tilespmem:$0x1F9F0] =	vst v19;
	v19 =	vmul.f32 v16, v16;
	v20 =	vld [tilespmem:$0x1F730];
	v8 =	vadd.f32 v35, v51;
	v17 =	vsub.f32 $1.500000000e+00, v9  }
0x26b: {  	[tilespmem:$0x1FB50] =	vst v35;
	v2 =	vadd.f32 v15, v2;
	v35 =	vmov s13;
	v51 =	vadd.f32 v32, v1;
	v32 =	vld [tilespmem:$0x1F750]  }
0x26c: {  	[tilespmem:$0x1F9E0] =	vst v18;
	v9 =	vld [tilespmem:$0x1F870];
	v15 =	vmul.f32 $5.000000000e-01, v35;
	v18 =	vadd.f32 v30, v8;
	v4 =	vmul.f32 v23, v17  }
0x26d: {  	v22 =	vadd.f32 v19, v2;
	v8 =	vshra.s32 v35, $0x1;
	v12 =	vmul.f32 v51, v51;
	v35 =	vld [tilespmem:$0x1F760]  }
0x26e: {  	v3 =	vmul.f32 v3, v11;
	v8 =	vsub.s32 $0x5F3759DF, v8;
	v23 =	vadd.f32 v42, v18;
	v18 =	vld [tilespmem:$0x1F720]  }
0x26f: {  	v41 =	vmul.f32 v4, v13;
	v43 =	vmul.f32 v8, v15;
	v11 =	vadd.f32 v12, v22;
	v22 =	vld [tilespmem:$0x1F740]  }
0x270: {  	v21 =	vmul.f32 v3, v14;
	v12 =	vld [tilespmem:$0x1F890];
	v5 =	vadd.f32 v48, v23  }
0x271: {  	[tilespmem:$0x1FB70] =	vst v42;
	v42 =	vmov s5;
	v59 =	vmul.f32 v41, v4;
	v63 =	vmul.f32 v8, v43;
	v41 =	vld [tilespmem:$0x1F770]  }
0x272: {  	[tilespmem:$0x1FB90] =	vst v54;
	v34 =	vmul.f32 v21, v3;
	v43 =	vld [tilespmem:$0x1F780];
	v5 =	vadd.f32 v54, v5;
	v54 =	vadd.f32 $0.0e+00, v42  }
0x273: {  	v6 =	vsub.f32 $1.500000000e+00, v59;
	v17 =	vsub.f32 $1.500000000e+00, v63;
	v59 =	vld [tilespmem:$0x1F7A0]  }
0x274: {  	[tilespmem:$0x1FBA0] =	vst v53;
	v7 =	vsub.f32 $1.500000000e+00, v34;
	v5 =	vadd.f32 v53, v5;
	v1 =	vbroadcast v54, $0x0;
	v53 =	vld [tilespmem:$0x1F790]  }
0x275: {  	v2 =	vmul.f32 v6, v4;
	v6 =	vmul.f32 v8, v17;
	v8 =	vld [tilespmem:$0x1F860]  }
0x276: {  	v3 =	vmul.f32 v7, v3;
	v7 =	vld [tilespmem:$0x1FE10];
	v5 =	vadd.f32 v28, v5  }
0x277: {  	v19 =	vsub.f32 v18, v1;
	v42 =	vsub.f32 v41, v1;
	v41 =	vld [tilespmem:$0x1F7D0]  }
0x278: {  	v21 =	vsub.f32 v20, v1;
	v23 =	vsub.f32 v22, v1;
	v18 =	vld [tilespmem:$0x1F7E0]  }
0x279: {  	v34 =	vsub.f32 v32, v1;
	v36 =	vsub.f32 v35, v1;
	v22 =	vld [tilespmem:$0x1F810]  }
0x27a: {  	[tilespmem:$0x1FB80] =	vst v48;
	v48 =	vsub.f32 v43, v1;
	v43 =	vmov s14;
	v26 =	vmul.f32 v3, v23;
	v23 =	vld [tilespmem:$0x1F7B0]  }
0x27b: {  	v13 =	vmul.f32 v2, v13;
	v5 =	vadd.f32 v29, v5;
	v27 =	vmul.f32 v3, v19;
	v19 =	vld [tilespmem:$0x1F7F0]  }
0x27c: {  	v14 =	vsub.f32 v52, v1;
	v63 =	vsub.f32 v59, v1;
	v28 =	vmul.f32 v3, v21;
	v21 =	vld [tilespmem:$0x1F800]  }
0x27d: {  	[tilespmem:$0x1FB40] =	vst v31;
	v31 =	vmul.f32 v3, v48;
	v48 =	vadd.f32 $0.0e+00, v43;
	v43 =	vld [tilespmem:$0x1F840];
	v5 =	vadd.f32 v33, v5  }
0x27e: {  	[tilespmem:$0x1FB60] =	vst v30;
	v30 =	vmul.f32 v3, v34;
	v54 =	vsub.f32 v53, v1;
	v53 =	vsub.f32 v58, v1;
	v58 =	vld [tilespmem:$0x1F850]  }
0x27f: {  	[tilespmem:$0x1FBD0] =	vst v33;
	v34 =	vmul.f32 v3, v42;
	v33 =	vld [tilespmem:$0x1F7C0];
	v0 =	vbroadcast v48, $0x0;
	v5 =	vadd.f32 v24, v5  }
0x280: {  	v42 =	vsub.f32 v41, v1;
	v25 =	vmul.f32 v3, v54;
	v54 =	vsub.f32 v57, v1;
	v41 =	vld [tilespmem:$0x1F820]  }
0x281: {  	v57 =	vsub.f32 v8, v0;
	v8 =	vld [tilespmem:$0x1F8E0];
	v5 =	vadd.f32 v16, v5  }
0x282: {  	v13 =	vmul.f32 v13, v2;
	v52 =	vsub.f32 v12, v0;
	v12 =	vld [tilespmem:$0x1FE30];
	v32 =	vsub.f32 v23, v1  }
0x283: {  	[tilespmem:$0x1FBE0] =	vst v24;
	v35 =	vmul.f32 v3, v36;
	v24 =	vmul.f32 v3, v42;
	v42 =	vld [tilespmem:$0x1F830];
	v5 =	vadd.f32 v51, v5  }
0x284: {  	v36 =	vsub.f32 v33, v1;
	v20 =	vmul.f32 v3, v32;
	v33 =	vsub.f32 $1.500000000e+00, v13;
	v13 =	vld [tilespmem:$0x1F8A0]  }
0x285: {  	v32 =	vsub.f32 v18, v0;
	v18 =	vmul.f32 v3, v14;
	v14 =	vld [tilespmem:$0x1F8B0];
	(xrf2) =	vadd.scan.msk.f32 $0xffff, v5;
	v5 =	vsub.f32 v49, v1  }
0x286: {  	v49 =	vsub.f32 v22, v0;
	v22 =	vsub.f32 v41, v0;
	v41 =	vld [tilespmem:$0x1F8C0]  }
0x287: {  	(xrf2) =	vadd.scan.msk.f32 $0xffff, v11;
	v11 =	vld [tilespmem:$0x1F880]  }
0x288: {  	[tilespmem:$0x1FBC0] =	vst v29;
	v17 =	vmul.f32 v3, v63;
	v48 =	vmul.f32 v6, v15;
	v63 =	vsub.f32 v42, v0;
	v42 =	vld [tilespmem:$0x1F8D0]  }
0x289: {  	[tilespmem:$0x1FBF0] =	vst v16;
	v29 =	vsub.f32 v19, v0;
	v59 =	vsub.f32 v43, v0;
	v16 =	vmul.f32 v3, v5;
	v5 =	vld [tilespmem:$0x1FE00]  }
0x28a: {  	v19 =	vmul.f32 v3, v54;
	v1 =	vmul.f32 v48, v6;
	v48 =	vsub.f32 v13, v0;
	v13 =	vld [tilespmem:$0x1F900]  }
0x28b: {  	v54 =	vsub.f32 v9, v0;
	v9 =	vld [tilespmem:$0x1FE20];
	v58 =	vsub.f32 v58, v0;
	v23 =	vmul.f32 v3, v36  }
0x28c: {  	v36 =	vsub.f32 v21, v0;
	v21 =	vmul.f32 v3, v53;
	v53 =	vsub.f32 v11, v0;
	v11 =	vld [tilespmem:$0x1FF00]  }
0x28d: {  	v33 =	vmul.f32 v33, v2;
	v2 =	vmul.f32 v8, v7;
	v7 =	vld [tilespmem:$0x1F910];
	v43 =	vsub.f32 v14, v0  }
0x28e: {  	v8 =	vld [tilespmem:$0x1FF10];
	v1 =	vsub.f32 $1.500000000e+00, v1;
	v41 =	vsub.f32 v41, v0  }
0x28f: {  	v42 =	vsub.f32 v42, v0;
	v0 =	vmul.f32 v62, v5;
	v62 =	vmul.f32 v13, v12;
	v12 =	vld [tilespmem:$0x1FF30]  }
0x290: {  	v5 =	vld [tilespmem:$0x1FE40];
	v4, _, _ =	vpop (xrf2)  }
0x291: {  	v14 =	vmul.f32 v1, v6;
	(v2sf) =	vpush v4, $0xF;
	v6, _, _ =	vpop (xrf2);
	v4 =	vadd.f32 v0, v11;
	v11 =	vld [tilespmem:$0x1F920]  }
0x292: {  	(v2sf) =	vpush v6, $0xF;
	v6 =	vmul.f32 v10, v9;
	v9 =	vld [tilespmem:$0x1FE50]  }
0x293: {  	v13 =	vld [tilespmem:$0x1FF40]  }
0x294: {  	v10 =	vadd.f32 v62, v12;
	v62 =	vld [tilespmem:$0x1FE60]  }
0x295: {  	v1 =	vmul.f32 v7, v5;
	v5 =	vadd.f32 v2, v8;
	v8 =	vld [tilespmem:$0x1F930]  }
0x296: {  	v12 =	vld [tilespmem:$0x1F940]  }
0x297: {  	v0 =	vmul.f32 v11, v9;
	v9 =	vld [tilespmem:$0x1FF50]  }
0x298: {  	v11 =	vld [tilespmem:$0x1FE70];
	_ =	sdelay $0x1  }
0x299: {  	v7 =	vadd.f32 v1, v13;
	v13 =	vld [tilespmem:$0x1FE80]  }
0x29a: {  	v1 =	vmul.f32 v8, v62;
	v62 =	vld [tilespmem:$0x1F950]  }
0x29b: {  	v8 =	vadd.f32 v0, v9;
	v9 =	vld [tilespmem:$0x1FF60]  }
0x29c: {  	v0 =	vmul.f32 v12, v11;
	v11 =	vld [tilespmem:$0x1FE90]  }
0x29d: {  	v12 =	vld [tilespmem:$0x1F960];
	_ =	sdelay $0x1  }
0x29e: {  	v2 =	vmul.f32 v62, v13;
	v13 =	vld [tilespmem:$0x1FEA0]  }
0x29f: {  	v62 =	vld [tilespmem:$0x1F970];
	_ =	sdelay $0x1  }
0x2a0: {  	v9 =	vadd.f32 v1, v9;
	v1 =	vmul.f32 v12, v11;
	v12 =	vld [tilespmem:$0x1FF70];
	_ =	sdelay $0x2  }
0x2a1: {  	v3 =	vmul.f32 v62, v13;
	v13 =	vld [tilespmem:$0x1FF80]  }
0x2a2: {  	v62 =	vld [tilespmem:$0x1F980]  }
0x2a3: {  	v11 =	vadd.f32 v0, v12;
	v0 =	vld [tilespmem:$0x1FEB0];
	_ =	sdelay $0x3  }
0x2a4: {  	v2 =	vadd.f32 v2, v13;
	v13 =	vld [tilespmem:$0x1FFA0]  }
0x2a5: {  	v0 =	vmul.f32 v62, v0;
	v62 =	vld [tilespmem:$0x1FF90];
	_ =	sdelay $0x3  }
0x2a6: {  	v3 =	vadd.f32 v3, v13;
	v13 =	vld [tilespmem:$0x1FFB0]  }
0x2a7: {  	v12 =	vadd.f32 v1, v62;
	v1 =	vld [tilespmem:$0x1FEC0]  }
0x2a8: {  	v62 =	vld [tilespmem:$0x1F990];
	_ =	sdelay $0x3  }
0x2a9: {  	v13 =	vadd.f32 v0, v13;
	v0 =	vld [tilespmem:$0x1FED0]  }
0x2aa: {  	v1 =	vmul.f32 v62, v1;
	v62 =	vld [tilespmem:$0x1F9A0];
	_ =	sdelay $0x4  }
0x2ab: {  	[tilespmem:s9+$0x15A80] =	vst v4;
	v4 =	vmul.f32 v62, v0;
	v0 =	vld [tilespmem:$0x1FEE0]  }
0x2ac: {  	v62 =	vld [tilespmem:$0x1F9B0];
	_ =	sdelay $0x4  }
0x2ad: {  	v0 =	vmul.f32 v62, v0;
	v62 =	vld [tilespmem:$0x1FFC0];
	_ =	sdelay $0x3  }
0x2ae: {  	[tilespmem:s9+$0x15A90] =	vst v5;
	v5 =	vld [tilespmem:$0x1FEF0]  }
0x2af: {  	v1 =	vadd.f32 v1, v62;
	v62 =	vld [tilespmem:$0x1F9C0];
	_ =	sdelay $0x4  }
0x2b0: {  	v5 =	vmul.f32 v62, v5;
	v62 =	vld [tilespmem:$0x1FE00];
	_ =	sdelay $0x4  }
0x2b1: {  	v45 =	vmul.f32 v45, v62;
	v62 =	vld [tilespmem:$0x1FFD0];
	_ =	sdelay $0x4  }
0x2b2: {  	v4 =	vadd.f32 v4, v62;
	v62 =	vld [tilespmem:$0x1FFE0];
	_ =	sdelay $0x2  }
0x2b3: {  	v55 =	vld [tilespmem:$0x1FF20];
	_ =	sdelay $0x1  }
0x2b4: {  	v0 =	vadd.f32 v0, v62;
	v62 =	vld [tilespmem:$0x1FE10];
	_ =	sdelay $0x2  }
0x2b5: {  	v6 =	vadd.f32 v6, v55;
	_ =	sdelay $0x1  }
0x2b6: {  	[tilespmem:s9+$0x15AA0] =	vst v6;
	v6 =	vmul.f32 v44, v62;
	v62 =	vld [tilespmem:$0x1FFF0];
	_ =	sdelay $0x2  }
0x2b7: {  	v44 =	vld [tilespmem:$0x1FF00];
	_ =	sdelay $0x1  }
0x2b8: {  	v5 =	vadd.f32 v5, v62;
	v62 =	vld [tilespmem:$0x1FE20];
	_ =	sdelay $0x2  }
0x2b9: {  	[tilespmem:s9+$0x15AB0] =	vst v10;
	v10 =	vadd.f32 v45, v44;
	v45 =	vld [tilespmem:$0x1FE30];
	_ =	sdelay $0x1  }
0x2ba: {  	v44 =	vmul.f32 v50, v62;
	v62 =	vld [tilespmem:$0x1FF10];
	_ =	sdelay $0x1  }
0x2bb: {  	v50 =	vld [tilespmem:$0x1FE40]  }
0x2bc: {  	[tilespmem:s9+$0x15AC0] =	vst v7;
	v7 =	vmul.f32 v56, v45;
	v56 =	vld [tilespmem:$0x1FE50];
	_ =	sdelay $0x1  }
0x2bd: {  	v6 =	vadd.f32 v6, v62;
	v62 =	vld [tilespmem:$0x1FE60];
	_ =	sdelay $0x1  }
0x2be: {  	v45 =	vmul.f32 v47, v50;
	v50 =	vld [tilespmem:$0x1FF30]  }
0x2bf: {  	[tilespmem:s9+$0x15AD0] =	vst v8;
	v8 =	vadd.f32 v44, v55;
	v44 =	vmul.f32 v60, v56;
	v56 =	vld [tilespmem:$0x1FF40]  }
0x2c0: {  	v60 =	vld [tilespmem:$0x1FE70]  }
0x2c1: {  	v46 =	vmul.f32 v46, v62;
	v62 =	vld [tilespmem:$0x1F9D0];
	_ =	sdelay $0x2  }
0x2c2: {  	v7 =	vadd.f32 v7, v50;
	v50 =	vld [tilespmem:$0x1FF50]  }
0x2c3: {  	[tilespmem:s9+$0x15AE0] =	vst v9;
	v9 =	vadd.f32 v45, v56;
	v56 =	vld [tilespmem:$0x1FF60]  }
0x2c4: {  	v45 =	vmul.f32 v62, v60;
	v60 =	vld [tilespmem:$0x1FE80]  }
0x2c5: {  	v62 =	vld [tilespmem:$0x1F9E0]  }
0x2c6: {  	v47 =	vld [tilespmem:$0x1FF70]  }
0x2c7: {  	[tilespmem:s9+$0x15AF0] =	vst v11;
	v11 =	vadd.f32 v44, v50;
	v50 =	vld [tilespmem:$0x1FE90]  }
0x2c8: {  	v44 =	vadd.f32 v46, v56;
	v56 =	vld [tilespmem:$0x1F9F0];
	_ =	sdelay $0x1  }
0x2c9: {  	v46 =	vmul.f32 v62, v60;
	v60 =	vld [tilespmem:$0x1FEA0]  }
0x2ca: {  	v62 =	vld [tilespmem:$0x1FA00];
	_ =	sdelay $0x1  }
0x2cb: {  	[tilespmem:s9+$0x15B00] =	vst v2;
	v2 =	vadd.f32 v45, v47;
	v45 =	vmul.f32 v56, v50;
	v56 =	vld [tilespmem:$0x1FF80];
	_ =	sdelay $0x2  }
0x2cc: {  	v47 =	vmul.f32 v62, v60;
	v62 =	vld [tilespmem:$0x1FEC0]  }
0x2cd: {  	v50 =	vld [tilespmem:$0x1FF90]  }
0x2ce: {  	[tilespmem:s9+$0x15B10] =	vst v12;
	v12 =	vadd.f32 v46, v56;
	v56 =	vld [tilespmem:$0x1FFA0]  }
0x2cf: {  	v60 =	vld [tilespmem:$0x1FEB0];
	_ =	sdelay $0x1  }
0x2d0: {  	v40 =	vmul.f32 v40, v62;
	v62 =	vld [tilespmem:$0x1FFB0]  }
0x2d1: {  	[tilespmem:s9+$0x15B20] =	vst v3;
	v3 =	vadd.f32 v45, v50;
	v50 =	vld [tilespmem:$0x1FFC0]  }
0x2d2: {  	v45 =	vadd.f32 v47, v56;
	v56 =	vld [tilespmem:$0x1FEE0]  }
0x2d3: {  	v46 =	vmul.f32 v61, v60;
	v60 =	vld [tilespmem:$0x1FED0];
	_ =	sdelay $0x1  }
0x2d4: {  	[tilespmem:s9+$0x15B30] =	vst v13;
	v13 =	vadd.f32 v46, v62;
	v46 =	vld [tilespmem:$0x1FFD0]  }
0x2d5: {  	v40 =	vadd.f32 v40, v50;
	v50 =	vld [tilespmem:$0x1FE00]  }
0x2d6: {  	v37 =	vmul.f32 v37, v56;
	v56 =	vld [tilespmem:$0x1FFE0]  }
0x2d7: {  	v47 =	vld [tilespmem:$0x1FEF0];
	v39 =	vmul.f32 v39, v60  }
0x2d8: {  	v62 =	vld [tilespmem:$0x1FFF0]  }
0x2d9: {  	[tilespmem:s9+$0x15B40] =	vst v1;
	v1 =	vadd.f32 v39, v46;
	v39 =	vld [tilespmem:$0x1FE10]  }
0x2da: {  	v27 =	vmul.f32 v27, v50;
	v50 =	vld [tilespmem:$0x1FF10]  }
0x2db: {  	[tilespmem:s9+$0x15B50] =	vst v4;
	v4 =	vadd.f32 v37, v56;
	v37 =	vld [tilespmem:$0x1FE30]  }
0x2dc: {  	v60 =	vld [tilespmem:$0x1FE20]  }
0x2dd: {  	v61 =	vld [tilespmem:$0x1FF30];
	v38 =	vmul.f32 v38, v47  }
0x2de: {  	v46 =	vld [tilespmem:$0x1FF00];
	v28 =	vmul.f32 v28, v39  }
0x2df: {  	[tilespmem:s9+$0x15B60] =	vst v0;
	v0 =	vadd.f32 v38, v62;
	v38 =	vld [tilespmem:$0x1FE70]  }
0x2e0: {  	[tilespmem:s9+$0x15B70] =	vst v5;
	v30 =	vmul.f32 v30, v37;
	v5 =	vadd.f32 v28, v50;
	v28 =	vld [tilespmem:$0x1FE40]  }
0x2e1: {  	v26 =	vmul.f32 v26, v60;
	v60 =	vld [tilespmem:$0x1FF40]  }
0x2e2: {  	[tilespmem:s10+$0x15A80] =	vst v10;
	v10 =	vadd.f32 v30, v61;
	v30 =	vld [tilespmem:$0x1FE50]  }
0x2e3: {  	v27 =	vadd.f32 v27, v46;
	v46 =	vld [tilespmem:$0x1FF70]  }
0x2e4: {  	v62 =	vld [tilespmem:$0x1FF50]  }
0x2e5: {  	v56 =	vld [tilespmem:$0x1FE60];
	v28 =	vmul.f32 v35, v28  }
0x2e6: {  	v25 =	vmul.f32 v25, v38  }
0x2e7: {  	[tilespmem:s10+$0x15A90] =	vst v6;
	v30 =	vmul.f32 v34, v30;
	v6 =	vadd.f32 v28, v60;
	v28 =	vld [tilespmem:$0x1FE80]  }
0x2e8: {  	[tilespmem:s10+$0x15AB0] =	vst v7;
	v7 =	vadd.f32 v25, v46;
	v25 =	vld [tilespmem:$0x1FF80]  }
0x2e9: {  	[tilespmem:s10+$0x15AA0] =	vst v8;
	v8 =	vadd.f32 v30, v62;
	v30 =	vld [tilespmem:$0x1FE90]  }
0x2ea: {  	v31 =	vmul.f32 v31, v56;
	v56 =	vld [tilespmem:$0x1FEB0]  }
0x2eb: {  	v50 =	vld [tilespmem:$0x1FF90]  }
0x2ec: {  	[tilespmem:s10+$0x15AE0] =	vst v44;
	v44 =	vld [tilespmem:$0x1FFB0];
	v17 =	vmul.f32 v17, v28  }
0x2ed: {  	[tilespmem:s10+$0x15B20] =	vst v45;
	v45 =	vmul.f32 v33, v57;
	v57 =	vld [tilespmem:$0x1FE60]  }
0x2ee: {  	v20 =	vmul.f32 v20, v30;
	v17 =	vadd.f32 v17, v25;
	v25 =	vld [tilespmem:$0x1FEA0]  }
0x2ef: {  	v62 =	vld [tilespmem:$0x1FEE0]  }
0x2f0: {  	[tilespmem:s10+$0x15AC0] =	vst v9;
	v60 =	vld [tilespmem:$0x1FFA0];
	v9 =	vadd.f32 v20, v50;
	v20 =	vmul.f32 v24, v56  }
0x2f1: {  	v56 =	vmul.f32 v33, v36;
	v36 =	vld [tilespmem:$0x1FFE0]  }
0x2f2: {  	v20 =	vadd.f32 v20, v44;
	v44 =	vld [tilespmem:$0x1FE20]  }
0x2f3: {  	v35 =	vld [tilespmem:$0x1FED0];
	v23 =	vmul.f32 v23, v25  }
0x2f4: {  	v16 =	vmul.f32 v16, v62;
	v62 =	vld [tilespmem:$0x1FE00]  }
0x2f5: {  	[tilespmem:s10+$0x15AD0] =	vst v11;
	v11 =	vadd.f32 v23, v60;
	v60 =	vld [tilespmem:$0x1FFD0]  }
0x2f6: {  	[tilespmem:s10+$0x15B40] =	vst v40;
	v40 =	vld [tilespmem:$0x1FE60]  }
0x2f7: {  	[tilespmem:s10+$0x15B10] =	vst v3;
	v26 =	vadd.f32 v26, v55;
	v3 =	vadd.f32 v16, v36;
	v16 =	vmul.f32 v56, v44;
	v56 =	vld [tilespmem:$0x1FF00]  }
0x2f8: {  	[tilespmem:s10+$0x15B00] =	vst v12;
	v46 =	vmul.f32 v33, v32;
	v19 =	vmul.f32 v19, v35;
	v25 =	vld [tilespmem:$0x1FE40]  }
0x2f9: {  	[tilespmem:s12+$0x15AA0] =	vst v26;
	v26 =	vmul.f32 v33, v48;
	v48 =	vld [tilespmem:$0x1FF00];
	v24 =	vmul.f32 v33, v29  }
0x2fa: {  	[tilespmem:s12+$0x15A80] =	vst v27;
	v27 =	vld [tilespmem:$0x1FF50];
	v12 =	vadd.f32 v19, v60;
	v19 =	vmul.f32 v46, v62  }
0x2fb: {  	v22 =	vmul.f32 v33, v22;
	s14 =	spop (v2sf);
	v23 =	vmul.f32 v24, v39;
	v24 =	vld [tilespmem:$0x1FFF0]  }
0x2fc: {  	s16 =	spop (v2sf);
	s9 =	smul.f32 $3.906250000e-03, s14;
	[tilespmem:s10+$0x15B30] =	vst v13;
	v13 =	vadd.f32 v19, v56;
	v56 =	vld [tilespmem:$0x1FF60]  }
0x2fd: {  	s14 =	smul.f32 $3.906250000e-03, s16;
	v22 =	vmul.f32 v22, v25;
	v25 =	vld [tilespmem:$0x1FE50];
	v62 =	vmul.f32 v33, v59  }
0x2fe: {  	s16 =	smul.f32 s9, s9;
	v18 =	vmul.f32 v18, v47;
	v34 =	vld [tilespmem:$0x1FEC0]  }
0x2ff: {  	[tilespmem:s10+$0x15B50] =	vst v1;
	v1 =	vadd.f32 v16, v55;
	v59 =	vld [tilespmem:$0x1FE90];
	v16 =	vmul.f32 v62, v40  }
0x300: {  	s5 =	ssub.f32 s14, s16;
	[tilespmem:s12+$0x15A90] =	vst v5;
	v50 =	vld [tilespmem:$0x1FFC0];
	v18 =	vadd.f32 v18, v24;
	v24 =	vmul.f32 v33, v63  }
0x301: {  	[tilespmem:s12+$0x15AB0] =	vst v10;
	v10 =	vmul.f32 v33, v41;
	v5 =	vadd.f32 v16, v56;
	v56 =	vld [tilespmem:$0x1FF90]  }
0x302: {  	s5 =	sadd.f32 $9.999999740e-06, s5;
	v32 =	vld [tilespmem:$0x1FEB0];
	v24 =	vmul.f32 v24, v25;
	v25 =	vmul.f32 v33, v54  }
0x303: {  	[tilespmem:s10+$0x15AF0] =	vst v2;
	v21 =	vmul.f32 v21, v34;
	v63 =	vld [tilespmem:$0x1FEA0];
	v40 =	vmul.f32 v14, v15  }
0x304: {  	[tilespmem:s12+$0x15AC0] =	vst v6;
	v28 =	vld [tilespmem:$0x1FF60];
	v29 =	vmov s5;
	v46 =	vmul.f32 v33, v49;
	v25 =	vmul.f32 v25, v59  }
0x305: {  	v30 =	vmul.f32 $5.000000000e-01, v29;
	[tilespmem:s12+$0x15B00] =	vst v17;
	v17 =	vld [tilespmem:$0x1FA10];
	v2 =	vadd.f32 v21, v50;
	v6 =	vmul.f32 v40, v14  }
0x306: {  	[tilespmem:s12+$0x15AF0] =	vst v7;
	v50 =	vmul.f32 v33, v53;
	v60 =	vmul.f32 v46, v37;
	v7 =	vadd.f32 v25, v56;
	v25 =	vld [tilespmem:$0x1FFA0]  }
0x307: {  	v29 =	vshra.s32 v29, $0x1;
	v44 =	vmul.f32 v33, v58;
	v58 =	vld [tilespmem:$0x1FE80];
	v6 =	vsub.f32 $1.500000000e+00, v6  }
0x308: {  	[tilespmem:s10+$0x15B60] =	vst v4;
	v41 =	vsub.s32 $0x5F3759DF, v29;
	v4 =	vadd.f32 v60, v61;
	v60 =	vmul.f32 v50, v63;
	v50 =	vld [tilespmem:$0x1FF70]  }
0x309: {  	v28 =	vadd.f32 v31, v28;
	v31 =	vmul.f32 v41, v30;
	v6 =	vmul.f32 v6, v14;
	v14 =	vld [tilespmem:$0x1FFB0]  }
0x30a: {  	v53 =	vld [tilespmem:$0x1FE40];
	v62 =	vmul.f32 v33, v52  }
0x30b: {  	[tilespmem:s12+$0x15AE0] =	vst v28;
	v28 =	vld [tilespmem:$0x1FF80];
	v21 =	vmul.f32 v44, v38;
	v16 =	vadd.f32 v60, v25;
	v25 =	vmul.f32 v41, v31  }
0x30c: {  	v46 =	vld [tilespmem:$0x1FF40];
	v24 =	vadd.f32 v24, v27;
	v27 =	vmul.f32 v33, v43;
	v60 =	vmul.f32 v62, v32  }
0x30d: {  	[tilespmem:s12+$0x15AD0] =	vst v8;
	v8 =	vadd.f32 v21, v50;
	v21 =	vmul.f32 v33, v42;
	v33 =	vld [tilespmem:$0x1FFC0];
	v25 =	vsub.f32 $1.500000000e+00, v25  }
0x30e: {  	[tilespmem:s12+$0x15B20] =	vst v11;
	v19 =	vmul.f32 v45, v58;
	v11 =	vadd.f32 v60, v14;
	v60 =	vld [tilespmem:$0x1FA40]  }
0x30f: {  	v29 =	vmov s19;
	v15 =	vmul.f32 v41, v25;
	v41 =	vld [tilespmem:$0x1FEE0]  }
0x310: {  	v19 =	vadd.f32 v19, v28;
	v28 =	vadd.f32 $0.0e+00, v29;
	v56 =	vld [tilespmem:$0x1FA30]  }
0x311: {  	v43 =	vld [tilespmem:$0x1FA20]  }
0x312: {  	[tilespmem:s10+$0x15B70] =	vst v0;
	v49 =	vld [tilespmem:$0x1FF10];
	v0 =	vadd.f32 v22, v46;
	v22 =	vbroadcast v28, $0x0  }
0x313: {  	[tilespmem:s12+$0x15B10] =	vst v9;
	v52 =	vld [tilespmem:$0x1FE20];
	v46 =	vmul.f32 v21, v47;
	v62 =	vmul.f32 v26, v34  }
0x314: {  	[tilespmem:s12+$0x15B40] =	vst v2;
	v14 =	vsub.f32 v17, v22;
	v21 =	vsub.f32 v60, v22;
	v2 =	vmul.f32 v10, v41;
	v41 =	vld [tilespmem:$0x1FFF0]  }
0x315: {  	[tilespmem:s12+$0x15B30] =	vst v20;
	v20 =	vsub.f32 v56, v22;
	v56 =	vld [tilespmem:$0x1FA60];
	v9 =	vadd.f32 v62, v33  }
0x316: {  	v33 =	vld [tilespmem:$0x1FE00];
	v42 =	vmul.f32 v6, v14;
	v14 =	vsub.f32 v43, v22;
	v43 =	vmul.f32 v6, v21  }
0x317: {  	v40 =	vld [tilespmem:$0x1FFD0]  }
0x318: {  	[tilespmem:s12+$0x15B70] =	vst v18;
	v18 =	vmul.f32 v43, v37;
	v43 =	vld [tilespmem:$0x1FA70]  }
0x319: {  	[tilespmem:s12+$0x15B50] =	vst v12;
	v12 =	vadd.f32 v46, v41;
	v46 =	vld [tilespmem:$0x1FA50]  }
0x31a: {  	v26 =	vmul.f32 v27, v35;
	v62 =	vld [tilespmem:$0x1FFE0]  }
0x31b: {  	[tilespmem:s12+$0x15B60] =	vst v3;
	v54 =	vld [tilespmem:$0x1FE50];
	v3 =	vmul.f32 v42, v33;
	v42 =	vmul.f32 v6, v20;
	v20 =	vsub.f32 v56, v22  }
0x31c: {  	v17 =	vadd.f32 v26, v40;
	v56 =	vld [tilespmem:$0x1FA80]  }
0x31d: {  	v40 =	vmul.f32 v6, v14;
	v33 =	vmul.f32 v6, v20;
	v21 =	vld [tilespmem:$0x1FF50];
	v20 =	vsub.f32 v43, v22  }
0x31e: {  	[tilespmem:s31+$0x15A80] =	vst v13;
	v23 =	vadd.f32 v23, v49;
	v14 =	vmul.f32 v42, v52;
	v42 =	vld [tilespmem:$0x1FAA0];
	v13 =	vsub.f32 v46, v22  }
0x31f: {  	v10 =	vmul.f32 v40, v39;
	v2 =	vadd.f32 v2, v62;
	v43 =	vld [tilespmem:$0x1FF60];
	v46 =	vmul.f32 v6, v20  }
0x320: {  	[tilespmem:s31+$0x15AB0] =	vst v4;
	v62 =	vmul.f32 v15, v30;
	v4 =	vadd.f32 v14, v55;
	v41 =	vld [tilespmem:$0x1FA90];
	v60 =	vmul.f32 v6, v13  }
0x321: {  	[tilespmem:s31+$0x15A90] =	vst v23;
	v14 =	vmul.f32 v33, v54;
	v20 =	vsub.f32 v56, v22;
	v23 =	vmul.f32 v46, v57;
	v46 =	vld [tilespmem:$0x1FAB0]  }
0x322: {  	[tilespmem:s31+$0x15AA0] =	vst v1;
	v1 =	vadd.f32 v10, v49;
	v10 =	vmul.f32 v60, v53;
	v60 =	vld [tilespmem:$0x1FF40]  }
0x323: {  	[tilespmem:s31+$0x15AF0] =	vst v8;
	v8 =	vadd.f32 v14, v21;
	v21 =	vld [tilespmem:$0x1FAD0];
	v13 =	vmul.f32 v62, v15;
	v33 =	vmul.f32 v6, v20  }
0x324: {  	[tilespmem:s31+$0x15B10] =	vst v7;
	v7 =	vadd.f32 v23, v43;
	v23 =	vld [tilespmem:$0x1FAE0]  }
0x325: {  	v62 =	vsub.f32 $1.500000000e+00, v13;
	v13 =	vmul.f32 v33, v38;
	v33 =	vld [tilespmem:$0x1FAF0]  }
0x326: {  	[tilespmem:s31+$0x15AC0] =	vst v0;
	v0 =	vadd.f32 v18, v61;
	v14 =	vsub.f32 v46, v22;
	v46 =	vld [tilespmem:$0x1FF70]  }
0x327: {  	[tilespmem:s31+$0x15AE0] =	vst v5;
	v18 =	vsub.f32 v42, v22;
	v5 =	vadd.f32 v10, v60;
	v60 =	vld [tilespmem:$0x1FAC0]  }
0x328: {  	v42 =	vmov s9;
	v10 =	vmul.f32 v62, v15;
	v15 =	vsub.f32 v41, v22;
	v41 =	vld [tilespmem:$0x1FB00]  }
0x329: {  	[tilespmem:s31+$0x15B00] =	vst v19;
	v62 =	vmul.f32 v6, v14;
	v14 =	vsub.f32 v21, v22;
	v19 =	vsub.f32 v23, v22;
	v23 =	vld [tilespmem:$0x1FB10]  }
0x32a: {  	[tilespmem:s31+$0x15B40] =	vst v9;
	v9 =	vsub.f32 v33, v22;
	v21 =	vadd.f32 $0.0e+00, v42;
	v33 =	vld [tilespmem:$0x1FB20]  }
0x32b: {  	v42 =	vld [tilespmem:$0x1FB40]  }
0x32c: {  	[tilespmem:s31+$0x15B20] =	vst v16;
	v43 =	vmul.f32 v10, v30;
	v16 =	vbroadcast v21, $0x0;
	v21 =	vld [tilespmem:$0x1FF90]  }
0x32d: {  	[tilespmem:s31+$0x15B60] =	vst v2;
	v2 =	vadd.f32 v13, v46;
	v46 =	vld [tilespmem:$0x1FB60]  }
0x32e: {  	[tilespmem:s31+$0x15B30] =	vst v11;
	v11 =	vmul.f32 v62, v63;
	v62 =	vmul.f32 v43, v10;
	v43 =	vld [tilespmem:$0x1FB50]  }
0x32f: {  	v56 =	vmul.f32 v6, v18;
	v18 =	vsub.f32 v60, v22;
	v60 =	vld [tilespmem:$0x1FF80]  }
0x330: {  	v20 =	vsub.f32 v41, v22;
	v22 =	vld [tilespmem:$0x1FFA0]  }
0x331: {  	v3 =	vadd.f32 v3, v48;
	v41 =	vld [tilespmem:$0x1FB30]  }
0x332: {  	[tilespmem:s0+$0x15AA0] =	vst v4;
	v56 =	vmul.f32 v56, v59;
	v4 =	vmul.f32 v6, v14;
	v14 =	vsub.f32 v33, v16;
	v33 =	vld [tilespmem:$0x1FBC0]  }
0x333: {  	v13 =	vsub.f32 $1.500000000e+00, v62;
	v62 =	vld [tilespmem:$0x1FB90]  }
0x334: {  	[tilespmem:s0+$0x15A80] =	vst v3;
	v3 =	vadd.f32 v56, v21;
	v56 =	vld [tilespmem:$0x1FB70]  }
0x335: {  	[tilespmem:s0+$0x15A90] =	vst v1;
	v15 =	vmul.f32 v6, v15;
	v1 =	vmul.f32 v6, v18;
	v18 =	vsub.f32 v42, v16;
	v42 =	vld [tilespmem:$0x1FBE0]  }
0x336: {  	[tilespmem:s0+$0x15AC0] =	vst v5;
	v5 =	vmul.f32 v6, v9;
	v9 =	vsub.f32 v46, v16;
	v46 =	vld [tilespmem:$0x1FFC0]  }
0x337: {  	[tilespmem:s0+$0x15AB0] =	vst v0;
	v0 =	vmul.f32 v6, v19;
	v15 =	vmul.f32 v15, v58;
	v19 =	vsub.f32 v43, v16;
	v43 =	vld [tilespmem:$0x1FBF0]  }
0x338: {  	[tilespmem:s0+$0x15B10] =	vst v3;
	v3 =	vsub.f32 v51, v16;
	v51 =	vld [tilespmem:$0x1FE00]  }
0x339: {  	[tilespmem:s31+$0x15B70] =	vst v12;
	v12 =	vadd.f32 v15, v60;
	v60 =	vld [tilespmem:$0x1FB80]  }
0x33a: {  	v11 =	vadd.f32 v11, v22;
	v22 =	vld [tilespmem:$0x1FBA0]  }
0x33b: {  	[tilespmem:s31+$0x15B50] =	vst v17;
	v15 =	vsub.f32 v23, v16;
	v23 =	vld [tilespmem:$0x1FBB0]  }
0x33c: {  	[tilespmem:s0+$0x15AD0] =	vst v8;
	v4 =	vmul.f32 v4, v34;
	v17 =	vsub.f32 v41, v16;
	v41 =	vld [tilespmem:$0x1FBD0]  }
0x33d: {  	[tilespmem:s0+$0x15AE0] =	vst v7;
	v0 =	vmul.f32 v0, v35;
	v6 =	vmul.f32 v6, v20;
	v20 =	vsub.f32 v62, v16;
	v62 =	vld [tilespmem:$0x1FFD0]  }
0x33e: {  	[tilespmem:s0+$0x15AF0] =	vst v2;
	v7 =	vmul.f32 v13, v10;
	v2 =	vsub.f32 v33, v16;
	v21 =	vsub.f32 v56, v16;
	v56 =	vld [tilespmem:$0x1FEE0]  }
0x33f: {  	v1 =	vmul.f32 v1, v32;
	[tilespmem:s0+$0x15B00] =	vst v12;
	v12 =	vsub.f32 v42, v16;
	v8 =	vsub.f32 v60, v16  }
0x340: {  	v33 =	vmul.f32 v6, v47;
	v42 =	vld [tilespmem:$0x1FFE0];
	v10 =	vsub.f32 v22, v16;
	v13 =	vsub.f32 v23, v16  }
0x341: {  	v22 =	vsub.f32 v41, v16;
	v23 =	vsub.f32 v43, v16;
	v60 =	vmul.f32 v7, v15  }
0x342: {  	v16 =	vld [tilespmem:$0x1FFB0];
	v41 =	vmul.f32 v7, v14;
	v0 =	vadd.f32 v0, v62;
	v62 =	vmul.f32 v7, v18  }
0x343: {  	v4 =	vadd.f32 v4, v46;
	v5 =	vmul.f32 v5, v56;
	v43 =	vmul.f32 v60, v51;
	v56 =	vld [tilespmem:$0x1FFF0]  }
0x344: {  	v60 =	vmul.f32 v41, v39;
	v41 =	vmul.f32 v7, v19  }
0x345: {  	v46 =	vmul.f32 v7, v17;
	[tilespmem:s0+$0x15B40] =	vst v4;
	v4 =	vadd.f32 v5, v42;
	v14 =	vadd.f32 v43, v48  }
0x346: {  	[tilespmem:s31+$0x15AD0] =	vst v24;
	v15 =	vld [tilespmem:$0x1FF40];
	v42 =	vadd.f32 v60, v49;
	v43 =	vmul.f32 v62, v37;
	v60 =	vmul.f32 v41, v53  }
0x347: {  	[tilespmem:s0+$0x15B20] =	vst v11;
	v62 =	vmul.f32 v7, v21;
	v41 =	vmul.f32 v7, v8;
	v1 =	vadd.f32 v1, v16  }
0x348: {  	[tilespmem:s0+$0x15B50] =	vst v0;
	v0 =	vadd.f32 v33, v56;
	v33 =	vmul.f32 v46, v52;
	v46 =	vmul.f32 v7, v9  }
0x349: {  	v21 =	vld [tilespmem:$0x1FF60];
	[tilespmem:s17+$0x15A80] =	vst v14;
	v14 =	vadd.f32 v43, v61;
	v43 =	vmul.f32 v62, v57;
	v62 =	vmul.f32 v7, v10  }
0x34a: {  	[tilespmem:s0+$0x15B60] =	vst v4;
	v56 =	vadd.f32 v33, v55;
	v33 =	vmul.f32 v46, v54;
	v46 =	vld [tilespmem:$0x1FF50];
	v55 =	vmul.f32 v7, v20  }
0x34b: {  	v11 =	vld [tilespmem:$0x1FF70];
	[tilespmem:s17+$0x15A90] =	vst v42;
	v42 =	vadd.f32 v60, v15;
	v60 =	vmul.f32 v41, v38  }
0x34c: {  	[tilespmem:s0+$0x15B30] =	vst v1;
	v41 =	vmul.f32 v55, v58;
	v55 =	vmul.f32 v62, v59;
	v62 =	vld [tilespmem:$0x1FF90]  }
0x34d: {  	v36 =	vld [tilespmem:$0x1FDF0];
	[tilespmem:s17+$0x15AB0] =	vst v14  }
0x34e: {  	v9 =	vmul.f32 v7, v22;
	v22 =	vld [tilespmem:$0x1FFA0];
	[tilespmem:s17+$0x15AC0] =	vst v42  }
0x34f: {  	v42 =	vmul.f32 v7, v13;
	[tilespmem:s17+$0x15AA0] =	vst v56;
	v56 =	vadd.f32 v33, v46;
	v33 =	vadd.f32 v43, v21;
	v43 =	vld [tilespmem:$0x1FF80]  }
0x350: {  	v2 =	vmul.f32 v7, v2;
	v18 =	vld [tilespmem:$0x1FFD0];
	[tilespmem:s0+$0x15B70] =	vst v0  }
0x351: {  	v46 =	vadd.f32 v60, v11;
	v60 =	vmul.f32 v42, v63;
	[tilespmem:s17+$0x15AD0] =	vst v56;
	v10 =	vadd.f32 v55, v62;
	v55 =	vld [tilespmem:$0x1FEE0]  }
0x352: {  	v17 =	vld [tilespmem:$0x1FFC0];
	v21 =	vmul.f32 v7, v12;
	[tilespmem:s17+$0x15AE0] =	vst v33  }
0x353: {  	v19 =	vld [tilespmem:$0x1FFE0];
	v11 =	vmul.f32 v2, v32;
	[tilespmem:s17+$0x15AF0] =	vst v46;
	v33 =	vadd.f32 v60, v22  }
0x354: {  	v20 =	vld [tilespmem:$0x1FFF0];
	v42 =	vmul.f32 v7, v23;
	v2 =	vmul.f32 v21, v35;
	[tilespmem:s17+$0x15B10] =	vst v10;
	v56 =	vadd.f32 v41, v43  }
0x355: {  	v44 =	vld [tilespmem:$0x1FDE0];
	v1 =	vadd.f32 v11, v16;
	[tilespmem:s17+$0x15B20] =	vst v33;
	v41 =	vmul.f32 v9, v34;
	v43 =	vmul.f32 v7, v3  }
0x356: {  	p1 =	slt.u32 s8, $0x36;
	v45 =	vld [tilespmem:$0x1FD90];
	v60 =	vadd.f32 v2, v18;
	[tilespmem:s17+$0x15B00] =	vst v56;
	v56 =	vmul.f32 v42, v55  }
.Ltmp1:
0x357: {  	v28 =	vld [tilespmem:$0x1FDC0];
	[tilespmem:s17+$0x15B30] =	vst v1;
	v46 =	vadd.f32 v41, v17;
	v0 =	vmul.f32 v43, v47;
	(pc) =	sbr.rel @p1 .LBB2_5-.Ltmp1, $4  }
0x358: {  	v50 =	vld [tilespmem:$0x1FDA0];
	[tilespmem:s17+$0x15B50] =	vst v60;
	v62 =	vadd.f32 v56, v19  }
0x359: {  	v27 =	vld [tilespmem:$0x1FDB0];
	[tilespmem:s17+$0x15B40] =	vst v46;
	v0 =	vadd.f32 v0, v20  }
0x35a: {  	v40 =	vld [tilespmem:$0x1FD80];
	s31 =	sadd.s32 $0x6, s8;
	[tilespmem:s17+$0x15B60] =	vst v62  }
0x35b: {  	s8 =	smov.u32 s31;
	v30 =	vld [tilespmem:$0x1FDD0];
	[tilespmem:s17+$0x15B70] =	vst v0  }
.LBB2_6:
0x35c: {  	v19 =	vld [tilespmem:$0x1FCA0]  }
0x35d: {  	s0 =	sshra.s32 s7, $0x2;
	v20 =	vld [tilespmem:$0x1FCB0]  }
0x35e: {  	v1 =	vld [tilespmem:s0+$0x9680]  }
0x35f: {  	v2 =	vld [tilespmem:s0+$0xD680]  }
0x360: {  	v3 =	vld [tilespmem:s0+$0x9690]  }
0x361: {  	v6 =	vld [tilespmem:s0+$0xD690]  }
0x362: {  	v16 =	vld [tilespmem:s0+$0x96A0]  }
0x363: {  	v7 =	vld [tilespmem:s0+$0xD6A0]  }
0x364: {  	v0 =	vmov s1;
	v8 =	vld [tilespmem:s0+$0x96B0]  }
0x365: {  	v9 =	vld [tilespmem:s0+$0xD6B0]  }
0x366: {  	v11 =	vld [tilespmem:s0+$0x96C0]  }
0x367: {  	v41 =	vld [tilespmem:s0+$0x96D0]  }
0x368: {  	v43 =	vld [tilespmem:s0+$0xD6D0]  }
0x369: {  	v4 =	vld.idx.msk [tilespmem:v0+s21+$0x0], $0xffff  }
0x36a: {  	v5 =	vld.idx.msk [tilespmem:v0+s23+$0x0], $0xffff  }
0x36b: {  	v12 =	vld [tilespmem:s0+$0xD6C0]  }
0x36c: {  	v22 =	vld [tilespmem:$0x1FCC0]  }
0x36d: {  	v55 =	vld [tilespmem:$0x1FCD0];
	v1 =	vadd.f32 v2, v1;
	v3 =	vadd.f32 v6, v3  }
0x36e: {  	v62 =	vld [tilespmem:s0+$0x96E0];
	v7 =	vadd.f32 v7, v16;
	v23 =	vadd.f32 v9, v8;
	v17 =	vmul.f32 v4, v40  }
0x36f: {  	v8 =	vadd.f32 v43, v41;
	v41 =	vld [tilespmem:s0+$0xD6F0];
	v18 =	vmul.f32 v4, v45;
	v2 =	vmul.f32 v5, v19  }
0x370: {  	v56 =	vadd.f32 v12, v11;
	v43 =	vld [tilespmem:$0x1FCF0];
	v10 =	vmul.f32 v4, v50;
	v33 =	vmul.f32 v4, v27  }
0x371: {  	v6 =	vmul.f32 v5, v20;
	v20 =	vld [tilespmem:s0+$0xD6E0];
	v1 =	vadd.f32 v1, v17;
	v3 =	vadd.f32 v3, v18  }
0x372: {  	v60 =	vmul.f32 v4, v28;
	v21 =	vadd.f32 v7, v10;
	v46 =	vadd.f32 v23, v33;
	v23 =	vld [tilespmem:$0x1FC00]  }
0x373: {  	v33 =	vld [tilespmem:s0+$0x96F0];
	v0 =	vadd.f32 v1, v2;
	v1 =	vadd.f32 v3, v6;
	v3 =	vmul.f32 v5, v22  }
0x374: {  	v22 =	vld [tilespmem:$0x1FCE0]  }
0x375: {  	v6 =	vmul.f32 v5, v55;
	v2 =	vadd.f32 v21, v3;
	v21 =	vadd.f32 v56, v60;
	v56 =	vld [tilespmem:s0+$0x9700]  }
0x376: {  	v60 =	vld [tilespmem:s0+$0xD700]  }
0x377: {  	v55 =	vmul.f32 v4, v30;
	v3 =	vadd.f32 v46, v6;
	v46 =	vadd.f32 v20, v62;
	v20 =	vld [tilespmem:$0x1FD00]  }
0x378: {  	v10 =	vmul.f32 v4, v23;
	v23 =	vld [tilespmem:s0+$0xD710]  }
0x379: {  	v42 =	vmul.f32 v0, v0;
	v62 =	vadd.f32 v46, v55;
	v46 =	vld [tilespmem:s0+$0x9720]  }
0x37a: {  	v13 =	vmul.f32 v1, v1;
	v55 =	vld [tilespmem:s0+$0xD720];
	v7 =	vmul.f32 v5, v22  }
0x37b: {  	v15 =	vadd.f32 $0.0e+00, v0;
	v22 =	vld [tilespmem:s0+$0x9710]  }
0x37c: {  	v9 =	vadd.f32 v13, v42;
	v14 =	vmul.f32 v2, v2;
	v6 =	vadd.f32 v21, v7;
	v21 =	vld [tilespmem:$0x1FC10]  }
0x37d: {  	v11 =	vadd.f32 v41, v33;
	v41 =	vld [tilespmem:$0x1FD10];
	v42 =	vadd.f32 v8, v10;
	v8 =	vmul.f32 v5, v43  }
0x37e: {  	v15 =	vadd.f32 v1, v15;
	v43 =	vld [tilespmem:$0x1FC20];
	v9 =	vadd.f32 v14, v9;
	v10 =	vmul.f32 v5, v20  }
0x37f: {  	v7 =	vadd.f32 v42, v8;
	v42 =	vadd.f32 v60, v56;
	v60 =	vld [tilespmem:$0x1FD20]  }
0x380: {  	v16 =	vmul.f32 v3, v3;
	v8 =	vadd.f32 v62, v10;
	v62 =	vadd.f32 v23, v22;
	v23 =	vld [tilespmem:$0x1FC30]  }
0x381: {  	v46 =	vadd.f32 v55, v46;
	v55 =	vld [tilespmem:$0x1FC40];
	v12 =	vmul.f32 v4, v21  }
0x382: {  	v15 =	vadd.f32 v2, v15;
	v9 =	vadd.f32 v16, v9;
	v17 =	vmul.f32 v6, v6;
	v22 =	vld [tilespmem:$0x1FD30]  }
0x383: {  	v13 =	vmul.f32 v4, v43;
	v33 =	vadd.f32 v11, v12;
	v11 =	vmul.f32 v5, v41;
	v41 =	vld [tilespmem:s0+$0xD730]  }
0x384: {  	v15 =	vadd.f32 v3, v15;
	v18 =	vmul.f32 v7, v7;
	v12 =	vmul.f32 v5, v60;
	v60 =	vld [tilespmem:s0+$0xD740]  }
0x385: {  	v56 =	vadd.f32 v42, v13;
	v14 =	vmul.f32 v4, v23;
	v10 =	vadd.f32 v33, v11;
	v33 =	vld [tilespmem:s0+$0x9730]  }
0x386: {  	v15 =	vadd.f32 v6, v15;
	v9 =	vadd.f32 v17, v9;
	v16 =	vmul.f32 v4, v55;
	v55 =	vld [tilespmem:$0x1FC60]  }
0x387: {  	v43 =	vmul.f32 v5, v44;
	v11 =	vadd.f32 v56, v12;
	v56 =	vld [tilespmem:s0+$0x9740];
	v42 =	vadd.f32 v62, v14  }
0x388: {  	v19 =	vmul.f32 v8, v8;
	v9 =	vadd.f32 v18, v9;
	v62 =	vadd.f32 v46, v16;
	v46 =	vld [tilespmem:s0+$0x9750]  }
0x389: {  	v15 =	vadd.f32 v7, v15;
	v12 =	vadd.f32 v42, v43;
	v43 =	vld [tilespmem:$0x1FD40]  }
0x38a: {  	v9 =	vadd.f32 v19, v9;
	v20 =	vmul.f32 v10, v10;
	v23 =	vadd.f32 v41, v33;
	v33 =	vld [tilespmem:$0x1FC50]  }
0x38b: {  	v15 =	vadd.f32 v8, v15;
	v14 =	vmul.f32 v5, v22;
	v22 =	vld [tilespmem:s0+$0xD760]  }
0x38c: {  	v21 =	vmul.f32 v11, v11;
	v9 =	vadd.f32 v20, v9;
	v18 =	vadd.f32 v60, v56;
	v56 =	vld [tilespmem:s0+$0xD750]  }
0x38d: {  	v15 =	vadd.f32 v10, v15;
	v13 =	vadd.f32 v62, v14;
	v62 =	vld [tilespmem:s0+$0x9760]  }
0x38e: {  	v20 =	vmul.f32 v4, v55;
	v55 =	vld [tilespmem:$0x1FC80];
	v41 =	vmul.f32 v12, v12;
	v9 =	vadd.f32 v21, v9  }
0x38f: {  	v16 =	vmul.f32 v5, v43;
	v43 =	vld [tilespmem:s0+$0xD770];
	v17 =	vmul.f32 v4, v33  }
0x390: {  	v15 =	vadd.f32 v11, v15;
	v60 =	vmul.f32 v13, v13;
	v9 =	vadd.f32 v41, v9;
	v33 =	vld [tilespmem:$0x1FD50]  }
0x391: {  	v42 =	vadd.f32 v23, v17;
	v17 =	vadd.f32 v56, v46;
	v46 =	vld [tilespmem:$0x1FC70]  }
0x392: {  	v9 =	vadd.f32 v60, v9;
	v60 =	vld [tilespmem:$0x1FD70]  }
0x393: {  	v15 =	vadd.f32 v12, v15;
	v56 =	vld [tilespmem:$0x1FD60]  }
0x394: {  	v18 =	vadd.f32 v18, v20;
	v14 =	vadd.f32 v42, v16;
	v42 =	vld [tilespmem:s0+$0x9770]  }
0x395: {  	v15 =	vadd.f32 v13, v15;
	v16 =	vadd.f32 v22, v62;
	v62 =	vld [tilespmem:$0x1FC90];
	v20 =	vmul.f32 v5, v33  }
0x396: {  	v22 =	vmul.f32 v4, v55;
	v21 =	vmul.f32 v4, v46  }
0x397: {  	v41 =	vmul.f32 v14, v14;
	v15 =	vadd.f32 v14, v15;
	v18 =	vadd.f32 v18, v20  }
0x398: {  	v16 =	vadd.f32 v16, v22;
	v17 =	vadd.f32 v17, v21;
	v21 =	vmul.f32 v5, v56  }
0x399: {  	v22 =	vmul.f32 v5, v60;
	v9 =	vadd.f32 v41, v9;
	v23 =	vmul.f32 v18, v18  }
0x39a: {  	v19 =	vadd.f32 v43, v42;
	v4 =	vmul.f32 v4, v62;
	v17 =	vadd.f32 v17, v21  }
0x39b: {  	v16 =	vadd.f32 v16, v22;
	v15 =	vadd.f32 v18, v15;
	v5 =	vmul.f32 v5, v36  }
0x39c: {  	v9 =	vadd.f32 v23, v9;
	v4 =	vadd.f32 v19, v4;
	v21 =	vmul.f32 v17, v17  }
0x39d: {  	v15 =	vadd.f32 v17, v15  }
0x39e: {  	v22 =	vmul.f32 v16, v16;
	v4 =	vadd.f32 v4, v5;
	v9 =	vadd.f32 v21, v9  }
0x39f: {  	v15 =	vadd.f32 v16, v15  }
0x3a0: {  	v23 =	vmul.f32 v4, v4;
	v5 =	vadd.f32 v22, v9  }
0x3a1: {  	v15 =	vadd.f32 v4, v15  }
0x3a2: {  	v5 =	vadd.f32 v23, v5  }
0x3a3: {  	(xrf2) =	vadd.scan.msk.f32 $0xffff, v15  }
0x3a4: {  	(xrf2) =	vadd.scan.msk.f32 $0xffff, v5;
	_ =	sdelay $0x8  }
0x3a5: {  	v33, _, _ =	vpop (xrf2)  }
0x3a6: {  	(v2sf) =	vpush v33, $0xF;
	v41, _, _ =	vpop (xrf2)  }
0x3a7: {  	(v2sf) =	vpush v41, $0xF;
	_ =	sdelay $0xd  }
0x3a8: {  	s5 =	spop (v2sf)  }
0x3a9: {  	s5 =	smul.f32 $3.906250000e-03, s5;
	s8 =	spop (v2sf)  }
0x3aa: {  	s8 =	smul.f32 $3.906250000e-03, s8  }
0x3ab: {  	s9 =	smul.f32 s5, s5;
	_ =	sdelay $0x1  }
0x3ac: {  	s8 =	ssub.f32 s8, s9;
	_ =	sdelay $0x1  }
0x3ad: {  	s8 =	sadd.f32 $9.999999740e-06, s8;
	_ =	sdelay $0x1  }
0x3ae: {  	v42 =	vmov s8  }
0x3af: {  	v43 =	vmul.f32 $5.000000000e-01, v42;
	v5 =	vshra.s32 v42, $0x1  }
0x3b0: {  	v5 =	vsub.s32 $0x5F3759DF, v5  }
0x3b1: {  	v46 =	vmul.f32 v5, v43;
	_ =	sdelay $0x1  }
0x3b2: {  	v15 =	vmul.f32 v5, v46;
	_ =	sdelay $0x1  }
0x3b3: {  	v15 =	vsub.f32 $1.500000000e+00, v15;
	_ =	sdelay $0x1  }
0x3b4: {  	v5 =	vmul.f32 v5, v15;
	_ =	sdelay $0x1  }
0x3b5: {  	v15 =	vmul.f32 v5, v43;
	_ =	sdelay $0x1  }
0x3b6: {  	v15 =	vmul.f32 v15, v5;
	_ =	sdelay $0x1  }
0x3b7: {  	v15 =	vsub.f32 $1.500000000e+00, v15;
	_ =	sdelay $0x1  }
0x3b8: {  	v5 =	vmul.f32 v15, v5;
	_ =	sdelay $0x1  }
0x3b9: {  	v55 =	vmov s5;
	v9 =	vmul.f32 v5, v43  }
0x3ba: {  	v15 =	vadd.f32 $0.0e+00, v55  }
0x3bb: {  	v9 =	vmul.f32 v9, v5  }
0x3bc: {  	v15 =	vbroadcast v15, $0x0  }
0x3bd: {  	v9 =	vsub.f32 $1.500000000e+00, v9  }
0x3be: {  	v0 =	vsub.f32 v0, v15  }
0x3bf: {  	v1 =	vsub.f32 v1, v15;
	v2 =	vsub.f32 v2, v15;
	v5 =	vmul.f32 v9, v5  }
0x3c0: {  	v3 =	vsub.f32 v3, v15;
	v6 =	vsub.f32 v6, v15  }
0x3c1: {  	v7 =	vsub.f32 v7, v15;
	v8 =	vsub.f32 v8, v15;
	v0 =	vmul.f32 v5, v0  }
0x3c2: {  	v56 =	vsub.f32 v10, v15;
	v1 =	vmul.f32 v5, v1;
	v2 =	vmul.f32 v5, v2  }
0x3c3: {  	v60 =	vsub.f32 v11, v15;
	v3 =	vmul.f32 v5, v3;
	v6 =	vmul.f32 v5, v6  }
0x3c4: {  	v19 =	vld [tilespmem:$0x1FF20];
	v62 =	vsub.f32 v12, v15;
	v7 =	vmul.f32 v5, v7;
	v21 =	vmul.f32 v5, v8  }
0x3c5: {  	v41 =	vld [tilespmem:$0x1FF40];
	v12 =	vsub.f32 v13, v15;
	v33 =	vmul.f32 v5, v56;
	v0 =	vmul.f32 v0, v51  }
0x3c6: {  	v46 =	vld [tilespmem:$0x1FF50];
	v13 =	vsub.f32 v14, v15;
	v43 =	vmul.f32 v5, v60;
	v1 =	vmul.f32 v1, v39  }
0x3c7: {  	v10 =	vld [tilespmem:$0x1FF70];
	v56 =	vmul.f32 v5, v62;
	v2 =	vmul.f32 v2, v52;
	v0 =	vadd.f32 v0, v48  }
0x3c8: {  	v60 =	vld [tilespmem:$0x1FF60];
	v9 =	vmul.f32 v5, v12;
	v3 =	vmul.f32 v3, v37;
	v1 =	vadd.f32 v1, v49  }
0x3c9: {  	v12 =	vmul.f32 v5, v13;
	v13 =	vld [tilespmem:$0x1FF80];
	v20 =	vmul.f32 v6, v53;
	[tilespmem:s0+$0x19680] =	vst v0;
	v0 =	vadd.f32 v2, v19  }
0x3ca: {  	v23 =	vmul.f32 v7, v54;
	v11 =	vmul.f32 v56, v59;
	v56 =	vld [tilespmem:$0x1FFD0];
	v22 =	vadd.f32 v3, v61;
	[tilespmem:s0+$0x19690] =	vst v1  }
0x3cb: {  	v14 =	vsub.f32 v18, v15;
	v42 =	vmul.f32 v21, v57;
	v19 =	vld [tilespmem:$0x1FF90];
	[tilespmem:s0+$0x196A0] =	vst v0;
	v0 =	vadd.f32 v20, v41  }
0x3cc: {  	v17 =	vsub.f32 v17, v15;
	v55 =	vmul.f32 v33, v38;
	[tilespmem:s0+$0x196B0] =	vst v22;
	v1 =	vadd.f32 v23, v46;
	v22 =	vld [tilespmem:$0x1FFA0]  }
0x3cd: {  	v16 =	vsub.f32 v16, v15;
	v62 =	vmul.f32 v43, v58;
	[tilespmem:s0+$0x196C0] =	vst v0;
	v0 =	vadd.f32 v42, v60;
	v42 =	vld [tilespmem:$0x1FFB0]  }
0x3ce: {  	v4 =	vsub.f32 v4, v15;
	v46 =	vld [tilespmem:$0x1FFC0];
	[tilespmem:s0+$0x196D0] =	vst v1;
	v1 =	vadd.f32 v55, v10  }
0x3cf: {  	v18 =	vmul.f32 v5, v14;
	v15 =	vmul.f32 v9, v63;
	v55 =	vld [tilespmem:$0x1FEE0];
	[tilespmem:s0+$0x196E0] =	vst v0;
	v0 =	vadd.f32 v62, v13  }
0x3d0: {  	v21 =	vmul.f32 v5, v17;
	v20 =	vmul.f32 v12, v32;
	[tilespmem:s0+$0x196F0] =	vst v1;
	v1 =	vadd.f32 v11, v19;
	v62 =	vld [tilespmem:$0x1FFF0]  }
0x3d1: {  	v23 =	vmul.f32 v18, v34;
	v41 =	vmul.f32 v5, v4;
	v60 =	vld [tilespmem:$0x1FFE0];
	[tilespmem:s0+$0x19700] =	vst v0;
	v0 =	vadd.f32 v15, v22  }
0x3d2: {  	v33 =	vmul.f32 v5, v16;
	v43 =	vmul.f32 v21, v35;
	[tilespmem:s0+$0x19710] =	vst v1;
	v3 =	vadd.f32 v20, v42  }
0x3d3: {  	p1 =	sne.s32 s7, $0xC00;
	v1 =	vmul.f32 v41, v47;
	[tilespmem:s0+$0x19720] =	vst v0;
	v0 =	vadd.f32 v23, v46  }
.Ltmp2:
0x3d4: {  	v2 =	vmul.f32 v33, v55;
	[tilespmem:s0+$0x19730] =	vst v3;
	v3 =	vadd.f32 v43, v56;
	(pc) =	sbr.rel @p1 .LBB2_6-.Ltmp2, $4  }
0x3d5: {  	v1 =	vadd.f32 v1, v62;
	[tilespmem:s0+$0x19740] =	vst v0  }
0x3d6: {  	v0 =	vadd.f32 v2, v60;
	[tilespmem:s0+$0x19750] =	vst v3  }
0x3d7: {  	[tilespmem:s0+$0x19770] =	vst v1  }
0x3d8: {  	s1 =	sadd.s32 $0x1, s1;
	s7 =	sadd.s32 $0x400, s7;
	[tilespmem:s0+$0x19760] =	vst v0  }
0x3d9: {  	s0 =	sshll.u32 s24, $0xF;
	s1 =	rddreg [dreg:$0xc]  }
0x3da: {  	s0 =	sadd.s32 s1, s0  }
0x3db: {  	s0 =	sshrl.u32 s0, $0x3  }
0x3dc: {  	s31 =	simm.s32 $0x15A80;
	p1 =	seq.s32 s30, $0x18;
	s0 =	sadd.s32 s11, s0  }
0x3dd: {  	[hbm4b:s0+s3] =	stream.linear.scatter [tilespmem:s31], [sflag:$0x3], $0x4000, $0x38;
	[tilespmem:$0x1DB80] =	vst v63  }
0x3de: {  	v0 =	vld @!p1 [tilespmem:s29+$0x1C80]  }
0x3df: {  	v1 =	vld @!p1 [tilespmem:s29+$0x3580]  }
0x3e0: {  	v2 =	vld @!p1 [tilespmem:s29+$0x4E80];
	_ =	sdelay $0x2  }
0x3e1: {  	v0 =	vtrunc.f32 @!p1 v0  }
0x3e2: {  	v1 =	vtrunc.f32 @!p1 v1;
	v0 =	vcvt.f32.s32 @!p1 v0  }
0x3e3: {  	v2 =	vtrunc.f32 @!p1 v2;
	v1 =	vcvt.f32.s32 @!p1 v1  }
0x3e4: {  	v2 =	vcvt.f32.s32 @!p1 v2;
	vm0 =	vgt.s32 @!p1 v0, $0x0  }
0x3e5: {  	v0 =	vnsel @!p1 vm0, $0x0, v0;
	vm0 =	vgt.s32 @!p1 v1, $0x0  }
0x3e6: {  	v1 =	vnsel @!p1 vm0, $0x0, v1;
	vm0 =	vgt.s32 @!p1 v2, $0x0;
	v2 =	vimm.s32 @!p1 $0x100  }
0x3e7: {  	v0 =	vmin.u32 @!p1 v0, $0xFF;
	v1 =	vmin.u32 @!p1 v1, $0x3F;
	v3 =	vsel @!p1 vm0, $0x140, v2  }
0x3e8: {  	[tilespmem:$0x1DA80] =	vst @!p1 v0;
	v0 =	vor.u32 @!p1 v1, v3  }
0x3e9: {  	[tilespmem:$0x1DAC0] =	vst @!p1 v0  }
0x3ea: {  	v0 =	vld @!p1 [tilespmem:s29+$0x1C90]  }
0x3eb: {  	v1 =	vld @!p1 [tilespmem:s29+$0x3590]  }
0x3ec: {  	v3 =	vld @!p1 [tilespmem:s29+$0x4E90];
	_ =	sdelay $0x3  }
0x3ed: {  	v0 =	vtrunc.f32 @!p1 v0  }
0x3ee: {  	v1 =	vtrunc.f32 @!p1 v1;
	v3 =	vtrunc.f32 @!p1 v3  }
0x3ef: {  	v0 =	vcvt.f32.s32 @!p1 v0;
	v1 =	vcvt.f32.s32 @!p1 v1  }
0x3f0: {  	v3 =	vcvt.f32.s32 @!p1 v3  }
0x3f1: {  	vm0 =	vgt.s32 @!p1 v0, $0x0;
	vm1 =	vgt.s32 @!p1 v1, $0x0  }
0x3f2: {  	v0 =	vnsel @!p1 vm0, $0x0, v0;
	v1 =	vnsel @!p1 vm1, $0x0, v1;
	vm0 =	vgt.s32 @!p1 v3, $0x0  }
0x3f3: {  	v0 =	vmin.u32 @!p1 v0, $0xFF;
	v1 =	vmin.u32 @!p1 v1, $0x3F;
	v3 =	vsel @!p1 vm0, $0x140, v2  }
0x3f4: {  	[tilespmem:$0x1DA90] =	vst @!p1 v0;
	v0 =	vor.u32 @!p1 v1, v3  }
0x3f5: {  	[tilespmem:$0x1DAD0] =	vst @!p1 v0  }
0x3f6: {  	v0 =	vld @!p1 [tilespmem:s29+$0x1CA0]  }
0x3f7: {  	v1 =	vld @!p1 [tilespmem:s29+$0x35A0]  }
0x3f8: {  	v3 =	vld @!p1 [tilespmem:s29+$0x4EA0];
	_ =	sdelay $0x3  }
0x3f9: {  	v0 =	vtrunc.f32 @!p1 v0  }
0x3fa: {  	v1 =	vtrunc.f32 @!p1 v1;
	v3 =	vtrunc.f32 @!p1 v3  }
0x3fb: {  	v0 =	vcvt.f32.s32 @!p1 v0;
	v1 =	vcvt.f32.s32 @!p1 v1  }
0x3fc: {  	v3 =	vcvt.f32.s32 @!p1 v3  }
0x3fd: {  	vm0 =	vgt.s32 @!p1 v0, $0x0;
	vm1 =	vgt.s32 @!p1 v1, $0x0  }
0x3fe: {  	v0 =	vnsel @!p1 vm0, $0x0, v0;
	v1 =	vnsel @!p1 vm1, $0x0, v1;
	vm0 =	vgt.s32 @!p1 v3, $0x0  }
0x3ff: {  	v0 =	vmin.u32 @!p1 v0, $0xFF;
	v1 =	vmin.u32 @!p1 v1, $0x3F;
	v3 =	vsel @!p1 vm0, $0x140, v2  }
0x400: {  	[tilespmem:$0x1DAA0] =	vst @!p1 v0;
	v0 =	vor.u32 @!p1 v1, v3  }
0x401: {  	[tilespmem:$0x1DAE0] =	vst @!p1 v0  }
0x402: {  	v0 =	vld @!p1 [tilespmem:s29+$0x1CB0]  }
0x403: {  	v1 =	vld @!p1 [tilespmem:s29+$0x35B0]  }
0x404: {  	v3 =	vld @!p1 [tilespmem:s29+$0x4EB0];
	_ =	sdelay $0x3  }
0x405: {  	v0 =	vtrunc.f32 @!p1 v0  }
0x406: {  	v1 =	vtrunc.f32 @!p1 v1;
	v3 =	vtrunc.f32 @!p1 v3  }
0x407: {  	v0 =	vcvt.f32.s32 @!p1 v0;
	v1 =	vcvt.f32.s32 @!p1 v1  }
0x408: {  	v3 =	vcvt.f32.s32 @!p1 v3  }
0x409: {  	vm0 =	vgt.s32 @!p1 v0, $0x0;
	vm1 =	vgt.s32 @!p1 v1, $0x0  }
0x40a: {  	v0 =	vnsel @!p1 vm0, $0x0, v0;
	v1 =	vnsel @!p1 vm1, $0x0, v1;
	vm0 =	vgt.s32 @!p1 v3, $0x0  }
0x40b: {  	v0 =	vmin.u32 @!p1 v0, $0xFF;
	v1 =	vmin.u32 @!p1 v1, $0x3F;
	v2 =	vsel @!p1 vm0, $0x140, v2  }
0x40c: {  	[tilespmem:$0x1DAB0] =	vst @!p1 v0;
	v0 =	vor.u32 @!p1 v1, v2  }
0x40d: {  	s1 =	simm.s32 @!p1 $0x1DA80;
	s5 =	simm.s32 @!p1 $0x5A80;
	s0 =	simm.s32 @!p1 $0x40;
	[tilespmem:$0x1DAF0] =	vst @!p1 v0  }
0x40e: {  	[tilespmem:s5], [sflag:$0x1] =	stream.indirect.gather @!p1 [spmem:s2], $0x100, s1, s0, $0xb8;
	[tilespmem:$0x1DB80] =	vst v63  }
0x40f: {  	p2 =	seq.s32 @!p1 s24, $0x0;
	s1 =	simm.s32 @!p1 $0x1DAC0;
	s5 =	simm.s32 @!p1 $0x9A80  }
0x410: {  	[tilespmem:s5], [sflag:$0x1] =	stream.indirect.gather @!p1 [spmem:s2], $0x100, s1, s0, $0xb8;
	[tilespmem:$0x1DB80] =	vst v63  }
0x411: {  	p1 =	por p1, !p2  }
0x412: {  	s0 =	simm.s32 @p1 $0x4  }
0x413: {  	_ =	swait.ge @p1 [sflag:s0], $0x4000  }
0x414: {  	[sflag:s0] =	ssyncset.done @p1 $0x0  }
0x415: {  	[sflag:s0] =	ssyncadd.s32 @p1 $0xFFFFC000  }
0x416: {  	_ =	swait.ge [sflag:s6], $0x4000  }
0x417: {  	[sflag:s6] =	ssyncset.done $0x0  }
0x418: {  	[sflag:s6] =	ssyncadd.s32 $0xFFFFC000  }
0x419: {  	_ =	swait.ge [sflag:s6], $0x4000  }
0x41a: {  	[sflag:s6] =	ssyncset.done $0x0  }
0x41b: {  	s7 =	simm.s32 $0x0;
	s1 =	simm.s32 $0x0;
	[sflag:s6] =	ssyncadd.s32 $0xFFFFC000  }
.LBB2_8:
0x41c: {  	v47 =	vld [tilespmem:$0x1FCA0]  }
0x41d: {  	v60 =	vld [tilespmem:$0x1FCB0]  }
0x41e: {  	s0 =	sor.u32 s28, s7;
	v42 =	vld [tilespmem:$0x1FCC0]  }
0x41f: {  	s8 =	sshll.u32 s7, $0x8;
	v35 =	vld [tilespmem:$0x1FCD0];
	v0 =	vmov s0  }
0x420: {  	v2 =	vld [tilespmem:s8+$0xDA80];
	v0 =	vand.u32 $0xFFFFFFFE, v0  }
0x421: {  	v3 =	vld [tilespmem:s8+$0x11A80];
	v0 =	vbroadcast v0, $0x0  }
0x422: {  	v4 =	vld [tilespmem:s8+$0xDA90]  }
0x423: {  	v5 =	vld [tilespmem:s8+$0x11A90]  }
0x424: {  	v6 =	vld [tilespmem:s8+$0xDAA0]  }
0x425: {  	v7 =	vld [tilespmem:s8+$0x11AA0]  }
0x426: {  	v8 =	vld [tilespmem:s8+$0xDAB0]  }
0x427: {  	v1 =	vld.idx.msk [tilespmem:v0+s21+$0x0], $0xffff  }
0x428: {  	v9 =	vld [tilespmem:s8+$0x11AB0]  }
0x429: {  	v0 =	vld.idx.msk [tilespmem:v0+s23+$0x0], $0xffff  }
0x42a: {  	v61 =	vld [tilespmem:s8+$0xDAC0]  }
0x42b: {  	v10 =	vld [tilespmem:s8+$0x11AC0]  }
0x42c: {  	v39 =	vld [tilespmem:$0x1FCE0];
	v2 =	vadd.f32 v3, v2;
	v43 =	vmul.f32 v1, v40  }
0x42d: {  	v29 =	vld [tilespmem:$0x1FC20]  }
0x42e: {  	v24 =	vld [tilespmem:$0x1FC50];
	v4 =	vadd.f32 v5, v4;
	v46 =	vmul.f32 v0, v47;
	v2 =	vadd.f32 v2, v43  }
0x42f: {  	v26 =	vld [tilespmem:$0x1FC70];
	v58 =	vadd.f32 v7, v6;
	v17 =	vadd.f32 v9, v8;
	v54 =	vmul.f32 v1, v45  }
0x430: {  	v23 =	vld [tilespmem:s8+$0xDAE0];
	v21 =	vadd.f32 v10, v61;
	v11 =	vadd.f32 v2, v46  }
0x431: {  	v8 =	vld [tilespmem:s8+$0xDAD0];
	v57 =	vmul.f32 v0, v60;
	v59 =	vmul.f32 v1, v50;
	v55 =	vadd.f32 v4, v54  }
0x432: {  	v18 =	vmul.f32 v1, v27;
	[tilespmem:$0x1EE30] =	vst v11;
	v62 =	vadd.f32 $0.0e+00, v11;
	v9 =	vmul.f32 v11, v11;
	v11 =	vld [tilespmem:s8+$0x11AD0]  }
0x433: {  	v10 =	vld [tilespmem:s8+$0x11AE0];
	v16 =	vmul.f32 v0, v42;
	v63 =	vadd.f32 v58, v59;
	v12 =	vadd.f32 v55, v57  }
0x434: {  	v38 =	vmov v27;
	v20 =	vmul.f32 v0, v35;
	v27 =	vld [tilespmem:$0x1FD00];
	v19 =	vadd.f32 v17, v18  }
0x435: {  	v59 =	vld [tilespmem:s8+$0xDB00];
	v13 =	vadd.f32 v63, v16;
	v7 =	vadd.f32 v12, v62  }
0x436: {  	v34 =	vadd.f32 v19, v20;
	v62 =	vld [tilespmem:$0x1FC00]  }
0x437: {  	[tilespmem:$0x1EE40] =	vst v12;
	v12 =	vmul.f32 v12, v12;
	v7 =	vadd.f32 v13, v7;
	v48 =	vadd.f32 v11, v8;
	v8 =	vld [tilespmem:s8+$0xDAF0]  }
0x438: {  	v22 =	vmul.f32 v1, v28;
	v33 =	vmul.f32 v13, v13;
	v11 =	vld [tilespmem:s8+$0x11AF0]  }
0x439: {  	[tilespmem:$0x1EE60] =	vst v34;
	v52 =	vmul.f32 v34, v34;
	v9 =	vadd.f32 v12, v9;
	v7 =	vadd.f32 v34, v7;
	v34 =	vld [tilespmem:$0x1FCF0]  }
0x43a: {  	v43 =	vadd.f32 v21, v22;
	v58 =	vmul.f32 v1, v30;
	v21 =	vld [tilespmem:$0x1FC10];
	v57 =	vadd.f32 v10, v23  }
0x43b: {  	v10 =	vld [tilespmem:s8+$0x11B00];
	v9 =	vadd.f32 v33, v9  }
0x43c: {  	v17 =	vadd.f32 v57, v58;
	v57 =	vld [tilespmem:$0x1FD20];
	v49 =	vmul.f32 v1, v62  }
0x43d: {  	v46 =	vmul.f32 v0, v39;
	v9 =	vadd.f32 v52, v9;
	v52 =	vld [tilespmem:$0x1FD10]  }
0x43e: {  	v54 =	vadd.f32 v48, v49;
	v19 =	vadd.f32 v11, v8;
	v8 =	vld [tilespmem:s8+$0xDB10];
	v55 =	vmul.f32 v0, v34  }
0x43f: {  	v53 =	vadd.f32 v43, v46;
	v11 =	vld [tilespmem:s8+$0x11B10]  }
0x440: {  	v18 =	vmul.f32 v0, v27;
	v16 =	vadd.f32 v54, v55;
	v54 =	vld [tilespmem:$0x1FC30]  }
0x441: {  	v41 =	vmul.f32 v1, v29;
	v43 =	vld [tilespmem:s8+$0xDB20];
	v63 =	vmul.f32 v53, v53;
	v37 =	vadd.f32 v10, v59  }
0x442: {  	v20 =	vmul.f32 v1, v21;
	v23 =	vadd.f32 v17, v18;
	v10 =	vld [tilespmem:s8+$0x11B20];
	v7 =	vadd.f32 v53, v7  }
0x443: {  	v49 =	vadd.f32 v37, v41;
	v41 =	vld [tilespmem:$0x1FC40];
	v9 =	vadd.f32 v63, v9;
	v63 =	vmul.f32 v0, v57  }
0x444: {  	v37 =	vld [tilespmem:$0x1FD40];
	v32 =	vadd.f32 v19, v20;
	v33 =	vmul.f32 v0, v52;
	v7 =	vadd.f32 v16, v7  }
0x445: {  	[tilespmem:$0x1EE80] =	vst v16;
	v22 =	vmul.f32 v16, v16;
	v16 =	vadd.f32 v11, v8;
	v8 =	vld [tilespmem:s8+$0xDB30];
	v17 =	vmul.f32 v1, v54  }
0x446: {  	v46 =	vmul.f32 v23, v23;
	v19 =	vadd.f32 v49, v63;
	v48 =	vadd.f32 v32, v33;
	v11 =	vld [tilespmem:s8+$0x11B30]  }
0x447: {  	v33 =	vld [tilespmem:s8+$0xDB40];
	v9 =	vadd.f32 v22, v9;
	v22 =	vmul.f32 v0, v44;
	v20 =	vadd.f32 v16, v17  }
0x448: {  	[tilespmem:$0x1EE90] =	vst v23;
	v32 =	vmul.f32 v1, v41;
	v7 =	vadd.f32 v23, v7;
	v23 =	vadd.f32 v10, v43;
	v43 =	vld [tilespmem:s8+$0x11B40]  }
0x449: {  	v9 =	vadd.f32 v46, v9;
	v46 =	vadd.f32 v20, v22;
	v20 =	vld [tilespmem:$0x1FD30]  }
0x44a: {  	s13 =	sor.u32 $0x1, s7;
	[tilespmem:$0x1EEA0] =	vst v48;
	v18 =	vmul.f32 v48, v48;
	v7 =	vadd.f32 v48, v7;
	v48 =	vadd.f32 v23, v32;
	v23 =	vld [tilespmem:$0x1FC60]  }
0x44b: {  	s5 =	sor.u32 s28, s13;
	v58 =	vmul.f32 v1, v24;
	v63 =	vld [tilespmem:s8+$0xDB60];
	v55 =	vadd.f32 v11, v8  }
0x44c: {  	v10 =	vmul.f32 v19, v19;
	v8 =	vld [tilespmem:s8+$0xDB50];
	v11 =	vmov s5;
	v9 =	vadd.f32 v18, v9  }
0x44d: {  	[tilespmem:$0x1EEB0] =	vst v19;
	v7 =	vadd.f32 v19, v7;
	v19 =	vmul.f32 v0, v37;
	v59 =	vadd.f32 v55, v58;
	v55 =	vld [tilespmem:$0x1FD50]  }
0x44e: {  	v32 =	vadd.f32 v43, v33;
	v9 =	vadd.f32 v10, v9;
	v10 =	vld [tilespmem:s8+$0x11B50];
	v49 =	vmul.f32 v0, v20  }
0x44f: {  	[tilespmem:$0x1EE50] =	vst v13;
	v43 =	vld [tilespmem:s8+$0x11B60];
	v7 =	vadd.f32 v46, v7;
	v13 =	vmul.f32 v46, v46;
	v33 =	vmul.f32 v1, v23  }
0x450: {  	v15 =	vadd.f32 v59, v19;
	v19 =	vld [tilespmem:$0x1FD60];
	v14 =	vadd.f32 v48, v49  }
0x451: {  	s9 =	sshll.u32 s13, $0x8;
	[tilespmem:$0x1EEC0] =	vst v46;
	v2 =	vld.idx.msk [tilespmem:v11+s21+$0x0], $0xffff;
	v9 =	vadd.f32 v13, v9;
	v46 =	vadd.f32 v32, v33  }
0x452: {  	v22 =	vld [tilespmem:s9+$0xDA90];
	v48 =	vmul.f32 v0, v55;
	[tilespmem:$0x1EED0] =	vst v14;
	v7 =	vadd.f32 v14, v7;
	v14 =	vmul.f32 v14, v14  }
0x453: {  	v3 =	vld.idx.msk [tilespmem:v11+s23+$0x0], $0xffff;
	v49 =	vadd.f32 v10, v8;
	v8 =	vmul.f32 v1, v26  }
0x454: {  	v58 =	vmul.f32 v15, v15;
	v10 =	vld [tilespmem:s9+$0xDA80];
	v16 =	vadd.f32 v46, v48;
	v9 =	vadd.f32 v14, v9  }
0x455: {  	[tilespmem:$0x1EEE0] =	vst v15;
	v59 =	vadd.f32 v49, v8;
	v7 =	vadd.f32 v15, v7;
	v15 =	vld [tilespmem:s9+$0x11A80]  }
0x456: {  	v5 =	vmul.f32 v0, v19;
	v8 =	vadd.f32 v58, v9;
	v9 =	vadd.f32 v43, v63;
	v63 =	vld [tilespmem:$0x1FC80]  }
0x457: {  	v43 =	vld [tilespmem:s9+$0x11A90]  }
0x458: {  	v31 =	vld [tilespmem:$0x1FD70];
	[tilespmem:$0x1EEF0] =	vst v16;
	v17 =	vadd.f32 v59, v5;
	v7 =	vadd.f32 v16, v7;
	v16 =	vmul.f32 v16, v16  }
0x459: {  	v11 =	vld [tilespmem:s9+$0x11AA0]  }
0x45a: {  	v13 =	vld [tilespmem:s8+$0xDB70];
	v49 =	vmul.f32 v17, v17;
	v8 =	vadd.f32 v16, v8  }
0x45b: {  	v32 =	vld [tilespmem:s9+$0xDAB0];
	v59 =	vmul.f32 v2, v40;
	v10 =	vadd.f32 v15, v10;
	v33 =	vmul.f32 v1, v63  }
0x45c: {  	v58 =	vld [tilespmem:s8+$0x11B70];
	v5 =	vadd.f32 v49, v8;
	v6 =	vadd.f32 v43, v22;
	v22 =	vmul.f32 v2, v45  }
0x45d: {  	v8 =	vadd.f32 v10, v59;
	v10 =	vmul.f32 v3, v47;
	v46 =	vadd.f32 v9, v33;
	v9 =	vld [tilespmem:s9+$0xDAA0]  }
0x45e: {  	v48 =	vmul.f32 v0, v31;
	v33 =	vld [tilespmem:s9+$0x11AB0]  }
0x45f: {  	v43 =	vmul.f32 v3, v60;
	v6 =	vadd.f32 v6, v22;
	v15 =	vadd.f32 v8, v10;
	v8 =	vld [tilespmem:s9+$0x11AC0]  }
0x460: {  	v7 =	vadd.f32 v17, v7;
	v19 =	vadd.f32 v46, v48;
	v46 =	vld [tilespmem:$0x1FC90]  }
0x461: {  	v13 =	vadd.f32 v58, v13;
	v10 =	vmul.f32 v2, v38;
	v48 =	vld [tilespmem:s9+$0xDAC0];
	v18 =	vadd.f32 v6, v43  }
0x462: {  	v58 =	vadd.f32 $0.0e+00, v15;
	v9 =	vadd.f32 v11, v9;
	v11 =	vmul.f32 v2, v50  }
0x463: {  	[tilespmem:$0x1EF30] =	vst v15;
	v59 =	vmul.f32 v15, v15;
	v15 =	vld [tilespmem:s9+$0x11AD0];
	v4 =	vadd.f32 v19, v7;
	v7 =	vadd.f32 v33, v32  }
0x464: {  	v22 =	vmul.f32 v18, v18;
	v49 =	vadd.f32 v9, v11;
	v9 =	vmul.f32 v3, v42;
	v11 =	vld [tilespmem:s9+$0xDAD0]  }
0x465: {  	v12 =	vadd.f32 v18, v58;
	v1 =	vmul.f32 v1, v46;
	v33 =	vadd.f32 v7, v10  }
0x466: {  	v14 =	vld [tilespmem:s9+$0x11AE0];
	v43 =	vmul.f32 v3, v35;
	v8 =	vadd.f32 v8, v48;
	v32 =	vadd.f32 v49, v9  }
0x467: {  	v10 =	vld [tilespmem:s9+$0xDAE0];
	v1 =	vadd.f32 v13, v1;
	v9 =	vmul.f32 v2, v28;
	v13 =	vadd.f32 v22, v59  }
0x468: {  	v49 =	vadd.f32 v33, v43;
	v59 =	vmul.f32 v3, v39;
	v48 =	vmul.f32 v32, v32  }
0x469: {  	v58 =	vadd.f32 v8, v9;
	v9 =	vmul.f32 v2, v62;
	v8 =	vadd.f32 v15, v11;
	v11 =	vld [tilespmem:s9+$0xDAF0]  }
0x46a: {  	[tilespmem:$0x1EF50] =	vst v32;
	v12 =	vadd.f32 v32, v12;
	v32 =	vmul.f32 v49, v49;
	v15 =	vld [tilespmem:s9+$0x11AF0];
	v13 =	vadd.f32 v48, v13  }
0x46b: {  	v22 =	vmovc v49;
	v33 =	vadd.f32 v58, v59;
	v48 =	vmul.f32 v3, v34;
	v43 =	vadd.f32 v8, v9  }
0x46c: {  	v8 =	vadd.f32 v14, v10;
	v9 =	vmul.f32 v2, v30;
	v10 =	vadd.f32 v22, v12  }
0x46d: {  	[tilespmem:$0x1EF60] =	vst v49;
	v14 =	vld [tilespmem:s9+$0xDB00];
	v49 =	vadd.f32 v32, v13;
	v58 =	vmul.f32 v33, v33;
	v59 =	vadd.f32 v43, v48  }
0x46e: {  	v22 =	vmul.f32 v3, v27;
	v16 =	vadd.f32 v8, v9;
	v8 =	vld [tilespmem:s9+$0x11B00];
	v9 =	vadd.f32 v33, v10  }
0x46f: {  	v10 =	vadd.f32 v15, v11;
	v11 =	vmul.f32 v2, v21;
	v12 =	vadd.f32 v58, v49  }
0x470: {  	v6 =	vld [tilespmem:s9+$0xDB10];
	v43 =	vmul.f32 v59, v59;
	v48 =	vadd.f32 v16, v22;
	v9 =	vadd.f32 v59, v9  }
0x471: {  	v0 =	vmul.f32 v0, v36;
	[tilespmem:$0x1EF70] =	vst v33;
	v49 =	vadd.f32 v10, v11;
	v10 =	vmul.f32 v3, v52;
	v11 =	vld [tilespmem:s9+$0x11B10]  }
0x472: {  	[tilespmem:$0x1EF80] =	vst v59;
	v12 =	vadd.f32 v43, v12;
	v58 =	vmul.f32 v48, v48;
	v43 =	vadd.f32 v48, v9  }
0x473: {  	[tilespmem:$0x1EF90] =	vst v48;
	v48 =	vld [tilespmem:s9+$0x11B20];
	v59 =	vadd.f32 v49, v10;
	v33 =	vadd.f32 v8, v14;
	v8 =	vmul.f32 v2, v29  }
0x474: {  	v32 =	vmov v21;
	v21 =	vadd.f32 v1, v0;
	v10 =	vld [tilespmem:s9+$0xDB20];
	v9 =	vadd.f32 v58, v12  }
0x475: {  	[tilespmem:$0x1EF00] =	vst v17;
	v58 =	vld [tilespmem:s9+$0xDB30];
	v49 =	vmul.f32 v59, v59;
	v7 =	vadd.f32 v33, v8;
	v8 =	vmul.f32 v3, v57  }
0x476: {  	[tilespmem:$0x1EFA0] =	vst v59;
	v0 =	vadd.f32 v59, v43;
	v59 =	vld [tilespmem:s9+$0x11B30];
	v6 =	vadd.f32 v11, v6;
	v11 =	vmul.f32 v2, v54  }
0x477: {  	s14 =	sadd.s32 $0x2, s7;
	[tilespmem:$0x1EF40] =	vst v18;
	v18 =	vmul.f32 v3, v44;
	v43 =	vmul.f32 v3, v20;
	v17 =	vadd.f32 v7, v8  }
0x478: {  	s16 =	sadd.s32 s28, s14;
	v22 =	vld [tilespmem:s9+$0x11B40];
	v9 =	vadd.f32 v49, v9;
	v8 =	vmul.f32 v2, v41;
	v6 =	vadd.f32 v6, v11  }
0x479: {  	v1 =	vadd.f32 v48, v10;
	v10 =	vld [tilespmem:s9+$0xDB40];
	v11 =	vmov s16;
	v0 =	vadd.f32 v17, v0  }
0x47a: {  	v13 =	vld [tilespmem:s9+$0x11B50];
	v14 =	vmul.f32 v17, v17;
	v11 =	vand.u32 $0xFFFFFFFE, v11;
	v33 =	vadd.f32 v6, v18  }
0x47b: {  	v12 =	vld [tilespmem:s9+$0xDB50];
	v1 =	vadd.f32 v1, v8;
	v6 =	vbroadcast v11, $0x0;
	v8 =	vadd.f32 v59, v58  }
0x47c: {  	[tilespmem:$0x1EE70] =	vst v53;
	v11 =	vmul.f32 v2, v24;
	v58 =	vmul.f32 v3, v37;
	v9 =	vadd.f32 v14, v9  }
0x47d: {  	v53 =	vmovc v44;
	v0 =	vadd.f32 v33, v0;
	v44 =	vmul.f32 v33, v33;
	v48 =	vadd.f32 v1, v43  }
0x47e: {  	v16 =	vld [tilespmem:s9+$0x11B60];
	v49 =	vadd.f32 v8, v11;
	v8 =	vadd.f32 v22, v10;
	v10 =	vmul.f32 v2, v23  }
0x47f: {  	s10 =	sshll.u32 s14, $0x8;
	[tilespmem:$0x1EFB0] =	vst v17;
	v11 =	vld [tilespmem:s9+$0xDB60];
	v9 =	vadd.f32 v44, v9;
	v59 =	vadd.f32 v48, v0;
	v17 =	vmul.f32 v48, v48  }
0x480: {  	[tilespmem:$0x1EFD0] =	vst v48;
	v48 =	vmul.f32 v3, v55;
	v44 =	vadd.f32 v8, v10;
	v8 =	vadd.f32 v13, v12;
	v12 =	vld [tilespmem:s10+$0xDA80]  }
0x481: {  	v43 =	vadd.f32 v49, v58;
	v22 =	vld.idx.msk [tilespmem:v6+s21+$0x0], $0xffff  }
0x482: {  	[tilespmem:$0x1EFC0] =	vst v33;
	v33 =	vmov v23;
	v10 =	vmul.f32 v2, v26;
	v23 =	vadd.f32 v44, v48;
	v44 =	vld [tilespmem:$0x1FD60]  }
0x483: {  	v49 =	vadd.f32 v43, v59;
	v59 =	vld [tilespmem:s10+$0x11A80]  }
0x484: {  	[tilespmem:$0x1EFE0] =	vst v43;
	v58 =	vmul.f32 v43, v43;
	v43 =	vadd.f32 v8, v10;
	v8 =	vld [tilespmem:s10+$0xDA90]  }
0x485: {  	v15 =	vmul.f32 v19, v19;
	v9 =	vadd.f32 v17, v9;
	v48 =	vld [tilespmem:s10+$0x11A90]  }
0x486: {  	[tilespmem:$0x1EF20] =	vst v21;
	v4 =	vadd.f32 v21, v4;
	v10 =	vmul.f32 v21, v21;
	v21 =	vld [tilespmem:s10+$0x11AA0]  }
0x487: {  	s17 =	sadd.s32 $0x3, s7;
	v5 =	vadd.f32 v15, v5;
	v9 =	vadd.f32 v58, v9;
	v58 =	vld [tilespmem:s10+$0xDAA0];
	v7 =	vmul.f32 v3, v44  }
0x488: {  	s19 =	sadd.s32 s28, s17;
	v1 =	vld.idx.msk [tilespmem:v6+s23+$0x0], $0xffff;
	v11 =	vadd.f32 v16, v11;
	v13 =	vadd.f32 v23, v49;
	v49 =	vmul.f32 v23, v23  }
0x489: {  	(xrf2) =	vadd.scan.msk.f32 $0xffff, v4;
	v4 =	vmov s19;
	v5 =	vadd.f32 v10, v5;
	v7 =	vadd.f32 v43, v7  }
0x48a: {  	v9 =	vadd.f32 v49, v9;
	v12 =	vadd.f32 v59, v12;
	v59 =	vmul.f32 v3, v31  }
0x48b: {  	v44 =	vmul.f32 v22, v40;
	v8 =	vadd.f32 v48, v8;
	v0 =	vmul.f32 v7, v7  }
0x48c: {  	v56 =	vmovc v40;
	v49 =	vld [tilespmem:s10+$0xDAB0];
	v48 =	vmul.f32 v22, v45;
	v6 =	vadd.f32 v21, v58;
	v43 =	vmul.f32 v2, v63  }
0x48d: {  	[tilespmem:$0x1EFF0] =	vst v23;
	v23 =	vmul.f32 v1, v47;
	v12 =	vadd.f32 v12, v44;
	v9 =	vadd.f32 v0, v9;
	v0 =	vld [tilespmem:s10+$0x11AB0]  }
0x48e: {  	[tilespmem:$0x1EF10] =	vst v19;
	v19 =	vld [tilespmem:s10+$0xDAC0];
	v40 =	vmul.f32 v1, v60;
	v8 =	vadd.f32 v8, v48;
	v11 =	vadd.f32 v11, v43  }
0x48f: {  	v51 =	vmovc v45;
	v15 =	vld [tilespmem:s10+$0xDAD0];
	v10 =	vadd.f32 v7, v13;
	v43 =	vmul.f32 v22, v50;
	v45 =	vadd.f32 v12, v23  }
0x490: {  	v25 =	vmovc v38;
	v3 =	vmul.f32 v3, v36;
	v58 =	vadd.f32 v8, v40;
	v44 =	vadd.f32 v11, v59;
	v11 =	vld [tilespmem:s10+$0x11AC0]  }
0x491: {  	v61 =	vmovc v28;
	v18 =	vld [tilespmem:s10+$0x11AD0];
	v8 =	vmul.f32 v1, v42;
	v6 =	vadd.f32 v6, v43;
	v17 =	vmul.f32 v45, v45  }
0x492: {  	v28 =	vmovc v30;
	v14 =	vld [tilespmem:s10+$0xDAE0];
	v59 =	vmul.f32 v44, v44;
	v48 =	vadd.f32 v0, v49;
	v49 =	vmul.f32 v22, v38  }
0x493: {  	v12 =	vld [tilespmem:s9+$0xDB70];
	v40 =	vmul.f32 v58, v58;
	[tilespmem:$0x1F010] =	vst v44;
	v10 =	vadd.f32 v44, v10;
	v44 =	vadd.f32 v6, v8  }
0x494: {  	v30 =	vmovc v26;
	v8 =	vmul.f32 v1, v35;
	v9 =	vadd.f32 v59, v9;
	v0 =	vld [tilespmem:s9+$0x11B70];
	v48 =	vadd.f32 v48, v49  }
0x495: {  	v26 =	vmovc v42;
	v59 =	vadd.f32 v40, v17;
	v17 =	vld [tilespmem:s10+$0x11AE0];
	v11 =	vadd.f32 v11, v19;
	v49 =	vmul.f32 v22, v61  }
0x496: {  	v2 =	vmul.f32 v2, v46;
	[tilespmem:$0x1F000] =	vst v7;
	v21 =	vmul.f32 v44, v44;
	v7 =	vadd.f32 v48, v8  }
0x497: {  	(xrf2) =	vadd.scan.msk.f32 $0xffff, v5;
	v23 =	vadd.f32 v11, v49;
	v8 =	vmul.f32 v1, v39;
	v11 =	vadd.f32 v18, v15;
	v15 =	vld [tilespmem:s10+$0xDAF0]  }
0x498: {  	[tilespmem:$0x1F030] =	vst v45;
	v38 =	vmovc v45;
	v45 =	vmov v39;
	v16 =	vadd.f32 v21, v59;
	v39 =	vmul.f32 v22, v62;
	v18 =	vld [tilespmem:s10+$0x11AF0]  }
0x499: {  	v5 =	vld.idx.msk [tilespmem:v4+s21+$0x0], $0xffff;
	v12 =	vadd.f32 v0, v12;
	v46 =	vmul.f32 v7, v7;
	v42 =	vadd.f32 v23, v8  }
0x49a: {  	v59 =	vadd.f32 v11, v39;
	v8 =	vmul.f32 v1, v34;
	v11 =	vadd.f32 v17, v14;
	v14 =	vld [tilespmem:s10+$0xDB00]  }
0x49b: {  	v21 =	vmul.f32 v22, v32;
	v49 =	vmovc v34;
	v34 =	vmul.f32 v22, v28;
	v36 =	vadd.f32 v46, v16;
	v46 =	vld [tilespmem:s10+$0x11B00]  }
0x49c: {  	v4 =	vld.idx.msk [tilespmem:v4+s23+$0x0], $0xffff;
	v2 =	vadd.f32 v12, v2;
	v48 =	vmul.f32 v42, v42;
	v40 =	vadd.f32 v59, v8  }
0x49d: {  	v8 =	vadd.f32 v11, v34;
	v11 =	vmul.f32 v1, v27;
	v59 =	vadd.f32 v18, v15;
	v18 =	vld [tilespmem:s10+$0xDB10]  }
0x49e: {  	v0 =	vmovc v27;
	v27 =	vmov v32;
	v32 =	vadd.f32 v2, v3;
	v3 =	vld [tilespmem:s10+$0x11B10];
	v34 =	vadd.f32 v48, v36  }
0x49f: {  	v15 =	vld [tilespmem:s10+$0xDB20];
	v43 =	vmul.f32 v40, v40;
	v39 =	vadd.f32 v8, v11;
	v11 =	vmul.f32 v1, v52  }
0x4a0: {  	v48 =	vmul.f32 v22, v29;
	v8 =	vadd.f32 v59, v21;
	v59 =	vld [tilespmem:s10+$0x11B20];
	v46 =	vadd.f32 v46, v14  }
0x4a1: {  	v17 =	vld [tilespmem:$0x1FD30];
	v21 =	vmovc v52;
	v10 =	vadd.f32 v32, v10;
	v52 =	vmul.f32 v32, v32;
	v2 =	vadd.f32 v43, v34  }
0x4a2: {  	v36 =	vmul.f32 v39, v39;
	v34 =	vadd.f32 v8, v11;
	v8 =	vadd.f32 v46, v48;
	v46 =	vld [tilespmem:s10+$0xDB30]  }
0x4a3: {  	[tilespmem:$0x1F020] =	vst v32;
	v43 =	vmul.f32 v1, v57;
	v11 =	vmul.f32 v22, v54;
	v48 =	vadd.f32 v52, v9;
	v52 =	vld [tilespmem:s10+$0x11B30]  }
0x4a4: {  	(xrf2) =	vadd.scan.msk.f32 $0xffff, v10;
	v10 =	vmul.f32 v22, v41;
	v3 =	vadd.f32 v3, v18;
	v2 =	vadd.f32 v36, v2  }
0x4a5: {  	v9 =	vmul.f32 v34, v34;
	v32 =	vadd.f32 v8, v43;
	(xrf2) =	vadd.scan.msk.f32 $0xffff, v48;
	v8 =	vadd.f32 v59, v15  }
0x4a6: {  	v20 =	vmovc v54;
	v54 =	vmul.f32 v1, v53;
	v18 =	vmul.f32 v22, v24;
	v3 =	vadd.f32 v3, v11;
	v11 =	vld [tilespmem:s10+$0xDB40]  }
0x4a7: {  	v6 =	vmovc v57;
	v2 =	vadd.f32 v9, v2;
	v9 =	vld [tilespmem:s10+$0x11B40];
	v59 =	vadd.f32 v8, v10;
	v10 =	vmul.f32 v1, v17  }
0x4a8: {  	s12 =	sshll.u32 s17, $0x8;
	v19 =	vmovc v29;
	v29 =	vadd.f32 v3, v54;
	v57 =	vmul.f32 v32, v32;
	v13 =	vadd.f32 v52, v46  }
0x4a9: {  	v23 =	vmov v28;
	v14 =	vld [tilespmem:s12+$0x11A80];
	v28 =	vadd.f32 v59, v10;
	v10 =	vmul.f32 v1, v37  }
0x4aa: {  	v43 =	vmul.f32 v29, v29;
	v2 =	vadd.f32 v57, v2;
	v46 =	vadd.f32 v13, v18;
	v13 =	vld [tilespmem:s12+$0xDA80]  }
0x4ab: {  	v59 =	vld [tilespmem:s12+$0xDA90]  }
0x4ac: {  	v48, _, _ =	vpop (xrf2);
	v9 =	vadd.f32 v9, v11;
	v11 =	vmul.f32 v22, v33;
	v2 =	vadd.f32 v43, v2;
	v43 =	vld [tilespmem:s12+$0x11A90]  }
0x4ad: {  	v16 =	vld [tilespmem:s12+$0xDAB0];
	v54 =	vmul.f32 v5, v56;
	(v2sf) =	vpush v48, $0xF;
	v52 =	vadd.f32 v46, v10;
	v10, _, _ =	vpop (xrf2)  }
0x4ae: {  	v15 =	vld [tilespmem:s10+$0x11B50];
	v57 =	vmul.f32 v28, v28;
	v9 =	vadd.f32 v9, v11;
	(v2sf) =	vpush v10, $0xF;
	v10, _, _ =	vpop (xrf2)  }
0x4af: {  	v8 =	vld [tilespmem:s10+$0xDB50];
	v11 =	vmul.f32 v1, v55;
	(v2sf) =	vpush v10, $0xF;
	v10, _, _ =	vpop (xrf2);
	v48 =	vadd.f32 v14, v13  }
0x4b0: {  	v17 =	vld [tilespmem:s12+$0xDAA0];
	v2 =	vadd.f32 v57, v2;
	v46 =	vmul.f32 v52, v52;
	(v2sf) =	vpush v10, $0xF  }
0x4b1: {  	v10 =	vld [tilespmem:s12+$0x11AA0];
	v3 =	vadd.f32 v43, v59;
	v59 =	vmul.f32 v4, v47;
	v12 =	vadd.f32 v48, v54  }
0x4b2: {  	v2 =	vadd.f32 v46, v2;
	v46 =	vadd.f32 v9, v11;
	v11 =	vld [tilespmem:s12+$0x11AB0]  }
0x4b3: {  	v57 =	vmul.f32 v5, v51;
	v54 =	vadd.f32 v12, v59;
	v59 =	vld [tilespmem:$0x1FD60]  }
0x4b4: {  	v8 =	vadd.f32 v15, v8;
	v9 =	vmul.f32 v22, v30  }
0x4b5: {  	v43 =	vmul.f32 v4, v60;
	v3 =	vadd.f32 v3, v57  }
0x4b6: {  	v48 =	vmul.f32 v5, v50;
	v8 =	vadd.f32 v8, v9;
	v9 =	vld [tilespmem:s12+$0x11AC0]  }
0x4b7: {  	v18 =	vmul.f32 v5, v25;
	v57 =	vadd.f32 v3, v43;
	v10 =	vadd.f32 v10, v17;
	v17 =	vld [tilespmem:s12+$0xDAC0]  }
0x4b8: {  	v13 =	vmul.f32 v4, v26;
	v11 =	vadd.f32 v11, v16;
	[tilespmem:$0x1F0F0] =	vst v54;
	v16 =	vld [tilespmem:s10+$0x11B60];
	v12 =	vmul.f32 v1, v59  }
0x4b9: {  	v14 =	vmul.f32 v46, v46;
	v43 =	vmovc v26;
	v26 =	vmov v57;
	[tilespmem:$0x1F100] =	vst v57;
	v3 =	vadd.f32 v10, v48;
	v10 =	vld [tilespmem:s10+$0xDB60]  }
0x4ba: {  	v15 =	vld [tilespmem:s12+$0xDAD0];
	v48 =	vmovc v25;
	v59 =	vadd.f32 v8, v12;
	v8 =	vmul.f32 v54, v54;
	v12 =	vmul.f32 v57, v57  }
0x4bb: {  	v25 =	vmovc v54;
	v54 =	vadd.f32 v3, v13;
	v57 =	vadd.f32 v11, v18;
	v11 =	vmul.f32 v4, v35;
	v13 =	vld [tilespmem:s12+$0x11AD0]  }
0x4bc: {  	v2 =	vadd.f32 v14, v2;
	v9 =	vadd.f32 v9, v17;
	v17 =	vmul.f32 v5, v61  }
0x4bd: {  	v14 =	vld [tilespmem:s12+$0x11AE0];
	v8 =	vadd.f32 v12, v8;
	v57 =	vadd.f32 v57, v11;
	v18 =	vmul.f32 v54, v54  }
0x4be: {  	v45 =	vmul.f32 v4, v45;
	v11 =	vld [tilespmem:s12+$0xDAE0];
	v9 =	vadd.f32 v9, v17;
	v10 =	vadd.f32 v16, v10  }
0x4bf: {  	v16 =	vld [tilespmem:s12+$0x11B00];
	v3 =	vadd.f32 v18, v8;
	v8 =	vmul.f32 v59, v59;
	v17 =	vmul.f32 v57, v57  }
0x4c0: {  	v36 =	vmovc v24;
	v24 =	vadd.f32 v9, v45;
	v45 =	vmul.f32 v5, v62;
	v9 =	vadd.f32 v13, v15;
	v13 =	vld [tilespmem:s12+$0xDAF0]  }
0x4c1: {  	v49 =	vmul.f32 v4, v49;
	v2 =	vadd.f32 v8, v2;
	v8 =	vld [tilespmem:s12+$0x11AF0]  }
0x4c2: {  	v3 =	vadd.f32 v17, v3;
	v12 =	vmul.f32 v24, v24;
	v17 =	vld [tilespmem:s12+$0xDB00];
	v9 =	vadd.f32 v9, v45  }
0x4c3: {  	v11 =	vadd.f32 v14, v11;
	v45 =	vmul.f32 v5, v23  }
0x4c4: {  	v3 =	vadd.f32 v12, v3;
	v12 =	vmul.f32 v22, v63;
	v23 =	vadd.f32 v9, v49  }
0x4c5: {  	v18 =	vmul.f32 v5, v27;
	v15 =	vld [tilespmem:s12+$0x11B10];
	v11 =	vadd.f32 v11, v45;
	v49 =	vmul.f32 v4, v0  }
0x4c6: {  	v9 =	vld [tilespmem:s12+$0xDB10];
	v10 =	vadd.f32 v10, v12;
	v8 =	vadd.f32 v8, v13;
	v13 =	vmul.f32 v23, v23  }
0x4c7: {  	v12 =	vmul.f32 v4, v21;
	v49 =	vadd.f32 v11, v49;
	v11 =	vld [tilespmem:s12+$0xDB20];
	v14 =	vadd.f32 v16, v17  }
0x4c8: {  	v17 =	vmul.f32 v4, v53;
	v53 =	vld [tilespmem:s12+$0xDB30];
	v3 =	vadd.f32 v13, v3;
	v8 =	vadd.f32 v8, v18  }
0x4c9: {  	v13 =	vld [tilespmem:s12+$0x11B20];
	v16 =	vmul.f32 v49, v49;
	v21 =	vmov v49;
	[tilespmem:$0x1F150] =	vst v49;
	v49 =	vmul.f32 v5, v19  }
0x4ca: {  	v20 =	vmul.f32 v5, v20;
	v45 =	vmov v0;
	v19 =	vld [tilespmem:$0x1FD30];
	v0 =	vadd.f32 v8, v12  }
0x4cb: {  	v8 =	vadd.f32 v15, v9;
	v9 =	vld [tilespmem:s10+$0xDB70];
	v14 =	vadd.f32 v14, v49;
	v49 =	vmul.f32 v4, v6  }
0x4cc: {  	v3 =	vadd.f32 v16, v3;
	v15 =	vld [tilespmem:s10+$0x11B70]  }
0x4cd: {  	v8 =	vadd.f32 v8, v20;
	v6 =	vadd.f32 v14, v49;
	v14 =	vld [tilespmem:s12+$0x11B30]  }
0x4ce: {  	v12 =	vmul.f32 v0, v0;
	v49 =	vmul.f32 v5, v41;
	v11 =	vadd.f32 v13, v11  }
0x4cf: {  	v41 =	vadd.f32 v8, v17;
	v8 =	vmul.f32 v1, v31  }
0x4d0: {  	v16 =	vld [tilespmem:s12+$0xDB40];
	v20 =	vmovc v0;
	v13 =	vmul.f32 v4, v19;
	v3 =	vadd.f32 v12, v3;
	v11 =	vadd.f32 v11, v49  }
0x4d1: {  	[tilespmem:$0x1F160] =	vst v0;
	v0 =	vmul.f32 v6, v6;
	v19 =	vadd.f32 v10, v8;
	v8 =	vadd.f32 v15, v9;
	v9 =	vld [tilespmem:s12+$0x11B40]  }
0x4d2: {  	s29 =	sadd.s32 $0x4, s7;
	v17 =	vmul.f32 v5, v36;
	v49 =	vadd.f32 v11, v13;
	v11 =	vadd.f32 v14, v53;
	v53 =	vmovc v36;
	v36 =	vld [tilespmem:$0x1FC90]  }
0x4d3: {  	s30 =	sadd.s32 s28, s29;
	v3 =	vadd.f32 v0, v3;
	v10 =	vmul.f32 v41, v41  }
0x4d4: {  	v18 =	vmov s30;
	v13 =	vld [tilespmem:s12+$0xDB50]  }
0x4d5: {  	v37 =	vmul.f32 v4, v37;
	v14 =	vld [tilespmem:s12+$0x11B50];
	v3 =	vadd.f32 v10, v3;
	v10 =	vand.u32 $0xFFFFFFFE, v18  }
0x4d6: {  	v11 =	vadd.f32 v11, v17;
	v10 =	vbroadcast v10, $0x0;
	v12 =	vmul.f32 v49, v49;
	[tilespmem:$0x1F190] =	vst v49  }
0x4d7: {  	v9 =	vadd.f32 v9, v16;
	v16 =	vld [tilespmem:$0x1FDF0];
	v0 =	vmul.f32 v22, v36;
	v22 =	vmovc v49;
	v49 =	vmul.f32 v5, v33;
	_ =	sdelay $0x1  }
0x4d8: {  	v17 =	vadd.f32 v11, v37;
	v18 =	vadd.f32 v9, v49;
	v9 =	vmul.f32 v4, v55  }
0x4d9: {  	v11 =	vld [tilespmem:s12+$0x11B60];
	v37 =	vmul.f32 v19, v19;
	v13 =	vadd.f32 v14, v13;
	v55 =	vmul.f32 v5, v30  }
0x4da: {  	[tilespmem:$0x1F1A0] =	vst v17;
	v49 =	vmovc v30;
	v18 =	vadd.f32 v18, v9;
	v9 =	vmul.f32 v17, v17;
	v30 =	vmov v17;
	v17 =	vld [tilespmem:$0x1FD60]  }
0x4db: {  	v0 =	vadd.f32 v8, v0;
	v8 =	vadd.f32 v12, v3;
	v12 =	vld [tilespmem:s12+$0xDB60];
	v1 =	vmul.f32 v1, v16  }
0x4dc: {  	v14 =	vadd.f32 v37, v2;
	v3 =	vld.idx.msk [tilespmem:v10+s21+$0x0], $0xffff;
	v2 =	vadd.f32 v13, v55  }
0x4dd: {  	v55 =	vadd.f32 v0, v1;
	v1 =	vadd.f32 $0.0e+00, v38;
	v38 =	vld [tilespmem:$0x1FD70]  }
0x4de: {  	s0 =	sshll.u32 s29, $0x8;
	v16 =	vld [tilespmem:s12+$0xDB70]  }
0x4df: {  	v0 =	vadd.f32 v9, v8;
	v15 =	vmul.f32 v18, v18;
	v8 =	vld [tilespmem:s0+$0xDA80];
	v37 =	vmul.f32 v4, v17  }
0x4e0: {  	v9 =	vmul.f32 v5, v63;
	v17 =	vadd.f32 v11, v12;
	v11 =	vld [tilespmem:s0+$0x11A80]  }
0x4e1: {  	v13 =	vld [tilespmem:s12+$0x11B70];
	v0 =	vadd.f32 v15, v0;
	v37 =	vadd.f32 v2, v37  }
0x4e2: {  	v1 =	vadd.f32 v58, v1;
	v9 =	vadd.f32 v17, v9;
	v2 =	vld.idx.msk [tilespmem:v10+s23+$0x0], $0xffff;
	v15 =	vmul.f32 v4, v38  }
0x4e3: {  	[tilespmem:$0x1F040] =	vst v58;
	v58 =	vld [tilespmem:s0+$0xDA90];
	v10 =	vmul.f32 v37, v37  }
0x4e4: {  	v1 =	vadd.f32 v44, v1;
	v38 =	vadd.f32 v9, v15;
	v9 =	vld [tilespmem:s0+$0x11A90]  }
0x4e5: {  	v8 =	vadd.f32 v11, v8;
	v11 =	vld [tilespmem:s0+$0xDAA0];
	v0 =	vadd.f32 v10, v0;
	v10 =	vmul.f32 v3, v56  }
0x4e6: {  	v27 =	vmov v56;
	v1 =	vadd.f32 v7, v1;
	v56 =	vld [tilespmem:s0+$0x11AA0]  }
0x4e7: {  	v8 =	vadd.f32 v8, v10;
	v10 =	vmul.f32 v2, v47  }
0x4e8: {  	[tilespmem:$0x1F070] =	vst v42;
	v13 =	vadd.f32 v13, v16;
	v1 =	vadd.f32 v42, v1;
	v42 =	vld [tilespmem:s0+$0x11AB0]  }
0x4e9: {  	[tilespmem:$0x1F060] =	vst v7;
	v7 =	vadd.f32 v8, v10;
	v8 =	vadd.f32 v9, v58;
	v10 =	vmul.f32 v3, v51;
	v58 =	vld [tilespmem:s0+$0xDAB0]  }
0x4ea: {  	[tilespmem:$0x1F080] =	vst v40;
	v1 =	vadd.f32 v40, v1;
	v40 =	vmul.f32 v3, v50;
	v9 =	vadd.f32 $0.0e+00, v25  }
0x4eb: {  	v11 =	vadd.f32 v56, v11;
	v8 =	vadd.f32 v8, v10;
	v10 =	vmul.f32 v2, v60  }
0x4ec: {  	[tilespmem:$0x1F050] =	vst v44;
	v5 =	vmul.f32 v5, v36;
	v1 =	vadd.f32 v39, v1;
	v9 =	vadd.f32 v26, v9  }
0x4ed: {  	v31 =	vmovc v47;
	v44 =	vmul.f32 v2, v43;
	v11 =	vadd.f32 v11, v40;
	v47 =	vadd.f32 v8, v10  }
0x4ee: {  	v8 =	vadd.f32 v54, v9;
	v10 =	vmul.f32 v3, v48;
	v9 =	vadd.f32 v42, v58  }
0x4ef: {  	[tilespmem:$0x1F090] =	vst v39;
	v1 =	vadd.f32 v34, v1;
	v56 =	vadd.f32 v11, v44;
	v11 =	vmul.f32 v7, v7;
	v44 =	vld [tilespmem:$0x1FDF0]  }
0x4f0: {  	[tilespmem:$0x1F0A0] =	vst v34;
	v58 =	vmul.f32 v47, v47;
	v9 =	vadd.f32 v9, v10;
	v10 =	vmul.f32 v2, v35  }
0x4f1: {  	v5 =	vadd.f32 v13, v5;
	[tilespmem:$0x1F330] =	vst v7;
	v1 =	vadd.f32 v32, v1  }
0x4f2: {  	v42 =	vmovc v7;
	v11 =	vadd.f32 v58, v11;
	v7 =	vadd.f32 v9, v10;
	v9 =	vmul.f32 v56, v56  }
0x4f3: {  	[tilespmem:$0x1F0B0] =	vst v32;
	v39 =	vmov v48;
	v34 =	vld [tilespmem:s0+$0xDAC0];
	v1 =	vadd.f32 v29, v1;
	v8 =	vadd.f32 v57, v8  }
0x4f4: {  	v40 =	vmovc v35;
	v35 =	vld [tilespmem:s0+$0x11AC0];
	v4 =	vmul.f32 v4, v44;
	v48 =	vadd.f32 v9, v11;
	v9 =	vmul.f32 v7, v7  }
0x4f5: {  	v32 =	vmov v47;
	[tilespmem:$0x1F340] =	vst v47;
	v47 =	vld [tilespmem:s0+$0x11AD0];
	v1 =	vadd.f32 v28, v1;
	v8 =	vadd.f32 v24, v8  }
0x4f6: {  	[tilespmem:$0x1F0C0] =	vst v29;
	v17 =	vadd.f32 v5, v4;
	v5 =	vadd.f32 v9, v48;
	v48 =	vld [tilespmem:$0x1FCE0]  }
0x4f7: {  	[tilespmem:$0x1F0D0] =	vst v28;
	v10 =	vld [tilespmem:s0+$0xDAD0];
	v8 =	vadd.f32 v23, v8  }
0x4f8: {  	[tilespmem:$0x1F110] =	vst v54;
	v54 =	vld [tilespmem:s0+$0xDAE0];
	v1 =	vadd.f32 v52, v1  }
0x4f9: {  	[tilespmem:$0x1F0E0] =	vst v52;
	v28 =	vld [tilespmem:$0x1FCF0];
	v52 =	vmul.f32 v3, v61;
	v8 =	vadd.f32 v21, v8;
	v11 =	vadd.f32 v35, v34  }
0x4fa: {  	[tilespmem:$0x1F120] =	vst v57;
	v57 =	vmov v46;
	v29 =	vmov v56;
	v58 =	vld [tilespmem:s0+$0x11AF0];
	v1 =	vadd.f32 v46, v1  }
0x4fb: {  	[tilespmem:$0x1F350] =	vst v56;
	v46 =	vld [tilespmem:$0x1FDD0];
	v8 =	vadd.f32 v20, v8;
	v11 =	vadd.f32 v11, v52;
	v56 =	vmul.f32 v2, v48  }
0x4fc: {  	v9 =	vld [tilespmem:s0+$0x11AE0];
	v4 =	vadd.f32 v47, v10;
	v10 =	vmul.f32 v3, v62  }
0x4fd: {  	[tilespmem:$0x1F170] =	vst v6;
	v8 =	vadd.f32 v6, v8;
	v6 =	vadd.f32 v11, v56;
	v11 =	vld [tilespmem:s0+$0xDAF0]  }
0x4fe: {  	v4 =	vadd.f32 v4, v10;
	v10 =	vmul.f32 v2, v28  }
0x4ff: {  	v44 =	vld [tilespmem:s0+$0x11B00]  }
0x500: {  	v21 =	vadd.f32 v4, v10;
	v10 =	vld [tilespmem:s0+$0xDB00]  }
0x501: {  	v1 =	vadd.f32 v59, v1;
	v8 =	vadd.f32 v41, v8  }
0x502: {  	v34 =	vmul.f32 v3, v46;
	v9 =	vadd.f32 v9, v54;
	v47 =	vadd.f32 v58, v11;
	v58 =	vld [tilespmem:$0x1FC10]  }
0x503: {  	v35 =	vadd.f32 v22, v8;
	v8 =	vmul.f32 v6, v6  }
0x504: {  	[tilespmem:$0x1F180] =	vst v41;
	v1 =	vadd.f32 v19, v1;
	v41 =	vmul.f32 v2, v45;
	v9 =	vadd.f32 v9, v34;
	v56 =	vld [tilespmem:$0x1FC20]  }
0x505: {  	v10 =	vadd.f32 v44, v10;
	v44 =	vld [tilespmem:$0x1FC30];
	v5 =	vadd.f32 v8, v5;
	v8 =	vmul.f32 v21, v21  }
0x506: {  	v1 =	vadd.f32 v55, v1;
	v11 =	vld [tilespmem:s0+$0xDB10]  }
0x507: {  	[tilespmem:$0x1F130] =	vst v24;
	v24 =	vadd.f32 v9, v41;
	v5 =	vadd.f32 v8, v5;
	v8 =	vld [tilespmem:s0+$0x11B10];
	v9 =	vmul.f32 v3, v58  }
0x508: {  	[tilespmem:$0x1F140] =	vst v23;
	(xrf2) =	vadd.scan.msk.f32 $0xffff, v1;
	v4 =	vadd.f32 v30, v35;
	v41 =	vld [tilespmem:$0x1FD10]  }
0x509: {  	[tilespmem:$0x1F1B0] =	vst v18;
	v12 =	vmul.f32 v55, v55;
	v1 =	vadd.f32 v47, v9;
	v47 =	vld [tilespmem:$0x1FD20]  }
0x50a: {  	[tilespmem:$0x1F1C0] =	vst v37;
	v15 =	vmul.f32 v38, v38;
	v4 =	vadd.f32 v18, v4  }
0x50b: {  	v12 =	vadd.f32 v12, v14;
	[tilespmem:$0x1F1D0] =	vst v38;
	v16 =	vmul.f32 v3, v56;
	v9 =	vmul.f32 v24, v24  }
0x50c: {  	[tilespmem:$0x1F360] =	vst v7;
	v18 =	vld [tilespmem:s0+$0xDB20];
	v4 =	vadd.f32 v37, v4;
	v23 =	vmul.f32 v3, v44;
	v8 =	vadd.f32 v8, v11  }
0x50d: {  	[tilespmem:$0x1F1E0] =	vst v17;
	v52 =	vmul.f32 v2, v41;
	v5 =	vadd.f32 v9, v5;
	v9 =	vadd.f32 v10, v16;
	v10 =	vld [tilespmem:s0+$0x11B20]  }
0x50e: {  	[tilespmem:$0x1F380] =	vst v21;
	v4 =	vadd.f32 v38, v4;
	v34 =	vadd.f32 v8, v23;
	v8 =	vld [tilespmem:$0x1FDE0];
	v22 =	vmul.f32 v2, v47  }
0x50f: {  	v0 =	vadd.f32 v15, v0;
	[tilespmem:$0x1F370] =	vst v6;
	v20 =	vadd.f32 v1, v52  }
0x510: {  	v15 =	vld [tilespmem:s0+$0xDB30];
	v54 =	vmovc v19;
	v19 =	vmov v6;
	[tilespmem:$0x1F390] =	vst v24;
	v4 =	vadd.f32 v17, v4;
	v6 =	vadd.f32 v9, v22  }
0x511: {  	(xrf2) =	vadd.scan.msk.f32 $0xffff, v12;
	v12 =	vld [tilespmem:s0+$0xDB40];
	[tilespmem:$0x1F3A0] =	vst v20  }
0x512: {  	(xrf2) =	vadd.scan.msk.f32 $0xffff, v4;
	v9 =	vld [tilespmem:s0+$0x11B30];
	v1 =	vadd.f32 v10, v18;
	v10, _, _ =	vpop (xrf2);
	[tilespmem:$0x1F3B0] =	vst v6  }
0x513: {  	v8 =	vmul.f32 v2, v8;
	v38 =	vld [tilespmem:$0x1FC40];
	_ =	sdelay $0x1  }
0x514: {  	v22 =	vadd.f32 v34, v8;
	v34 =	vld [tilespmem:$0x1FD30]  }
0x515: {  	s31 =	sadd.s32 $0x5, s7;
	v11 =	vmul.f32 v17, v17  }
0x516: {  	s13 =	sadd.s32 s28, s31;
	v13 =	vmul.f32 v20, v20  }
0x517: {  	v0 =	vadd.f32 v11, v0;
	v11 =	vmov s13;
	v52 =	vmul.f32 v3, v38  }
0x518: {  	v4 =	vadd.f32 v13, v5;
	v35 =	vmul.f32 v6, v6;
	v16 =	vld [tilespmem:s0+$0x11B40];
	v9 =	vadd.f32 v9, v15  }
0x519: {  	v5 =	vld [tilespmem:s0+$0xDB50];
	v8 =	vmul.f32 v2, v34;
	v1 =	vadd.f32 v1, v52;
	v52 =	vmul.f32 v3, v53  }
0x51a: {  	(v2sf) =	vpush v10, $0xF;
	v10 =	vld [tilespmem:s0+$0x11B50]  }
0x51b: {  	v34 =	vadd.f32 v1, v8;
	v8 =	vadd.f32 v9, v52;
	v9 =	vld [tilespmem:$0x1FD40]  }
0x51c: {  	s17 =	sshll.u32 s31, $0x8;
	v30 =	vld.idx.msk [tilespmem:v11+s21+$0x0], $0xffff  }
0x51d: {  	v37 =	vmul.f32 v22, v22;
	v13 =	vld [tilespmem:s17+$0xDA80];
	v4 =	vadd.f32 v35, v4;
	v35, _, _ =	vpop (xrf2)  }
0x51e: {  	(xrf2) =	vadd.scan.msk.f32 $0xffff, v0;
	v0 =	vld [tilespmem:$0x1FD60];
	(v2sf) =	vpush v35, $0xF;
	v35 =	vmul.f32 v3, v33;
	v12 =	vadd.f32 v16, v12  }
0x51f: {  	v4 =	vadd.f32 v37, v4;
	v37 =	vld [tilespmem:$0x1FD50]  }
0x520: {  	v5 =	vadd.f32 v10, v5;
	v10 =	vadd.f32 v12, v35;
	v35 =	vld [tilespmem:s17+$0x11A80];
	v9 =	vmul.f32 v2, v9  }
0x521: {  	v15 =	vld [tilespmem:s0+$0x11B60]  }
0x522: {  	v1 =	vld.idx.msk [tilespmem:v11+s23+$0x0], $0xffff;
	v23 =	vadd.f32 v8, v9;
	v8 =	vmul.f32 v3, v49  }
0x523: {  	v11 =	vld [tilespmem:s0+$0xDB60]  }
0x524: {  	v16 =	vmul.f32 v2, v0;
	v12 =	vmul.f32 v2, v37;
	v5 =	vadd.f32 v5, v8  }
0x525: {  	v18 =	vmul.f32 v34, v34;
	v13 =	vadd.f32 v35, v13;
	v35 =	vld [tilespmem:$0x1FD70]  }
0x526: {  	v25 =	vadd.f32 v10, v12;
	v8, _, _ =	vpop (xrf2);
	v26 =	vadd.f32 v5, v16;
	v5 =	vld [tilespmem:s17+$0x11A90]  }
0x527: {  	v4 =	vadd.f32 v18, v4;
	v52 =	vmul.f32 v23, v23;
	(v2sf) =	vpush v8, $0xF;
	v8 =	vld [tilespmem:s17+$0xDA90]  }
0x528: {  	v0 =	vld [tilespmem:s17+$0x11AA0];
	v37 =	vmul.f32 v3, v63;
	v10 =	vadd.f32 v15, v11  }
0x529: {  	v12 =	vmul.f32 v25, v25;
	v18 =	vld [tilespmem:s17+$0x11AB0];
	v4 =	vadd.f32 v52, v4;
	v11, _, _ =	vpop (xrf2)  }
0x52a: {  	v10 =	vadd.f32 v10, v37;
	v16 =	vmul.f32 v2, v35;
	(v2sf) =	vpush v11, $0xF;
	v11 =	vld [tilespmem:s17+$0xDAA0]  }
0x52b: {  	v15 =	vld [tilespmem:s0+$0x11B70];
	v37 =	vmul.f32 v30, v27;
	v4 =	vadd.f32 v12, v4;
	v52 =	vmul.f32 v26, v26  }
0x52c: {  	v9 =	vld [tilespmem:s0+$0xDB70];
	v27 =	vadd.f32 v10, v16;
	v5 =	vadd.f32 v5, v8;
	v8 =	vmul.f32 v30, v51  }
0x52d: {  	v10 =	vadd.f32 v13, v37;
	v13 =	vld [tilespmem:s17+$0xDAB0];
	v4 =	vadd.f32 v52, v4  }
0x52e: {  	v52 =	vmul.f32 v1, v60;
	v5 =	vadd.f32 v5, v8;
	v8 =	vmul.f32 v1, v31  }
0x52f: {  	v60 =	vmul.f32 v30, v50;
	v11 =	vadd.f32 v0, v11  }
0x530: {  	v17 =	vmul.f32 v1, v40;
	v3 =	vmul.f32 v3, v36;
	v31 =	vadd.f32 v10, v8  }
0x531: {  	v35 =	vadd.f32 v5, v52;
	v10 =	vadd.f32 v11, v60;
	v11 =	vmul.f32 v1, v43  }
0x532: {  	v9 =	vadd.f32 v15, v9;
	v13 =	vadd.f32 v18, v13;
	v0 =	vmul.f32 v30, v39;
	v8 =	vld [tilespmem:s17+$0xDAC0];
	v52 =	vmovc v36  }
0x533: {  	s14 =	spop (v2sf);
	v43 =	vld [tilespmem:s17+$0x11AC0];
	v51 =	vmul.f32 v35, v35;
	v36 =	vmovc v35;
	[tilespmem:$0x1F440] =	vst v35;
	v35 =	vadd.f32 v10, v11;
	v10 =	vadd.f32 $0.0e+00, v42  }
0x534: {  	s16 =	spop (v2sf);
	s5 =	smul.f32 $3.906250000e-03, s14;
	v3 =	vadd.f32 v9, v3;
	v9 =	vld [tilespmem:s17+$0xDAD0];
	v37 =	vmul.f32 v27, v27;
	v13 =	vadd.f32 v13, v0  }
0x535: {  	s13 =	smul.f32 $3.906250000e-03, s16;
	v11 =	vld [tilespmem:s17+$0x11AD0];
	v10 =	vadd.f32 v32, v10  }
0x536: {  	s14 =	smul.f32 s5, s5;
	v4 =	vadd.f32 v37, v4;
	v37 =	vadd.f32 v13, v17  }
0x537: {  	v16 =	vmul.f32 v30, v61;
	v50 =	vmul.f32 v31, v31;
	v10 =	vadd.f32 v29, v10  }
0x538: {  	s13 =	ssub.f32 s13, s14;
	v18 =	vmul.f32 v30, v62;
	v40 =	vmul.f32 v37, v37;
	v8 =	vadd.f32 v43, v8  }
0x539: {  	v39 =	vld [tilespmem:$0x1FDF0];
	v5 =	vadd.f32 v51, v50;
	v60 =	vmul.f32 v35, v35;
	v10 =	vadd.f32 v7, v10  }
0x53a: {  	s13 =	sadd.f32 $9.999999740e-06, s13;
	v61 =	vld [tilespmem:s17+$0x11AF0];
	v8 =	vadd.f32 v8, v16;
	v9 =	vadd.f32 v11, v9;
	v11 =	vmul.f32 v1, v48  }
0x53b: {  	v42 =	vld [tilespmem:s17+$0xDAF0];
	v5 =	vadd.f32 v60, v5;
	v60 =	vmul.f32 v1, v28;
	v10 =	vadd.f32 v19, v10  }
0x53c: {  	v13 =	vld [tilespmem:s17+$0x11AE0];
	v32 =	vadd.f32 v8, v11;
	v8 =	vadd.f32 v9, v18;
	v9 =	vmov s13  }
0x53d: {  	v11 =	vld [tilespmem:s17+$0xDAE0];
	v12 =	vmul.f32 $5.000000000e-01, v9;
	v9 =	vshra.s32 v9, $0x1;
	v10 =	vadd.f32 v21, v10  }
0x53e: {  	v2 =	vmul.f32 v2, v39;
	v62 =	vadd.f32 v40, v5;
	v9 =	vsub.s32 $0x5F3759DF, v9  }
0x53f: {  	v48 =	vadd.f32 v8, v60;
	v43 =	vmul.f32 v9, v12;
	v8 =	vadd.f32 v24, v10  }
0x540: {  	v0 =	vld [tilespmem:$0x1EF10];
	v50 =	vmul.f32 v1, v41;
	v40 =	vadd.f32 v61, v42;
	v19 =	vadd.f32 v3, v2  }
0x541: {  	s19 =	spop (v2sf);
	v39 =	vld [tilespmem:s17+$0x11B00];
	v42 =	vmul.f32 v30, v46;
	v17 =	vmul.f32 v9, v43;
	v8 =	vadd.f32 v20, v8  }
0x542: {  	s29 =	spop (v2sf);
	s19 =	smul.f32 $3.906250000e-03, s19;
	v41 =	vld [tilespmem:$0x1EE70];
	v14 =	vmul.f32 v32, v32;
	v60 =	vmul.f32 v19, v19;
	v21 =	vadd.f32 v13, v11  }
0x543: {  	s30 =	smul.f32 $3.906250000e-03, s29;
	v10 =	vld [tilespmem:s17+$0xDB00];
	v11 =	vmul.f32 v48, v48;
	v5 =	vsub.f32 $1.500000000e+00, v17;
	v8 =	vadd.f32 v6, v8  }
0x544: {  	s31 =	smul.f32 s19, s19;
	v29 =	vld [tilespmem:s17+$0xDB40];
	v2 =	vadd.f32 v14, v62;
	v43 =	vmul.f32 v30, v58;
	v58 =	vmul.f32 v1, v47  }
0x545: {  	v7 =	vld [tilespmem:$0x1EF20];
	v4 =	vadd.f32 v60, v4;
	v5 =	vmul.f32 v9, v5;
	v8 =	vadd.f32 v22, v8  }
0x546: {  	s13 =	ssub.f32 s30, s31;
	v47 =	vld [tilespmem:$0x1EEA0];
	v2 =	vadd.f32 v11, v2;
	v3 =	vadd.f32 v21, v42;
	v11 =	vmul.f32 v1, v45  }
0x547: {  	v60 =	vld [tilespmem:s17+$0xDB30];
	v9 =	vadd.f32 v40, v43;
	v46 =	vmul.f32 v5, v12;
	v8 =	vadd.f32 v34, v8  }
0x548: {  	s13 =	sadd.f32 $9.999999740e-06, s13;
	v42 =	vadd.f32 v3, v11;
	v11 =	vld [tilespmem:s17+$0xDB10];
	v51 =	vadd.f32 v39, v10;
	v10 =	vmul.f32 v30, v56  }
0x549: {  	v56 =	vld [tilespmem:s17+$0x11B10];
	v43 =	vadd.f32 v9, v50;
	v9 =	vmul.f32 v46, v5;
	v8 =	vadd.f32 v23, v8  }
0x54a: {  	v16 =	vmov s13;
	v24 =	vld [tilespmem:s17+$0x11B30];
	v3 =	vadd.f32 v51, v10;
	v10 =	vmul.f32 v42, v42  }
0x54b: {  	[tilespmem:$0x1F3C0] =	vst v22;
	v17 =	vmul.f32 v30, v44;
	v22 =	vld [tilespmem:$0x1FDE0];
	v9 =	vsub.f32 $1.500000000e+00, v9;
	v8 =	vadd.f32 v25, v8  }
0x54c: {  	v61 =	vmul.f32 v43, v43;
	v2 =	vadd.f32 v10, v2;
	v51 =	vadd.f32 v3, v58;
	v10 =	vld [tilespmem:s17+$0xDB20]  }
0x54d: {  	v21 =	vmul.f32 v30, v38;
	v5 =	vmul.f32 v9, v5;
	v9 =	vld [tilespmem:s17+$0x11B20];
	v8 =	vadd.f32 v26, v8  }
0x54e: {  	v38 =	vld [tilespmem:$0x1EE30];
	v62 =	vadd.f32 v56, v11;
	v2 =	vadd.f32 v61, v2;
	v11 =	vmul.f32 v51, v51  }
0x54f: {  	v13 =	vshra.s32 v16, $0x1;
	v44 =	vld [tilespmem:$0x1EE80];
	v8 =	vadd.f32 v27, v8  }
0x550: {  	v20 =	vmov s5;
	v40 =	vld [tilespmem:$0x1EE60];
	v3 =	vadd.f32 v62, v17;
	v2 =	vadd.f32 v11, v2  }
0x551: {  	v46 =	vld [tilespmem:$0x1EE90];
	v11 =	vmul.f32 $5.000000000e-01, v16;
	v16 =	vmul.f32 v1, v22;
	v8 =	vadd.f32 v19, v8  }
0x552: {  	v14 =	vadd.f32 $0.0e+00, v20;
	v56 =	vld [tilespmem:$0x1EEC0];
	v9 =	vadd.f32 v9, v10;
	v10 =	vmul.f32 v5, v12  }
0x553: {  	v61 =	vld [tilespmem:$0x1EED0];
	v58 =	vadd.f32 v3, v16;
	(xrf2) =	vadd.scan.msk.f32 $0xffff, v8  }
0x554: {  	v3 =	vbroadcast v14, $0x0;
	v8 =	vadd.f32 v9, v21;
	v9 =	vmul.f32 v10, v5;
	v10 =	vld [tilespmem:$0x1FD30]  }
0x555: {  	v13 =	vsub.s32 $0x5F3759DF, v13;
	v50 =	vld [tilespmem:$0x1EEB0]  }
0x556: {  	[tilespmem:$0x1F3F0] =	vst v25;
	s13 =	spop (v2sf);
	v39 =	vld [tilespmem:$0x1EE50];
	v18 =	vmul.f32 v13, v11;
	v14 =	vsub.f32 v41, v3  }
0x557: {  	[tilespmem:$0x1F3E0] =	vst v23;
	s14 =	spop (v2sf);
	s5 =	smul.f32 $3.906250000e-03, s13;
	v62 =	vld [tilespmem:$0x1EEE0];
	v15 =	vsub.f32 v44, v3;
	v17 =	vsub.f32 v46, v3  }
0x558: {  	s13 =	smul.f32 $3.906250000e-03, s14;
	v25 =	vld [tilespmem:$0x1EF00];
	v12 =	vmul.f32 v13, v18;
	v18 =	vsub.f32 v47, v3;
	v20 =	vsub.f32 v56, v3;
	(xrf2) =	vadd.scan.msk.f32 $0xffff, v4  }
0x559: {  	[tilespmem:$0x1F400] =	vst v26;
	s16 =	smul.f32 s5, s5;
	v22 =	vsub.f32 v61, v3;
	v26 =	vsub.f32 v0, v3;
	v61 =	vld [tilespmem:s17+$0x11B50];
	v10 =	vmul.f32 v1, v10  }
0x55a: {  	[tilespmem:$0x1F420] =	vst v19;
	v0 =	vld [tilespmem:$0x1EFF0];
	v19 =	vsub.f32 v50, v3;
	v23 =	vsub.f32 $1.500000000e+00, v12  }
0x55b: {  	[tilespmem:$0x1F3D0] =	vst v34;
	s13 =	ssub.f32 s13, s16;
	v28 =	vmul.f32 v58, v58;
	v34 =	vadd.f32 v8, v10;
	v8 =	vsub.f32 $1.500000000e+00, v9;
	v10 =	vld [tilespmem:$0x1EE40]  }
0x55c: {  	v47 =	vmul.f32 v30, v33;
	v12 =	vsub.f32 v39, v3;
	v21 =	vadd.f32 v24, v60;
	v24 =	vld [tilespmem:s17+$0xDB60]  }
0x55d: {  	[tilespmem:$0x1F410] =	vst v27;
	s13 =	sadd.f32 $9.999999740e-06, s13;
	v2 =	vadd.f32 v28, v2;
	v4 =	vmul.f32 v13, v23;
	v5 =	vmul.f32 v8, v5;
	v8 =	vld [tilespmem:$0x1EEF0];
	v27, _, _ =	vpop (xrf2)  }
0x55e: {  	v13 =	vsub.f32 v40, v3;
	v39 =	vmul.f32 v34, v34;
	(v2sf) =	vpush v27, $0xF;
	v27 =	vld [tilespmem:s17+$0x11B40]  }
0x55f: {  	v45 =	vmul.f32 v4, v11;
	v28 =	vmovc v34;
	[tilespmem:$0x1F4D0] =	vst v34;
	v34 =	vmov s13;
	v60 =	vmul.f32 v5, v19;
	v19 =	vld [tilespmem:$0x1FD50]  }
0x560: {  	v2 =	vadd.f32 v39, v2;
	v41 =	vmul.f32 v5, v12;
	v39 =	vld [tilespmem:$0x1EF50];
	v10 =	vsub.f32 v10, v3  }
0x561: {  	v46 =	vmul.f32 v5, v14;
	v14 =	vmul.f32 $5.000000000e-01, v34;
	v12 =	vshra.s32 v34, $0x1;
	v34 =	vld [tilespmem:$0x1F000]  }
0x562: {  	v16 =	vmul.f32 v45, v4;
	v9 =	vsub.f32 v38, v3;
	v38, _, _ =	vpop (xrf2);
	v40 =	vmul.f32 v5, v10;
	v10 =	vld [tilespmem:$0x1FD40]  }
0x563: {  	v23 =	vsub.f32 v62, v3;
	v44 =	vmul.f32 v5, v13;
	(v2sf) =	vpush v38, $0xF;
	v38 =	vld [tilespmem:$0x1EF40]  }
0x564: {  	v16 =	vsub.f32 $1.500000000e+00, v16;
	v62 =	vmul.f32 v5, v9;
	v50 =	vmul.f32 v5, v15;
	[tilespmem:$0x1F200] =	vst v41;
	v41 =	vld [tilespmem:$0x1EF70]  }
0x565: {  	v25 =	vsub.f32 v25, v3;
	v9 =	vmul.f32 v30, v53;
	v53 =	vmul.f32 v5, v17;
	[tilespmem:$0x1F210] =	vst v44;
	v44 =	vld [tilespmem:$0x1EF80]  }
0x566: {  	v4 =	vmul.f32 v16, v4;
	v56 =	vmul.f32 v5, v18;
	v17 =	vmov s19;
	[tilespmem:$0x1F230] =	vst v50;
	v50 =	vld [tilespmem:$0x1EFA0]  }
0x567: {  	v9 =	vadd.f32 v21, v9;
	[tilespmem:$0x1F240] =	vst v53;
	v53 =	vld [tilespmem:$0x1EFB0];
	v45 =	vadd.f32 v27, v29;
	v10 =	vmul.f32 v1, v10  }
0x568: {  	v16 =	vmul.f32 v5, v20;
	v11 =	vmul.f32 v4, v11;
	v13 =	vadd.f32 $0.0e+00, v17;
	[tilespmem:$0x1F250] =	vst v56;
	v56 =	vld [tilespmem:$0x1EFC0]  }
0x569: {  	[tilespmem:$0x1F260] =	vst v60;
	v60 =	vld [tilespmem:$0x1EFD0];
	v15 =	vmul.f32 v1, v19;
	v29 =	vadd.f32 v9, v10;
	v10 =	vadd.f32 v45, v47  }
0x56a: {  	v21 =	vmul.f32 v5, v23;
	v23 =	vmul.f32 v5, v25;
	v8 =	vsub.f32 v8, v3;
	[tilespmem:$0x1F1F0] =	vst v40;
	v40 =	vld [tilespmem:$0x1EF60]  }
0x56b: {  	v25 =	vld [tilespmem:s17+$0x11B60];
	v18 =	vmul.f32 v29, v29;
	v33 =	vadd.f32 v10, v15;
	v10 =	vmul.f32 v11, v4  }
0x56c: {  	v20 =	vmul.f32 v5, v22;
	v3 =	vsub.f32 v7, v3;
	v9 =	vld [tilespmem:s17+$0xDB50];
	v11 =	vbroadcast v13, $0x0  }
0x56d: {  	v22 =	vmul.f32 v5, v8;
	v47 =	vld [tilespmem:$0x1EF90];
	v2 =	vadd.f32 v18, v2;
	v8 =	vsub.f32 $1.500000000e+00, v10  }
0x56e: {  	v12 =	vsub.s32 $0x5F3759DF, v12;
	[tilespmem:$0x1F270] =	vst v16;
	v10 =	vld [tilespmem:$0x1EF30];
	v13 =	vsub.f32 v38, v11;
	v15 =	vsub.f32 v39, v11  }
0x56f: {  	[tilespmem:$0x1F290] =	vst v21;
	v45 =	vmul.f32 v12, v14;
	v16 =	vsub.f32 v40, v11;
	v17 =	vsub.f32 v41, v11;
	v38 =	vld [tilespmem:$0x1F010]  }
0x570: {  	[tilespmem:$0x1F2B0] =	vst v23;
	v3 =	vmul.f32 v5, v3;
	v18 =	vsub.f32 v44, v11;
	v21 =	vsub.f32 v50, v11;
	v39 =	vld [tilespmem:$0x1F020]  }
0x571: {  	[tilespmem:$0x1F2A0] =	vst v22;
	v19 =	vmul.f32 v12, v45;
	v22 =	vsub.f32 v53, v11;
	v23 =	vsub.f32 v56, v11;
	v40 =	vld [tilespmem:$0x1FD60]  }
0x572: {  	[tilespmem:$0x1F2D0] =	vst v3;
	v3 =	vsub.f32 v60, v11;
	v9 =	vadd.f32 v61, v9;
	v61 =	vld [tilespmem:$0x1EFE0]  }
0x573: {  	[tilespmem:$0x1F220] =	vst v46;
	v19 =	vsub.f32 $1.500000000e+00, v19;
	v7 =	vsub.f32 v34, v11  }
0x574: {  	[tilespmem:$0x1F280] =	vst v20;
	v46 =	vmul.f32 v5, v26;
	v41 =	vadd.f32 v25, v24;
	v20 =	vsub.f32 v47, v11  }
0x575: {  	v4 =	vmul.f32 v8, v4;
	v8 =	vsub.f32 v0, v11;
	v10 =	vsub.f32 v10, v11  }
0x576: {  	v27 =	vmul.f32 v30, v49;
	v34 =	vsub.f32 v38, v11;
	v6 =	vsub.f32 v39, v11  }
0x577: {  	v5 =	vsub.f32 v61, v11;
	v11 =	vmul.f32 v12, v19;
	v12 =	vmul.f32 v1, v40  }
0x578: {  	v9 =	vadd.f32 v9, v27;
	v45 =	vmul.f32 v4, v10;
	v10 =	vmul.f32 v30, v63;
	_ =	sdelay $0x1  }
0x579: {  	v0 =	vadd.f32 v9, v12;
	v9 =	vadd.f32 v41, v10;
	v10 =	vld [tilespmem:$0x1FD70];
	_ =	sdelay $0x4  }
0x57a: {  	s29 =	spop (v2sf);
	v10 =	vmul.f32 v1, v10  }
0x57b: {  	s14 =	smul.f32 $3.906250000e-03, s29  }
0x57c: {  	v47 =	vmul.f32 v4, v17;
	v17 =	vadd.f32 v9, v10;
	v9 =	vmul.f32 v4, v21  }
0x57d: {  	s31 =	smul.f32 s14, s14;
	s16 =	spop (v2sf)  }
0x57e: {  	s30 =	smul.f32 $3.906250000e-03, s16;
	[tilespmem:$0x1F2E0] =	vst v9;
	v9 =	vmul.f32 v4, v22;
	_ =	sdelay $0x1  }
0x57f: {  	s13 =	ssub.f32 s30, s31;
	v26 =	vmul.f32 v33, v33;
	v53 =	vadd.f32 $0.0e+00, v31;
	[tilespmem:$0x1F2F0] =	vst v9;
	v9 =	vmul.f32 v4, v23  }
0x580: {  	v44 =	vmul.f32 v4, v13;
	v50 =	vmul.f32 v4, v15  }
0x581: {  	s13 =	sadd.f32 $9.999999740e-06, s13;
	v56 =	vmul.f32 v4, v16;
	v60 =	vmul.f32 v4, v18;
	[tilespmem:$0x1F300] =	vst v9;
	v9 =	vadd.f32 v36, v53  }
0x582: {  	v2 =	vadd.f32 v26, v2;
	v3 =	vmul.f32 v4, v3;
	v61 =	vmul.f32 v11, v14  }
0x583: {  	[tilespmem:$0x1F2C0] =	vst v46;
	v46 =	vmul.f32 v4, v20;
	v10 =	vmov s13;
	v9 =	vadd.f32 v35, v9  }
0x584: {  	[tilespmem:$0x1F310] =	vst v3;
	v3 =	vmul.f32 v61, v11;
	v13 =	vmul.f32 $5.000000000e-01, v10;
	v10 =	vshra.s32 v10, $0x1  }
0x585: {  	s19 =	spop (v2sf);
	v40 =	vmul.f32 v4, v8;
	v63 =	vsub.s32 $0x5F3759DF, v10;
	v8 =	vadd.f32 v37, v9  }
0x586: {  	s29 =	spop (v2sf);
	s19 =	smul.f32 $3.906250000e-03, s19;
	v20 =	vld [tilespmem:s17+$0x11B70];
	v39 =	vmul.f32 v4, v7;
	v3 =	vsub.f32 $1.500000000e+00, v3;
	v9 =	vmul.f32 v63, v13  }
0x587: {  	s30 =	smul.f32 $3.906250000e-03, s29;
	v38 =	vmul.f32 v4, v6;
	v21 =	vmul.f32 v0, v0;
	v10 =	vld [tilespmem:s17+$0xDB70];
	v8 =	vadd.f32 v32, v8  }
0x588: {  	[tilespmem:$0x1F460] =	vst v37;
	s31 =	smul.f32 s19, s19;
	v3 =	vmul.f32 v3, v11;
	v9 =	vmul.f32 v63, v9  }
0x589: {  	[tilespmem:$0x1F450] =	vst v35;
	v18 =	vld [tilespmem:$0x1F070];
	v2 =	vadd.f32 v21, v2;
	v37 =	vmul.f32 v4, v34;
	v23 =	vadd.f32 v48, v8  }
0x58a: {  	[tilespmem:$0x1F470] =	vst v32;
	s13 =	ssub.f32 s30, s31;
	v34 =	vmul.f32 v30, v52;
	v52 =	vld [tilespmem:$0x1F030];
	v32 =	vmul.f32 v17, v17;
	v22 =	vsub.f32 $1.500000000e+00, v9  }
0x58b: {  	[tilespmem:$0x1F490] =	vst v42;
	v5 =	vmul.f32 v4, v5;
	v9 =	vmul.f32 v3, v14;
	v14 =	vld [tilespmem:$0x1F060];
	v36 =	vadd.f32 v42, v23  }
0x58c: {  	[tilespmem:$0x1F4A0] =	vst v43;
	s13 =	sadd.f32 $9.999999740e-06, s13;
	v8 =	vadd.f32 v20, v10;
	v35 =	vadd.f32 v32, v2;
	v20 =	vld [tilespmem:$0x1F080];
	v4 =	vmul.f32 v63, v22  }
0x58d: {  	[tilespmem:$0x1F320] =	vst v5;
	v10 =	vmov s5;
	v42 =	vmul.f32 v9, v3;
	v5 =	vadd.f32 v43, v36;
	v43 =	vld [tilespmem:$0x1FDF0]  }
0x58e: {  	v32 =	vld [tilespmem:$0x1F0A0];
	v41 =	vadd.f32 v8, v34;
	v8 =	vmov s13;
	v9 =	vmul.f32 v4, v13  }
0x58f: {  	v22 =	vld [tilespmem:$0x1F090];
	v15 =	vmul.f32 $5.000000000e-01, v8;
	v8 =	vshra.s32 v8, $0x1;
	v7 =	vsub.f32 $1.500000000e+00, v42  }
0x590: {  	v34 =	vld [tilespmem:$0x1F0B0];
	v8 =	vsub.s32 $0x5F3759DF, v8;
	v5 =	vadd.f32 v51, v5;
	v49 =	vmul.f32 v9, v4  }
0x591: {  	[tilespmem:$0x1F480] =	vst v48;
	v48 =	vadd.f32 $0.0e+00, v10;
	v11 =	vmul.f32 v8, v15;
	v3 =	vmul.f32 v7, v3;
	v7 =	vld [tilespmem:$0x1F140]  }
0x592: {  	[tilespmem:$0x1F4C0] =	vst v58;
	v5 =	vadd.f32 v58, v5;
	v6 =	vsub.f32 $1.500000000e+00, v49;
	v58 =	vld [tilespmem:$0x1F040];
	v1 =	vmul.f32 v1, v43  }
0x593: {  	v9 =	vmul.f32 v8, v11;
	v43 =	vld [tilespmem:$0x1F0D0]  }
0x594: {  	v2 =	vmul.f32 v6, v4;
	v4 =	vld [tilespmem:$0x1F050];
	v61 =	vadd.f32 v41, v1;
	v1 =	vbroadcast v48, $0x0  }
0x595: {  	[tilespmem:$0x1F4B0] =	vst v51;
	v51 =	vsub.f32 $1.500000000e+00, v9;
	v5 =	vadd.f32 v28, v5;
	v48 =	vld [tilespmem:$0x1F0E0]  }
0x596: {  	v53 =	vsub.f32 v52, v1;
	v52 =	vsub.f32 v57, v1;
	v57 =	vld [tilespmem:$0x1F100]  }
0x597: {  	v63 =	vsub.f32 v58, v1;
	v58 =	vld [tilespmem:$0x1F110]  }
0x598: {  	v6 =	vmul.f32 v8, v51;
	v5 =	vadd.f32 v29, v5;
	v8 =	vsub.f32 v14, v1;
	v14 =	vld [tilespmem:$0x1F160]  }
0x599: {  	v19 =	vsub.f32 v18, v1;
	v18 =	vld [tilespmem:$0x1F180]  }
0x59a: {  	[tilespmem:$0x1F4F0] =	vst v33;
	v10 =	vmul.f32 v61, v61;
	v5 =	vadd.f32 v33, v5;
	v33 =	vsub.f32 v32, v1;
	v32 =	vld [tilespmem:$0x1F190]  }
0x59b: {  	v9 =	vsub.f32 v43, v1;
	v43 =	vld [tilespmem:$0x1F1B0]  }
0x59c: {  	v13 =	vmul.f32 v2, v13;
	v11 =	vadd.f32 v10, v35;
	v35 =	vld [tilespmem:$0x1F0C0]  }
0x59d: {  	v16 =	vmovc v0;
	v21 =	vsub.f32 v20, v1;
	v27 =	vmul.f32 v3, v53;
	v53 =	vsub.f32 v59, v1;
	v59 =	vld [tilespmem:$0x1F120]  }
0x59e: {  	v23 =	vsub.f32 v22, v1;
	v28 =	vmul.f32 v3, v63;
	v63 =	vld [tilespmem:$0x1F130];
	v5 =	vadd.f32 v16, v5  }
0x59f: {  	v13 =	vmul.f32 v13, v2;
	v30 =	vmul.f32 v3, v8;
	v8 =	vsub.f32 v34, v1;
	v34 =	vld [tilespmem:$0x1F1A0]  }
0x5a0: {  	v12 =	vsub.f32 v4, v1;
	v10 =	vmov s14;
	v4 =	vld [tilespmem:$0x1F1E0];
	v5 =	vadd.f32 v17, v5  }
0x5a1: {  	v41 =	vmul.f32 v3, v19;
	v51 =	vadd.f32 $0.0e+00, v10;
	v10 =	vsub.f32 v55, v1;
	v55 =	vld [tilespmem:$0x1F0F0]  }
0x5a2: {  	v36 =	vmul.f32 v3, v21;
	v21 =	vmul.f32 v3, v52;
	v16 =	vld [tilespmem:$0x1F170];
	v5 =	vadd.f32 v61, v5  }
0x5a3: {  	[tilespmem:$0x1F500] =	vst v0;
	v49 =	vsub.f32 v48, v1;
	v26 =	vmul.f32 v3, v12;
	v12 =	vld [tilespmem:$0x1F150];
	v0 =	vbroadcast v51, $0x0  }
0x5a4: {  	v25 =	vmul.f32 v3, v33;
	v33 =	vsub.f32 $1.500000000e+00, v13;
	v13 =	vmul.f32 v6, v15;
	v48 =	vld [tilespmem:$0x1F1C0];
	(xrf2) =	vadd.scan.msk.f32 $0xffff, v5  }
0x5a5: {  	v19 =	vmul.f32 v3, v53;
	v42 =	vsub.f32 v35, v1;
	v53 =	vsub.f32 v32, v0;
	v32 =	vld [tilespmem:$0x1FE20];
	(xrf2) =	vadd.scan.msk.f32 $0xffff, v11  }
0x5a6: {  	v52 =	vsub.f32 v34, v0;
	v34 =	vld [tilespmem:$0x1F200];
	v5 =	vsub.f32 v54, v1;
	v1 =	vmul.f32 v13, v6  }
0x5a7: {  	v24 =	vmul.f32 v3, v49;
	v49 =	vsub.f32 v59, v0;
	v35 =	vsub.f32 v55, v0;
	v55 =	vld [tilespmem:$0x1F1D0]  }
0x5a8: {  	v59 =	vsub.f32 v12, v0;
	v12 =	vld [tilespmem:$0x1FE10];
	v1 =	vsub.f32 $1.500000000e+00, v1  }
0x5a9: {  	[tilespmem:$0x1F4E0] =	vst v29;
	v29 =	vsub.f32 v57, v0;
	v20 =	vmul.f32 v3, v42;
	v13 =	vld [tilespmem:$0x1F1F0]  }
0x5aa: {  	v42 =	vsub.f32 v58, v0;
	v58 =	vsub.f32 v14, v0;
	v14 =	vmul.f32 v1, v6;
	v6 =	vld [tilespmem:$0x1FE00]  }
0x5ab: {  	v22 =	vsub.f32 v63, v0;
	v63 =	vsub.f32 v7, v0  }
0x5ac: {  	v33 =	vmul.f32 v33, v2;
	v51 =	vsub.f32 v43, v0;
	v57 =	vsub.f32 v16, v0  }
0x5ad: {  	v43 =	vsub.f32 v48, v0;
	v54 =	vsub.f32 v18, v0;
	v16 =	vmul.f32 v3, v5  }
0x5ae: {  	v48 =	vsub.f32 v55, v0;
	v55 =	vsub.f32 v4, v0;
	v2 =	vmul.f32 v13, v12;
	v12 =	vld [tilespmem:$0x1F210];
	v5, _, _ =	vpop (xrf2)  }
0x5af: {  	v0 =	vmul.f32 v62, v6;
	v62 =	vmul.f32 v34, v32;
	v34 =	vld [tilespmem:$0x1FF20];
	(v2sf) =	vpush v5, $0xF;
	v7, _, _ =	vpop (xrf2)  }
0x5b0: {  	(v2sf) =	vpush v7, $0xF;
	v7 =	vld [tilespmem:$0x1FE30]  }
0x5b1: {  	v13 =	vld [tilespmem:$0x1FE40]  }
0x5b2: {  	v32 =	vld [tilespmem:$0x1F220]  }
0x5b3: {  	v5 =	vld [tilespmem:$0x1FF00]  }
0x5b4: {  	v6 =	vadd.f32 v62, v34;
	v62 =	vld [tilespmem:$0x1FE50]  }
0x5b5: {  	v18 =	vmul.f32 v3, v10;
	v10 =	vmul.f32 v12, v7;
	v7 =	vld [tilespmem:$0x1F230];
	_ =	sdelay $0x1  }
0x5b6: {  	v12 =	vld [tilespmem:$0x1FF30]  }
0x5b7: {  	v1 =	vmul.f32 v32, v13;
	v13 =	vld [tilespmem:$0x1FF40]  }
0x5b8: {  	v34 =	vld [tilespmem:$0x1FE60]  }
0x5b9: {  	v4 =	vadd.f32 v0, v5;
	v0 =	vmul.f32 v7, v62;
	v62 =	vld [tilespmem:$0x1F240];
	_ =	sdelay $0x1  }
0x5ba: {  	v10 =	vadd.f32 v10, v12;
	v12 =	vld [tilespmem:$0x1FF50]  }
0x5bb: {  	v32 =	vld [tilespmem:$0x1FF10]  }
0x5bc: {  	v7 =	vadd.f32 v1, v13;
	v13 =	vld [tilespmem:$0x1FE70]  }
0x5bd: {  	v1 =	vmul.f32 v62, v34;
	v34 =	vld [tilespmem:$0x1F250]  }
0x5be: {  	v62 =	vld [tilespmem:$0x1FE80]  }
0x5bf: {  	[tilespmem:$0x1F510] =	vst v17;
	v17 =	vmul.f32 v3, v8;
	v8 =	vadd.f32 v0, v12;
	v12 =	vld [tilespmem:$0x1F260];
	_ =	sdelay $0x2  }
0x5c0: {  	v0 =	vmul.f32 v34, v13;
	v13 =	vld [tilespmem:$0x1FF60]  }
0x5c1: {  	v34 =	vld [tilespmem:$0x1FE90]  }
0x5c2: {  	v5 =	vadd.f32 v2, v32;
	v2 =	vmul.f32 v12, v62;
	v62 =	vld [tilespmem:$0x1F270];
	_ =	sdelay $0x2  }
0x5c3: {  	v11 =	vld [tilespmem:$0x1F280]  }
0x5c4: {  	[tilespmem:$0x1F430] =	vst v31;
	v31 =	vmul.f32 v3, v23;
	v12 =	vld [tilespmem:$0x1FEA0]  }
0x5c5: {  	v23 =	vmul.f32 v3, v9;
	v9 =	vadd.f32 v1, v13;
	v1 =	vmul.f32 v62, v34;
	v34 =	vld [tilespmem:$0x1FF70];
	_ =	sdelay $0x2  }
0x5c6: {  	v13 =	vld [tilespmem:$0x1FF80]  }
0x5c7: {  	v62 =	vld [tilespmem:$0x1F290]  }
0x5c8: {  	v3 =	vmul.f32 v11, v12;
	v11 =	vadd.f32 v0, v34;
	v0 =	vld [tilespmem:$0x1FEB0];
	_ =	sdelay $0x3  }
0x5c9: {  	v2 =	vadd.f32 v2, v13;
	v13 =	vld [tilespmem:$0x1FFA0]  }
0x5ca: {  	v0 =	vmul.f32 v62, v0;
	v62 =	vld [tilespmem:$0x1FF90];
	_ =	sdelay $0x3  }
0x5cb: {  	v3 =	vadd.f32 v3, v13;
	v13 =	vld [tilespmem:$0x1FFB0]  }
0x5cc: {  	v12 =	vadd.f32 v1, v62;
	v1 =	vld [tilespmem:$0x1FEC0]  }
0x5cd: {  	v62 =	vld [tilespmem:$0x1F2A0];
	_ =	sdelay $0x3  }
0x5ce: {  	v13 =	vadd.f32 v0, v13;
	v0 =	vld [tilespmem:$0x1FED0]  }
0x5cf: {  	v1 =	vmul.f32 v62, v1;
	v62 =	vld [tilespmem:$0x1F2B0];
	_ =	sdelay $0x4  }
0x5d0: {  	[tilespmem:s8+$0x19A80] =	vst v4;
	v4 =	vmul.f32 v62, v0;
	v0 =	vld [tilespmem:$0x1FEE0]  }
0x5d1: {  	v62 =	vld [tilespmem:$0x1F2C0];
	_ =	sdelay $0x4  }
0x5d2: {  	v0 =	vmul.f32 v62, v0;
	v62 =	vld [tilespmem:$0x1FFC0];
	_ =	sdelay $0x3  }
0x5d3: {  	[tilespmem:s8+$0x19A90] =	vst v5;
	v5 =	vld [tilespmem:$0x1FEF0]  }
0x5d4: {  	v1 =	vadd.f32 v1, v62;
	v62 =	vld [tilespmem:$0x1F2D0];
	_ =	sdelay $0x4  }
0x5d5: {  	v5 =	vmul.f32 v62, v5;
	v62 =	vld [tilespmem:$0x1FE00];
	_ =	sdelay $0x4  }
0x5d6: {  	v45 =	vmul.f32 v45, v62;
	v62 =	vld [tilespmem:$0x1FFD0];
	_ =	sdelay $0x3  }
0x5d7: {  	[tilespmem:s8+$0x19AB0] =	vst v10;
	v10 =	vld [tilespmem:$0x1FFF0]  }
0x5d8: {  	v4 =	vadd.f32 v4, v62;
	v62 =	vld [tilespmem:$0x1FFE0];
	_ =	sdelay $0x3  }
0x5d9: {  	v5 =	vadd.f32 v5, v10;
	v10 =	vld [tilespmem:$0x1FF00]  }
0x5da: {  	v0 =	vadd.f32 v0, v62;
	v62 =	vld [tilespmem:$0x1FE10];
	_ =	sdelay $0x3  }
0x5db: {  	v10 =	vadd.f32 v45, v10;
	v45 =	vld [tilespmem:$0x1FE30]  }
0x5dc: {  	[tilespmem:s8+$0x19AA0] =	vst v6;
	v6 =	vmul.f32 v44, v62;
	v62 =	vld [tilespmem:$0x1FE20];
	_ =	sdelay $0x1  }
0x5dd: {  	[tilespmem:s8+$0x19AE0] =	vst v9;
	v9 =	vld [tilespmem:$0x1FF30]  }
0x5de: {  	[tilespmem:s8+$0x19AD0] =	vst v8;
	v8 =	vld [tilespmem:$0x1FF20]  }
0x5df: {  	[tilespmem:s8+$0x19AC0] =	vst v7;
	v7 =	vmul.f32 v56, v45;
	v56 =	vld [tilespmem:$0x1FE50]  }
0x5e0: {  	v44 =	vmul.f32 v50, v62;
	v50 =	vld [tilespmem:$0x1FE40];
	_ =	sdelay $0x1  }
0x5e1: {  	v7 =	vadd.f32 v7, v9;
	v9 =	vld [tilespmem:$0x1FF40]  }
0x5e2: {  	v62 =	vld [tilespmem:$0x1FE70]  }
0x5e3: {  	v8 =	vadd.f32 v44, v8;
	v44 =	vmul.f32 v60, v56;
	v60 =	vld [tilespmem:$0x1FE60]  }
0x5e4: {  	v45 =	vmul.f32 v47, v50;
	v50 =	vld [tilespmem:$0x1F2E0];
	_ =	sdelay $0x1  }
0x5e5: {  	[tilespmem:s8+$0x19AF0] =	vst v11;
	v11 =	vld [tilespmem:$0x1FF50]  }
0x5e6: {  	v56 =	vld [tilespmem:$0x1FF60]  }
0x5e7: {  	v46 =	vmul.f32 v46, v60;
	v60 =	vld [tilespmem:$0x1FE80]  }
0x5e8: {  	v9 =	vadd.f32 v45, v9;
	v45 =	vmul.f32 v50, v62;
	v62 =	vld [tilespmem:$0x1F2F0];
	_ =	sdelay $0x2  }
0x5e9: {  	v11 =	vadd.f32 v44, v11;
	v44 =	vadd.f32 v46, v56;
	v56 =	vld [tilespmem:$0x1F300]  }
0x5ea: {  	v50 =	vld [tilespmem:$0x1FE90]  }
0x5eb: {  	v46 =	vmul.f32 v62, v60;
	v60 =	vld [tilespmem:$0x1FEA0]  }
0x5ec: {  	v62 =	vld [tilespmem:$0x1F310]  }
0x5ed: {  	[tilespmem:s9+$0x19A80] =	vst v10;
	v10 =	vld [tilespmem:$0x1FF30]  }
0x5ee: {  	[tilespmem:s9+$0x19AA0] =	vst v8;
	v8 =	vld [tilespmem:$0x1FF50]  }
0x5ef: {  	[tilespmem:s8+$0x19B00] =	vst v2;
	v2 =	vadd.f32 v45, v34;
	v45 =	vmul.f32 v56, v50;
	v56 =	vld [tilespmem:$0x1FF80]  }
0x5f0: {  	v50 =	vld [tilespmem:$0x1FEC0]  }
0x5f1: {  	v47 =	vmul.f32 v62, v60;
	v60 =	vld [tilespmem:$0x1FEB0]  }
0x5f2: {  	v62 =	vld [tilespmem:$0x1F320]  }
0x5f3: {  	[tilespmem:s9+$0x19AD0] =	vst v11;
	v11 =	vld [tilespmem:$0x1FFA0]  }
0x5f4: {  	[tilespmem:s9+$0x19AC0] =	vst v9;
	v9 =	vld [tilespmem:$0x1FF90]  }
0x5f5: {  	[tilespmem:s8+$0x19B10] =	vst v12;
	v12 =	vadd.f32 v46, v56;
	v56 =	vld [tilespmem:$0x1FF90]  }
0x5f6: {  	v40 =	vmul.f32 v40, v50;
	v50 =	vld [tilespmem:$0x1FFC0]  }
0x5f7: {  	v46 =	vmul.f32 v62, v60;
	v60 =	vld [tilespmem:$0x1FFA0]  }
0x5f8: {  	[tilespmem:s9+$0x19AE0] =	vst v44;
	v44 =	vld [tilespmem:$0x1FE00]  }
0x5f9: {  	v62 =	vld [tilespmem:$0x1FED0]  }
0x5fa: {  	[tilespmem:s8+$0x19B20] =	vst v3;
	v3 =	vadd.f32 v45, v56;
	v56 =	vld [tilespmem:$0x1FEE0]  }
0x5fb: {  	v40 =	vadd.f32 v40, v50;
	v50 =	vld [tilespmem:$0x1FE20]  }
0x5fc: {  	v45 =	vadd.f32 v47, v60;
	v47 =	vld [tilespmem:$0x1FFB0]  }
0x5fd: {  	v60 =	vld [tilespmem:$0x1FFD0]  }
0x5fe: {  	v39 =	vmul.f32 v39, v62;
	v62 =	vld [tilespmem:$0x1FEF0]  }
0x5ff: {  	v37 =	vmul.f32 v37, v56;
	v56 =	vld [tilespmem:$0x1FFF0]  }
0x600: {  	v26 =	vmul.f32 v26, v50;
	v50 =	vld [tilespmem:$0x1FEE0]  }
0x601: {  	[tilespmem:s9+$0x19B20] =	vst v45;
	v45 =	vld [tilespmem:$0x1FF20]  }
0x602: {  	[tilespmem:s8+$0x19B30] =	vst v13;
	v13 =	vadd.f32 v46, v47;
	v47 =	vld [tilespmem:$0x1FFE0]  }
0x603: {  	[tilespmem:s8+$0x19B40] =	vst v1;
	v1 =	vadd.f32 v39, v60;
	v39 =	vld [tilespmem:$0x1FE10]  }
0x604: {  	v46 =	vld [tilespmem:$0x1FE00]  }
0x605: {  	v60 =	vld [tilespmem:$0x1FF00]  }
0x606: {  	v38 =	vmul.f32 v38, v62;
	v62 =	vld [tilespmem:$0x1FE60]  }
0x607: {  	[tilespmem:s8+$0x19B50] =	vst v4;
	v4 =	vadd.f32 v37, v47;
	v37 =	vld [tilespmem:$0x1FE30]  }
0x608: {  	v16 =	vmul.f32 v16, v50;
	v50 =	vld [tilespmem:$0x1FE20];
	v28 =	vmul.f32 v28, v39  }
0x609: {  	[tilespmem:s8+$0x19B60] =	vst v0;
	v0 =	vadd.f32 v38, v56;
	v38 =	vld [tilespmem:$0x1FE70]  }
0x60a: {  	[tilespmem:s8+$0x19B70] =	vst v5;
	v5 =	vadd.f32 v28, v32;
	v28 =	vld [tilespmem:$0x1FF20]  }
0x60b: {  	v56 =	vld [tilespmem:$0x1FFB0]  }
0x60c: {  	v27 =	vmul.f32 v27, v46;
	v46 =	vld [tilespmem:$0x1FEB0];
	v30 =	vmul.f32 v30, v37  }
0x60d: {  	v47 =	vld [tilespmem:$0x1FED0]  }
0x60e: {  	v10 =	vadd.f32 v30, v10;
	v30 =	vld [tilespmem:$0x1FE50]  }
0x60f: {  	v26 =	vadd.f32 v26, v28;
	v28 =	vld [tilespmem:$0x1FE40]  }
0x610: {  	v31 =	vmul.f32 v31, v62;
	v62 =	vld [tilespmem:$0x1FFC0];
	v25 =	vmul.f32 v25, v38  }
0x611: {  	v27 =	vadd.f32 v27, v60;
	v60 =	vmul.f32 v33, v35;
	v35 =	vld [tilespmem:$0x1FF90]  }
0x612: {  	[tilespmem:s9+$0x19AB0] =	vst v7;
	v7 =	vadd.f32 v25, v34;
	v25 =	vld [tilespmem:$0x1FF80]  }
0x613: {  	[tilespmem:s10+$0x19A80] =	vst v27;
	v27 =	vld [tilespmem:$0x1FF50];
	v30 =	vmul.f32 v36, v30  }
0x614: {  	v28 =	vmul.f32 v41, v28;
	v41 =	vld [tilespmem:$0x1FF40]  }
0x615: {  	v8 =	vadd.f32 v30, v8;
	v30 =	vld [tilespmem:$0x1FE90]  }
0x616: {  	v6 =	vadd.f32 v6, v32;
	v19 =	vmul.f32 v19, v47;
	v47 =	vld [tilespmem:$0x1FF30]  }
0x617: {  	[tilespmem:s10+$0x19AB0] =	vst v10;
	v10 =	vmul.f32 v33, v48;
	v48 =	vld [tilespmem:$0x1FFA0]  }
0x618: {  	[tilespmem:s9+$0x19A90] =	vst v6;
	v36 =	vld [tilespmem:$0x1FEF0]  }
0x619: {  	[tilespmem:s10+$0x19AA0] =	vst v26;
	v26 =	vmul.f32 v33, v51;
	v51 =	vmul.f32 v14, v15;
	v6 =	vadd.f32 v28, v41;
	v28 =	vld [tilespmem:$0x1FE80]  }
0x61a: {  	v41 =	vmul.f32 v33, v42;
	v42 =	vld [tilespmem:$0x1FFD0];
	v20 =	vmul.f32 v20, v30  }
0x61b: {  	[tilespmem:s10+$0x19AC0] =	vst v6;
	v6 =	vmul.f32 v51, v14;
	v51 =	vld [tilespmem:$0x1F360]  }
0x61c: {  	v9 =	vadd.f32 v20, v9;
	v20 =	vmul.f32 v24, v46;
	v24 =	vld [tilespmem:$0x1FEC0]  }
0x61d: {  	v46 =	vld [tilespmem:$0x1FFE0]  }
0x61e: {  	v17 =	vmul.f32 v17, v28;
	v28 =	vld [tilespmem:$0x1FF60]  }
0x61f: {  	[tilespmem:s9+$0x19B00] =	vst v12;
	v12 =	vadd.f32 v19, v42;
	v19 =	vmul.f32 v60, v44;
	v44 =	vmul.f32 v33, v59;
	v59 =	vld [tilespmem:$0x1FE90]  }
0x620: {  	v60 =	vmul.f32 v33, v53;
	v53 =	vld [tilespmem:$0x1FE40]  }
0x621: {  	v20 =	vadd.f32 v20, v56;
	v56 =	vmul.f32 v33, v49;
	v49 =	vmul.f32 v33, v58;
	v58 =	vld [tilespmem:$0x1FE80]  }
0x622: {  	[tilespmem:s10+$0x19B10] =	vst v9;
	v9 =	vld [tilespmem:$0x1FEC0]  }
0x623: {  	v17 =	vadd.f32 v17, v25;
	v25 =	vld [tilespmem:$0x1FEA0]  }
0x624: {  	v42 =	vmul.f32 v56, v37;
	v56 =	vld [tilespmem:$0x1FF40]  }
0x625: {  	[tilespmem:s9+$0x19B10] =	vst v3;
	v3 =	vadd.f32 v16, v46;
	v16 =	vmul.f32 v41, v50;
	v41 =	vld [tilespmem:$0x1FF00]  }
0x626: {  	v46 =	vld [tilespmem:$0x1FE60]  }
0x627: {  	v21 =	vmul.f32 v21, v24;
	v50 =	vmul.f32 v33, v57;
	v57 =	vld [tilespmem:$0x1FE60]  }
0x628: {  	[tilespmem:s9+$0x19B60] =	vst v4;
	v4 =	vadd.f32 v42, v47;
	v42 =	vld [tilespmem:$0x1FEE0]  }
0x629: {  	[tilespmem:s9+$0x19AF0] =	vst v2;
	v2 =	vadd.f32 v21, v62;
	v62 =	vld [tilespmem:$0x1FF60]  }
0x62a: {  	v9 =	vmul.f32 v26, v9;
	v26 =	vld [tilespmem:$0x1FED0]  }
0x62b: {  	v28 =	vadd.f32 v31, v28;
	v21 =	vmul.f32 v49, v38;
	v49 =	vld [tilespmem:$0x1F350]  }
0x62c: {  	s13 =	spop (v2sf);
	v24 =	vmul.f32 v33, v29;
	v23 =	vmul.f32 v23, v25;
	v25 =	vld [tilespmem:$0x1FE40]  }
0x62d: {  	s14 =	spop (v2sf);
	s16 =	smul.f32 $3.906250000e-03, s13;
	[tilespmem:s10+$0x19AE0] =	vst v28;
	v28 =	vld [tilespmem:$0x1FF80]  }
0x62e: {  	s29 =	smul.f32 $3.906250000e-03, s14;
	v11 =	vadd.f32 v23, v11;
	v23 =	vmul.f32 v24, v39;
	v24 =	vld [tilespmem:$0x1FFF0]  }
0x62f: {  	s30 =	smul.f32 s16, s16;
	[tilespmem:s9+$0x19B30] =	vst v13;
	v13 =	vadd.f32 v19, v41;
	v41 =	vmul.f32 v33, v52;
	v52 =	vld [tilespmem:$0x1FE20]  }
0x630: {  	[tilespmem:s9+$0x19B50] =	vst v1;
	v1 =	vadd.f32 v16, v45;
	v16 =	vmul.f32 v44, v46;
	v46 =	vld [tilespmem:$0x1FEF0]  }
0x631: {  	v22 =	vmul.f32 v33, v22;
	s5 =	ssub.f32 s29, s30;
	[tilespmem:s10+$0x19B40] =	vst v2;
	v2 =	vmul.f32 v10, v42;
	v42 =	vld [tilespmem:$0x1F380]  }
0x632: {  	[tilespmem:s10+$0x19A90] =	vst v5;
	v18 =	vmul.f32 v18, v36;
	v5 =	vadd.f32 v16, v62;
	v62 =	vld [tilespmem:$0x1FEB0]  }
0x633: {  	s5 =	sadd.f32 $9.999999740e-06, s5;
	[tilespmem:s10+$0x19AD0] =	vst v8;
	v8 =	vadd.f32 v21, v34;
	v22 =	vmul.f32 v22, v25;
	v25 =	vld [tilespmem:$0x1FE50]  }
0x634: {  	[tilespmem:s9+$0x19B70] =	vst v0;
	v18 =	vadd.f32 v18, v24;
	v24 =	vmul.f32 v33, v63;
	v63 =	vld [tilespmem:$0x1FEA0]  }
0x635: {  	v29 =	vmov s5;
	v19 =	vmul.f32 v50, v58;
	[tilespmem:s12+$0x19AF0] =	vst v8;
	v8 =	vld [tilespmem:$0x1FF50];
	v23 =	vadd.f32 v23, v32  }
0x636: {  	v30 =	vmul.f32 $5.000000000e-01, v29;
	v29 =	vshra.s32 v29, $0x1;
	[tilespmem:s10+$0x19B20] =	vst v11;
	v11 =	vld [tilespmem:$0x1FFB0]  }
0x637: {  	v19 =	vadd.f32 v19, v28;
	[tilespmem:s12+$0x19A90] =	vst v23;
	v23 =	vld [tilespmem:$0x1F3B0];
	v0 =	vadd.f32 v22, v56;
	v56 =	vsub.s32 $0x5F3759DF, v29  }
0x638: {  	[tilespmem:s10+$0x19B00] =	vst v17;
	v29 =	vmov s19;
	v17 =	vmul.f32 v41, v62;
	v41 =	vld [tilespmem:$0x1FFD0];
	v24 =	vmul.f32 v24, v25  }
0x639: {  	[tilespmem:s9+$0x19B40] =	vst v40;
	v28 =	vadd.f32 $0.0e+00, v29;
	v25 =	vmul.f32 v33, v54;
	v54 =	vld [tilespmem:$0x1FE50];
	v40 =	vmul.f32 v60, v63  }
0x63a: {  	v24 =	vadd.f32 v24, v27;
	v27 =	vmul.f32 v33, v43;
	v60 =	vmul.f32 v33, v55;
	v33 =	vld [tilespmem:$0x1F330]  }
0x63b: {  	v6 =	vsub.f32 $1.500000000e+00, v6;
	v22 =	vbroadcast v28, $0x0;
	v43 =	vld [tilespmem:$0x1F340]  }
0x63c: {  	v31 =	vmul.f32 v56, v30;
	v25 =	vmul.f32 v25, v59;
	v55 =	vld [tilespmem:$0x1FFE0]  }
0x63d: {  	v6 =	vmul.f32 v6, v14;
	[tilespmem:s10+$0x19B30] =	vst v20;
	v20 =	vsub.f32 v49, v22;
	v21 =	vsub.f32 v51, v22;
	v51 =	vld [tilespmem:$0x1F390]  }
0x63e: {  	[tilespmem:s10+$0x19AF0] =	vst v7;
	v7 =	vadd.f32 v25, v35;
	v16 =	vadd.f32 v40, v48;
	v25 =	vmul.f32 v56, v31;
	v40 =	vld [tilespmem:$0x1FFC0]  }
0x63f: {  	[tilespmem:s10+$0x19B50] =	vst v12;
	v26 =	vmul.f32 v27, v26;
	v12 =	vmul.f32 v60, v46;
	v60 =	vld [tilespmem:$0x1FFF0]  }
0x640: {  	v11 =	vadd.f32 v17, v11;
	v62 =	vmul.f32 v6, v20;
	v20 =	vsub.f32 v42, v22;
	v46 =	vld [tilespmem:$0x1FF20]  }
0x641: {  	v25 =	vsub.f32 $1.500000000e+00, v25;
	v17 =	vadd.f32 v26, v41;
	v41 =	vld [tilespmem:$0x1F370]  }
0x642: {  	v49 =	vmul.f32 v6, v20;
	v20 =	vsub.f32 v51, v22;
	v51 =	vld [tilespmem:$0x1F3F0]  }
0x643: {  	v14 =	vsub.f32 v33, v22;
	v33 =	vmul.f32 v6, v21;
	v15 =	vmul.f32 v56, v25;
	v56 =	vld [tilespmem:$0x1FE00]  }
0x644: {  	v9 =	vadd.f32 v9, v40;
	v40 =	vld [tilespmem:$0x1FF00]  }
0x645: {  	[tilespmem:s10+$0x19B70] =	vst v18;
	v18 =	vmul.f32 v33, v37;
	v33 =	vld [tilespmem:$0x1F3C0]  }
0x646: {  	[tilespmem:s10+$0x19B60] =	vst v3;
	v2 =	vadd.f32 v2, v55;
	v10 =	vmul.f32 v6, v14;
	v12 =	vadd.f32 v12, v60;
	v60 =	vld [tilespmem:$0x1FF40]  }
0x647: {  	[tilespmem:s12+$0x19A80] =	vst v13;
	v14 =	vsub.f32 v43, v22;
	v55 =	vmul.f32 v6, v20;
	v13 =	vsub.f32 v41, v22;
	v41 =	vld [tilespmem:$0x1FF60]  }
0x648: {  	v43 =	vmul.f32 v15, v30;
	[tilespmem:s12+$0x19B40] =	vst v9;
	v9 =	vld [tilespmem:$0x1F410];
	v3 =	vmul.f32 v10, v56  }
0x649: {  	v10 =	vmul.f32 v6, v14;
	v14 =	vmul.f32 v62, v52;
	v56 =	vld [tilespmem:$0x1F3A0]  }
0x64a: {  	[tilespmem:s12+$0x19AC0] =	vst v0;
	v0 =	vadd.f32 v18, v47;
	v62 =	vmul.f32 v55, v57;
	v55 =	vld [tilespmem:$0x1F400];
	v18 =	vsub.f32 v33, v22  }
0x64b: {  	[tilespmem:s12+$0x19AB0] =	vst v4;
	v10 =	vmul.f32 v10, v39;
	v4 =	vadd.f32 v14, v46;
	v14 =	vmul.f32 v49, v54;
	v49 =	vld [tilespmem:$0x1F3E0]  }
0x64c: {  	[tilespmem:s12+$0x19B10] =	vst v7;
	v3 =	vadd.f32 v3, v40;
	v7 =	vadd.f32 v62, v41;
	v41 =	vld [tilespmem:$0x1FF80]  }
0x64d: {  	[tilespmem:s12+$0x19AA0] =	vst v1;
	v1 =	vadd.f32 v10, v32;
	v10 =	vmul.f32 v6, v13;
	v13 =	vmul.f32 v43, v15;
	v43 =	vld [tilespmem:$0x1F3D0]  }
0x64e: {  	v46 =	vmul.f32 v6, v18;
	v8 =	vadd.f32 v14, v8;
	v20 =	vsub.f32 v56, v22;
	v56 =	vld [tilespmem:$0x1F420]  }
0x64f: {  	[tilespmem:s12+$0x19B00] =	vst v19;
	v9 =	vsub.f32 v9, v22;
	v19 =	vsub.f32 v55, v22;
	v55 =	vld [tilespmem:$0x1F450];
	v10 =	vmul.f32 v10, v53  }
0x650: {  	v33 =	vmul.f32 v46, v59;
	[tilespmem:s0+$0x19AD0] =	vst v8;
	v8 =	vld [tilespmem:$0x1F4A0];
	v21 =	vmul.f32 v6, v20;
	v18 =	vsub.f32 v49, v22  }
0x651: {  	[tilespmem:s12+$0x19AE0] =	vst v5;
	v49 =	vld [tilespmem:$0x1F430];
	v5 =	vadd.f32 v10, v60;
	v10 =	vsub.f32 $1.500000000e+00, v13  }
0x652: {  	[tilespmem:s0+$0x19A80] =	vst v3;
	v3 =	vadd.f32 v33, v35;
	v33 =	vld [tilespmem:$0x1F4B0];
	v60 =	vmov s16;
	v42 =	vmul.f32 v21, v38  }
0x653: {  	[tilespmem:s12+$0x19B30] =	vst v11;
	v14 =	vsub.f32 v43, v22;
	v21 =	vadd.f32 $0.0e+00, v60;
	v60 =	vld [tilespmem:$0x1F470];
	v10 =	vmul.f32 v10, v15  }
0x654: {  	v15 =	vsub.f32 v23, v22;
	v20 =	vsub.f32 v56, v22;
	v56 =	vld [tilespmem:$0x1F460];
	[tilespmem:s0+$0x19AC0] =	vst v5;
	v5 =	vmul.f32 v6, v9  }
0x655: {  	[tilespmem:s12+$0x19B20] =	vst v16;
	v9 =	vld [tilespmem:$0x1F480];
	v11 =	vmul.f32 v6, v14;
	v16 =	vbroadcast v21, $0x0  }
0x656: {  	v14 =	vsub.f32 v51, v22;
	v51 =	vld [tilespmem:$0x1F440];
	v15 =	vmul.f32 v6, v15;
	v62 =	vmul.f32 v10, v30  }
0x657: {  	[tilespmem:s12+$0x19B50] =	vst v17;
	v17 =	vsub.f32 v55, v16;
	v55 =	vld [tilespmem:$0x1F510]  }
0x658: {  	[tilespmem:s12+$0x19B60] =	vst v2;
	v2 =	vadd.f32 v42, v34;
	v15 =	vmul.f32 v15, v58;
	v42 =	vmul.f32 v62, v10;
	v62 =	vld [tilespmem:$0x1F490]  }
0x659: {  	v43 =	vmul.f32 v6, v18;
	v18 =	vsub.f32 v56, v16;
	v56 =	vld [tilespmem:$0x1FED0]  }
0x65a: {  	[tilespmem:s12+$0x19B70] =	vst v12;
	v11 =	vmul.f32 v11, v63;
	v12 =	vadd.f32 v15, v41;
	v41 =	vld [tilespmem:$0x1F4D0]  }
0x65b: {  	v46 =	vsub.f32 $1.500000000e+00, v42;
	v42 =	vld [tilespmem:$0x1FEB0]  }
0x65c: {  	v11 =	vadd.f32 v11, v48;
	v15 =	vsub.f32 v49, v16;
	v49 =	vld [tilespmem:$0x1FEC0]  }
0x65d: {  	[tilespmem:s0+$0x19AA0] =	vst v4;
	v4 =	vmul.f32 v6, v14;
	v14 =	vsub.f32 v51, v16;
	v51 =	vld [tilespmem:$0x1F500]  }
0x65e: {  	[tilespmem:s0+$0x19B20] =	vst v11;
	v11 =	vld [tilespmem:$0x1FFC0]  }
0x65f: {  	[tilespmem:s0+$0x19AE0] =	vst v7;
	v7 =	vmul.f32 v46, v10;
	v10 =	vld [tilespmem:$0x1F4C0]  }
0x660: {  	[tilespmem:s0+$0x19AB0] =	vst v0;
	v0 =	vmul.f32 v6, v19;
	v8 =	vsub.f32 v8, v16;
	v46 =	vld [tilespmem:$0x1F4F0]  }
0x661: {  	[tilespmem:s0+$0x19A90] =	vst v1;
	v6 =	vmul.f32 v6, v20;
	v20 =	vsub.f32 v33, v16;
	v21 =	vsub.f32 v62, v16;
	v62 =	vld [tilespmem:$0x1FFD0]  }
0x662: {  	[tilespmem:s0+$0x19B10] =	vst v3;
	v3 =	vsub.f32 v61, v16;
	v1 =	vmul.f32 v43, v42;
	v43 =	vld [tilespmem:$0x1F4E0];
	v4 =	vmul.f32 v4, v49  }
0x663: {  	v19 =	vsub.f32 v60, v16;
	v9 =	vsub.f32 v9, v16;
	v49 =	vld [tilespmem:$0x1FEF0]  }
0x664: {  	v23 =	vsub.f32 v55, v16;
	v4 =	vadd.f32 v4, v11;
	v11 =	vld [tilespmem:$0x1FEE0]  }
0x665: {  	[tilespmem:s0+$0x19B00] =	vst v12;
	v13 =	vsub.f32 v41, v16;
	v12 =	vsub.f32 v51, v16;
	v51 =	vld [tilespmem:$0x1FE00];
	v41 =	vmul.f32 v7, v14  }
0x666: {  	v0 =	vmul.f32 v0, v56;
	v56 =	vmul.f32 v7, v18;
	v22 =	vsub.f32 v46, v16;
	v46 =	vld [tilespmem:$0x1FFF0]  }
0x667: {  	v42 =	vld [tilespmem:$0x1FFE0];
	v10 =	vsub.f32 v10, v16;
	v55 =	vmul.f32 v41, v39;
	v41 =	vmul.f32 v7, v8  }
0x668: {  	v60 =	vld [tilespmem:$0x1FF00];
	v8 =	vmul.f32 v7, v20;
	v0 =	vadd.f32 v0, v62;
	v33 =	vmul.f32 v6, v49  }
0x669: {  	[tilespmem:s0+$0x19AF0] =	vst v2;
	v2 =	vsub.f32 v43, v16;
	v16 =	vld [tilespmem:$0x1FFB0];
	v5 =	vmul.f32 v5, v11;
	v11 =	vmul.f32 v7, v15  }
0x66a: {  	[tilespmem:s12+$0x19AD0] =	vst v24;
	v14 =	vadd.f32 v55, v32;
	v32 =	vld [tilespmem:$0x1FF20];
	v55 =	vmul.f32 v41, v38;
	v15 =	vmul.f32 v56, v37  }
0x66b: {  	[tilespmem:s0+$0x19B50] =	vst v0;
	v0 =	vadd.f32 v33, v46;
	v43 =	vmul.f32 v11, v51;
	v11 =	vmul.f32 v7, v17  }
0x66c: {  	v36 =	vld [tilespmem:$0x1FDF0];
	[tilespmem:s0+$0x19B40] =	vst v4;
	v56 =	vmul.f32 v7, v10;
	v4 =	vadd.f32 v5, v42;
	v17 =	vmul.f32 v7, v9  }
0x66d: {  	[tilespmem:s17+$0x19A90] =	vst v14;
	v10 =	vld [tilespmem:$0x1FF60];
	v9 =	vmul.f32 v7, v21;
	v21 =	vadd.f32 v15, v47;
	v62 =	vmul.f32 v11, v52  }
0x66e: {  	v61 =	vld [tilespmem:$0x1FF40];
	[tilespmem:s0+$0x19B70] =	vst v0;
	v14 =	vmul.f32 v56, v59;
	v1 =	vadd.f32 v1, v16;
	v60 =	vadd.f32 v43, v60  }
0x66f: {  	v56 =	vld [tilespmem:$0x1FFD0];
	[tilespmem:s0+$0x19B60] =	vst v4;
	v11 =	vmul.f32 v7, v19;
	v43 =	vmul.f32 v9, v57;
	v18 =	vadd.f32 v62, v32  }
0x670: {  	[tilespmem:s17+$0x19AB0] =	vst v21;
	v62 =	vmul.f32 v8, v58;
	v8 =	vmul.f32 v7, v13;
	v13 =	vadd.f32 v55, v34;
	v34 =	vld [tilespmem:$0x1FF80]  }
0x671: {  	[tilespmem:s0+$0x19B30] =	vst v1;
	v19 =	vmul.f32 v11, v53;
	v11 =	vld [tilespmem:$0x1FF50]  }
0x672: {  	v33 =	vmul.f32 v17, v54;
	[tilespmem:s17+$0x19A80] =	vst v60;
	v60 =	vadd.f32 v43, v10;
	v17 =	vmul.f32 v8, v63;
	v8 =	vld [tilespmem:$0x1FEB0]  }
0x673: {  	v43 =	vld [tilespmem:$0x1FED0];
	[tilespmem:s17+$0x19AA0] =	vst v18  }
0x674: {  	v55 =	vld [tilespmem:$0x1FEE0];
	v42 =	vadd.f32 v19, v61;
	[tilespmem:s17+$0x19AE0] =	vst v60  }
0x675: {  	v2 =	vmul.f32 v7, v2;
	[tilespmem:s17+$0x19AF0] =	vst v13;
	v19 =	vadd.f32 v14, v35;
	v15 =	vadd.f32 v62, v34;
	v62 =	vld [tilespmem:$0x1FFF0]  }
0x676: {  	v9 =	vld [tilespmem:$0x1FEC0];
	v21 =	vmul.f32 v7, v12;
	[tilespmem:s17+$0x19AC0] =	vst v42;
	v42 =	vmul.f32 v7, v3;
	v46 =	vadd.f32 v33, v11  }
0x677: {  	v18 =	vmul.f32 v7, v22;
	v60 =	vld [tilespmem:$0x1FFE0];
	v22 =	vadd.f32 v17, v48;
	[tilespmem:s17+$0x19B10] =	vst v19;
	v20 =	vmul.f32 v2, v8  }
0x678: {  	v41 =	vmul.f32 v7, v23;
	v0 =	vmul.f32 v42, v49;
	[tilespmem:s17+$0x19AD0] =	vst v46;
	v46 =	vld [tilespmem:$0x1FFC0]  }
0x679: {  	v45 =	vld [tilespmem:$0x1FD90];
	[tilespmem:s17+$0x19B20] =	vst v22;
	v2 =	vmul.f32 v21, v43;
	v1 =	vadd.f32 v20, v16  }
0x67a: {  	p1 =	slt.u32 s7, $0x36;
	v44 =	vld [tilespmem:$0x1FDE0];
	v4 =	vmul.f32 v41, v55;
	[tilespmem:s17+$0x19B00] =	vst v15;
	v0 =	vadd.f32 v0, v62  }
.Ltmp3:
0x67b: {  	v50 =	vld [tilespmem:$0x1FDA0];
	v33 =	vmul.f32 v18, v9;
	[tilespmem:s17+$0x19B30] =	vst v1;
	v1 =	vadd.f32 v2, v56;
	(pc) =	sbr.rel @p1 .LBB2_8-.Ltmp3, $4  }
0x67c: {  	v28 =	vld [tilespmem:$0x1FDC0];
	v2 =	vadd.f32 v4, v60;
	[tilespmem:s17+$0x19B70] =	vst v0  }
0x67d: {  	v27 =	vld [tilespmem:$0x1FDB0];
	v3 =	vadd.f32 v33, v46;
	[tilespmem:s17+$0x19B50] =	vst v1  }
0x67e: {  	s31 =	sadd.s32 $0x6, s7;
	v40 =	vld [tilespmem:$0x1FD80];
	[tilespmem:s17+$0x19B60] =	vst v2  }
0x67f: {  	s7 =	smov.u32 s31;
	v30 =	vld [tilespmem:$0x1FDD0];
	[tilespmem:s17+$0x19B40] =	vst v3  }
0x680: {  	v24 =	vmov v10  }
.LBB2_10:
0x681: {  	v19 =	vld [tilespmem:$0x1FCA0]  }
0x682: {  	s0 =	sshra.s32 s1, $0x2;
	v20 =	vld [tilespmem:$0x1FCB0]  }
0x683: {  	v1 =	vld [tilespmem:s0+$0x11680]  }
0x684: {  	v2 =	vld [tilespmem:s0+$0x15680]  }
0x685: {  	v3 =	vld [tilespmem:s0+$0x11690]  }
0x686: {  	v6 =	vld [tilespmem:s0+$0x15690]  }
0x687: {  	v16 =	vld [tilespmem:s0+$0x116A0]  }
0x688: {  	v7 =	vld [tilespmem:s0+$0x156A0]  }
0x689: {  	v0 =	vmov s26;
	v8 =	vld [tilespmem:s0+$0x116B0]  }
0x68a: {  	v9 =	vld [tilespmem:s0+$0x156B0]  }
0x68b: {  	v11 =	vld [tilespmem:s0+$0x116C0]  }
0x68c: {  	v41 =	vld [tilespmem:s0+$0x116D0]  }
0x68d: {  	v43 =	vld [tilespmem:s0+$0x156D0]  }
0x68e: {  	v4 =	vld.idx.msk [tilespmem:v0+s21+$0x0], $0xffff  }
0x68f: {  	v5 =	vld.idx.msk [tilespmem:v0+s23+$0x0], $0xffff  }
0x690: {  	v12 =	vld [tilespmem:s0+$0x156C0]  }
0x691: {  	v22 =	vld [tilespmem:$0x1FCC0]  }
0x692: {  	v55 =	vld [tilespmem:$0x1FCD0];
	v1 =	vadd.f32 v2, v1;
	v3 =	vadd.f32 v6, v3  }
0x693: {  	v62 =	vld [tilespmem:s0+$0x116E0];
	v7 =	vadd.f32 v7, v16;
	v23 =	vadd.f32 v9, v8;
	v17 =	vmul.f32 v4, v40  }
0x694: {  	v8 =	vadd.f32 v43, v41;
	v41 =	vld [tilespmem:s0+$0x156F0];
	v18 =	vmul.f32 v4, v45;
	v2 =	vmul.f32 v5, v19  }
0x695: {  	v56 =	vadd.f32 v12, v11;
	v43 =	vld [tilespmem:$0x1FCF0];
	v10 =	vmul.f32 v4, v50;
	v33 =	vmul.f32 v4, v27  }
0x696: {  	v6 =	vmul.f32 v5, v20;
	v20 =	vld [tilespmem:s0+$0x156E0];
	v1 =	vadd.f32 v1, v17;
	v3 =	vadd.f32 v3, v18  }
0x697: {  	v60 =	vmul.f32 v4, v28;
	v21 =	vadd.f32 v7, v10;
	v46 =	vadd.f32 v23, v33;
	v23 =	vld [tilespmem:$0x1FC00]  }
0x698: {  	v33 =	vld [tilespmem:s0+$0x116F0];
	v0 =	vadd.f32 v1, v2;
	v1 =	vadd.f32 v3, v6;
	v3 =	vmul.f32 v5, v22  }
0x699: {  	v22 =	vld [tilespmem:$0x1FCE0]  }
0x69a: {  	v6 =	vmul.f32 v5, v55;
	v2 =	vadd.f32 v21, v3;
	v21 =	vadd.f32 v56, v60;
	v56 =	vld [tilespmem:s0+$0x11700]  }
0x69b: {  	v60 =	vld [tilespmem:s0+$0x15700]  }
0x69c: {  	v55 =	vmul.f32 v4, v30;
	v3 =	vadd.f32 v46, v6;
	v46 =	vadd.f32 v20, v62;
	v20 =	vld [tilespmem:$0x1FD00]  }
0x69d: {  	v10 =	vmul.f32 v4, v23;
	v23 =	vld [tilespmem:s0+$0x15710]  }
0x69e: {  	v42 =	vmul.f32 v0, v0;
	v62 =	vadd.f32 v46, v55;
	v46 =	vld [tilespmem:s0+$0x11720]  }
0x69f: {  	v13 =	vmul.f32 v1, v1;
	v55 =	vld [tilespmem:s0+$0x15720];
	v7 =	vmul.f32 v5, v22  }
0x6a0: {  	v15 =	vadd.f32 $0.0e+00, v0;
	v22 =	vld [tilespmem:s0+$0x11710]  }
0x6a1: {  	v9 =	vadd.f32 v13, v42;
	v14 =	vmul.f32 v2, v2;
	v6 =	vadd.f32 v21, v7;
	v21 =	vld [tilespmem:$0x1FC10]  }
0x6a2: {  	v11 =	vadd.f32 v41, v33;
	v41 =	vld [tilespmem:$0x1FD10];
	v42 =	vadd.f32 v8, v10;
	v8 =	vmul.f32 v5, v43  }
0x6a3: {  	v15 =	vadd.f32 v1, v15;
	v43 =	vld [tilespmem:$0x1FC20];
	v9 =	vadd.f32 v14, v9;
	v10 =	vmul.f32 v5, v20  }
0x6a4: {  	v7 =	vadd.f32 v42, v8;
	v42 =	vadd.f32 v60, v56;
	v60 =	vld [tilespmem:$0x1FD20]  }
0x6a5: {  	v16 =	vmul.f32 v3, v3;
	v8 =	vadd.f32 v62, v10;
	v62 =	vadd.f32 v23, v22;
	v23 =	vld [tilespmem:$0x1FC30]  }
0x6a6: {  	v46 =	vadd.f32 v55, v46;
	v55 =	vld [tilespmem:$0x1FC40];
	v12 =	vmul.f32 v4, v21  }
0x6a7: {  	v15 =	vadd.f32 v2, v15;
	v9 =	vadd.f32 v16, v9;
	v17 =	vmul.f32 v6, v6;
	v22 =	vld [tilespmem:$0x1FD30]  }
0x6a8: {  	v13 =	vmul.f32 v4, v43;
	v33 =	vadd.f32 v11, v12;
	v11 =	vmul.f32 v5, v41;
	v41 =	vld [tilespmem:s0+$0x15730]  }
0x6a9: {  	v15 =	vadd.f32 v3, v15;
	v18 =	vmul.f32 v7, v7;
	v12 =	vmul.f32 v5, v60;
	v60 =	vld [tilespmem:s0+$0x15740]  }
0x6aa: {  	v56 =	vadd.f32 v42, v13;
	v14 =	vmul.f32 v4, v23;
	v10 =	vadd.f32 v33, v11;
	v33 =	vld [tilespmem:s0+$0x11730]  }
0x6ab: {  	v15 =	vadd.f32 v6, v15;
	v9 =	vadd.f32 v17, v9;
	v16 =	vmul.f32 v4, v55;
	v55 =	vld [tilespmem:$0x1FC60]  }
0x6ac: {  	v43 =	vmul.f32 v5, v44;
	v11 =	vadd.f32 v56, v12;
	v56 =	vld [tilespmem:s0+$0x11740];
	v42 =	vadd.f32 v62, v14  }
0x6ad: {  	v19 =	vmul.f32 v8, v8;
	v9 =	vadd.f32 v18, v9;
	v62 =	vadd.f32 v46, v16;
	v46 =	vld [tilespmem:s0+$0x11750]  }
0x6ae: {  	v15 =	vadd.f32 v7, v15;
	v12 =	vadd.f32 v42, v43;
	v43 =	vld [tilespmem:$0x1FD40]  }
0x6af: {  	v9 =	vadd.f32 v19, v9;
	v20 =	vmul.f32 v10, v10;
	v23 =	vadd.f32 v41, v33;
	v33 =	vld [tilespmem:$0x1FC50]  }
0x6b0: {  	v15 =	vadd.f32 v8, v15;
	v14 =	vmul.f32 v5, v22;
	v22 =	vld [tilespmem:s0+$0x15760]  }
0x6b1: {  	v21 =	vmul.f32 v11, v11;
	v9 =	vadd.f32 v20, v9;
	v18 =	vadd.f32 v60, v56;
	v56 =	vld [tilespmem:s0+$0x15750]  }
0x6b2: {  	v15 =	vadd.f32 v10, v15;
	v13 =	vadd.f32 v62, v14;
	v62 =	vld [tilespmem:s0+$0x11760]  }
0x6b3: {  	v20 =	vmul.f32 v4, v55;
	v55 =	vld [tilespmem:$0x1FC80];
	v41 =	vmul.f32 v12, v12;
	v9 =	vadd.f32 v21, v9  }
0x6b4: {  	v16 =	vmul.f32 v5, v43;
	v43 =	vld [tilespmem:s0+$0x15770];
	v17 =	vmul.f32 v4, v33  }
0x6b5: {  	v15 =	vadd.f32 v11, v15;
	v60 =	vmul.f32 v13, v13;
	v9 =	vadd.f32 v41, v9;
	v33 =	vld [tilespmem:$0x1FD50]  }
0x6b6: {  	v42 =	vadd.f32 v23, v17;
	v17 =	vadd.f32 v56, v46;
	v46 =	vld [tilespmem:$0x1FC70]  }
0x6b7: {  	v9 =	vadd.f32 v60, v9;
	v60 =	vld [tilespmem:$0x1FD70]  }
0x6b8: {  	v15 =	vadd.f32 v12, v15;
	v56 =	vld [tilespmem:$0x1FD60]  }
0x6b9: {  	v18 =	vadd.f32 v18, v20;
	v14 =	vadd.f32 v42, v16;
	v42 =	vld [tilespmem:s0+$0x11770]  }
0x6ba: {  	v15 =	vadd.f32 v13, v15;
	v16 =	vadd.f32 v22, v62;
	v62 =	vld [tilespmem:$0x1FC90];
	v20 =	vmul.f32 v5, v33  }
0x6bb: {  	v22 =	vmul.f32 v4, v55;
	v21 =	vmul.f32 v4, v46  }
0x6bc: {  	v41 =	vmul.f32 v14, v14;
	v15 =	vadd.f32 v14, v15;
	v18 =	vadd.f32 v18, v20  }
0x6bd: {  	v16 =	vadd.f32 v16, v22;
	v17 =	vadd.f32 v17, v21;
	v21 =	vmul.f32 v5, v56  }
0x6be: {  	v22 =	vmul.f32 v5, v60;
	v9 =	vadd.f32 v41, v9;
	v23 =	vmul.f32 v18, v18  }
0x6bf: {  	v19 =	vadd.f32 v43, v42;
	v4 =	vmul.f32 v4, v62;
	v17 =	vadd.f32 v17, v21  }
0x6c0: {  	v16 =	vadd.f32 v16, v22;
	v15 =	vadd.f32 v18, v15;
	v5 =	vmul.f32 v5, v36  }
0x6c1: {  	v9 =	vadd.f32 v23, v9;
	v4 =	vadd.f32 v19, v4;
	v23 =	vmul.f32 v17, v17  }
0x6c2: {  	v15 =	vadd.f32 v17, v15  }
0x6c3: {  	v33 =	vmul.f32 v16, v16;
	v4 =	vadd.f32 v4, v5;
	v9 =	vadd.f32 v23, v9  }
0x6c4: {  	v15 =	vadd.f32 v16, v15  }
0x6c5: {  	v41 =	vmul.f32 v4, v4;
	v5 =	vadd.f32 v33, v9  }
0x6c6: {  	v15 =	vadd.f32 v4, v15  }
0x6c7: {  	v5 =	vadd.f32 v41, v5  }
0x6c8: {  	(xrf2) =	vadd.scan.msk.f32 $0xffff, v15  }
0x6c9: {  	(xrf2) =	vadd.scan.msk.f32 $0xffff, v5;
	_ =	sdelay $0x8  }
0x6ca: {  	v42, _, _ =	vpop (xrf2)  }
0x6cb: {  	(v2sf) =	vpush v42, $0xF;
	v43, _, _ =	vpop (xrf2)  }
0x6cc: {  	(v2sf) =	vpush v43, $0xF;
	_ =	sdelay $0xd  }
0x6cd: {  	s5 =	spop (v2sf)  }
0x6ce: {  	s5 =	smul.f32 $3.906250000e-03, s5;
	s7 =	spop (v2sf)  }
0x6cf: {  	s7 =	smul.f32 $3.906250000e-03, s7  }
0x6d0: {  	s8 =	smul.f32 s5, s5;
	_ =	sdelay $0x1  }
0x6d1: {  	s7 =	ssub.f32 s7, s8;
	_ =	sdelay $0x1  }
0x6d2: {  	s7 =	sadd.f32 $9.999999740e-06, s7;
	_ =	sdelay $0x1  }
0x6d3: {  	v46 =	vmov s7  }
0x6d4: {  	v55 =	vmul.f32 $5.000000000e-01, v46;
	v5 =	vshra.s32 v46, $0x1  }
0x6d5: {  	v5 =	vsub.s32 $0x5F3759DF, v5  }
0x6d6: {  	v56 =	vmul.f32 v5, v55;
	_ =	sdelay $0x1  }
0x6d7: {  	v15 =	vmul.f32 v5, v56;
	_ =	sdelay $0x1  }
0x6d8: {  	v15 =	vsub.f32 $1.500000000e+00, v15;
	_ =	sdelay $0x1  }
0x6d9: {  	v5 =	vmul.f32 v5, v15;
	_ =	sdelay $0x1  }
0x6da: {  	v15 =	vmul.f32 v5, v55;
	_ =	sdelay $0x1  }
0x6db: {  	v15 =	vmul.f32 v15, v5;
	_ =	sdelay $0x1  }
0x6dc: {  	v15 =	vsub.f32 $1.500000000e+00, v15  }
0x6dd: {  	v60 =	vmov s5  }
0x6de: {  	v5 =	vmul.f32 v15, v5;
	v15 =	vadd.f32 $0.0e+00, v60;
	_ =	sdelay $0x1  }
0x6df: {  	v9 =	vmul.f32 v5, v55;
	v15 =	vbroadcast v15, $0x0;
	_ =	sdelay $0x1  }
0x6e0: {  	v9 =	vmul.f32 v9, v5;
	v0 =	vsub.f32 v0, v15;
	v1 =	vsub.f32 v1, v15  }
0x6e1: {  	v2 =	vsub.f32 v2, v15;
	v3 =	vsub.f32 v3, v15  }
0x6e2: {  	v6 =	vsub.f32 v6, v15;
	v9 =	vsub.f32 $1.500000000e+00, v9  }
0x6e3: {  	v7 =	vsub.f32 v7, v15;
	v8 =	vsub.f32 v8, v15  }
0x6e4: {  	v62 =	vsub.f32 v10, v15;
	v10 =	vsub.f32 v11, v15;
	v5 =	vmul.f32 v9, v5  }
0x6e5: {  	v11 =	vsub.f32 v12, v15;
	v12 =	vsub.f32 v13, v15  }
0x6e6: {  	v23 =	vld [tilespmem:$0x1FF00];
	v13 =	vsub.f32 v14, v15;
	v0 =	vmul.f32 v5, v0;
	v1 =	vmul.f32 v5, v1  }
0x6e7: {  	v33 =	vld [tilespmem:$0x1FF10];
	v14 =	vsub.f32 v18, v15;
	v2 =	vmul.f32 v5, v2;
	v3 =	vmul.f32 v5, v3  }
0x6e8: {  	v17 =	vsub.f32 v17, v15;
	v6 =	vmul.f32 v5, v6;
	v7 =	vmul.f32 v5, v7  }
0x6e9: {  	v16 =	vsub.f32 v16, v15;
	v46 =	vmul.f32 v5, v8;
	v0 =	vmul.f32 v0, v51  }
0x6ea: {  	v41 =	vld [tilespmem:$0x1FF50];
	v4 =	vsub.f32 v4, v15;
	v60 =	vmul.f32 v5, v62;
	v1 =	vmul.f32 v1, v39  }
0x6eb: {  	v2 =	vmul.f32 v2, v52;
	v3 =	vmul.f32 v3, v37;
	v0 =	vadd.f32 v0, v23  }
0x6ec: {  	v21 =	vld [tilespmem:$0x1FFC0];
	v43 =	vmul.f32 v6, v53;
	v56 =	vmul.f32 v7, v54;
	v1 =	vadd.f32 v1, v33  }
0x6ed: {  	v9 =	vld [tilespmem:$0x1FEC0];
	v15 =	vmul.f32 v46, v57;
	v46 =	vmul.f32 v5, v12;
	v42 =	vadd.f32 v2, v32;
	[tilespmem:s0+$0x1D680] =	vst v0  }
0x6ee: {  	v8 =	vld [tilespmem:$0x1FEB0];
	v22 =	vmul.f32 v5, v10;
	v55 =	vadd.f32 v3, v47;
	v62 =	vadd.f32 v43, v61;
	[tilespmem:s0+$0x1D690] =	vst v1  }
0x6ef: {  	v23 =	vadd.f32 v56, v41;
	v41 =	vmul.f32 v5, v11;
	v10 =	vmul.f32 v46, v63;
	v46 =	vld [tilespmem:$0x1FED0];
	[tilespmem:s0+$0x1D6A0] =	vst v42  }
0x6f0: {  	v43 =	vmul.f32 v22, v58;
	[tilespmem:s0+$0x1D6B0] =	vst v55;
	v55 =	vld [tilespmem:$0x1FF70]  }
0x6f1: {  	[tilespmem:s0+$0x1D6C0] =	vst v62;
	v42 =	vadd.f32 v15, v24;
	v56 =	vmul.f32 v41, v59;
	v41 =	vld [tilespmem:$0x1FFB0]  }
0x6f2: {  	v33 =	vmul.f32 v60, v38;
	v60 =	vmul.f32 v5, v13;
	[tilespmem:s0+$0x1D6D0] =	vst v23;
	v62 =	vadd.f32 v43, v34;
	v43 =	vld [tilespmem:$0x1FEE0]  }
0x6f3: {  	v18 =	vld [tilespmem:$0x1FFD0];
	v11 =	vmul.f32 v5, v14;
	v22 =	vadd.f32 v10, v48;
	[tilespmem:s0+$0x1D6E0] =	vst v42  }
0x6f4: {  	v19 =	vld [tilespmem:$0x1FFE0];
	v14 =	vmul.f32 v5, v17;
	v13 =	vmul.f32 v60, v8;
	v12 =	vadd.f32 v56, v35;
	[tilespmem:s0+$0x1D700] =	vst v62  }
0x6f5: {  	v20 =	vld [tilespmem:$0x1FFF0];
	v23 =	vmul.f32 v11, v9;
	[tilespmem:s0+$0x1D720] =	vst v22;
	v1 =	vadd.f32 v33, v55;
	v33 =	vmul.f32 v5, v16  }
0x6f6: {  	v42 =	vmul.f32 v5, v4;
	v4 =	vmul.f32 v14, v46;
	[tilespmem:s0+$0x1D710] =	vst v12;
	v3 =	vadd.f32 v13, v41  }
0x6f7: {  	p1 =	sne.s32 s1, $0xC00;
	v55 =	vadd.f32 v23, v21;
	[tilespmem:s0+$0x1D6F0] =	vst v1;
	v56 =	vmul.f32 v33, v43  }
.Ltmp4:
0x6f8: {  	v60 =	vadd.f32 v4, v18;
	[tilespmem:s0+$0x1D730] =	vst v3;
	v1 =	vmul.f32 v42, v49;
	(pc) =	sbr.rel @p1 .LBB2_10-.Ltmp4, $4  }
0x6f9: {  	[tilespmem:s0+$0x1D740] =	vst v55;
	v62 =	vadd.f32 v56, v19  }
0x6fa: {  	[tilespmem:s0+$0x1D750] =	vst v60;
	v1 =	vadd.f32 v1, v20  }
0x6fb: {  	[tilespmem:s0+$0x1D760] =	vst v62  }
0x6fc: {  	s26 =	sadd.s32 $0x1, s26;
	s1 =	sadd.s32 $0x400, s1;
	[tilespmem:s0+$0x1D770] =	vst v1  }
0x6fd: {  	s0 =	sshll.u32 s24, $0xC;
	s24 =	sadd.s32 $0x1, s24  }
0x6fe: {  	p1 =	sne.s32 s24, $0xC8  }
.Ltmp5:
0x6ff: {  	_ = 	snop;
	(pc) =	sbr.rel @p1 .LBB2_2-.Ltmp5, $4  }
0x700: {  	_ = 	snop  }
0x701: {  	s1 =	simm.s32 $0x19A80  }
0x702: {  	s22 =	sadd.s32 $0x80, s22;
	s20 =	sadd.s32 $0x2, s20;
	s0 =	sadd.s32 s15, s0  }
0x703: {  	[hbm4b:s0+s3] =	stream.linear.scatter [tilespmem:s1], [sflag:$0x4], $0x4000, $0x38;
	[tilespmem:$0x1DB80] =	vst v63  }
0x704: {  	s0 =	simm.s32 $0x3  }
0x705: {  	_ =	swait.ge [sflag:s0], $0x4000  }
0x706: {  	[sflag:s0] =	ssyncset.done $0x0  }
0x707: {  	s1 =	simm.s32 $0x4;
	[sflag:s0] =	ssyncadd.s32 $0xFFFFC000  }
0x708: {  	_ =	swait.ge [sflag:s1], $0x4000  }
0x709: {  	s5 =	rddreg [dreg:$0xf]  }
0x70a: {  	s31 =	rddreg [dreg:$0xd];
	s5 =	sadd.s32 $0x1, s5  }
0x70b: {  	p1 =	sne.s32 s5, s31  }
.Ltmp6:
0x70c: {  	_ = 	snop;
	(pc) =	sbr.rel @p1 .LBB2_1-.Ltmp6, $3  }
0x70d: {  	_ =	sdelay $0x1  }
0x70e: {  	[sflag:s1] =	ssyncset.done $0x0  }
0x70f: {  	[sflag:s1] =	ssyncadd.s32 $0xFFFFC000  }
0x710: {  	_ =	sfence.sel $0x180000  }
0x711: {  	[bflag:$0x0] =	sbarrier.arrive $0xFFFF  }
0x712: {  	_ =	strace $0x90000047  }
0x713: {  	[bflag:$0x2] =	sbarrier.arrive $0xFFFF  }
0x714: {  	s0 =	rddreg [dreg:$0x3]  }
0x715: {  	s0 =	sadd.s32 @!p0 $0x100000, s0  }
0x716: {  	[sflag:s0] =	ssyncadd.tile.s32 @!p0 $0x1;
	_ =	shalt  }
.Lfunc_end2:
_tile_overlayer_lowered:
.L_overlay_start_2:
0x717: {  	(tag) =	ssettag $0x2  }
0x718: {  	s0 =	rddreg [dreg:$0x0];
	s2 =	stileid.u32  }
0x719: {  	s1 =	rddreg [dreg:$0x1];
	p0 =	sne.s32 s2, $0x0  }
0x71a: {  	s3 =	rddreg [dreg:$0x2];
	[bflag:$0x3] =	sbarrier.arrive $0xFFFF;
	s2 =	simm.s32 @!p0 $0x1C05  }
0x71b: {  	[timem:s3], [sflag:s2] =	dma.local @!p0 [hbm:s0], s1  }
0x71c: {  	s0 =	simm.s32 @!p0 $0x5  }
0x71d: {  	_ =	swait.ge @!p0 [sflag:s0], s1  }
0x71e: {  	s1 =	ssub.s32 @!p0 $0x0, s1;
	[sflag:s0] =	ssyncset.done @!p0 $0x0  }
0x71f: {  	[sflag:s0] =	ssyncadd.s32 @!p0 s1  }
0x720: {  	[bflag:$0x3] =	sbarrier.arrive $0xFFFF  }
0x721: {  	_ =	shalt  }

</sc_bundles>
